<compile_context>
chip_gen: v7x
topology: tpu7x:2x2x1
jax: 0.10.2.dev20260603
libtpu: 0.0.44.dev20260713+nightly
codegen_flags: <defaults>
</compile_context>

<pallas_src>
import functools

import jax
import jax.numpy as jnp
from jax import lax
from jax.experimental import pallas as pl
from jax.experimental.pallas import tpu as pltpu
from jax.experimental.pallas import tpu_sc as plsc

B, N, E = 4, 8192, 768
NKEEP = 4915
KPAD = 5120
NH = 7
NHEADS = 4

SR, SC_ = 64, 128

_NC, _NS = 2, 16
NW = _NC * _NS
TOK_W = (B * N) // NW
ROWS_W = (B * KPAD) // NW
CH = 64
NCHUNK = ROWS_W // CH


def _sort_kernel(s_ref, gidx_ref):
    m0 = lax.bitcast_convert_type(s_ref[...], jnp.int32)
    erow = lax.broadcasted_iota(jnp.int32, (B, SR, SC_), 1)
    ecol = lax.broadcasted_iota(jnp.int32, (B, SR, SC_), 2)
    e = erow * SC_ + ecol
    idx0 = e

    def body(_, carry):
        m, idx, k, j = carry
        lo_pos = (e & j) == 0
        up = (e & k) == 0

        def lane_case(ops):
            m_, i_ = ops
            return tuple(
                jnp.where(lo_pos, pltpu.roll(x, SC_ - j, 2),
                          pltpu.roll(x, j, 2))
                for x in (m_, i_))

        def row_case(ops):
            m_, i_ = ops
            jr = lax.shift_right_logical(j, 7)
            return tuple(
                jnp.where(lo_pos, pltpu.roll(x, SR - jr, 1),
                          pltpu.roll(x, jr, 1))
                for x in (m_, i_))

        bm, bidx = lax.cond(j < SC_, lane_case, row_case, (m, idx))
        blta = (bm > m) | ((bm == m) & (bidx < idx))
        want_b = blta ^ (lo_pos != up)
        m = jnp.where(want_b, bm, m)
        idx = jnp.where(want_b, bidx, idx)
        jn = lax.shift_right_logical(j, 1)
        done = jn == 0
        kn = jnp.where(done, lax.shift_left(k, 1), k)
        j2 = jnp.where(done, lax.shift_right_logical(kn, 1), jn)
        return m, idx, kn, j2

    _, idx, _, _ = lax.fori_loop(
        0, 91, body, (m0, idx0, jnp.int32(2), jnp.int32(1)))
    boff = lax.broadcasted_iota(jnp.int32, (B, SR, SC_), 0) * N
    gidx_ref[...] = idx + boff


def _sc_gather_body(xm, gidx, ctab, xout, cout,
                    idx_v, rows_v, ci0_v, ci1_v, o0_v, o1_v,
                    sem0, sem1):
    wid = lax.axis_index("s") * _NC + lax.axis_index("c")
    bi = wid // (NW // B)
    out_base = wid * ROWS_W
    q_base = (wid % (NW // B)) * ROWS_W
    sems = (sem0, sem1)

    pltpu.sync_copy(gidx.at[pl.ds(bi * N + q_base, ROWS_W)], idx_v)

    for k in range(ROWS_W // 16):
        iv = idx_v[pl.ds(k * 16, 16)]
        ci0_v[pl.ds(k * 16, 16)] = iv + bi * N
        ci1_v[pl.ds(k * 16, 16)] = iv + (bi + 1) * N

    def fire(c):
        sem = sems[c % 2]
        return (
            pltpu.async_copy(xm.at[idx_v.at[pl.ds(c * CH, CH)]],
                             rows_v.at[c % 2], sem),
            pltpu.async_copy(ctab.at[ci0_v.at[pl.ds(c * CH, CH)]],
                             o0_v.at[pl.ds(c * CH, CH)], sem),
            pltpu.async_copy(ctab.at[ci1_v.at[pl.ds(c * CH, CH)]],
                             o1_v.at[pl.ds(c * CH, CH)], sem),
        )

    pend = fire(0)
    for c in range(NCHUNK):
        nxt = fire(c + 1) if c + 1 < NCHUNK else None
        for d in pend:
            d.wait()
        pltpu.sync_copy(rows_v.at[c % 2],
                        xout.at[pl.ds(out_base + c * CH, CH)])
        pend = nxt

    pltpu.sync_copy(o0_v, cout.at[pl.ds((bi * 2) * KPAD + q_base, ROWS_W)])
    pltpu.sync_copy(o1_v,
                    cout.at[pl.ds((bi * 2 + 1) * KPAD + q_base, ROWS_W)])


@functools.partial(
    pl.kernel,
    mesh=plsc.VectorSubcoreMesh(core_axis_name="c", subcore_axis_name="s"),
    compiler_params=pltpu.CompilerParams(use_tc_tiling_on_sc=True),
    out_type=[
        jax.ShapeDtypeStruct((B * KPAD, E), jnp.float32),
        jax.ShapeDtypeStruct((B * 2 * KPAD,), jnp.float32),
    ],
    scratch_types=[
        pltpu.VMEM((ROWS_W,), jnp.int32),
        pltpu.VMEM((2, CH, E), jnp.float32),
        pltpu.VMEM((ROWS_W,), jnp.int32),
        pltpu.VMEM((ROWS_W,), jnp.int32),
        pltpu.VMEM((ROWS_W,), jnp.float32),
        pltpu.VMEM((ROWS_W,), jnp.float32),
        pltpu.SemaphoreType.DMA,
        pltpu.SemaphoreType.DMA,
    ],
)
def _sc_gather(xm, gidx, ctab, xout, cout, *scratch):
    _sc_gather_body(xm, gidx, ctab, xout, cout, *scratch)


def kernel(x, att_nh, coords, W1, b1, W2, b2, W3, b3, W4, b4, W5, b5):
    b, n, e = x.shape
    bt, n_heads, nh, _ = att_nh.shape

    a = att_nh.reshape(b, n, nh, nh, n_heads)
    h = a @ W1.T + b1
    h = h @ W2.T + b2
    att_vote = h.reshape(b, n, nh * nh)
    v = att_vote @ W3.T + b3
    v = v @ W4.T + b4
    v = v @ W5.T + b5
    v = jnp.squeeze(v)
    s = jax.nn.softmax(v, axis=1)

    gidx = pl.pallas_call(
        _sort_kernel,
        out_shape=jax.ShapeDtypeStruct((B, SR, SC_), jnp.int32),
    )(s.reshape(B, SR, SC_)).reshape(B * N)

    ctab = coords[..., 0].reshape(B * 2 * N)
    xout, cout = _sc_gather(x.reshape(B * N, E), gidx, ctab)

    x_out = xout.reshape(B, KPAD, E)[:, :NKEEP]
    coords_out = cout.reshape(B, 2, KPAD)[:, :, :NKEEP, None]
    return (x_out, coords_out)

# --- scband reference (transcript-rebuilt; emitter-appended) ---
"""Pipeline reference for scband-voting-layer-86002425135160 (READ-ONLY COPY).

The authoritative reference and input builder live on the scoring server;
editing this copy changes nothing except your own understanding.
"""

import jax, jax.numpy as jnp
import numpy as np


def _lin_init(k, out_f, in_f):
    k1, k2 = jax.random.split(k)
    bound = 1.0 / np.sqrt(in_f)
    W = jax.random.uniform(k1, (out_f, in_f), minval=-bound, maxval=bound, dtype=jnp.float32)
    b = jax.random.uniform(k2, (out_f,), minval=-bound, maxval=bound, dtype=jnp.float32)
    return W, b


def setup_inputs(seed: int = 0) -> dict:
    key = jax.random.key(seed)
    ks = jax.random.split(key, 9)
    b, n, e = 4, 8192, 768
    n_heads, nh = 4, 7
    x = jax.random.normal(ks[0], (b, n, e), dtype=jnp.float32)
    att_nh = jax.random.normal(ks[1], (b * n, n_heads, nh, nh), dtype=jnp.float32)
    coords = jax.random.normal(ks[2], (b, 2, n, 2), dtype=jnp.float32)
    W1, b1 = _lin_init(ks[3], n_heads, n_heads)
    W2, b2 = _lin_init(ks[4], 1, n_heads)
    W3, b3 = _lin_init(ks[5], nh * nh, nh * nh)
    W4, b4 = _lin_init(ks[6], nh, nh * nh)
    W5, b5 = _lin_init(ks[7], 1, nh)
    return {"x": x, "att_nh": att_nh, "coords": coords,
            "W1": W1, "b1": b1, "W2": W2, "b2": b2,
            "W3": W3, "b3": b3, "W4": W4, "b4": b4,
            "W5": W5, "b5": b5}


def reference(x, att_nh, coords, W1, b1, W2, b2, W3, b3, W4, b4, W5, b5):
    p_reduction = 0.4
    b, n, e = x.shape
    bt, n_heads, nh, _ = att_nh.shape
    # torch: reshape(b, n, n_heads, nh, nh) then view(b, n, nh, nh, n_heads)
    # both are row-major reinterpretations, so a single reshape is equivalent
    a = att_nh.reshape(b, n, nh, nh, n_heads)
    # head_reduction: Linear(n_heads, n_heads) -> Linear(n_heads, 1)
    h = a @ W1.T + b1
    h = h @ W2.T + b2  # (b, n, nh, nh, 1)
    att_vote = h.reshape(b, n, nh * nh)
    # nh_voting: Linear(nh*nh, nh*nh) -> Linear(nh*nh, nh) -> Linear(nh, 1)
    v = att_vote @ W3.T + b3
    v = v @ W4.T + b4
    v = v @ W5.T + b5  # (b, n, 1)
    v = jnp.squeeze(v)  # (b, n)
    v = jax.nn.softmax(v, axis=1)
    # sort descending, take indices
    indices_vote = jnp.argsort(-v, axis=-1)
    n_keep = int((1.0 - p_reduction) * n)  # torch .long() truncates
    indices_keep = indices_vote[:, :n_keep]
    # fetch_coords: gather dim=2 with index (b, 2, n_keep, 1) -> only last-dim slot 0 used
    coords_s = coords[..., :1]  # (b, 2, n, 1)
    idxc = jnp.broadcast_to(indices_keep[:, None, :, None], (b, 2, n_keep, 1))
    coords_out = jnp.take_along_axis(coords_s, idxc, axis=2)  # (b, 2, n_keep, 1)
    # fetch_data: gather dim=1 broadcast over e
    x_out = jnp.take_along_axis(x, indices_keep[:, :, None], axis=1)  # (b, n_keep, e)
    return (x_out, coords_out)

if __name__ == "__main__":
    import jax
    _d = setup_inputs()
    print(jax.jit(kernel)(*tuple(_d.values())))

</pallas_src>

<mosaic_0001>
#map = affine_map<(d0, d1) -> (0, 0)>
#map1 = affine_map<(d0, d1) -> (0)>
module attributes {stable_mosaic.version = 14 : i64} {
  func.func @_sc_gather(%arg0: i32, %arg1: i32, %arg2: memref<32768x768xf32, #tpu.memory_space<hbm>>, %arg3: memref<32768xi32, #tpu.memory_space<hbm>>, %arg4: memref<65536xf32, #tpu.memory_space<hbm>>, %arg5: memref<20480x768xf32, #tpu.memory_space<hbm>>, %arg6: memref<40960xf32, #tpu.memory_space<hbm>>, %arg7: memref<640xi32, #tpu.memory_space<vmem>>, %arg8: memref<2x64x768xf32, #tpu.memory_space<vmem>>, %arg9: memref<640xi32, #tpu.memory_space<vmem>>, %arg10: memref<640xi32, #tpu.memory_space<vmem>>, %arg11: memref<640xf32, #tpu.memory_space<vmem>>, %arg12: memref<640xf32, #tpu.memory_space<vmem>>, %arg13: memref<!tpu.dma_semaphore, #tpu.memory_space<semaphore_mem>>, %arg14: memref<!tpu.dma_semaphore, #tpu.memory_space<semaphore_mem>>) attributes {dimension_semantics = [#tpu.dimension_semantics<core_parallel>, #tpu.dimension_semantics<subcore_parallel>], iteration_bounds = array<i64: 2, 16>, scalar_prefetch = 0 : i64, scratch_operands = 8 : i64, tpu.core_type = #tpu.core_type<sc_vector_subcore>, window_params = [{transform_indices = #map}, {transform_indices = #map1}, {transform_indices = #map1}, {transform_indices = #map}, {transform_indices = #map1}]} {
    %mul3A = arith.constant 2 : i32
    %mul3A_0 = arith.muli %arg1, %mul3A : i32
    %add3A = arith.addi %mul3A_0, %arg0 : i32
    %jit3A = arith.constant 8 : i32
    %div3A = arith.divsi %add3A, %jit3A : i32
    %sign3A = arith.constant 0 : i32
    %sign3A_1 = arith.cmpi sgt, %add3A, %sign3A : i32
    %sign3A_2 = arith.extui %sign3A_1 : i1 to i32
    %sign3A_3 = arith.constant 0 : i32
    %sign3A_4 = arith.cmpi slt, %add3A, %sign3A_3 : i32
    %sign3A_5 = arith.extui %sign3A_4 : i1 to i32
    %sign3A_6 = arith.subi %sign3A_2, %sign3A_5 : i32
    %sign3A_7 = arith.constant 0 : i32
    %sign3A_8 = arith.cmpi sgt, %jit3A, %sign3A_7 : i32
    %sign3A_9 = arith.extui %sign3A_8 : i1 to i32
    %sign3A_10 = arith.constant 0 : i32
    %sign3A_11 = arith.cmpi slt, %jit3A, %sign3A_10 : i32
    %sign3A_12 = arith.extui %sign3A_11 : i1 to i32
    %sign3A_13 = arith.subi %sign3A_9, %sign3A_12 : i32
    %ne3A = arith.cmpi ne, %sign3A_6, %sign3A_13 : i32
    %rem3A = arith.remsi %add3A, %jit3A : i32
    %ne3A_14 = arith.constant 0 : i32
    %ne3A_15 = arith.cmpi ne, %rem3A, %ne3A_14 : i32
    %and3A = arith.andi %ne3A, %ne3A_15 : i1
    %sub3A = arith.constant 1 : i32
    %sub3A_16 = arith.subi %div3A, %sub3A : i32
    %select_n3A = arith.select %and3A, %sub3A_16, %div3A : i32
    %mul3A_17 = arith.constant 640 : i32
    %mul3A_18 = arith.muli %add3A, %mul3A_17 : i32
    %jit3A_19 = arith.constant 8 : i32
    %eq3A = arith.constant 0 : i32
    %eq3A_20 = arith.cmpi eq, %jit3A_19, %eq3A : i32
    %jit3A_21 = arith.constant 1 : i32
    %select_n3A_22 = arith.select %eq3A_20, %jit3A_21, %jit3A_19 : i32
    %rem3A_23 = arith.remsi %add3A, %select_n3A_22 : i32
    %ne3A_24 = arith.constant 0 : i32
    %ne3A_25 = arith.cmpi ne, %rem3A_23, %ne3A_24 : i32
    %lt3A = arith.constant 0 : i32
    %lt3A_26 = arith.cmpi slt, %rem3A_23, %lt3A : i32
    %lt3A_27 = arith.constant 0 : i32
    %lt3A_28 = arith.cmpi slt, %select_n3A_22, %lt3A_27 : i32
    %ne3A_29 = arith.xori %lt3A_26, %lt3A_28 : i1
    %and3A_30 = arith.andi %ne3A_29, %ne3A_25 : i1
    %add3A_31 = arith.addi %rem3A_23, %select_n3A_22 : i32
    %select_n3A_32 = arith.select %and3A_30, %add3A_31, %rem3A_23 : i32
    %mul3A_33 = arith.constant 640 : i32
    %mul3A_34 = arith.muli %select_n3A_32, %mul3A_33 : i32
    %mul3A_35 = arith.constant 8192 : i32
    %mul3A_36 = arith.muli %select_n3A, %mul3A_35 : i32
    %add3A_37 = arith.addi %mul3A_36, %mul3A_34 : i32
    "tpu.region"() ({
      %run_scoped3A_1355 = tpu.sem_alloc : memref<!tpu.dma_semaphore, #tpu.memory_space<semaphore_mem>>
      %dma_start3A_1356 = tpu.memref_slice %arg3[%add3A_37] : memref<32768xi32, #tpu.memory_space<hbm>> -> memref<640xi32, #tpu.memory_space<hbm>>
      %dma_start3A_1357 = tpu.memref_slice %arg3[%add3A_37] : memref<32768xi32, #tpu.memory_space<hbm>> -> memref<640xi32, #tpu.memory_space<hbm>>
      tpu.enqueue_dma source(%dma_start3A_1357 : memref<640xi32, #tpu.memory_space<hbm>>) target(%arg7 : memref<640xi32, #tpu.memory_space<vmem>>) target_semaphore(%run_scoped3A_1355 : memref<!tpu.dma_semaphore, #tpu.memory_space<semaphore_mem>>)
      %dma_wait3A_1358 = tpu.memref_slice %arg3[%add3A_37] : memref<32768xi32, #tpu.memory_space<hbm>> -> memref<640xi32, #tpu.memory_space<hbm>>
      %dma_wait3A_1359 = tpu.memref_slice %arg3[%add3A_37] : memref<32768xi32, #tpu.memory_space<hbm>> -> memref<640xi32, #tpu.memory_space<hbm>>
      tpu.wait_dma2 semaphore(%run_scoped3A_1355 : memref<!tpu.dma_semaphore, #tpu.memory_space<semaphore_mem>>) src(%dma_wait3A_1359 : memref<640xi32, #tpu.memory_space<hbm>>) dst(%arg7 : memref<640xi32, #tpu.memory_space<vmem>>)
      tpu.yield
    }) : () -> ()
    %get3A = arith.constant 0 : index
    %get3A_38 = tpu.vector_load %arg7[%get3A] {strides = array<i32>} : memref<640xi32, #tpu.memory_space<vmem>>, vector<16xi32>,
    %get3A_39 = vector.shape_cast %get3A_38 : vector<16xi32> to vector<16xi32>
    %mul3A_40 = arith.constant 8192 : i32
    %mul3A_41 = arith.muli %select_n3A, %mul3A_40 : i32
    %add3A_42 = vector.broadcast %mul3A_41 : i32 to vector<16xi32>
    %add3A_43 = arith.addi %get3A_39, %add3A_42 : vector<16xi32>
    %swap3A = arith.constant 0 : index
    %swap3A_44 = tpu.vector_load %arg9[%swap3A] {strides = array<i32>} : memref<640xi32, #tpu.memory_space<vmem>>, vector<16xi32>,
    %swap3A_45 = vector.shape_cast %swap3A_44 : vector<16xi32> to vector<16xi32>
    %swap3A_46 = vector.shape_cast %add3A_43 : vector<16xi32> to vector<16xi32>
    tpu.vector_store %arg9[%swap3A], %swap3A_46 {strides = array<i32>} : memref<640xi32, #tpu.memory_space<vmem>>, vector<16xi32>,
    %add3A_47 = arith.constant 1 : i32
    %add3A_48 = arith.addi %select_n3A, %add3A_47 : i32
    %mul3A_49 = arith.constant 8192 : i32
    %mul3A_50 = arith.muli %add3A_48, %mul3A_49 : i32
    %add3A_51 = vector.broadcast %mul3A_50 : i32 to vector<16xi32>
    %add3A_52 = arith.addi %get3A_39, %add3A_51 : vector<16xi32>
    %swap3A_53 = arith.constant 0 : index
    %swap3A_54 = tpu.vector_load %arg10[%swap3A_53] {strides = array<i32>} : memref<640xi32, #tpu.memory_space<vmem>>, vector<16xi32>,
    %swap3A_55 = vector.shape_cast %swap3A_54 : vector<16xi32> to vector<16xi32>
    %swap3A_56 = vector.shape_cast %add3A_52 : vector<16xi32> to vector<16xi32>
    tpu.vector_store %arg10[%swap3A_53], %swap3A_56 {strides = array<i32>} : memref<640xi32, #tpu.memory_space<vmem>>, vector<16xi32>,
    %get3A_57 = arith.constant 16 : index
    %get3A_58 = tpu.vector_load %arg7[%get3A_57] {strides = array<i32>} : memref<640xi32, #tpu.memory_space<vmem>>, vector<16xi32>,
    %get3A_59 = vector.shape_cast %get3A_58 : vector<16xi32> to vector<16xi32>
    %mul3A_60 = arith.constant 8192 : i32
    %mul3A_61 = arith.muli %select_n3A, %mul3A_60 : i32
    %add3A_62 = vector.broadcast %mul3A_61 : i32 to vector<16xi32>
    %add3A_63 = arith.addi %get3A_59, %add3A_62 : vector<16xi32>
    %swap3A_64 = arith.constant 16 : index
    %swap3A_65 = tpu.vector_load %arg9[%swap3A_64] {strides = array<i32>} : memref<640xi32, #tpu.memory_space<vmem>>, vector<16xi32>,
    %swap3A_66 = vector.shape_cast %swap3A_65 : vector<16xi32> to vector<16xi32>
    %swap3A_67 = vector.shape_cast %add3A_63 : vector<16xi32> to vector<16xi32>
    tpu.vector_store %arg9[%swap3A_64], %swap3A_67 {strides = array<i32>} : memref<640xi32, #tpu.memory_space<vmem>>, vector<16xi32>,
    %add3A_68 = arith.constant 1 : i32
    %add3A_69 = arith.addi %select_n3A, %add3A_68 : i32
    %mul3A_70 = arith.constant 8192 : i32
    %mul3A_71 = arith.muli %add3A_69, %mul3A_70 : i32
    %add3A_72 = vector.broadcast %mul3A_71 : i32 to vector<16xi32>
    %add3A_73 = arith.addi %get3A_59, %add3A_72 : vector<16xi32>
    %swap3A_74 = arith.constant 16 : index
    %swap3A_75 = tpu.vector_load %arg10[%swap3A_74] {strides = array<i32>} : memref<640xi32, #tpu.memory_space<vmem>>, vector<16xi32>,
    %swap3A_76 = vector.shape_cast %swap3A_75 : vector<16xi32> to vector<16xi32>
    %swap3A_77 = vector.shape_cast %add3A_73 : vector<16xi32> to vector<16xi32>
    tpu.vector_store %arg10[%swap3A_74], %swap3A_77 {strides = array<i32>} : memref<640xi32, #tpu.memory_space<vmem>>, vector<16xi32>,
    %get3A_78 = arith.constant 32 : index
    %get3A_79 = tpu.vector_load %arg7[%get3A_78] {strides = array<i32>} : memref<640xi32, #tpu.memory_space<vmem>>, vector<16xi32>,
    %get3A_80 = vector.shape_cast %get3A_79 : vector<16xi32> to vector<16xi32>
    %mul3A_81 = arith.constant 8192 : i32
    %mul3A_82 = arith.muli %select_n3A, %mul3A_81 : i32
    %add3A_83 = vector.broadcast %mul3A_82 : i32 to vector<16xi32>
    %add3A_84 = arith.addi %get3A_80, %add3A_83 : vector<16xi32>
    %swap3A_85 = arith.constant 32 : index
    %swap3A_86 = tpu.vector_load %arg9[%swap3A_85] {strides = array<i32>} : memref<640xi32, #tpu.memory_space<vmem>>, vector<16xi32>,
    %swap3A_87 = vector.shape_cast %swap3A_86 : vector<16xi32> to vector<16xi32>
    %swap3A_88 = vector.shape_cast %add3A_84 : vector<16xi32> to vector<16xi32>
    tpu.vector_store %arg9[%swap3A_85], %swap3A_88 {strides = array<i32>} : memref<640xi32, #tpu.memory_space<vmem>>, vector<16xi32>,
    %add3A_89 = arith.constant 1 : i32
    %add3A_90 = arith.addi %select_n3A, %add3A_89 : i32
    %mul3A_91 = arith.constant 8192 : i32
    %mul3A_92 = arith.muli %add3A_90, %mul3A_91 : i32
    %add3A_93 = vector.broadcast %mul3A_92 : i32 to vector<16xi32>
    %add3A_94 = arith.addi %get3A_80, %add3A_93 : vector<16xi32>
    %swap3A_95 = arith.constant 32 : index
    %swap3A_96 = tpu.vector_load %arg10[%swap3A_95] {strides = array<i32>} : memref<640xi32, #tpu.memory_space<vmem>>, vector<16xi32>,
    %swap3A_97 = vector.shape_cast %swap3A_96 : vector<16xi32> to vector<16xi32>
    %swap3A_98 = vector.shape_cast %add3A_94 : vector<16xi32> to vector<16xi32>
    tpu.vector_store %arg10[%swap3A_95], %swap3A_98 {strides = array<i32>} : memref<640xi32, #tpu.memory_space<vmem>>, vector<16xi32>,
    %get3A_99 = arith.constant 48 : index
    %get3A_100 = tpu.vector_load %arg7[%get3A_99] {strides = array<i32>} : memref<640xi32, #tpu.memory_space<vmem>>, vector<16xi32>,
    %get3A_101 = vector.shape_cast %get3A_100 : vector<16xi32> to vector<16xi32>
    %mul3A_102 = arith.constant 8192 : i32
    %mul3A_103 = arith.muli %select_n3A, %mul3A_102 : i32
    %add3A_104 = vector.broadcast %mul3A_103 : i32 to vector<16xi32>
    %add3A_105 = arith.addi %get3A_101, %add3A_104 : vector<16xi32>
    %swap3A_106 = arith.constant 48 : index
    %swap3A_107 = tpu.vector_load %arg9[%swap3A_106] {strides = array<i32>} : memref<640xi32, #tpu.memory_space<vmem>>, vector<16xi32>,
    %swap3A_108 = vector.shape_cast %swap3A_107 : vector<16xi32> to vector<16xi32>
    %swap3A_109 = vector.shape_cast %add3A_105 : vector<16xi32> to vector<16xi32>
    tpu.vector_store %arg9[%swap3A_106], %swap3A_109 {strides = array<i32>} : memref<640xi32, #tpu.memory_space<vmem>>, vector<16xi32>,
    %add3A_110 = arith.constant 1 : i32
    %add3A_111 = arith.addi %select_n3A, %add3A_110 : i32
    %mul3A_112 = arith.constant 8192 : i32
    %mul3A_113 = arith.muli %add3A_111, %mul3A_112 : i32
    %add3A_114 = vector.broadcast %mul3A_113 : i32 to vector<16xi32>
    %add3A_115 = arith.addi %get3A_101, %add3A_114 : vector<16xi32>
    %swap3A_116 = arith.constant 48 : index
    %swap3A_117 = tpu.vector_load %arg10[%swap3A_116] {strides = array<i32>} : memref<640xi32, #tpu.memory_space<vmem>>, vector<16xi32>,
    %swap3A_118 = vector.shape_cast %swap3A_117 : vector<16xi32> to vector<16xi32>
    %swap3A_119 = vector.shape_cast %add3A_115 : vector<16xi32> to vector<16xi32>
    tpu.vector_store %arg10[%swap3A_116], %swap3A_119 {strides = array<i32>} : memref<640xi32, #tpu.memory_space<vmem>>, vector<16xi32>,
    %get3A_120 = arith.constant 64 : index
    %get3A_121 = tpu.vector_load %arg7[%get3A_120] {strides = array<i32>} : memref<640xi32, #tpu.memory_space<vmem>>, vector<16xi32>,
    %get3A_122 = vector.shape_cast %get3A_121 : vector<16xi32> to vector<16xi32>
    %mul3A_123 = arith.constant 8192 : i32
    %mul3A_124 = arith.muli %select_n3A, %mul3A_123 : i32
    %add3A_125 = vector.broadcast %mul3A_124 : i32 to vector<16xi32>
    %add3A_126 = arith.addi %get3A_122, %add3A_125 : vector<16xi32>
    %swap3A_127 = arith.constant 64 : index
    %swap3A_128 = tpu.vector_load %arg9[%swap3A_127] {strides = array<i32>} : memref<640xi32, #tpu.memory_space<vmem>>, vector<16xi32>,
    %swap3A_129 = vector.shape_cast %swap3A_128 : vector<16xi32> to vector<16xi32>
    %swap3A_130 = vector.shape_cast %add3A_126 : vector<16xi32> to vector<16xi32>
    tpu.vector_store %arg9[%swap3A_127], %swap3A_130 {strides = array<i32>} : memref<640xi32, #tpu.memory_space<vmem>>, vector<16xi32>,
    %add3A_131 = arith.constant 1 : i32
    %add3A_132 = arith.addi %select_n3A, %add3A_131 : i32
    %mul3A_133 = arith.constant 8192 : i32
    %mul3A_134 = arith.muli %add3A_132, %mul3A_133 : i32
    %add3A_135 = vector.broadcast %mul3A_134 : i32 to vector<16xi32>
    %add3A_136 = arith.addi %get3A_122, %add3A_135 : vector<16xi32>
    %swap3A_137 = arith.constant 64 : index
    %swap3A_138 = tpu.vector_load %arg10[%swap3A_137] {strides = array<i32>} : memref<640xi32, #tpu.memory_space<vmem>>, vector<16xi32>,
    %swap3A_139 = vector.shape_cast %swap3A_138 : vector<16xi32> to vector<16xi32>
    %swap3A_140 = vector.shape_cast %add3A_136 : vector<16xi32> to vector<16xi32>
    tpu.vector_store %arg10[%swap3A_137], %swap3A_140 {strides = array<i32>} : memref<640xi32, #tpu.memory_space<vmem>>, vector<16xi32>,
    %get3A_141 = arith.constant 80 : index
    %get3A_142 = tpu.vector_load %arg7[%get3A_141] {strides = array<i32>} : memref<640xi32, #tpu.memory_space<vmem>>, vector<16xi32>,
    %get3A_143 = vector.shape_cast %get3A_142 : vector<16xi32> to vector<16xi32>
    %mul3A_144 = arith.constant 8192 : i32
    %mul3A_145 = arith.muli %select_n3A, %mul3A_144 : i32
    %add3A_146 = vector.broadcast %mul3A_145 : i32 to vector<16xi32>
    %add3A_147 = arith.addi %get3A_143, %add3A_146 : vector<16xi32>
    %swap3A_148 = arith.constant 80 : index
    %swap3A_149 = tpu.vector_load %arg9[%swap3A_148] {strides = array<i32>} : memref<640xi32, #tpu.memory_space<vmem>>, vector<16xi32>,
    %swap3A_150 = vector.shape_cast %swap3A_149 : vector<16xi32> to vector<16xi32>
    %swap3A_151 = vector.shape_cast %add3A_147 : vector<16xi32> to vector<16xi32>
    tpu.vector_store %arg9[%swap3A_148], %swap3A_151 {strides = array<i32>} : memref<640xi32, #tpu.memory_space<vmem>>, vector<16xi32>,
    %add3A_152 = arith.constant 1 : i32
    %add3A_153 = arith.addi %select_n3A, %add3A_152 : i32
    %mul3A_154 = arith.constant 8192 : i32
    %mul3A_155 = arith.muli %add3A_153, %mul3A_154 : i32
    %add3A_156 = vector.broadcast %mul3A_155 : i32 to vector<16xi32>
    %add3A_157 = arith.addi %get3A_143, %add3A_156 : vector<16xi32>
    %swap3A_158 = arith.constant 80 : index
    %swap3A_159 = tpu.vector_load %arg10[%swap3A_158] {strides = array<i32>} : memref<640xi32, #tpu.memory_space<vmem>>, vector<16xi32>,
    %swap3A_160 = vector.shape_cast %swap3A_159 : vector<16xi32> to vector<16xi32>
    %swap3A_161 = vector.shape_cast %add3A_157 : vector<16xi32> to vector<16xi32>
    tpu.vector_store %arg10[%swap3A_158], %swap3A_161 {strides = array<i32>} : memref<640xi32, #tpu.memory_space<vmem>>, vector<16xi32>,
    %get3A_162 = arith.constant 96 : index
    %get3A_163 = tpu.vector_load %arg7[%get3A_162] {strides = array<i32>} : memref<640xi32, #tpu.memory_space<vmem>>, vector<16xi32>,
    %get3A_164 = vector.shape_cast %get3A_163 : vector<16xi32> to vector<16xi32>
    %mul3A_165 = arith.constant 8192 : i32
    %mul3A_166 = arith.muli %select_n3A, %mul3A_165 : i32
    %add3A_167 = vector.broadcast %mul3A_166 : i32 to vector<16xi32>
    %add3A_168 = arith.addi %get3A_164, %add3A_167 : vector<16xi32>
    %swap3A_169 = arith.constant 96 : index
    %swap3A_170 = tpu.vector_load %arg9[%swap3A_169] {strides = array<i32>} : memref<640xi32, #tpu.memory_space<vmem>>, vector<16xi32>,
    %swap3A_171 = vector.shape_cast %swap3A_170 : vector<16xi32> to vector<16xi32>
    %swap3A_172 = vector.shape_cast %add3A_168 : vector<16xi32> to vector<16xi32>
    tpu.vector_store %arg9[%swap3A_169], %swap3A_172 {strides = array<i32>} : memref<640xi32, #tpu.memory_space<vmem>>, vector<16xi32>,
    %add3A_173 = arith.constant 1 : i32
    %add3A_174 = arith.addi %select_n3A, %add3A_173 : i32
    %mul3A_175 = arith.constant 8192 : i32
    %mul3A_176 = arith.muli %add3A_174, %mul3A_175 : i32
    %add3A_177 = vector.broadcast %mul3A_176 : i32 to vector<16xi32>
    %add3A_178 = arith.addi %get3A_164, %add3A_177 : vector<16xi32>
    %swap3A_179 = arith.constant 96 : index
    %swap3A_180 = tpu.vector_load %arg10[%swap3A_179] {strides = array<i32>} : memref<640xi32, #tpu.memory_space<vmem>>, vector<16xi32>,
    %swap3A_181 = vector.shape_cast %swap3A_180 : vector<16xi32> to vector<16xi32>
    %swap3A_182 = vector.shape_cast %add3A_178 : vector<16xi32> to vector<16xi32>
    tpu.vector_store %arg10[%swap3A_179], %swap3A_182 {strides = array<i32>} : memref<640xi32, #tpu.memory_space<vmem>>, vector<16xi32>,
    %get3A_183 = arith.constant 112 : index
    %get3A_184 = tpu.vector_load %arg7[%get3A_183] {strides = array<i32>} : memref<640xi32, #tpu.memory_space<vmem>>, vector<16xi32>,
    %get3A_185 = vector.shape_cast %get3A_184 : vector<16xi32> to vector<16xi32>
    %mul3A_186 = arith.constant 8192 : i32
    %mul3A_187 = arith.muli %select_n3A, %mul3A_186 : i32
    %add3A_188 = vector.broadcast %mul3A_187 : i32 to vector<16xi32>
    %add3A_189 = arith.addi %get3A_185, %add3A_188 : vector<16xi32>
    %swap3A_190 = arith.constant 112 : index
    %swap3A_191 = tpu.vector_load %arg9[%swap3A_190] {strides = array<i32>} : memref<640xi32, #tpu.memory_space<vmem>>, vector<16xi32>,
    %swap3A_192 = vector.shape_cast %swap3A_191 : vector<16xi32> to vector<16xi32>
    %swap3A_193 = vector.shape_cast %add3A_189 : vector<16xi32> to vector<16xi32>
    tpu.vector_store %arg9[%swap3A_190], %swap3A_193 {strides = array<i32>} : memref<640xi32, #tpu.memory_space<vmem>>, vector<16xi32>,
    %add3A_194 = arith.constant 1 : i32
    %add3A_195 = arith.addi %select_n3A, %add3A_194 : i32
    %mul3A_196 = arith.constant 8192 : i32
    %mul3A_197 = arith.muli %add3A_195, %mul3A_196 : i32
    %add3A_198 = vector.broadcast %mul3A_197 : i32 to vector<16xi32>
    %add3A_199 = arith.addi %get3A_185, %add3A_198 : vector<16xi32>
    %swap3A_200 = arith.constant 112 : index
    %swap3A_201 = tpu.vector_load %arg10[%swap3A_200] {strides = array<i32>} : memref<640xi32, #tpu.memory_space<vmem>>, vector<16xi32>,
    %swap3A_202 = vector.shape_cast %swap3A_201 : vector<16xi32> to vector<16xi32>
    %swap3A_203 = vector.shape_cast %add3A_199 : vector<16xi32> to vector<16xi32>
    tpu.vector_store %arg10[%swap3A_200], %swap3A_203 {strides = array<i32>} : memref<640xi32, #tpu.memory_space<vmem>>, vector<16xi32>,
    %get3A_204 = arith.constant 128 : index
    %get3A_205 = tpu.vector_load %arg7[%get3A_204] {strides = array<i32>} : memref<640xi32, #tpu.memory_space<vmem>>, vector<16xi32>,
    %get3A_206 = vector.shape_cast %get3A_205 : vector<16xi32> to vector<16xi32>
    %mul3A_207 = arith.constant 8192 : i32
    %mul3A_208 = arith.muli %select_n3A, %mul3A_207 : i32
    %add3A_209 = vector.broadcast %mul3A_208 : i32 to vector<16xi32>
    %add3A_210 = arith.addi %get3A_206, %add3A_209 : vector<16xi32>
    %swap3A_211 = arith.constant 128 : index
    %swap3A_212 = tpu.vector_load %arg9[%swap3A_211] {strides = array<i32>} : memref<640xi32, #tpu.memory_space<vmem>>, vector<16xi32>,
    %swap3A_213 = vector.shape_cast %swap3A_212 : vector<16xi32> to vector<16xi32>
    %swap3A_214 = vector.shape_cast %add3A_210 : vector<16xi32> to vector<16xi32>
    tpu.vector_store %arg9[%swap3A_211], %swap3A_214 {strides = array<i32>} : memref<640xi32, #tpu.memory_space<vmem>>, vector<16xi32>,
    %add3A_215 = arith.constant 1 : i32
    %add3A_216 = arith.addi %select_n3A, %add3A_215 : i32
    %mul3A_217 = arith.constant 8192 : i32
    %mul3A_218 = arith.muli %add3A_216, %mul3A_217 : i32
    %add3A_219 = vector.broadcast %mul3A_218 : i32 to vector<16xi32>
    %add3A_220 = arith.addi %get3A_206, %add3A_219 : vector<16xi32>
    %swap3A_221 = arith.constant 128 : index
    %swap3A_222 = tpu.vector_load %arg10[%swap3A_221] {strides = array<i32>} : memref<640xi32, #tpu.memory_space<vmem>>, vector<16xi32>,
    %swap3A_223 = vector.shape_cast %swap3A_222 : vector<16xi32> to vector<16xi32>
    %swap3A_224 = vector.shape_cast %add3A_220 : vector<16xi32> to vector<16xi32>
    tpu.vector_store %arg10[%swap3A_221], %swap3A_224 {strides = array<i32>} : memref<640xi32, #tpu.memory_space<vmem>>, vector<16xi32>,
    %get3A_225 = arith.constant 144 : index
    %get3A_226 = tpu.vector_load %arg7[%get3A_225] {strides = array<i32>} : memref<640xi32, #tpu.memory_space<vmem>>, vector<16xi32>,
    %get3A_227 = vector.shape_cast %get3A_226 : vector<16xi32> to vector<16xi32>
    %mul3A_228 = arith.constant 8192 : i32
    %mul3A_229 = arith.muli %select_n3A, %mul3A_228 : i32
    %add3A_230 = vector.broadcast %mul3A_229 : i32 to vector<16xi32>
    %add3A_231 = arith.addi %get3A_227, %add3A_230 : vector<16xi32>
    %swap3A_232 = arith.constant 144 : index
    %swap3A_233 = tpu.vector_load %arg9[%swap3A_232] {strides = array<i32>} : memref<640xi32, #tpu.memory_space<vmem>>, vector<16xi32>,
    %swap3A_234 = vector.shape_cast %swap3A_233 : vector<16xi32> to vector<16xi32>
    %swap3A_235 = vector.shape_cast %add3A_231 : vector<16xi32> to vector<16xi32>
    tpu.vector_store %arg9[%swap3A_232], %swap3A_235 {strides = array<i32>} : memref<640xi32, #tpu.memory_space<vmem>>, vector<16xi32>,
    %add3A_236 = arith.constant 1 : i32
    %add3A_237 = arith.addi %select_n3A, %add3A_236 : i32
    %mul3A_238 = arith.constant 8192 : i32
    %mul3A_239 = arith.muli %add3A_237, %mul3A_238 : i32
    %add3A_240 = vector.broadcast %mul3A_239 : i32 to vector<16xi32>
    %add3A_241 = arith.addi %get3A_227, %add3A_240 : vector<16xi32>
    %swap3A_242 = arith.constant 144 : index
    %swap3A_243 = tpu.vector_load %arg10[%swap3A_242] {strides = array<i32>} : memref<640xi32, #tpu.memory_space<vmem>>, vector<16xi32>,
    %swap3A_244 = vector.shape_cast %swap3A_243 : vector<16xi32> to vector<16xi32>
    %swap3A_245 = vector.shape_cast %add3A_241 : vector<16xi32> to vector<16xi32>
    tpu.vector_store %arg10[%swap3A_242], %swap3A_245 {strides = array<i32>} : memref<640xi32, #tpu.memory_space<vmem>>, vector<16xi32>,
    %get3A_246 = arith.constant 160 : index
    %get3A_247 = tpu.vector_load %arg7[%get3A_246] {strides = array<i32>} : memref<640xi32, #tpu.memory_space<vmem>>, vector<16xi32>,
    %get3A_248 = vector.shape_cast %get3A_247 : vector<16xi32> to vector<16xi32>
    %mul3A_249 = arith.constant 8192 : i32
    %mul3A_250 = arith.muli %select_n3A, %mul3A_249 : i32
    %add3A_251 = vector.broadcast %mul3A_250 : i32 to vector<16xi32>
    %add3A_252 = arith.addi %get3A_248, %add3A_251 : vector<16xi32>
    %swap3A_253 = arith.constant 160 : index
    %swap3A_254 = tpu.vector_load %arg9[%swap3A_253] {strides = array<i32>} : memref<640xi32, #tpu.memory_space<vmem>>, vector<16xi32>,
    %swap3A_255 = vector.shape_cast %swap3A_254 : vector<16xi32> to vector<16xi32>
    %swap3A_256 = vector.shape_cast %add3A_252 : vector<16xi32> to vector<16xi32>
    tpu.vector_store %arg9[%swap3A_253], %swap3A_256 {strides = array<i32>} : memref<640xi32, #tpu.memory_space<vmem>>, vector<16xi32>,
    %add3A_257 = arith.constant 1 : i32
    %add3A_258 = arith.addi %select_n3A, %add3A_257 : i32
    %mul3A_259 = arith.constant 8192 : i32
    %mul3A_260 = arith.muli %add3A_258, %mul3A_259 : i32
    %add3A_261 = vector.broadcast %mul3A_260 : i32 to vector<16xi32>
    %add3A_262 = arith.addi %get3A_248, %add3A_261 : vector<16xi32>
    %swap3A_263 = arith.constant 160 : index
    %swap3A_264 = tpu.vector_load %arg10[%swap3A_263] {strides = array<i32>} : memref<640xi32, #tpu.memory_space<vmem>>, vector<16xi32>,
    %swap3A_265 = vector.shape_cast %swap3A_264 : vector<16xi32> to vector<16xi32>
    %swap3A_266 = vector.shape_cast %add3A_262 : vector<16xi32> to vector<16xi32>
    tpu.vector_store %arg10[%swap3A_263], %swap3A_266 {strides = array<i32>} : memref<640xi32, #tpu.memory_space<vmem>>, vector<16xi32>,
    %get3A_267 = arith.constant 176 : index
    %get3A_268 = tpu.vector_load %arg7[%get3A_267] {strides = array<i32>} : memref<640xi32, #tpu.memory_space<vmem>>, vector<16xi32>,
    %get3A_269 = vector.shape_cast %get3A_268 : vector<16xi32> to vector<16xi32>
    %mul3A_270 = arith.constant 8192 : i32
    %mul3A_271 = arith.muli %select_n3A, %mul3A_270 : i32
    %add3A_272 = vector.broadcast %mul3A_271 : i32 to vector<16xi32>
    %add3A_273 = arith.addi %get3A_269, %add3A_272 : vector<16xi32>
    %swap3A_274 = arith.constant 176 : index
    %swap3A_275 = tpu.vector_load %arg9[%swap3A_274] {strides = array<i32>} : memref<640xi32, #tpu.memory_space<vmem>>, vector<16xi32>,
    %swap3A_276 = vector.shape_cast %swap3A_275 : vector<16xi32> to vector<16xi32>
    %swap3A_277 = vector.shape_cast %add3A_273 : vector<16xi32> to vector<16xi32>
    tpu.vector_store %arg9[%swap3A_274], %swap3A_277 {strides = array<i32>} : memref<640xi32, #tpu.memory_space<vmem>>, vector<16xi32>,
    %add3A_278 = arith.constant 1 : i32
    %add3A_279 = arith.addi %select_n3A, %add3A_278 : i32
    %mul3A_280 = arith.constant 8192 : i32
    %mul3A_281 = arith.muli %add3A_279, %mul3A_280 : i32
    %add3A_282 = vector.broadcast %mul3A_281 : i32 to vector<16xi32>
    %add3A_283 = arith.addi %get3A_269, %add3A_282 : vector<16xi32>
    %swap3A_284 = arith.constant 176 : index
    %swap3A_285 = tpu.vector_load %arg10[%swap3A_284] {strides = array<i32>} : memref<640xi32, #tpu.memory_space<vmem>>, vector<16xi32>,
    %swap3A_286 = vector.shape_cast %swap3A_285 : vector<16xi32> to vector<16xi32>
    %swap3A_287 = vector.shape_cast %add3A_283 : vector<16xi32> to vector<16xi32>
    tpu.vector_store %arg10[%swap3A_284], %swap3A_287 {strides = array<i32>} : memref<640xi32, #tpu.memory_space<vmem>>, vector<16xi32>,
    %get3A_288 = arith.constant 192 : index
    %get3A_289 = tpu.vector_load %arg7[%get3A_288] {strides = array<i32>} : memref<640xi32, #tpu.memory_space<vmem>>, vector<16xi32>,
    %get3A_290 = vector.shape_cast %get3A_289 : vector<16xi32> to vector<16xi32>
    %mul3A_291 = arith.constant 8192 : i32
    %mul3A_292 = arith.muli %select_n3A, %mul3A_291 : i32
    %add3A_293 = vector.broadcast %mul3A_292 : i32 to vector<16xi32>
    %add3A_294 = arith.addi %get3A_290, %add3A_293 : vector<16xi32>
    %swap3A_295 = arith.constant 192 : index
    %swap3A_296 = tpu.vector_load %arg9[%swap3A_295] {strides = array<i32>} : memref<640xi32, #tpu.memory_space<vmem>>, vector<16xi32>,
    %swap3A_297 = vector.shape_cast %swap3A_296 : vector<16xi32> to vector<16xi32>
    %swap3A_298 = vector.shape_cast %add3A_294 : vector<16xi32> to vector<16xi32>
    tpu.vector_store %arg9[%swap3A_295], %swap3A_298 {strides = array<i32>} : memref<640xi32, #tpu.memory_space<vmem>>, vector<16xi32>,
    %add3A_299 = arith.constant 1 : i32
    %add3A_300 = arith.addi %select_n3A, %add3A_299 : i32
    %mul3A_301 = arith.constant 8192 : i32
    %mul3A_302 = arith.muli %add3A_300, %mul3A_301 : i32
    %add3A_303 = vector.broadcast %mul3A_302 : i32 to vector<16xi32>
    %add3A_304 = arith.addi %get3A_290, %add3A_303 : vector<16xi32>
    %swap3A_305 = arith.constant 192 : index
    %swap3A_306 = tpu.vector_load %arg10[%swap3A_305] {strides = array<i32>} : memref<640xi32, #tpu.memory_space<vmem>>, vector<16xi32>,
    %swap3A_307 = vector.shape_cast %swap3A_306 : vector<16xi32> to vector<16xi32>
    %swap3A_308 = vector.shape_cast %add3A_304 : vector<16xi32> to vector<16xi32>
    tpu.vector_store %arg10[%swap3A_305], %swap3A_308 {strides = array<i32>} : memref<640xi32, #tpu.memory_space<vmem>>, vector<16xi32>,
    %get3A_309 = arith.constant 208 : index
    %get3A_310 = tpu.vector_load %arg7[%get3A_309] {strides = array<i32>} : memref<640xi32, #tpu.memory_space<vmem>>, vector<16xi32>,
    %get3A_311 = vector.shape_cast %get3A_310 : vector<16xi32> to vector<16xi32>
    %mul3A_312 = arith.constant 8192 : i32
    %mul3A_313 = arith.muli %select_n3A, %mul3A_312 : i32
    %add3A_314 = vector.broadcast %mul3A_313 : i32 to vector<16xi32>
    %add3A_315 = arith.addi %get3A_311, %add3A_314 : vector<16xi32>
    %swap3A_316 = arith.constant 208 : index
    %swap3A_317 = tpu.vector_load %arg9[%swap3A_316] {strides = array<i32>} : memref<640xi32, #tpu.memory_space<vmem>>, vector<16xi32>,
    %swap3A_318 = vector.shape_cast %swap3A_317 : vector<16xi32> to vector<16xi32>
    %swap3A_319 = vector.shape_cast %add3A_315 : vector<16xi32> to vector<16xi32>
    tpu.vector_store %arg9[%swap3A_316], %swap3A_319 {strides = array<i32>} : memref<640xi32, #tpu.memory_space<vmem>>, vector<16xi32>,
    %add3A_320 = arith.constant 1 : i32
    %add3A_321 = arith.addi %select_n3A, %add3A_320 : i32
    %mul3A_322 = arith.constant 8192 : i32
    %mul3A_323 = arith.muli %add3A_321, %mul3A_322 : i32
    %add3A_324 = vector.broadcast %mul3A_323 : i32 to vector<16xi32>
    %add3A_325 = arith.addi %get3A_311, %add3A_324 : vector<16xi32>
    %swap3A_326 = arith.constant 208 : index
    %swap3A_327 = tpu.vector_load %arg10[%swap3A_326] {strides = array<i32>} : memref<640xi32, #tpu.memory_space<vmem>>, vector<16xi32>,
    %swap3A_328 = vector.shape_cast %swap3A_327 : vector<16xi32> to vector<16xi32>
    %swap3A_329 = vector.shape_cast %add3A_325 : vector<16xi32> to vector<16xi32>
    tpu.vector_store %arg10[%swap3A_326], %swap3A_329 {strides = array<i32>} : memref<640xi32, #tpu.memory_space<vmem>>, vector<16xi32>,
    %get3A_330 = arith.constant 224 : index
    %get3A_331 = tpu.vector_load %arg7[%get3A_330] {strides = array<i32>} : memref<640xi32, #tpu.memory_space<vmem>>, vector<16xi32>,
    %get3A_332 = vector.shape_cast %get3A_331 : vector<16xi32> to vector<16xi32>
    %mul3A_333 = arith.constant 8192 : i32
    %mul3A_334 = arith.muli %select_n3A, %mul3A_333 : i32
    %add3A_335 = vector.broadcast %mul3A_334 : i32 to vector<16xi32>
    %add3A_336 = arith.addi %get3A_332, %add3A_335 : vector<16xi32>
    %swap3A_337 = arith.constant 224 : index
    %swap3A_338 = tpu.vector_load %arg9[%swap3A_337] {strides = array<i32>} : memref<640xi32, #tpu.memory_space<vmem>>, vector<16xi32>,
    %swap3A_339 = vector.shape_cast %swap3A_338 : vector<16xi32> to vector<16xi32>
    %swap3A_340 = vector.shape_cast %add3A_336 : vector<16xi32> to vector<16xi32>
    tpu.vector_store %arg9[%swap3A_337], %swap3A_340 {strides = array<i32>} : memref<640xi32, #tpu.memory_space<vmem>>, vector<16xi32>,
    %add3A_341 = arith.constant 1 : i32
    %add3A_342 = arith.addi %select_n3A, %add3A_341 : i32
    %mul3A_343 = arith.constant 8192 : i32
    %mul3A_344 = arith.muli %add3A_342, %mul3A_343 : i32
    %add3A_345 = vector.broadcast %mul3A_344 : i32 to vector<16xi32>
    %add3A_346 = arith.addi %get3A_332, %add3A_345 : vector<16xi32>
    %swap3A_347 = arith.constant 224 : index
    %swap3A_348 = tpu.vector_load %arg10[%swap3A_347] {strides = array<i32>} : memref<640xi32, #tpu.memory_space<vmem>>, vector<16xi32>,
    %swap3A_349 = vector.shape_cast %swap3A_348 : vector<16xi32> to vector<16xi32>
    %swap3A_350 = vector.shape_cast %add3A_346 : vector<16xi32> to vector<16xi32>
    tpu.vector_store %arg10[%swap3A_347], %swap3A_350 {strides = array<i32>} : memref<640xi32, #tpu.memory_space<vmem>>, vector<16xi32>,
    %get3A_351 = arith.constant 240 : index
    %get3A_352 = tpu.vector_load %arg7[%get3A_351] {strides = array<i32>} : memref<640xi32, #tpu.memory_space<vmem>>, vector<16xi32>,
    %get3A_353 = vector.shape_cast %get3A_352 : vector<16xi32> to vector<16xi32>
    %mul3A_354 = arith.constant 8192 : i32
    %mul3A_355 = arith.muli %select_n3A, %mul3A_354 : i32
    %add3A_356 = vector.broadcast %mul3A_355 : i32 to vector<16xi32>
    %add3A_357 = arith.addi %get3A_353, %add3A_356 : vector<16xi32>
    %swap3A_358 = arith.constant 240 : index
    %swap3A_359 = tpu.vector_load %arg9[%swap3A_358] {strides = array<i32>} : memref<640xi32, #tpu.memory_space<vmem>>, vector<16xi32>,
    %swap3A_360 = vector.shape_cast %swap3A_359 : vector<16xi32> to vector<16xi32>
    %swap3A_361 = vector.shape_cast %add3A_357 : vector<16xi32> to vector<16xi32>
    tpu.vector_store %arg9[%swap3A_358], %swap3A_361 {strides = array<i32>} : memref<640xi32, #tpu.memory_space<vmem>>, vector<16xi32>,
    %add3A_362 = arith.constant 1 : i32
    %add3A_363 = arith.addi %select_n3A, %add3A_362 : i32
    %mul3A_364 = arith.constant 8192 : i32
    %mul3A_365 = arith.muli %add3A_363, %mul3A_364 : i32
    %add3A_366 = vector.broadcast %mul3A_365 : i32 to vector<16xi32>
    %add3A_367 = arith.addi %get3A_353, %add3A_366 : vector<16xi32>
    %swap3A_368 = arith.constant 240 : index
    %swap3A_369 = tpu.vector_load %arg10[%swap3A_368] {strides = array<i32>} : memref<640xi32, #tpu.memory_space<vmem>>, vector<16xi32>,
    %swap3A_370 = vector.shape_cast %swap3A_369 : vector<16xi32> to vector<16xi32>
    %swap3A_371 = vector.shape_cast %add3A_367 : vector<16xi32> to vector<16xi32>
    tpu.vector_store %arg10[%swap3A_368], %swap3A_371 {strides = array<i32>} : memref<640xi32, #tpu.memory_space<vmem>>, vector<16xi32>,
    %get3A_372 = arith.constant 256 : index
    %get3A_373 = tpu.vector_load %arg7[%get3A_372] {strides = array<i32>} : memref<640xi32, #tpu.memory_space<vmem>>, vector<16xi32>,
    %get3A_374 = vector.shape_cast %get3A_373 : vector<16xi32> to vector<16xi32>
    %mul3A_375 = arith.constant 8192 : i32
    %mul3A_376 = arith.muli %select_n3A, %mul3A_375 : i32
    %add3A_377 = vector.broadcast %mul3A_376 : i32 to vector<16xi32>
    %add3A_378 = arith.addi %get3A_374, %add3A_377 : vector<16xi32>
    %swap3A_379 = arith.constant 256 : index
    %swap3A_380 = tpu.vector_load %arg9[%swap3A_379] {strides = array<i32>} : memref<640xi32, #tpu.memory_space<vmem>>, vector<16xi32>,
    %swap3A_381 = vector.shape_cast %swap3A_380 : vector<16xi32> to vector<16xi32>
    %swap3A_382 = vector.shape_cast %add3A_378 : vector<16xi32> to vector<16xi32>
    tpu.vector_store %arg9[%swap3A_379], %swap3A_382 {strides = array<i32>} : memref<640xi32, #tpu.memory_space<vmem>>, vector<16xi32>,
    %add3A_383 = arith.constant 1 : i32
    %add3A_384 = arith.addi %select_n3A, %add3A_383 : i32
    %mul3A_385 = arith.constant 8192 : i32
    %mul3A_386 = arith.muli %add3A_384, %mul3A_385 : i32
    %add3A_387 = vector.broadcast %mul3A_386 : i32 to vector<16xi32>
    %add3A_388 = arith.addi %get3A_374, %add3A_387 : vector<16xi32>
    %swap3A_389 = arith.constant 256 : index
    %swap3A_390 = tpu.vector_load %arg10[%swap3A_389] {strides = array<i32>} : memref<640xi32, #tpu.memory_space<vmem>>, vector<16xi32>,
    %swap3A_391 = vector.shape_cast %swap3A_390 : vector<16xi32> to vector<16xi32>
    %swap3A_392 = vector.shape_cast %add3A_388 : vector<16xi32> to vector<16xi32>
    tpu.vector_store %arg10[%swap3A_389], %swap3A_392 {strides = array<i32>} : memref<640xi32, #tpu.memory_space<vmem>>, vector<16xi32>,
    %get3A_393 = arith.constant 272 : index
    %get3A_394 = tpu.vector_load %arg7[%get3A_393] {strides = array<i32>} : memref<640xi32, #tpu.memory_space<vmem>>, vector<16xi32>,
    %get3A_395 = vector.shape_cast %get3A_394 : vector<16xi32> to vector<16xi32>
    %mul3A_396 = arith.constant 8192 : i32
    %mul3A_397 = arith.muli %select_n3A, %mul3A_396 : i32
    %add3A_398 = vector.broadcast %mul3A_397 : i32 to vector<16xi32>
    %add3A_399 = arith.addi %get3A_395, %add3A_398 : vector<16xi32>
    %swap3A_400 = arith.constant 272 : index
    %swap3A_401 = tpu.vector_load %arg9[%swap3A_400] {strides = array<i32>} : memref<640xi32, #tpu.memory_space<vmem>>, vector<16xi32>,
    %swap3A_402 = vector.shape_cast %swap3A_401 : vector<16xi32> to vector<16xi32>
    %swap3A_403 = vector.shape_cast %add3A_399 : vector<16xi32> to vector<16xi32>
    tpu.vector_store %arg9[%swap3A_400], %swap3A_403 {strides = array<i32>} : memref<640xi32, #tpu.memory_space<vmem>>, vector<16xi32>,
    %add3A_404 = arith.constant 1 : i32
    %add3A_405 = arith.addi %select_n3A, %add3A_404 : i32
    %mul3A_406 = arith.constant 8192 : i32
    %mul3A_407 = arith.muli %add3A_405, %mul3A_406 : i32
    %add3A_408 = vector.broadcast %mul3A_407 : i32 to vector<16xi32>
    %add3A_409 = arith.addi %get3A_395, %add3A_408 : vector<16xi32>
    %swap3A_410 = arith.constant 272 : index
    %swap3A_411 = tpu.vector_load %arg10[%swap3A_410] {strides = array<i32>} : memref<640xi32, #tpu.memory_space<vmem>>, vector<16xi32>,
    %swap3A_412 = vector.shape_cast %swap3A_411 : vector<16xi32> to vector<16xi32>
    %swap3A_413 = vector.shape_cast %add3A_409 : vector<16xi32> to vector<16xi32>
    tpu.vector_store %arg10[%swap3A_410], %swap3A_413 {strides = array<i32>} : memref<640xi32, #tpu.memory_space<vmem>>, vector<16xi32>,
    %get3A_414 = arith.constant 288 : index
    %get3A_415 = tpu.vector_load %arg7[%get3A_414] {strides = array<i32>} : memref<640xi32, #tpu.memory_space<vmem>>, vector<16xi32>,
    %get3A_416 = vector.shape_cast %get3A_415 : vector<16xi32> to vector<16xi32>
    %mul3A_417 = arith.constant 8192 : i32
    %mul3A_418 = arith.muli %select_n3A, %mul3A_417 : i32
    %add3A_419 = vector.broadcast %mul3A_418 : i32 to vector<16xi32>
    %add3A_420 = arith.addi %get3A_416, %add3A_419 : vector<16xi32>
    %swap3A_421 = arith.constant 288 : index
    %swap3A_422 = tpu.vector_load %arg9[%swap3A_421] {strides = array<i32>} : memref<640xi32, #tpu.memory_space<vmem>>, vector<16xi32>,
    %swap3A_423 = vector.shape_cast %swap3A_422 : vector<16xi32> to vector<16xi32>
    %swap3A_424 = vector.shape_cast %add3A_420 : vector<16xi32> to vector<16xi32>
    tpu.vector_store %arg9[%swap3A_421], %swap3A_424 {strides = array<i32>} : memref<640xi32, #tpu.memory_space<vmem>>, vector<16xi32>,
    %add3A_425 = arith.constant 1 : i32
    %add3A_426 = arith.addi %select_n3A, %add3A_425 : i32
    %mul3A_427 = arith.constant 8192 : i32
    %mul3A_428 = arith.muli %add3A_426, %mul3A_427 : i32
    %add3A_429 = vector.broadcast %mul3A_428 : i32 to vector<16xi32>
    %add3A_430 = arith.addi %get3A_416, %add3A_429 : vector<16xi32>
    %swap3A_431 = arith.constant 288 : index
    %swap3A_432 = tpu.vector_load %arg10[%swap3A_431] {strides = array<i32>} : memref<640xi32, #tpu.memory_space<vmem>>, vector<16xi32>,
    %swap3A_433 = vector.shape_cast %swap3A_432 : vector<16xi32> to vector<16xi32>
    %swap3A_434 = vector.shape_cast %add3A_430 : vector<16xi32> to vector<16xi32>
    tpu.vector_store %arg10[%swap3A_431], %swap3A_434 {strides = array<i32>} : memref<640xi32, #tpu.memory_space<vmem>>, vector<16xi32>,
    %get3A_435 = arith.constant 304 : index
    %get3A_436 = tpu.vector_load %arg7[%get3A_435] {strides = array<i32>} : memref<640xi32, #tpu.memory_space<vmem>>, vector<16xi32>,
    %get3A_437 = vector.shape_cast %get3A_436 : vector<16xi32> to vector<16xi32>
    %mul3A_438 = arith.constant 8192 : i32
    %mul3A_439 = arith.muli %select_n3A, %mul3A_438 : i32
    %add3A_440 = vector.broadcast %mul3A_439 : i32 to vector<16xi32>
    %add3A_441 = arith.addi %get3A_437, %add3A_440 : vector<16xi32>
    %swap3A_442 = arith.constant 304 : index
    %swap3A_443 = tpu.vector_load %arg9[%swap3A_442] {strides = array<i32>} : memref<640xi32, #tpu.memory_space<vmem>>, vector<16xi32>,
    %swap3A_444 = vector.shape_cast %swap3A_443 : vector<16xi32> to vector<16xi32>
    %swap3A_445 = vector.shape_cast %add3A_441 : vector<16xi32> to vector<16xi32>
    tpu.vector_store %arg9[%swap3A_442], %swap3A_445 {strides = array<i32>} : memref<640xi32, #tpu.memory_space<vmem>>, vector<16xi32>,
    %add3A_446 = arith.constant 1 : i32
    %add3A_447 = arith.addi %select_n3A, %add3A_446 : i32
    %mul3A_448 = arith.constant 8192 : i32
    %mul3A_449 = arith.muli %add3A_447, %mul3A_448 : i32
    %add3A_450 = vector.broadcast %mul3A_449 : i32 to vector<16xi32>
    %add3A_451 = arith.addi %get3A_437, %add3A_450 : vector<16xi32>
    %swap3A_452 = arith.constant 304 : index
    %swap3A_453 = tpu.vector_load %arg10[%swap3A_452] {strides = array<i32>} : memref<640xi32, #tpu.memory_space<vmem>>, vector<16xi32>,
    %swap3A_454 = vector.shape_cast %swap3A_453 : vector<16xi32> to vector<16xi32>
    %swap3A_455 = vector.shape_cast %add3A_451 : vector<16xi32> to vector<16xi32>
    tpu.vector_store %arg10[%swap3A_452], %swap3A_455 {strides = array<i32>} : memref<640xi32, #tpu.memory_space<vmem>>, vector<16xi32>,
    %get3A_456 = arith.constant 320 : index
    %get3A_457 = tpu.vector_load %arg7[%get3A_456] {strides = array<i32>} : memref<640xi32, #tpu.memory_space<vmem>>, vector<16xi32>,
    %get3A_458 = vector.shape_cast %get3A_457 : vector<16xi32> to vector<16xi32>
    %mul3A_459 = arith.constant 8192 : i32
    %mul3A_460 = arith.muli %select_n3A, %mul3A_459 : i32
    %add3A_461 = vector.broadcast %mul3A_460 : i32 to vector<16xi32>
    %add3A_462 = arith.addi %get3A_458, %add3A_461 : vector<16xi32>
    %swap3A_463 = arith.constant 320 : index
    %swap3A_464 = tpu.vector_load %arg9[%swap3A_463] {strides = array<i32>} : memref<640xi32, #tpu.memory_space<vmem>>, vector<16xi32>,
    %swap3A_465 = vector.shape_cast %swap3A_464 : vector<16xi32> to vector<16xi32>
    %swap3A_466 = vector.shape_cast %add3A_462 : vector<16xi32> to vector<16xi32>
    tpu.vector_store %arg9[%swap3A_463], %swap3A_466 {strides = array<i32>} : memref<640xi32, #tpu.memory_space<vmem>>, vector<16xi32>,
    %add3A_467 = arith.constant 1 : i32
    %add3A_468 = arith.addi %select_n3A, %add3A_467 : i32
    %mul3A_469 = arith.constant 8192 : i32
    %mul3A_470 = arith.muli %add3A_468, %mul3A_469 : i32
    %add3A_471 = vector.broadcast %mul3A_470 : i32 to vector<16xi32>
    %add3A_472 = arith.addi %get3A_458, %add3A_471 : vector<16xi32>
    %swap3A_473 = arith.constant 320 : index
    %swap3A_474 = tpu.vector_load %arg10[%swap3A_473] {strides = array<i32>} : memref<640xi32, #tpu.memory_space<vmem>>, vector<16xi32>,
    %swap3A_475 = vector.shape_cast %swap3A_474 : vector<16xi32> to vector<16xi32>
    %swap3A_476 = vector.shape_cast %add3A_472 : vector<16xi32> to vector<16xi32>
    tpu.vector_store %arg10[%swap3A_473], %swap3A_476 {strides = array<i32>} : memref<640xi32, #tpu.memory_space<vmem>>, vector<16xi32>,
    %get3A_477 = arith.constant 336 : index
    %get3A_478 = tpu.vector_load %arg7[%get3A_477] {strides = array<i32>} : memref<640xi32, #tpu.memory_space<vmem>>, vector<16xi32>,
    %get3A_479 = vector.shape_cast %get3A_478 : vector<16xi32> to vector<16xi32>
    %mul3A_480 = arith.constant 8192 : i32
    %mul3A_481 = arith.muli %select_n3A, %mul3A_480 : i32
    %add3A_482 = vector.broadcast %mul3A_481 : i32 to vector<16xi32>
    %add3A_483 = arith.addi %get3A_479, %add3A_482 : vector<16xi32>
    %swap3A_484 = arith.constant 336 : index
    %swap3A_485 = tpu.vector_load %arg9[%swap3A_484] {strides = array<i32>} : memref<640xi32, #tpu.memory_space<vmem>>, vector<16xi32>,
    %swap3A_486 = vector.shape_cast %swap3A_485 : vector<16xi32> to vector<16xi32>
    %swap3A_487 = vector.shape_cast %add3A_483 : vector<16xi32> to vector<16xi32>
    tpu.vector_store %arg9[%swap3A_484], %swap3A_487 {strides = array<i32>} : memref<640xi32, #tpu.memory_space<vmem>>, vector<16xi32>,
    %add3A_488 = arith.constant 1 : i32
    %add3A_489 = arith.addi %select_n3A, %add3A_488 : i32
    %mul3A_490 = arith.constant 8192 : i32
    %mul3A_491 = arith.muli %add3A_489, %mul3A_490 : i32
    %add3A_492 = vector.broadcast %mul3A_491 : i32 to vector<16xi32>
    %add3A_493 = arith.addi %get3A_479, %add3A_492 : vector<16xi32>
    %swap3A_494 = arith.constant 336 : index
    %swap3A_495 = tpu.vector_load %arg10[%swap3A_494] {strides = array<i32>} : memref<640xi32, #tpu.memory_space<vmem>>, vector<16xi32>,
    %swap3A_496 = vector.shape_cast %swap3A_495 : vector<16xi32> to vector<16xi32>
    %swap3A_497 = vector.shape_cast %add3A_493 : vector<16xi32> to vector<16xi32>
    tpu.vector_store %arg10[%swap3A_494], %swap3A_497 {strides = array<i32>} : memref<640xi32, #tpu.memory_space<vmem>>, vector<16xi32>,
    %get3A_498 = arith.constant 352 : index
    %get3A_499 = tpu.vector_load %arg7[%get3A_498] {strides = array<i32>} : memref<640xi32, #tpu.memory_space<vmem>>, vector<16xi32>,
    %get3A_500 = vector.shape_cast %get3A_499 : vector<16xi32> to vector<16xi32>
    %mul3A_501 = arith.constant 8192 : i32
    %mul3A_502 = arith.muli %select_n3A, %mul3A_501 : i32
    %add3A_503 = vector.broadcast %mul3A_502 : i32 to vector<16xi32>
    %add3A_504 = arith.addi %get3A_500, %add3A_503 : vector<16xi32>
    %swap3A_505 = arith.constant 352 : index
    %swap3A_506 = tpu.vector_load %arg9[%swap3A_505] {strides = array<i32>} : memref<640xi32, #tpu.memory_space<vmem>>, vector<16xi32>,
    %swap3A_507 = vector.shape_cast %swap3A_506 : vector<16xi32> to vector<16xi32>
    %swap3A_508 = vector.shape_cast %add3A_504 : vector<16xi32> to vector<16xi32>
    tpu.vector_store %arg9[%swap3A_505], %swap3A_508 {strides = array<i32>} : memref<640xi32, #tpu.memory_space<vmem>>, vector<16xi32>,
    %add3A_509 = arith.constant 1 : i32
    %add3A_510 = arith.addi %select_n3A, %add3A_509 : i32
    %mul3A_511 = arith.constant 8192 : i32
    %mul3A_512 = arith.muli %add3A_510, %mul3A_511 : i32
    %add3A_513 = vector.broadcast %mul3A_512 : i32 to vector<16xi32>
    %add3A_514 = arith.addi %get3A_500, %add3A_513 : vector<16xi32>
    %swap3A_515 = arith.constant 352 : index
    %swap3A_516 = tpu.vector_load %arg10[%swap3A_515] {strides = array<i32>} : memref<640xi32, #tpu.memory_space<vmem>>, vector<16xi32>,
    %swap3A_517 = vector.shape_cast %swap3A_516 : vector<16xi32> to vector<16xi32>
    %swap3A_518 = vector.shape_cast %add3A_514 : vector<16xi32> to vector<16xi32>
    tpu.vector_store %arg10[%swap3A_515], %swap3A_518 {strides = array<i32>} : memref<640xi32, #tpu.memory_space<vmem>>, vector<16xi32>,
    %get3A_519 = arith.constant 368 : index
    %get3A_520 = tpu.vector_load %arg7[%get3A_519] {strides = array<i32>} : memref<640xi32, #tpu.memory_space<vmem>>, vector<16xi32>,
    %get3A_521 = vector.shape_cast %get3A_520 : vector<16xi32> to vector<16xi32>
    %mul3A_522 = arith.constant 8192 : i32
    %mul3A_523 = arith.muli %select_n3A, %mul3A_522 : i32
    %add3A_524 = vector.broadcast %mul3A_523 : i32 to vector<16xi32>
    %add3A_525 = arith.addi %get3A_521, %add3A_524 : vector<16xi32>
    %swap3A_526 = arith.constant 368 : index
    %swap3A_527 = tpu.vector_load %arg9[%swap3A_526] {strides = array<i32>} : memref<640xi32, #tpu.memory_space<vmem>>, vector<16xi32>,
    %swap3A_528 = vector.shape_cast %swap3A_527 : vector<16xi32> to vector<16xi32>
    %swap3A_529 = vector.shape_cast %add3A_525 : vector<16xi32> to vector<16xi32>
    tpu.vector_store %arg9[%swap3A_526], %swap3A_529 {strides = array<i32>} : memref<640xi32, #tpu.memory_space<vmem>>, vector<16xi32>,
    %add3A_530 = arith.constant 1 : i32
    %add3A_531 = arith.addi %select_n3A, %add3A_530 : i32
    %mul3A_532 = arith.constant 8192 : i32
    %mul3A_533 = arith.muli %add3A_531, %mul3A_532 : i32
    %add3A_534 = vector.broadcast %mul3A_533 : i32 to vector<16xi32>
    %add3A_535 = arith.addi %get3A_521, %add3A_534 : vector<16xi32>
    %swap3A_536 = arith.constant 368 : index
    %swap3A_537 = tpu.vector_load %arg10[%swap3A_536] {strides = array<i32>} : memref<640xi32, #tpu.memory_space<vmem>>, vector<16xi32>,
    %swap3A_538 = vector.shape_cast %swap3A_537 : vector<16xi32> to vector<16xi32>
    %swap3A_539 = vector.shape_cast %add3A_535 : vector<16xi32> to vector<16xi32>
    tpu.vector_store %arg10[%swap3A_536], %swap3A_539 {strides = array<i32>} : memref<640xi32, #tpu.memory_space<vmem>>, vector<16xi32>,
    %get3A_540 = arith.constant 384 : index
    %get3A_541 = tpu.vector_load %arg7[%get3A_540] {strides = array<i32>} : memref<640xi32, #tpu.memory_space<vmem>>, vector<16xi32>,
    %get3A_542 = vector.shape_cast %get3A_541 : vector<16xi32> to vector<16xi32>
    %mul3A_543 = arith.constant 8192 : i32
    %mul3A_544 = arith.muli %select_n3A, %mul3A_543 : i32
    %add3A_545 = vector.broadcast %mul3A_544 : i32 to vector<16xi32>
    %add3A_546 = arith.addi %get3A_542, %add3A_545 : vector<16xi32>
    %swap3A_547 = arith.constant 384 : index
    %swap3A_548 = tpu.vector_load %arg9[%swap3A_547] {strides = array<i32>} : memref<640xi32, #tpu.memory_space<vmem>>, vector<16xi32>,
    %swap3A_549 = vector.shape_cast %swap3A_548 : vector<16xi32> to vector<16xi32>
    %swap3A_550 = vector.shape_cast %add3A_546 : vector<16xi32> to vector<16xi32>
    tpu.vector_store %arg9[%swap3A_547], %swap3A_550 {strides = array<i32>} : memref<640xi32, #tpu.memory_space<vmem>>, vector<16xi32>,
    %add3A_551 = arith.constant 1 : i32
    %add3A_552 = arith.addi %select_n3A, %add3A_551 : i32
    %mul3A_553 = arith.constant 8192 : i32
    %mul3A_554 = arith.muli %add3A_552, %mul3A_553 : i32
    %add3A_555 = vector.broadcast %mul3A_554 : i32 to vector<16xi32>
    %add3A_556 = arith.addi %get3A_542, %add3A_555 : vector<16xi32>
    %swap3A_557 = arith.constant 384 : index
    %swap3A_558 = tpu.vector_load %arg10[%swap3A_557] {strides = array<i32>} : memref<640xi32, #tpu.memory_space<vmem>>, vector<16xi32>,
    %swap3A_559 = vector.shape_cast %swap3A_558 : vector<16xi32> to vector<16xi32>
    %swap3A_560 = vector.shape_cast %add3A_556 : vector<16xi32> to vector<16xi32>
    tpu.vector_store %arg10[%swap3A_557], %swap3A_560 {strides = array<i32>} : memref<640xi32, #tpu.memory_space<vmem>>, vector<16xi32>,
    %get3A_561 = arith.constant 400 : index
    %get3A_562 = tpu.vector_load %arg7[%get3A_561] {strides = array<i32>} : memref<640xi32, #tpu.memory_space<vmem>>, vector<16xi32>,
    %get3A_563 = vector.shape_cast %get3A_562 : vector<16xi32> to vector<16xi32>
    %mul3A_564 = arith.constant 8192 : i32
    %mul3A_565 = arith.muli %select_n3A, %mul3A_564 : i32
    %add3A_566 = vector.broadcast %mul3A_565 : i32 to vector<16xi32>
    %add3A_567 = arith.addi %get3A_563, %add3A_566 : vector<16xi32>
    %swap3A_568 = arith.constant 400 : index
    %swap3A_569 = tpu.vector_load %arg9[%swap3A_568] {strides = array<i32>} : memref<640xi32, #tpu.memory_space<vmem>>, vector<16xi32>,
    %swap3A_570 = vector.shape_cast %swap3A_569 : vector<16xi32> to vector<16xi32>
    %swap3A_571 = vector.shape_cast %add3A_567 : vector<16xi32> to vector<16xi32>
    tpu.vector_store %arg9[%swap3A_568], %swap3A_571 {strides = array<i32>} : memref<640xi32, #tpu.memory_space<vmem>>, vector<16xi32>,
    %add3A_572 = arith.constant 1 : i32
    %add3A_573 = arith.addi %select_n3A, %add3A_572 : i32
    %mul3A_574 = arith.constant 8192 : i32
    %mul3A_575 = arith.muli %add3A_573, %mul3A_574 : i32
    %add3A_576 = vector.broadcast %mul3A_575 : i32 to vector<16xi32>
    %add3A_577 = arith.addi %get3A_563, %add3A_576 : vector<16xi32>
    %swap3A_578 = arith.constant 400 : index
    %swap3A_579 = tpu.vector_load %arg10[%swap3A_578] {strides = array<i32>} : memref<640xi32, #tpu.memory_space<vmem>>, vector<16xi32>,
    %swap3A_580 = vector.shape_cast %swap3A_579 : vector<16xi32> to vector<16xi32>
    %swap3A_581 = vector.shape_cast %add3A_577 : vector<16xi32> to vector<16xi32>
    tpu.vector_store %arg10[%swap3A_578], %swap3A_581 {strides = array<i32>} : memref<640xi32, #tpu.memory_space<vmem>>, vector<16xi32>,
    %get3A_582 = arith.constant 416 : index
    %get3A_583 = tpu.vector_load %arg7[%get3A_582] {strides = array<i32>} : memref<640xi32, #tpu.memory_space<vmem>>, vector<16xi32>,
    %get3A_584 = vector.shape_cast %get3A_583 : vector<16xi32> to vector<16xi32>
    %mul3A_585 = arith.constant 8192 : i32
    %mul3A_586 = arith.muli %select_n3A, %mul3A_585 : i32
    %add3A_587 = vector.broadcast %mul3A_586 : i32 to vector<16xi32>
    %add3A_588 = arith.addi %get3A_584, %add3A_587 : vector<16xi32>
    %swap3A_589 = arith.constant 416 : index
    %swap3A_590 = tpu.vector_load %arg9[%swap3A_589] {strides = array<i32>} : memref<640xi32, #tpu.memory_space<vmem>>, vector<16xi32>,
    %swap3A_591 = vector.shape_cast %swap3A_590 : vector<16xi32> to vector<16xi32>
    %swap3A_592 = vector.shape_cast %add3A_588 : vector<16xi32> to vector<16xi32>
    tpu.vector_store %arg9[%swap3A_589], %swap3A_592 {strides = array<i32>} : memref<640xi32, #tpu.memory_space<vmem>>, vector<16xi32>,
    %add3A_593 = arith.constant 1 : i32
    %add3A_594 = arith.addi %select_n3A, %add3A_593 : i32
    %mul3A_595 = arith.constant 8192 : i32
    %mul3A_596 = arith.muli %add3A_594, %mul3A_595 : i32
    %add3A_597 = vector.broadcast %mul3A_596 : i32 to vector<16xi32>
    %add3A_598 = arith.addi %get3A_584, %add3A_597 : vector<16xi32>
    %swap3A_599 = arith.constant 416 : index
    %swap3A_600 = tpu.vector_load %arg10[%swap3A_599] {strides = array<i32>} : memref<640xi32, #tpu.memory_space<vmem>>, vector<16xi32>,
    %swap3A_601 = vector.shape_cast %swap3A_600 : vector<16xi32> to vector<16xi32>
    %swap3A_602 = vector.shape_cast %add3A_598 : vector<16xi32> to vector<16xi32>
    tpu.vector_store %arg10[%swap3A_599], %swap3A_602 {strides = array<i32>} : memref<640xi32, #tpu.memory_space<vmem>>, vector<16xi32>,
    %get3A_603 = arith.constant 432 : index
    %get3A_604 = tpu.vector_load %arg7[%get3A_603] {strides = array<i32>} : memref<640xi32, #tpu.memory_space<vmem>>, vector<16xi32>,
    %get3A_605 = vector.shape_cast %get3A_604 : vector<16xi32> to vector<16xi32>
    %mul3A_606 = arith.constant 8192 : i32
    %mul3A_607 = arith.muli %select_n3A, %mul3A_606 : i32
    %add3A_608 = vector.broadcast %mul3A_607 : i32 to vector<16xi32>
    %add3A_609 = arith.addi %get3A_605, %add3A_608 : vector<16xi32>
    %swap3A_610 = arith.constant 432 : index
    %swap3A_611 = tpu.vector_load %arg9[%swap3A_610] {strides = array<i32>} : memref<640xi32, #tpu.memory_space<vmem>>, vector<16xi32>,
    %swap3A_612 = vector.shape_cast %swap3A_611 : vector<16xi32> to vector<16xi32>
    %swap3A_613 = vector.shape_cast %add3A_609 : vector<16xi32> to vector<16xi32>
    tpu.vector_store %arg9[%swap3A_610], %swap3A_613 {strides = array<i32>} : memref<640xi32, #tpu.memory_space<vmem>>, vector<16xi32>,
    %add3A_614 = arith.constant 1 : i32
    %add3A_615 = arith.addi %select_n3A, %add3A_614 : i32
    %mul3A_616 = arith.constant 8192 : i32
    %mul3A_617 = arith.muli %add3A_615, %mul3A_616 : i32
    %add3A_618 = vector.broadcast %mul3A_617 : i32 to vector<16xi32>
    %add3A_619 = arith.addi %get3A_605, %add3A_618 : vector<16xi32>
    %swap3A_620 = arith.constant 432 : index
    %swap3A_621 = tpu.vector_load %arg10[%swap3A_620] {strides = array<i32>} : memref<640xi32, #tpu.memory_space<vmem>>, vector<16xi32>,
    %swap3A_622 = vector.shape_cast %swap3A_621 : vector<16xi32> to vector<16xi32>
    %swap3A_623 = vector.shape_cast %add3A_619 : vector<16xi32> to vector<16xi32>
    tpu.vector_store %arg10[%swap3A_620], %swap3A_623 {strides = array<i32>} : memref<640xi32, #tpu.memory_space<vmem>>, vector<16xi32>,
    %get3A_624 = arith.constant 448 : index
    %get3A_625 = tpu.vector_load %arg7[%get3A_624] {strides = array<i32>} : memref<640xi32, #tpu.memory_space<vmem>>, vector<16xi32>,
    %get3A_626 = vector.shape_cast %get3A_625 : vector<16xi32> to vector<16xi32>
    %mul3A_627 = arith.constant 8192 : i32
    %mul3A_628 = arith.muli %select_n3A, %mul3A_627 : i32
    %add3A_629 = vector.broadcast %mul3A_628 : i32 to vector<16xi32>
    %add3A_630 = arith.addi %get3A_626, %add3A_629 : vector<16xi32>
    %swap3A_631 = arith.constant 448 : index
    %swap3A_632 = tpu.vector_load %arg9[%swap3A_631] {strides = array<i32>} : memref<640xi32, #tpu.memory_space<vmem>>, vector<16xi32>,
    %swap3A_633 = vector.shape_cast %swap3A_632 : vector<16xi32> to vector<16xi32>
    %swap3A_634 = vector.shape_cast %add3A_630 : vector<16xi32> to vector<16xi32>
    tpu.vector_store %arg9[%swap3A_631], %swap3A_634 {strides = array<i32>} : memref<640xi32, #tpu.memory_space<vmem>>, vector<16xi32>,
    %add3A_635 = arith.constant 1 : i32
    %add3A_636 = arith.addi %select_n3A, %add3A_635 : i32
    %mul3A_637 = arith.constant 8192 : i32
    %mul3A_638 = arith.muli %add3A_636, %mul3A_637 : i32
    %add3A_639 = vector.broadcast %mul3A_638 : i32 to vector<16xi32>
    %add3A_640 = arith.addi %get3A_626, %add3A_639 : vector<16xi32>
    %swap3A_641 = arith.constant 448 : index
    %swap3A_642 = tpu.vector_load %arg10[%swap3A_641] {strides = array<i32>} : memref<640xi32, #tpu.memory_space<vmem>>, vector<16xi32>,
    %swap3A_643 = vector.shape_cast %swap3A_642 : vector<16xi32> to vector<16xi32>
    %swap3A_644 = vector.shape_cast %add3A_640 : vector<16xi32> to vector<16xi32>
    tpu.vector_store %arg10[%swap3A_641], %swap3A_644 {strides = array<i32>} : memref<640xi32, #tpu.memory_space<vmem>>, vector<16xi32>,
    %get3A_645 = arith.constant 464 : index
    %get3A_646 = tpu.vector_load %arg7[%get3A_645] {strides = array<i32>} : memref<640xi32, #tpu.memory_space<vmem>>, vector<16xi32>,
    %get3A_647 = vector.shape_cast %get3A_646 : vector<16xi32> to vector<16xi32>
    %mul3A_648 = arith.constant 8192 : i32
    %mul3A_649 = arith.muli %select_n3A, %mul3A_648 : i32
    %add3A_650 = vector.broadcast %mul3A_649 : i32 to vector<16xi32>
    %add3A_651 = arith.addi %get3A_647, %add3A_650 : vector<16xi32>
    %swap3A_652 = arith.constant 464 : index
    %swap3A_653 = tpu.vector_load %arg9[%swap3A_652] {strides = array<i32>} : memref<640xi32, #tpu.memory_space<vmem>>, vector<16xi32>,
    %swap3A_654 = vector.shape_cast %swap3A_653 : vector<16xi32> to vector<16xi32>
    %swap3A_655 = vector.shape_cast %add3A_651 : vector<16xi32> to vector<16xi32>
    tpu.vector_store %arg9[%swap3A_652], %swap3A_655 {strides = array<i32>} : memref<640xi32, #tpu.memory_space<vmem>>, vector<16xi32>,
    %add3A_656 = arith.constant 1 : i32
    %add3A_657 = arith.addi %select_n3A, %add3A_656 : i32
    %mul3A_658 = arith.constant 8192 : i32
    %mul3A_659 = arith.muli %add3A_657, %mul3A_658 : i32
    %add3A_660 = vector.broadcast %mul3A_659 : i32 to vector<16xi32>
    %add3A_661 = arith.addi %get3A_647, %add3A_660 : vector<16xi32>
    %swap3A_662 = arith.constant 464 : index
    %swap3A_663 = tpu.vector_load %arg10[%swap3A_662] {strides = array<i32>} : memref<640xi32, #tpu.memory_space<vmem>>, vector<16xi32>,
    %swap3A_664 = vector.shape_cast %swap3A_663 : vector<16xi32> to vector<16xi32>
    %swap3A_665 = vector.shape_cast %add3A_661 : vector<16xi32> to vector<16xi32>
    tpu.vector_store %arg10[%swap3A_662], %swap3A_665 {strides = array<i32>} : memref<640xi32, #tpu.memory_space<vmem>>, vector<16xi32>,
    %get3A_666 = arith.constant 480 : index
    %get3A_667 = tpu.vector_load %arg7[%get3A_666] {strides = array<i32>} : memref<640xi32, #tpu.memory_space<vmem>>, vector<16xi32>,
    %get3A_668 = vector.shape_cast %get3A_667 : vector<16xi32> to vector<16xi32>
    %mul3A_669 = arith.constant 8192 : i32
    %mul3A_670 = arith.muli %select_n3A, %mul3A_669 : i32
    %add3A_671 = vector.broadcast %mul3A_670 : i32 to vector<16xi32>
    %add3A_672 = arith.addi %get3A_668, %add3A_671 : vector<16xi32>
    %swap3A_673 = arith.constant 480 : index
    %swap3A_674 = tpu.vector_load %arg9[%swap3A_673] {strides = array<i32>} : memref<640xi32, #tpu.memory_space<vmem>>, vector<16xi32>,
    %swap3A_675 = vector.shape_cast %swap3A_674 : vector<16xi32> to vector<16xi32>
    %swap3A_676 = vector.shape_cast %add3A_672 : vector<16xi32> to vector<16xi32>
    tpu.vector_store %arg9[%swap3A_673], %swap3A_676 {strides = array<i32>} : memref<640xi32, #tpu.memory_space<vmem>>, vector<16xi32>,
    %add3A_677 = arith.constant 1 : i32
    %add3A_678 = arith.addi %select_n3A, %add3A_677 : i32
    %mul3A_679 = arith.constant 8192 : i32
    %mul3A_680 = arith.muli %add3A_678, %mul3A_679 : i32
    %add3A_681 = vector.broadcast %mul3A_680 : i32 to vector<16xi32>
    %add3A_682 = arith.addi %get3A_668, %add3A_681 : vector<16xi32>
    %swap3A_683 = arith.constant 480 : index
    %swap3A_684 = tpu.vector_load %arg10[%swap3A_683] {strides = array<i32>} : memref<640xi32, #tpu.memory_space<vmem>>, vector<16xi32>,
    %swap3A_685 = vector.shape_cast %swap3A_684 : vector<16xi32> to vector<16xi32>
    %swap3A_686 = vector.shape_cast %add3A_682 : vector<16xi32> to vector<16xi32>
    tpu.vector_store %arg10[%swap3A_683], %swap3A_686 {strides = array<i32>} : memref<640xi32, #tpu.memory_space<vmem>>, vector<16xi32>,
    %get3A_687 = arith.constant 496 : index
    %get3A_688 = tpu.vector_load %arg7[%get3A_687] {strides = array<i32>} : memref<640xi32, #tpu.memory_space<vmem>>, vector<16xi32>,
    %get3A_689 = vector.shape_cast %get3A_688 : vector<16xi32> to vector<16xi32>
    %mul3A_690 = arith.constant 8192 : i32
    %mul3A_691 = arith.muli %select_n3A, %mul3A_690 : i32
    %add3A_692 = vector.broadcast %mul3A_691 : i32 to vector<16xi32>
    %add3A_693 = arith.addi %get3A_689, %add3A_692 : vector<16xi32>
    %swap3A_694 = arith.constant 496 : index
    %swap3A_695 = tpu.vector_load %arg9[%swap3A_694] {strides = array<i32>} : memref<640xi32, #tpu.memory_space<vmem>>, vector<16xi32>,
    %swap3A_696 = vector.shape_cast %swap3A_695 : vector<16xi32> to vector<16xi32>
    %swap3A_697 = vector.shape_cast %add3A_693 : vector<16xi32> to vector<16xi32>
    tpu.vector_store %arg9[%swap3A_694], %swap3A_697 {strides = array<i32>} : memref<640xi32, #tpu.memory_space<vmem>>, vector<16xi32>,
    %add3A_698 = arith.constant 1 : i32
    %add3A_699 = arith.addi %select_n3A, %add3A_698 : i32
    %mul3A_700 = arith.constant 8192 : i32
    %mul3A_701 = arith.muli %add3A_699, %mul3A_700 : i32
    %add3A_702 = vector.broadcast %mul3A_701 : i32 to vector<16xi32>
    %add3A_703 = arith.addi %get3A_689, %add3A_702 : vector<16xi32>
    %swap3A_704 = arith.constant 496 : index
    %swap3A_705 = tpu.vector_load %arg10[%swap3A_704] {strides = array<i32>} : memref<640xi32, #tpu.memory_space<vmem>>, vector<16xi32>,
    %swap3A_706 = vector.shape_cast %swap3A_705 : vector<16xi32> to vector<16xi32>
    %swap3A_707 = vector.shape_cast %add3A_703 : vector<16xi32> to vector<16xi32>
    tpu.vector_store %arg10[%swap3A_704], %swap3A_707 {strides = array<i32>} : memref<640xi32, #tpu.memory_space<vmem>>, vector<16xi32>,
    %get3A_708 = arith.constant 512 : index
    %get3A_709 = tpu.vector_load %arg7[%get3A_708] {strides = array<i32>} : memref<640xi32, #tpu.memory_space<vmem>>, vector<16xi32>,
    %get3A_710 = vector.shape_cast %get3A_709 : vector<16xi32> to vector<16xi32>
    %mul3A_711 = arith.constant 8192 : i32
    %mul3A_712 = arith.muli %select_n3A, %mul3A_711 : i32
    %add3A_713 = vector.broadcast %mul3A_712 : i32 to vector<16xi32>
    %add3A_714 = arith.addi %get3A_710, %add3A_713 : vector<16xi32>
    %swap3A_715 = arith.constant 512 : index
    %swap3A_716 = tpu.vector_load %arg9[%swap3A_715] {strides = array<i32>} : memref<640xi32, #tpu.memory_space<vmem>>, vector<16xi32>,
    %swap3A_717 = vector.shape_cast %swap3A_716 : vector<16xi32> to vector<16xi32>
    %swap3A_718 = vector.shape_cast %add3A_714 : vector<16xi32> to vector<16xi32>
    tpu.vector_store %arg9[%swap3A_715], %swap3A_718 {strides = array<i32>} : memref<640xi32, #tpu.memory_space<vmem>>, vector<16xi32>,
    %add3A_719 = arith.constant 1 : i32
    %add3A_720 = arith.addi %select_n3A, %add3A_719 : i32
    %mul3A_721 = arith.constant 8192 : i32
    %mul3A_722 = arith.muli %add3A_720, %mul3A_721 : i32
    %add3A_723 = vector.broadcast %mul3A_722 : i32 to vector<16xi32>
    %add3A_724 = arith.addi %get3A_710, %add3A_723 : vector<16xi32>
    %swap3A_725 = arith.constant 512 : index
    %swap3A_726 = tpu.vector_load %arg10[%swap3A_725] {strides = array<i32>} : memref<640xi32, #tpu.memory_space<vmem>>, vector<16xi32>,
    %swap3A_727 = vector.shape_cast %swap3A_726 : vector<16xi32> to vector<16xi32>
    %swap3A_728 = vector.shape_cast %add3A_724 : vector<16xi32> to vector<16xi32>
    tpu.vector_store %arg10[%swap3A_725], %swap3A_728 {strides = array<i32>} : memref<640xi32, #tpu.memory_space<vmem>>, vector<16xi32>,
    %get3A_729 = arith.constant 528 : index
    %get3A_730 = tpu.vector_load %arg7[%get3A_729] {strides = array<i32>} : memref<640xi32, #tpu.memory_space<vmem>>, vector<16xi32>,
    %get3A_731 = vector.shape_cast %get3A_730 : vector<16xi32> to vector<16xi32>
    %mul3A_732 = arith.constant 8192 : i32
    %mul3A_733 = arith.muli %select_n3A, %mul3A_732 : i32
    %add3A_734 = vector.broadcast %mul3A_733 : i32 to vector<16xi32>
    %add3A_735 = arith.addi %get3A_731, %add3A_734 : vector<16xi32>
    %swap3A_736 = arith.constant 528 : index
    %swap3A_737 = tpu.vector_load %arg9[%swap3A_736] {strides = array<i32>} : memref<640xi32, #tpu.memory_space<vmem>>, vector<16xi32>,
    %swap3A_738 = vector.shape_cast %swap3A_737 : vector<16xi32> to vector<16xi32>
    %swap3A_739 = vector.shape_cast %add3A_735 : vector<16xi32> to vector<16xi32>
    tpu.vector_store %arg9[%swap3A_736], %swap3A_739 {strides = array<i32>} : memref<640xi32, #tpu.memory_space<vmem>>, vector<16xi32>,
    %add3A_740 = arith.constant 1 : i32
    %add3A_741 = arith.addi %select_n3A, %add3A_740 : i32
    %mul3A_742 = arith.constant 8192 : i32
    %mul3A_743 = arith.muli %add3A_741, %mul3A_742 : i32
    %add3A_744 = vector.broadcast %mul3A_743 : i32 to vector<16xi32>
    %add3A_745 = arith.addi %get3A_731, %add3A_744 : vector<16xi32>
    %swap3A_746 = arith.constant 528 : index
    %swap3A_747 = tpu.vector_load %arg10[%swap3A_746] {strides = array<i32>} : memref<640xi32, #tpu.memory_space<vmem>>, vector<16xi32>,
    %swap3A_748 = vector.shape_cast %swap3A_747 : vector<16xi32> to vector<16xi32>
    %swap3A_749 = vector.shape_cast %add3A_745 : vector<16xi32> to vector<16xi32>
    tpu.vector_store %arg10[%swap3A_746], %swap3A_749 {strides = array<i32>} : memref<640xi32, #tpu.memory_space<vmem>>, vector<16xi32>,
    %get3A_750 = arith.constant 544 : index
    %get3A_751 = tpu.vector_load %arg7[%get3A_750] {strides = array<i32>} : memref<640xi32, #tpu.memory_space<vmem>>, vector<16xi32>,
    %get3A_752 = vector.shape_cast %get3A_751 : vector<16xi32> to vector<16xi32>
    %mul3A_753 = arith.constant 8192 : i32
    %mul3A_754 = arith.muli %select_n3A, %mul3A_753 : i32
    %add3A_755 = vector.broadcast %mul3A_754 : i32 to vector<16xi32>
    %add3A_756 = arith.addi %get3A_752, %add3A_755 : vector<16xi32>
    %swap3A_757 = arith.constant 544 : index
    %swap3A_758 = tpu.vector_load %arg9[%swap3A_757] {strides = array<i32>} : memref<640xi32, #tpu.memory_space<vmem>>, vector<16xi32>,
    %swap3A_759 = vector.shape_cast %swap3A_758 : vector<16xi32> to vector<16xi32>
    %swap3A_760 = vector.shape_cast %add3A_756 : vector<16xi32> to vector<16xi32>
    tpu.vector_store %arg9[%swap3A_757], %swap3A_760 {strides = array<i32>} : memref<640xi32, #tpu.memory_space<vmem>>, vector<16xi32>,
    %add3A_761 = arith.constant 1 : i32
    %add3A_762 = arith.addi %select_n3A, %add3A_761 : i32
    %mul3A_763 = arith.constant 8192 : i32
    %mul3A_764 = arith.muli %add3A_762, %mul3A_763 : i32
    %add3A_765 = vector.broadcast %mul3A_764 : i32 to vector<16xi32>
    %add3A_766 = arith.addi %get3A_752, %add3A_765 : vector<16xi32>
    %swap3A_767 = arith.constant 544 : index
    %swap3A_768 = tpu.vector_load %arg10[%swap3A_767] {strides = array<i32>} : memref<640xi32, #tpu.memory_space<vmem>>, vector<16xi32>,
    %swap3A_769 = vector.shape_cast %swap3A_768 : vector<16xi32> to vector<16xi32>
    %swap3A_770 = vector.shape_cast %add3A_766 : vector<16xi32> to vector<16xi32>
    tpu.vector_store %arg10[%swap3A_767], %swap3A_770 {strides = array<i32>} : memref<640xi32, #tpu.memory_space<vmem>>, vector<16xi32>,
    %get3A_771 = arith.constant 560 : index
    %get3A_772 = tpu.vector_load %arg7[%get3A_771] {strides = array<i32>} : memref<640xi32, #tpu.memory_space<vmem>>, vector<16xi32>,
    %get3A_773 = vector.shape_cast %get3A_772 : vector<16xi32> to vector<16xi32>
    %mul3A_774 = arith.constant 8192 : i32
    %mul3A_775 = arith.muli %select_n3A, %mul3A_774 : i32
    %add3A_776 = vector.broadcast %mul3A_775 : i32 to vector<16xi32>
    %add3A_777 = arith.addi %get3A_773, %add3A_776 : vector<16xi32>
    %swap3A_778 = arith.constant 560 : index
    %swap3A_779 = tpu.vector_load %arg9[%swap3A_778] {strides = array<i32>} : memref<640xi32, #tpu.memory_space<vmem>>, vector<16xi32>,
    %swap3A_780 = vector.shape_cast %swap3A_779 : vector<16xi32> to vector<16xi32>
    %swap3A_781 = vector.shape_cast %add3A_777 : vector<16xi32> to vector<16xi32>
    tpu.vector_store %arg9[%swap3A_778], %swap3A_781 {strides = array<i32>} : memref<640xi32, #tpu.memory_space<vmem>>, vector<16xi32>,
    %add3A_782 = arith.constant 1 : i32
    %add3A_783 = arith.addi %select_n3A, %add3A_782 : i32
    %mul3A_784 = arith.constant 8192 : i32
    %mul3A_785 = arith.muli %add3A_783, %mul3A_784 : i32
    %add3A_786 = vector.broadcast %mul3A_785 : i32 to vector<16xi32>
    %add3A_787 = arith.addi %get3A_773, %add3A_786 : vector<16xi32>
    %swap3A_788 = arith.constant 560 : index
    %swap3A_789 = tpu.vector_load %arg10[%swap3A_788] {strides = array<i32>} : memref<640xi32, #tpu.memory_space<vmem>>, vector<16xi32>,
    %swap3A_790 = vector.shape_cast %swap3A_789 : vector<16xi32> to vector<16xi32>
    %swap3A_791 = vector.shape_cast %add3A_787 : vector<16xi32> to vector<16xi32>
    tpu.vector_store %arg10[%swap3A_788], %swap3A_791 {strides = array<i32>} : memref<640xi32, #tpu.memory_space<vmem>>, vector<16xi32>,
    %get3A_792 = arith.constant 576 : index
    %get3A_793 = tpu.vector_load %arg7[%get3A_792] {strides = array<i32>} : memref<640xi32, #tpu.memory_space<vmem>>, vector<16xi32>,
    %get3A_794 = vector.shape_cast %get3A_793 : vector<16xi32> to vector<16xi32>
    %mul3A_795 = arith.constant 8192 : i32
    %mul3A_796 = arith.muli %select_n3A, %mul3A_795 : i32
    %add3A_797 = vector.broadcast %mul3A_796 : i32 to vector<16xi32>
    %add3A_798 = arith.addi %get3A_794, %add3A_797 : vector<16xi32>
    %swap3A_799 = arith.constant 576 : index
    %swap3A_800 = tpu.vector_load %arg9[%swap3A_799] {strides = array<i32>} : memref<640xi32, #tpu.memory_space<vmem>>, vector<16xi32>,
    %swap3A_801 = vector.shape_cast %swap3A_800 : vector<16xi32> to vector<16xi32>
    %swap3A_802 = vector.shape_cast %add3A_798 : vector<16xi32> to vector<16xi32>
    tpu.vector_store %arg9[%swap3A_799], %swap3A_802 {strides = array<i32>} : memref<640xi32, #tpu.memory_space<vmem>>, vector<16xi32>,
    %add3A_803 = arith.constant 1 : i32
    %add3A_804 = arith.addi %select_n3A, %add3A_803 : i32
    %mul3A_805 = arith.constant 8192 : i32
    %mul3A_806 = arith.muli %add3A_804, %mul3A_805 : i32
    %add3A_807 = vector.broadcast %mul3A_806 : i32 to vector<16xi32>
    %add3A_808 = arith.addi %get3A_794, %add3A_807 : vector<16xi32>
    %swap3A_809 = arith.constant 576 : index
    %swap3A_810 = tpu.vector_load %arg10[%swap3A_809] {strides = array<i32>} : memref<640xi32, #tpu.memory_space<vmem>>, vector<16xi32>,
    %swap3A_811 = vector.shape_cast %swap3A_810 : vector<16xi32> to vector<16xi32>
    %swap3A_812 = vector.shape_cast %add3A_808 : vector<16xi32> to vector<16xi32>
    tpu.vector_store %arg10[%swap3A_809], %swap3A_812 {strides = array<i32>} : memref<640xi32, #tpu.memory_space<vmem>>, vector<16xi32>,
    %get3A_813 = arith.constant 592 : index
    %get3A_814 = tpu.vector_load %arg7[%get3A_813] {strides = array<i32>} : memref<640xi32, #tpu.memory_space<vmem>>, vector<16xi32>,
    %get3A_815 = vector.shape_cast %get3A_814 : vector<16xi32> to vector<16xi32>
    %mul3A_816 = arith.constant 8192 : i32
    %mul3A_817 = arith.muli %select_n3A, %mul3A_816 : i32
    %add3A_818 = vector.broadcast %mul3A_817 : i32 to vector<16xi32>
    %add3A_819 = arith.addi %get3A_815, %add3A_818 : vector<16xi32>
    %swap3A_820 = arith.constant 592 : index
    %swap3A_821 = tpu.vector_load %arg9[%swap3A_820] {strides = array<i32>} : memref<640xi32, #tpu.memory_space<vmem>>, vector<16xi32>,
    %swap3A_822 = vector.shape_cast %swap3A_821 : vector<16xi32> to vector<16xi32>
    %swap3A_823 = vector.shape_cast %add3A_819 : vector<16xi32> to vector<16xi32>
    tpu.vector_store %arg9[%swap3A_820], %swap3A_823 {strides = array<i32>} : memref<640xi32, #tpu.memory_space<vmem>>, vector<16xi32>,
    %add3A_824 = arith.constant 1 : i32
    %add3A_825 = arith.addi %select_n3A, %add3A_824 : i32
    %mul3A_826 = arith.constant 8192 : i32
    %mul3A_827 = arith.muli %add3A_825, %mul3A_826 : i32
    %add3A_828 = vector.broadcast %mul3A_827 : i32 to vector<16xi32>
    %add3A_829 = arith.addi %get3A_815, %add3A_828 : vector<16xi32>
    %swap3A_830 = arith.constant 592 : index
    %swap3A_831 = tpu.vector_load %arg10[%swap3A_830] {strides = array<i32>} : memref<640xi32, #tpu.memory_space<vmem>>, vector<16xi32>,
    %swap3A_832 = vector.shape_cast %swap3A_831 : vector<16xi32> to vector<16xi32>
    %swap3A_833 = vector.shape_cast %add3A_829 : vector<16xi32> to vector<16xi32>
    tpu.vector_store %arg10[%swap3A_830], %swap3A_833 {strides = array<i32>} : memref<640xi32, #tpu.memory_space<vmem>>, vector<16xi32>,
    %get3A_834 = arith.constant 608 : index
    %get3A_835 = tpu.vector_load %arg7[%get3A_834] {strides = array<i32>} : memref<640xi32, #tpu.memory_space<vmem>>, vector<16xi32>,
    %get3A_836 = vector.shape_cast %get3A_835 : vector<16xi32> to vector<16xi32>
    %mul3A_837 = arith.constant 8192 : i32
    %mul3A_838 = arith.muli %select_n3A, %mul3A_837 : i32
    %add3A_839 = vector.broadcast %mul3A_838 : i32 to vector<16xi32>
    %add3A_840 = arith.addi %get3A_836, %add3A_839 : vector<16xi32>
    %swap3A_841 = arith.constant 608 : index
    %swap3A_842 = tpu.vector_load %arg9[%swap3A_841] {strides = array<i32>} : memref<640xi32, #tpu.memory_space<vmem>>, vector<16xi32>,
    %swap3A_843 = vector.shape_cast %swap3A_842 : vector<16xi32> to vector<16xi32>
    %swap3A_844 = vector.shape_cast %add3A_840 : vector<16xi32> to vector<16xi32>
    tpu.vector_store %arg9[%swap3A_841], %swap3A_844 {strides = array<i32>} : memref<640xi32, #tpu.memory_space<vmem>>, vector<16xi32>,
    %add3A_845 = arith.constant 1 : i32
    %add3A_846 = arith.addi %select_n3A, %add3A_845 : i32
    %mul3A_847 = arith.constant 8192 : i32
    %mul3A_848 = arith.muli %add3A_846, %mul3A_847 : i32
    %add3A_849 = vector.broadcast %mul3A_848 : i32 to vector<16xi32>
    %add3A_850 = arith.addi %get3A_836, %add3A_849 : vector<16xi32>
    %swap3A_851 = arith.constant 608 : index
    %swap3A_852 = tpu.vector_load %arg10[%swap3A_851] {strides = array<i32>} : memref<640xi32, #tpu.memory_space<vmem>>, vector<16xi32>,
    %swap3A_853 = vector.shape_cast %swap3A_852 : vector<16xi32> to vector<16xi32>
    %swap3A_854 = vector.shape_cast %add3A_850 : vector<16xi32> to vector<16xi32>
    tpu.vector_store %arg10[%swap3A_851], %swap3A_854 {strides = array<i32>} : memref<640xi32, #tpu.memory_space<vmem>>, vector<16xi32>,
    %get3A_855 = arith.constant 624 : index
    %get3A_856 = tpu.vector_load %arg7[%get3A_855] {strides = array<i32>} : memref<640xi32, #tpu.memory_space<vmem>>, vector<16xi32>,
    %get3A_857 = vector.shape_cast %get3A_856 : vector<16xi32> to vector<16xi32>
    %mul3A_858 = arith.constant 8192 : i32
    %mul3A_859 = arith.muli %select_n3A, %mul3A_858 : i32
    %add3A_860 = vector.broadcast %mul3A_859 : i32 to vector<16xi32>
    %add3A_861 = arith.addi %get3A_857, %add3A_860 : vector<16xi32>
    %swap3A_862 = arith.constant 624 : index
    %swap3A_863 = tpu.vector_load %arg9[%swap3A_862] {strides = array<i32>} : memref<640xi32, #tpu.memory_space<vmem>>, vector<16xi32>,
    %swap3A_864 = vector.shape_cast %swap3A_863 : vector<16xi32> to vector<16xi32>
    %swap3A_865 = vector.shape_cast %add3A_861 : vector<16xi32> to vector<16xi32>
    tpu.vector_store %arg9[%swap3A_862], %swap3A_865 {strides = array<i32>} : memref<640xi32, #tpu.memory_space<vmem>>, vector<16xi32>,
    %add3A_866 = arith.constant 1 : i32
    %add3A_867 = arith.addi %select_n3A, %add3A_866 : i32
    %mul3A_868 = arith.constant 8192 : i32
    %mul3A_869 = arith.muli %add3A_867, %mul3A_868 : i32
    %add3A_870 = vector.broadcast %mul3A_869 : i32 to vector<16xi32>
    %add3A_871 = arith.addi %get3A_857, %add3A_870 : vector<16xi32>
    %swap3A_872 = arith.constant 624 : index
    %swap3A_873 = tpu.vector_load %arg10[%swap3A_872] {strides = array<i32>} : memref<640xi32, #tpu.memory_space<vmem>>, vector<16xi32>,
    %swap3A_874 = vector.shape_cast %swap3A_873 : vector<16xi32> to vector<16xi32>
    %swap3A_875 = vector.shape_cast %add3A_871 : vector<16xi32> to vector<16xi32>
    tpu.vector_store %arg10[%swap3A_872], %swap3A_875 {strides = array<i32>} : memref<640xi32, #tpu.memory_space<vmem>>, vector<16xi32>,
    %dma_start3A = arith.constant 0 : i32
    %dma_start3A_876 = arith.constant 0 : i32
    %dma_start3A_877 = arith.constant 0 : i32
    %dma_start3A_878 = tpu.memref_slice %arg8[%dma_start3A, %dma_start3A_876, %dma_start3A_877] : memref<2x64x768xf32, #tpu.memory_space<vmem>> -> memref<1x64x768xf32, #tpu.memory_space<vmem>>
    %dma_start3A_879 = tpu.memref_squeeze %dma_start3A_878 : memref<1x64x768xf32, #tpu.memory_space<vmem>> -> memref<64x768xf32, #tpu.memory_space<vmem>>
    %dma_start3A_880 = arith.constant 0 : i32
    %dma_start3A_881 = tpu.memref_slice %arg7[%dma_start3A_880] : memref<640xi32, #tpu.memory_space<vmem>> -> memref<64xi32, #tpu.memory_space<vmem>>
    %dma_start3A_882 = arith.constant 0 : i32
    %dma_start3A_883 = arith.constant 0 : i32
    %dma_start3A_884 = tpu.memref_slice %arg2[%dma_start3A_882, %dma_start3A_883] : memref<32768x768xf32, #tpu.memory_space<hbm>> -> memref<32768x768xf32, #tpu.memory_space<hbm>>
    tpu.enqueue_indirect_dma source(%dma_start3A_884 : memref<32768x768xf32, #tpu.memory_space<hbm>>) target(%dma_start3A_879 : memref<64x768xf32, #tpu.memory_space<vmem>>) offsets(%dma_start3A_881 : memref<64xi32, #tpu.memory_space<vmem>>) semaphore(%arg13 : memref<!tpu.dma_semaphore, #tpu.memory_space<semaphore_mem>>)
    %dma_start3A_885 = arith.constant 0 : i32
    %dma_start3A_886 = tpu.memref_slice %arg11[%dma_start3A_885] : memref<640xf32, #tpu.memory_space<vmem>> -> memref<64xf32, #tpu.memory_space<vmem>>
    %dma_start3A_887 = arith.constant 0 : i32
    %dma_start3A_888 = tpu.memref_slice %arg9[%dma_start3A_887] : memref<640xi32, #tpu.memory_space<vmem>> -> memref<64xi32, #tpu.memory_space<vmem>>
    %dma_start3A_889 = arith.constant 0 : i32
    %dma_start3A_890 = tpu.memref_slice %arg4[%dma_start3A_889] : memref<65536xf32, #tpu.memory_space<hbm>> -> memref<65536xf32, #tpu.memory_space<hbm>>
    tpu.enqueue_indirect_dma source(%dma_start3A_890 : memref<65536xf32, #tpu.memory_space<hbm>>) target(%dma_start3A_886 : memref<64xf32, #tpu.memory_space<vmem>>) offsets(%dma_start3A_888 : memref<64xi32, #tpu.memory_space<vmem>>) semaphore(%arg13 : memref<!tpu.dma_semaphore, #tpu.memory_space<semaphore_mem>>)
    %dma_start3A_891 = arith.constant 0 : i32
    %dma_start3A_892 = tpu.memref_slice %arg12[%dma_start3A_891] : memref<640xf32, #tpu.memory_space<vmem>> -> memref<64xf32, #tpu.memory_space<vmem>>
    %dma_start3A_893 = arith.constant 0 : i32
    %dma_start3A_894 = tpu.memref_slice %arg10[%dma_start3A_893] : memref<640xi32, #tpu.memory_space<vmem>> -> memref<64xi32, #tpu.memory_space<vmem>>
    %dma_start3A_895 = arith.constant 0 : i32
    %dma_start3A_896 = tpu.memref_slice %arg4[%dma_start3A_895] : memref<65536xf32, #tpu.memory_space<hbm>> -> memref<65536xf32, #tpu.memory_space<hbm>>
    tpu.enqueue_indirect_dma source(%dma_start3A_896 : memref<65536xf32, #tpu.memory_space<hbm>>) target(%dma_start3A_892 : memref<64xf32, #tpu.memory_space<vmem>>) offsets(%dma_start3A_894 : memref<64xi32, #tpu.memory_space<vmem>>) semaphore(%arg13 : memref<!tpu.dma_semaphore, #tpu.memory_space<semaphore_mem>>)
    %dma_start3A_897 = arith.constant 1 : i32
    %dma_start3A_898 = arith.constant 0 : i32
    %dma_start3A_899 = arith.constant 0 : i32
    %dma_start3A_900 = tpu.memref_slice %arg8[%dma_start3A_897, %dma_start3A_898, %dma_start3A_899] : memref<2x64x768xf32, #tpu.memory_space<vmem>> -> memref<1x64x768xf32, #tpu.memory_space<vmem>>
    %dma_start3A_901 = tpu.memref_squeeze %dma_start3A_900 : memref<1x64x768xf32, #tpu.memory_space<vmem>> -> memref<64x768xf32, #tpu.memory_space<vmem>>
    %dma_start3A_902 = arith.constant 64 : i32
    %dma_start3A_903 = tpu.memref_slice %arg7[%dma_start3A_902] : memref<640xi32, #tpu.memory_space<vmem>> -> memref<64xi32, #tpu.memory_space<vmem>>
    %dma_start3A_904 = arith.constant 0 : i32
    %dma_start3A_905 = arith.constant 0 : i32
    %dma_start3A_906 = tpu.memref_slice %arg2[%dma_start3A_904, %dma_start3A_905] : memref<32768x768xf32, #tpu.memory_space<hbm>> -> memref<32768x768xf32, #tpu.memory_space<hbm>>
    tpu.enqueue_indirect_dma source(%dma_start3A_906 : memref<32768x768xf32, #tpu.memory_space<hbm>>) target(%dma_start3A_901 : memref<64x768xf32, #tpu.memory_space<vmem>>) offsets(%dma_start3A_903 : memref<64xi32, #tpu.memory_space<vmem>>) semaphore(%arg14 : memref<!tpu.dma_semaphore, #tpu.memory_space<semaphore_mem>>)
    %dma_start3A_907 = arith.constant 64 : i32
    %dma_start3A_908 = tpu.memref_slice %arg11[%dma_start3A_907] : memref<640xf32, #tpu.memory_space<vmem>> -> memref<64xf32, #tpu.memory_space<vmem>>
    %dma_start3A_909 = arith.constant 64 : i32
    %dma_start3A_910 = tpu.memref_slice %arg9[%dma_start3A_909] : memref<640xi32, #tpu.memory_space<vmem>> -> memref<64xi32, #tpu.memory_space<vmem>>
    %dma_start3A_911 = arith.constant 0 : i32
    %dma_start3A_912 = tpu.memref_slice %arg4[%dma_start3A_911] : memref<65536xf32, #tpu.memory_space<hbm>> -> memref<65536xf32, #tpu.memory_space<hbm>>
    tpu.enqueue_indirect_dma source(%dma_start3A_912 : memref<65536xf32, #tpu.memory_space<hbm>>) target(%dma_start3A_908 : memref<64xf32, #tpu.memory_space<vmem>>) offsets(%dma_start3A_910 : memref<64xi32, #tpu.memory_space<vmem>>) semaphore(%arg14 : memref<!tpu.dma_semaphore, #tpu.memory_space<semaphore_mem>>)
    %dma_start3A_913 = arith.constant 64 : i32
    %dma_start3A_914 = tpu.memref_slice %arg12[%dma_start3A_913] : memref<640xf32, #tpu.memory_space<vmem>> -> memref<64xf32, #tpu.memory_space<vmem>>
    %dma_start3A_915 = arith.constant 64 : i32
    %dma_start3A_916 = tpu.memref_slice %arg10[%dma_start3A_915] : memref<640xi32, #tpu.memory_space<vmem>> -> memref<64xi32, #tpu.memory_space<vmem>>
    %dma_start3A_917 = arith.constant 0 : i32
    %dma_start3A_918 = tpu.memref_slice %arg4[%dma_start3A_917] : memref<65536xf32, #tpu.memory_space<hbm>> -> memref<65536xf32, #tpu.memory_space<hbm>>
    tpu.enqueue_indirect_dma source(%dma_start3A_918 : memref<65536xf32, #tpu.memory_space<hbm>>) target(%dma_start3A_914 : memref<64xf32, #tpu.memory_space<vmem>>) offsets(%dma_start3A_916 : memref<64xi32, #tpu.memory_space<vmem>>) semaphore(%arg14 : memref<!tpu.dma_semaphore, #tpu.memory_space<semaphore_mem>>)
    %dma_wait3A = arith.constant 0 : i32
    %dma_wait3A_919 = arith.constant 0 : i32
    %dma_wait3A_920 = arith.constant 0 : i32
    %dma_wait3A_921 = tpu.memref_slice %arg8[%dma_wait3A, %dma_wait3A_919, %dma_wait3A_920] : memref<2x64x768xf32, #tpu.memory_space<vmem>> -> memref<1x64x768xf32, #tpu.memory_space<vmem>>
    %dma_wait3A_922 = tpu.memref_squeeze %dma_wait3A_921 : memref<1x64x768xf32, #tpu.memory_space<vmem>> -> memref<64x768xf32, #tpu.memory_space<vmem>>
    %dma_wait3A_923 = arith.constant 0 : i32
    %dma_wait3A_924 = tpu.memref_slice %arg7[%dma_wait3A_923] : memref<640xi32, #tpu.memory_space<vmem>> -> memref<64xi32, #tpu.memory_space<vmem>>
    %dma_wait3A_925 = arith.constant 0 : i32
    %dma_wait3A_926 = arith.constant 0 : i32
    %dma_wait3A_927 = tpu.memref_slice %arg2[%dma_wait3A_925, %dma_wait3A_926] : memref<32768x768xf32, #tpu.memory_space<hbm>> -> memref<32768x768xf32, #tpu.memory_space<hbm>>
    tpu.wait_indirect_dma semaphore(%arg13 : memref<!tpu.dma_semaphore, #tpu.memory_space<semaphore_mem>>) src(%dma_wait3A_927 : memref<32768x768xf32, #tpu.memory_space<hbm>>) dst(%dma_wait3A_922 : memref<64x768xf32, #tpu.memory_space<vmem>>)
    %dma_wait3A_928 = arith.constant 0 : i32
    %dma_wait3A_929 = tpu.memref_slice %arg11[%dma_wait3A_928] : memref<640xf32, #tpu.memory_space<vmem>> -> memref<64xf32, #tpu.memory_space<vmem>>
    %dma_wait3A_930 = arith.constant 0 : i32
    %dma_wait3A_931 = tpu.memref_slice %arg9[%dma_wait3A_930] : memref<640xi32, #tpu.memory_space<vmem>> -> memref<64xi32, #tpu.memory_space<vmem>>
    %dma_wait3A_932 = arith.constant 0 : i32
    %dma_wait3A_933 = tpu.memref_slice %arg4[%dma_wait3A_932] : memref<65536xf32, #tpu.memory_space<hbm>> -> memref<65536xf32, #tpu.memory_space<hbm>>
    tpu.wait_indirect_dma semaphore(%arg13 : memref<!tpu.dma_semaphore, #tpu.memory_space<semaphore_mem>>) src(%dma_wait3A_933 : memref<65536xf32, #tpu.memory_space<hbm>>) dst(%dma_wait3A_929 : memref<64xf32, #tpu.memory_space<vmem>>)
    %dma_wait3A_934 = arith.constant 0 : i32
    %dma_wait3A_935 = tpu.memref_slice %arg12[%dma_wait3A_934] : memref<640xf32, #tpu.memory_space<vmem>> -> memref<64xf32, #tpu.memory_space<vmem>>
    %dma_wait3A_936 = arith.constant 0 : i32
    %dma_wait3A_937 = tpu.memref_slice %arg10[%dma_wait3A_936] : memref<640xi32, #tpu.memory_space<vmem>> -> memref<64xi32, #tpu.memory_space<vmem>>
    %dma_wait3A_938 = arith.constant 0 : i32
    %dma_wait3A_939 = tpu.memref_slice %arg4[%dma_wait3A_938] : memref<65536xf32, #tpu.memory_space<hbm>> -> memref<65536xf32, #tpu.memory_space<hbm>>
    tpu.wait_indirect_dma semaphore(%arg13 : memref<!tpu.dma_semaphore, #tpu.memory_space<semaphore_mem>>) src(%dma_wait3A_939 : memref<65536xf32, #tpu.memory_space<hbm>>) dst(%dma_wait3A_935 : memref<64xf32, #tpu.memory_space<vmem>>)
    %add3A_940 = arith.constant 0 : i32
    %add3A_941 = arith.addi %mul3A_18, %add3A_940 : i32
    %run_scoped3A = arith.constant 0 : i32
    "tpu.region"() ({
      %run_scoped3A_1355 = tpu.sem_alloc : memref<!tpu.dma_semaphore, #tpu.memory_space<semaphore_mem>>
      %dma_start3A_1356 = arith.constant 0 : i32
      %dma_start3A_1357 = arith.constant 0 : i32
      %dma_start3A_1358 = tpu.memref_slice %arg8[%run_scoped3A, %dma_start3A_1356, %dma_start3A_1357] : memref<2x64x768xf32, #tpu.memory_space<vmem>> -> memref<1x64x768xf32, #tpu.memory_space<vmem>>
      %dma_start3A_1359 = tpu.memref_squeeze %dma_start3A_1358 : memref<1x64x768xf32, #tpu.memory_space<vmem>> -> memref<64x768xf32, #tpu.memory_space<vmem>>
      %dma_start3A_1360 = arith.constant 0 : i32
      %dma_start3A_1361 = tpu.memref_slice %arg5[%add3A_941, %dma_start3A_1360] : memref<20480x768xf32, #tpu.memory_space<hbm>> -> memref<64x768xf32, #tpu.memory_space<hbm>>
      %dma_start3A_1362 = arith.constant 0 : i32
      %dma_start3A_1363 = tpu.memref_slice %arg5[%add3A_941, %dma_start3A_1362] : memref<20480x768xf32, #tpu.memory_space<hbm>> -> memref<64x768xf32, #tpu.memory_space<hbm>>
      %dma_start3A_1364 = arith.constant 0 : i32
      %dma_start3A_1365 = arith.constant 0 : i32
      %dma_start3A_1366 = tpu.memref_slice %arg8[%run_scoped3A, %dma_start3A_1364, %dma_start3A_1365] : memref<2x64x768xf32, #tpu.memory_space<vmem>> -> memref<1x64x768xf32, #tpu.memory_space<vmem>>
      %dma_start3A_1367 = tpu.memref_squeeze %dma_start3A_1366 : memref<1x64x768xf32, #tpu.memory_space<vmem>> -> memref<64x768xf32, #tpu.memory_space<vmem>>
      tpu.enqueue_dma source(%dma_start3A_1367 : memref<64x768xf32, #tpu.memory_space<vmem>>) target(%dma_start3A_1363 : memref<64x768xf32, #tpu.memory_space<hbm>>) target_semaphore(%run_scoped3A_1355 : memref<!tpu.dma_semaphore, #tpu.memory_space<semaphore_mem>>)
      %dma_wait3A_1368 = arith.constant 0 : i32
      %dma_wait3A_1369 = arith.constant 0 : i32
      %dma_wait3A_1370 = tpu.memref_slice %arg8[%run_scoped3A, %dma_wait3A_1368, %dma_wait3A_1369] : memref<2x64x768xf32, #tpu.memory_space<vmem>> -> memref<1x64x768xf32, #tpu.memory_space<vmem>>
      %dma_wait3A_1371 = tpu.memref_squeeze %dma_wait3A_1370 : memref<1x64x768xf32, #tpu.memory_space<vmem>> -> memref<64x768xf32, #tpu.memory_space<vmem>>
      %dma_wait3A_1372 = arith.constant 0 : i32
      %dma_wait3A_1373 = tpu.memref_slice %arg5[%add3A_941, %dma_wait3A_1372] : memref<20480x768xf32, #tpu.memory_space<hbm>> -> memref<64x768xf32, #tpu.memory_space<hbm>>
      %dma_wait3A_1374 = arith.constant 0 : i32
      %dma_wait3A_1375 = tpu.memref_slice %arg5[%add3A_941, %dma_wait3A_1374] : memref<20480x768xf32, #tpu.memory_space<hbm>> -> memref<64x768xf32, #tpu.memory_space<hbm>>
      %dma_wait3A_1376 = arith.constant 0 : i32
      %dma_wait3A_1377 = arith.constant 0 : i32
      %dma_wait3A_1378 = tpu.memref_slice %arg8[%run_scoped3A, %dma_wait3A_1376, %dma_wait3A_1377] : memref<2x64x768xf32, #tpu.memory_space<vmem>> -> memref<1x64x768xf32, #tpu.memory_space<vmem>>
      %dma_wait3A_1379 = tpu.memref_squeeze %dma_wait3A_1378 : memref<1x64x768xf32, #tpu.memory_space<vmem>> -> memref<64x768xf32, #tpu.memory_space<vmem>>
      tpu.wait_dma2 semaphore(%run_scoped3A_1355 : memref<!tpu.dma_semaphore, #tpu.memory_space<semaphore_mem>>) src(%dma_wait3A_1379 : memref<64x768xf32, #tpu.memory_space<vmem>>) dst(%dma_wait3A_1375 : memref<64x768xf32, #tpu.memory_space<hbm>>)
      tpu.yield
    }) : () -> ()
    %dma_start3A_942 = arith.constant 0 : i32
    %dma_start3A_943 = arith.constant 0 : i32
    %dma_start3A_944 = arith.constant 0 : i32
    %dma_start3A_945 = tpu.memref_slice %arg8[%dma_start3A_942, %dma_start3A_943, %dma_start3A_944] : memref<2x64x768xf32, #tpu.memory_space<vmem>> -> memref<1x64x768xf32, #tpu.memory_space<vmem>>
    %dma_start3A_946 = tpu.memref_squeeze %dma_start3A_945 : memref<1x64x768xf32, #tpu.memory_space<vmem>> -> memref<64x768xf32, #tpu.memory_space<vmem>>
    %dma_start3A_947 = arith.constant 128 : i32
    %dma_start3A_948 = tpu.memref_slice %arg7[%dma_start3A_947] : memref<640xi32, #tpu.memory_space<vmem>> -> memref<64xi32, #tpu.memory_space<vmem>>
    %dma_start3A_949 = arith.constant 0 : i32
    %dma_start3A_950 = arith.constant 0 : i32
    %dma_start3A_951 = tpu.memref_slice %arg2[%dma_start3A_949, %dma_start3A_950] : memref<32768x768xf32, #tpu.memory_space<hbm>> -> memref<32768x768xf32, #tpu.memory_space<hbm>>
    tpu.enqueue_indirect_dma source(%dma_start3A_951 : memref<32768x768xf32, #tpu.memory_space<hbm>>) target(%dma_start3A_946 : memref<64x768xf32, #tpu.memory_space<vmem>>) offsets(%dma_start3A_948 : memref<64xi32, #tpu.memory_space<vmem>>) semaphore(%arg13 : memref<!tpu.dma_semaphore, #tpu.memory_space<semaphore_mem>>)
    %dma_start3A_952 = arith.constant 128 : i32
    %dma_start3A_953 = tpu.memref_slice %arg11[%dma_start3A_952] : memref<640xf32, #tpu.memory_space<vmem>> -> memref<64xf32, #tpu.memory_space<vmem>>
    %dma_start3A_954 = arith.constant 128 : i32
    %dma_start3A_955 = tpu.memref_slice %arg9[%dma_start3A_954] : memref<640xi32, #tpu.memory_space<vmem>> -> memref<64xi32, #tpu.memory_space<vmem>>
    %dma_start3A_956 = arith.constant 0 : i32
    %dma_start3A_957 = tpu.memref_slice %arg4[%dma_start3A_956] : memref<65536xf32, #tpu.memory_space<hbm>> -> memref<65536xf32, #tpu.memory_space<hbm>>
    tpu.enqueue_indirect_dma source(%dma_start3A_957 : memref<65536xf32, #tpu.memory_space<hbm>>) target(%dma_start3A_953 : memref<64xf32, #tpu.memory_space<vmem>>) offsets(%dma_start3A_955 : memref<64xi32, #tpu.memory_space<vmem>>) semaphore(%arg13 : memref<!tpu.dma_semaphore, #tpu.memory_space<semaphore_mem>>)
    %dma_start3A_958 = arith.constant 128 : i32
    %dma_start3A_959 = tpu.memref_slice %arg12[%dma_start3A_958] : memref<640xf32, #tpu.memory_space<vmem>> -> memref<64xf32, #tpu.memory_space<vmem>>
    %dma_start3A_960 = arith.constant 128 : i32
    %dma_start3A_961 = tpu.memref_slice %arg10[%dma_start3A_960] : memref<640xi32, #tpu.memory_space<vmem>> -> memref<64xi32, #tpu.memory_space<vmem>>
    %dma_start3A_962 = arith.constant 0 : i32
    %dma_start3A_963 = tpu.memref_slice %arg4[%dma_start3A_962] : memref<65536xf32, #tpu.memory_space<hbm>> -> memref<65536xf32, #tpu.memory_space<hbm>>
    tpu.enqueue_indirect_dma source(%dma_start3A_963 : memref<65536xf32, #tpu.memory_space<hbm>>) target(%dma_start3A_959 : memref<64xf32, #tpu.memory_space<vmem>>) offsets(%dma_start3A_961 : memref<64xi32, #tpu.memory_space<vmem>>) semaphore(%arg13 : memref<!tpu.dma_semaphore, #tpu.memory_space<semaphore_mem>>)
    %dma_wait3A_964 = arith.constant 1 : i32
    %dma_wait3A_965 = arith.constant 0 : i32
    %dma_wait3A_966 = arith.constant 0 : i32
    %dma_wait3A_967 = tpu.memref_slice %arg8[%dma_wait3A_964, %dma_wait3A_965, %dma_wait3A_966] : memref<2x64x768xf32, #tpu.memory_space<vmem>> -> memref<1x64x768xf32, #tpu.memory_space<vmem>>
    %dma_wait3A_968 = tpu.memref_squeeze %dma_wait3A_967 : memref<1x64x768xf32, #tpu.memory_space<vmem>> -> memref<64x768xf32, #tpu.memory_space<vmem>>
    %dma_wait3A_969 = arith.constant 64 : i32
    %dma_wait3A_970 = tpu.memref_slice %arg7[%dma_wait3A_969] : memref<640xi32, #tpu.memory_space<vmem>> -> memref<64xi32, #tpu.memory_space<vmem>>
    %dma_wait3A_971 = arith.constant 0 : i32
    %dma_wait3A_972 = arith.constant 0 : i32
    %dma_wait3A_973 = tpu.memref_slice %arg2[%dma_wait3A_971, %dma_wait3A_972] : memref<32768x768xf32, #tpu.memory_space<hbm>> -> memref<32768x768xf32, #tpu.memory_space<hbm>>
    tpu.wait_indirect_dma semaphore(%arg14 : memref<!tpu.dma_semaphore, #tpu.memory_space<semaphore_mem>>) src(%dma_wait3A_973 : memref<32768x768xf32, #tpu.memory_space<hbm>>) dst(%dma_wait3A_968 : memref<64x768xf32, #tpu.memory_space<vmem>>)
    %dma_wait3A_974 = arith.constant 64 : i32
    %dma_wait3A_975 = tpu.memref_slice %arg11[%dma_wait3A_974] : memref<640xf32, #tpu.memory_space<vmem>> -> memref<64xf32, #tpu.memory_space<vmem>>
    %dma_wait3A_976 = arith.constant 64 : i32
    %dma_wait3A_977 = tpu.memref_slice %arg9[%dma_wait3A_976] : memref<640xi32, #tpu.memory_space<vmem>> -> memref<64xi32, #tpu.memory_space<vmem>>
    %dma_wait3A_978 = arith.constant 0 : i32
    %dma_wait3A_979 = tpu.memref_slice %arg4[%dma_wait3A_978] : memref<65536xf32, #tpu.memory_space<hbm>> -> memref<65536xf32, #tpu.memory_space<hbm>>
    tpu.wait_indirect_dma semaphore(%arg14 : memref<!tpu.dma_semaphore, #tpu.memory_space<semaphore_mem>>) src(%dma_wait3A_979 : memref<65536xf32, #tpu.memory_space<hbm>>) dst(%dma_wait3A_975 : memref<64xf32, #tpu.memory_space<vmem>>)
    %dma_wait3A_980 = arith.constant 64 : i32
    %dma_wait3A_981 = tpu.memref_slice %arg12[%dma_wait3A_980] : memref<640xf32, #tpu.memory_space<vmem>> -> memref<64xf32, #tpu.memory_space<vmem>>
    %dma_wait3A_982 = arith.constant 64 : i32
    %dma_wait3A_983 = tpu.memref_slice %arg10[%dma_wait3A_982] : memref<640xi32, #tpu.memory_space<vmem>> -> memref<64xi32, #tpu.memory_space<vmem>>
    %dma_wait3A_984 = arith.constant 0 : i32
    %dma_wait3A_985 = tpu.memref_slice %arg4[%dma_wait3A_984] : memref<65536xf32, #tpu.memory_space<hbm>> -> memref<65536xf32, #tpu.memory_space<hbm>>
    tpu.wait_indirect_dma semaphore(%arg14 : memref<!tpu.dma_semaphore, #tpu.memory_space<semaphore_mem>>) src(%dma_wait3A_985 : memref<65536xf32, #tpu.memory_space<hbm>>) dst(%dma_wait3A_981 : memref<64xf32, #tpu.memory_space<vmem>>)
    %add3A_986 = arith.constant 64 : i32
    %add3A_987 = arith.addi %mul3A_18, %add3A_986 : i32
    %run_scoped3A_988 = arith.constant 1 : i32
    "tpu.region"() ({
      %run_scoped3A_1355 = tpu.sem_alloc : memref<!tpu.dma_semaphore, #tpu.memory_space<semaphore_mem>>
      %dma_start3A_1356 = arith.constant 0 : i32
      %dma_start3A_1357 = arith.constant 0 : i32
      %dma_start3A_1358 = tpu.memref_slice %arg8[%run_scoped3A_988, %dma_start3A_1356, %dma_start3A_1357] : memref<2x64x768xf32, #tpu.memory_space<vmem>> -> memref<1x64x768xf32, #tpu.memory_space<vmem>>
      %dma_start3A_1359 = tpu.memref_squeeze %dma_start3A_1358 : memref<1x64x768xf32, #tpu.memory_space<vmem>> -> memref<64x768xf32, #tpu.memory_space<vmem>>
      %dma_start3A_1360 = arith.constant 0 : i32
      %dma_start3A_1361 = tpu.memref_slice %arg5[%add3A_987, %dma_start3A_1360] : memref<20480x768xf32, #tpu.memory_space<hbm>> -> memref<64x768xf32, #tpu.memory_space<hbm>>
      %dma_start3A_1362 = arith.constant 0 : i32
      %dma_start3A_1363 = tpu.memref_slice %arg5[%add3A_987, %dma_start3A_1362] : memref<20480x768xf32, #tpu.memory_space<hbm>> -> memref<64x768xf32, #tpu.memory_space<hbm>>
      %dma_start3A_1364 = arith.constant 0 : i32
      %dma_start3A_1365 = arith.constant 0 : i32
      %dma_start3A_1366 = tpu.memref_slice %arg8[%run_scoped3A_988, %dma_start3A_1364, %dma_start3A_1365] : memref<2x64x768xf32, #tpu.memory_space<vmem>> -> memref<1x64x768xf32, #tpu.memory_space<vmem>>
      %dma_start3A_1367 = tpu.memref_squeeze %dma_start3A_1366 : memref<1x64x768xf32, #tpu.memory_space<vmem>> -> memref<64x768xf32, #tpu.memory_space<vmem>>
      tpu.enqueue_dma source(%dma_start3A_1367 : memref<64x768xf32, #tpu.memory_space<vmem>>) target(%dma_start3A_1363 : memref<64x768xf32, #tpu.memory_space<hbm>>) target_semaphore(%run_scoped3A_1355 : memref<!tpu.dma_semaphore, #tpu.memory_space<semaphore_mem>>)
      %dma_wait3A_1368 = arith.constant 0 : i32
      %dma_wait3A_1369 = arith.constant 0 : i32
      %dma_wait3A_1370 = tpu.memref_slice %arg8[%run_scoped3A_988, %dma_wait3A_1368, %dma_wait3A_1369] : memref<2x64x768xf32, #tpu.memory_space<vmem>> -> memref<1x64x768xf32, #tpu.memory_space<vmem>>
      %dma_wait3A_1371 = tpu.memref_squeeze %dma_wait3A_1370 : memref<1x64x768xf32, #tpu.memory_space<vmem>> -> memref<64x768xf32, #tpu.memory_space<vmem>>
      %dma_wait3A_1372 = arith.constant 0 : i32
      %dma_wait3A_1373 = tpu.memref_slice %arg5[%add3A_987, %dma_wait3A_1372] : memref<20480x768xf32, #tpu.memory_space<hbm>> -> memref<64x768xf32, #tpu.memory_space<hbm>>
      %dma_wait3A_1374 = arith.constant 0 : i32
      %dma_wait3A_1375 = tpu.memref_slice %arg5[%add3A_987, %dma_wait3A_1374] : memref<20480x768xf32, #tpu.memory_space<hbm>> -> memref<64x768xf32, #tpu.memory_space<hbm>>
      %dma_wait3A_1376 = arith.constant 0 : i32
      %dma_wait3A_1377 = arith.constant 0 : i32
      %dma_wait3A_1378 = tpu.memref_slice %arg8[%run_scoped3A_988, %dma_wait3A_1376, %dma_wait3A_1377] : memref<2x64x768xf32, #tpu.memory_space<vmem>> -> memref<1x64x768xf32, #tpu.memory_space<vmem>>
      %dma_wait3A_1379 = tpu.memref_squeeze %dma_wait3A_1378 : memref<1x64x768xf32, #tpu.memory_space<vmem>> -> memref<64x768xf32, #tpu.memory_space<vmem>>
      tpu.wait_dma2 semaphore(%run_scoped3A_1355 : memref<!tpu.dma_semaphore, #tpu.memory_space<semaphore_mem>>) src(%dma_wait3A_1379 : memref<64x768xf32, #tpu.memory_space<vmem>>) dst(%dma_wait3A_1375 : memref<64x768xf32, #tpu.memory_space<hbm>>)
      tpu.yield
    }) : () -> ()
    %dma_start3A_989 = arith.constant 1 : i32
    %dma_start3A_990 = arith.constant 0 : i32
    %dma_start3A_991 = arith.constant 0 : i32
    %dma_start3A_992 = tpu.memref_slice %arg8[%dma_start3A_989, %dma_start3A_990, %dma_start3A_991] : memref<2x64x768xf32, #tpu.memory_space<vmem>> -> memref<1x64x768xf32, #tpu.memory_space<vmem>>
    %dma_start3A_993 = tpu.memref_squeeze %dma_start3A_992 : memref<1x64x768xf32, #tpu.memory_space<vmem>> -> memref<64x768xf32, #tpu.memory_space<vmem>>
    %dma_start3A_994 = arith.constant 192 : i32
    %dma_start3A_995 = tpu.memref_slice %arg7[%dma_start3A_994] : memref<640xi32, #tpu.memory_space<vmem>> -> memref<64xi32, #tpu.memory_space<vmem>>
    %dma_start3A_996 = arith.constant 0 : i32
    %dma_start3A_997 = arith.constant 0 : i32
    %dma_start3A_998 = tpu.memref_slice %arg2[%dma_start3A_996, %dma_start3A_997] : memref<32768x768xf32, #tpu.memory_space<hbm>> -> memref<32768x768xf32, #tpu.memory_space<hbm>>
    tpu.enqueue_indirect_dma source(%dma_start3A_998 : memref<32768x768xf32, #tpu.memory_space<hbm>>) target(%dma_start3A_993 : memref<64x768xf32, #tpu.memory_space<vmem>>) offsets(%dma_start3A_995 : memref<64xi32, #tpu.memory_space<vmem>>) semaphore(%arg14 : memref<!tpu.dma_semaphore, #tpu.memory_space<semaphore_mem>>)
    %dma_start3A_999 = arith.constant 192 : i32
    %dma_start3A_1000 = tpu.memref_slice %arg11[%dma_start3A_999] : memref<640xf32, #tpu.memory_space<vmem>> -> memref<64xf32, #tpu.memory_space<vmem>>
    %dma_start3A_1001 = arith.constant 192 : i32
    %dma_start3A_1002 = tpu.memref_slice %arg9[%dma_start3A_1001] : memref<640xi32, #tpu.memory_space<vmem>> -> memref<64xi32, #tpu.memory_space<vmem>>
    %dma_start3A_1003 = arith.constant 0 : i32
    %dma_start3A_1004 = tpu.memref_slice %arg4[%dma_start3A_1003] : memref<65536xf32, #tpu.memory_space<hbm>> -> memref<65536xf32, #tpu.memory_space<hbm>>
    tpu.enqueue_indirect_dma source(%dma_start3A_1004 : memref<65536xf32, #tpu.memory_space<hbm>>) target(%dma_start3A_1000 : memref<64xf32, #tpu.memory_space<vmem>>) offsets(%dma_start3A_1002 : memref<64xi32, #tpu.memory_space<vmem>>) semaphore(%arg14 : memref<!tpu.dma_semaphore, #tpu.memory_space<semaphore_mem>>)
    %dma_start3A_1005 = arith.constant 192 : i32
    %dma_start3A_1006 = tpu.memref_slice %arg12[%dma_start3A_1005] : memref<640xf32, #tpu.memory_space<vmem>> -> memref<64xf32, #tpu.memory_space<vmem>>
    %dma_start3A_1007 = arith.constant 192 : i32
    %dma_start3A_1008 = tpu.memref_slice %arg10[%dma_start3A_1007] : memref<640xi32, #tpu.memory_space<vmem>> -> memref<64xi32, #tpu.memory_space<vmem>>
    %dma_start3A_1009 = arith.constant 0 : i32
    %dma_start3A_1010 = tpu.memref_slice %arg4[%dma_start3A_1009] : memref<65536xf32, #tpu.memory_space<hbm>> -> memref<65536xf32, #tpu.memory_space<hbm>>
    tpu.enqueue_indirect_dma source(%dma_start3A_1010 : memref<65536xf32, #tpu.memory_space<hbm>>) target(%dma_start3A_1006 : memref<64xf32, #tpu.memory_space<vmem>>) offsets(%dma_start3A_1008 : memref<64xi32, #tpu.memory_space<vmem>>) semaphore(%arg14 : memref<!tpu.dma_semaphore, #tpu.memory_space<semaphore_mem>>)
    %dma_wait3A_1011 = arith.constant 0 : i32
    %dma_wait3A_1012 = arith.constant 0 : i32
    %dma_wait3A_1013 = arith.constant 0 : i32
    %dma_wait3A_1014 = tpu.memref_slice %arg8[%dma_wait3A_1011, %dma_wait3A_1012, %dma_wait3A_1013] : memref<2x64x768xf32, #tpu.memory_space<vmem>> -> memref<1x64x768xf32, #tpu.memory_space<vmem>>
    %dma_wait3A_1015 = tpu.memref_squeeze %dma_wait3A_1014 : memref<1x64x768xf32, #tpu.memory_space<vmem>> -> memref<64x768xf32, #tpu.memory_space<vmem>>
    %dma_wait3A_1016 = arith.constant 128 : i32
    %dma_wait3A_1017 = tpu.memref_slice %arg7[%dma_wait3A_1016] : memref<640xi32, #tpu.memory_space<vmem>> -> memref<64xi32, #tpu.memory_space<vmem>>
    %dma_wait3A_1018 = arith.constant 0 : i32
    %dma_wait3A_1019 = arith.constant 0 : i32
    %dma_wait3A_1020 = tpu.memref_slice %arg2[%dma_wait3A_1018, %dma_wait3A_1019] : memref<32768x768xf32, #tpu.memory_space<hbm>> -> memref<32768x768xf32, #tpu.memory_space<hbm>>
    tpu.wait_indirect_dma semaphore(%arg13 : memref<!tpu.dma_semaphore, #tpu.memory_space<semaphore_mem>>) src(%dma_wait3A_1020 : memref<32768x768xf32, #tpu.memory_space<hbm>>) dst(%dma_wait3A_1015 : memref<64x768xf32, #tpu.memory_space<vmem>>)
    %dma_wait3A_1021 = arith.constant 128 : i32
    %dma_wait3A_1022 = tpu.memref_slice %arg11[%dma_wait3A_1021] : memref<640xf32, #tpu.memory_space<vmem>> -> memref<64xf32, #tpu.memory_space<vmem>>
    %dma_wait3A_1023 = arith.constant 128 : i32
    %dma_wait3A_1024 = tpu.memref_slice %arg9[%dma_wait3A_1023] : memref<640xi32, #tpu.memory_space<vmem>> -> memref<64xi32, #tpu.memory_space<vmem>>
    %dma_wait3A_1025 = arith.constant 0 : i32
    %dma_wait3A_1026 = tpu.memref_slice %arg4[%dma_wait3A_1025] : memref<65536xf32, #tpu.memory_space<hbm>> -> memref<65536xf32, #tpu.memory_space<hbm>>
    tpu.wait_indirect_dma semaphore(%arg13 : memref<!tpu.dma_semaphore, #tpu.memory_space<semaphore_mem>>) src(%dma_wait3A_1026 : memref<65536xf32, #tpu.memory_space<hbm>>) dst(%dma_wait3A_1022 : memref<64xf32, #tpu.memory_space<vmem>>)
    %dma_wait3A_1027 = arith.constant 128 : i32
    %dma_wait3A_1028 = tpu.memref_slice %arg12[%dma_wait3A_1027] : memref<640xf32, #tpu.memory_space<vmem>> -> memref<64xf32, #tpu.memory_space<vmem>>
    %dma_wait3A_1029 = arith.constant 128 : i32
    %dma_wait3A_1030 = tpu.memref_slice %arg10[%dma_wait3A_1029] : memref<640xi32, #tpu.memory_space<vmem>> -> memref<64xi32, #tpu.memory_space<vmem>>
    %dma_wait3A_1031 = arith.constant 0 : i32
    %dma_wait3A_1032 = tpu.memref_slice %arg4[%dma_wait3A_1031] : memref<65536xf32, #tpu.memory_space<hbm>> -> memref<65536xf32, #tpu.memory_space<hbm>>
    tpu.wait_indirect_dma semaphore(%arg13 : memref<!tpu.dma_semaphore, #tpu.memory_space<semaphore_mem>>) src(%dma_wait3A_1032 : memref<65536xf32, #tpu.memory_space<hbm>>) dst(%dma_wait3A_1028 : memref<64xf32, #tpu.memory_space<vmem>>)
    %add3A_1033 = arith.constant 128 : i32
    %add3A_1034 = arith.addi %mul3A_18, %add3A_1033 : i32
    %run_scoped3A_1035 = arith.constant 0 : i32
    "tpu.region"() ({
      %run_scoped3A_1355 = tpu.sem_alloc : memref<!tpu.dma_semaphore, #tpu.memory_space<semaphore_mem>>
      %dma_start3A_1356 = arith.constant 0 : i32
      %dma_start3A_1357 = arith.constant 0 : i32
      %dma_start3A_1358 = tpu.memref_slice %arg8[%run_scoped3A_1035, %dma_start3A_1356, %dma_start3A_1357] : memref<2x64x768xf32, #tpu.memory_space<vmem>> -> memref<1x64x768xf32, #tpu.memory_space<vmem>>
      %dma_start3A_1359 = tpu.memref_squeeze %dma_start3A_1358 : memref<1x64x768xf32, #tpu.memory_space<vmem>> -> memref<64x768xf32, #tpu.memory_space<vmem>>
      %dma_start3A_1360 = arith.constant 0 : i32
      %dma_start3A_1361 = tpu.memref_slice %arg5[%add3A_1034, %dma_start3A_1360] : memref<20480x768xf32, #tpu.memory_space<hbm>> -> memref<64x768xf32, #tpu.memory_space<hbm>>
      %dma_start3A_1362 = arith.constant 0 : i32
      %dma_start3A_1363 = tpu.memref_slice %arg5[%add3A_1034, %dma_start3A_1362] : memref<20480x768xf32, #tpu.memory_space<hbm>> -> memref<64x768xf32, #tpu.memory_space<hbm>>
      %dma_start3A_1364 = arith.constant 0 : i32
      %dma_start3A_1365 = arith.constant 0 : i32
      %dma_start3A_1366 = tpu.memref_slice %arg8[%run_scoped3A_1035, %dma_start3A_1364, %dma_start3A_1365] : memref<2x64x768xf32, #tpu.memory_space<vmem>> -> memref<1x64x768xf32, #tpu.memory_space<vmem>>
      %dma_start3A_1367 = tpu.memref_squeeze %dma_start3A_1366 : memref<1x64x768xf32, #tpu.memory_space<vmem>> -> memref<64x768xf32, #tpu.memory_space<vmem>>
      tpu.enqueue_dma source(%dma_start3A_1367 : memref<64x768xf32, #tpu.memory_space<vmem>>) target(%dma_start3A_1363 : memref<64x768xf32, #tpu.memory_space<hbm>>) target_semaphore(%run_scoped3A_1355 : memref<!tpu.dma_semaphore, #tpu.memory_space<semaphore_mem>>)
      %dma_wait3A_1368 = arith.constant 0 : i32
      %dma_wait3A_1369 = arith.constant 0 : i32
      %dma_wait3A_1370 = tpu.memref_slice %arg8[%run_scoped3A_1035, %dma_wait3A_1368, %dma_wait3A_1369] : memref<2x64x768xf32, #tpu.memory_space<vmem>> -> memref<1x64x768xf32, #tpu.memory_space<vmem>>
      %dma_wait3A_1371 = tpu.memref_squeeze %dma_wait3A_1370 : memref<1x64x768xf32, #tpu.memory_space<vmem>> -> memref<64x768xf32, #tpu.memory_space<vmem>>
      %dma_wait3A_1372 = arith.constant 0 : i32
      %dma_wait3A_1373 = tpu.memref_slice %arg5[%add3A_1034, %dma_wait3A_1372] : memref<20480x768xf32, #tpu.memory_space<hbm>> -> memref<64x768xf32, #tpu.memory_space<hbm>>
      %dma_wait3A_1374 = arith.constant 0 : i32
      %dma_wait3A_1375 = tpu.memref_slice %arg5[%add3A_1034, %dma_wait3A_1374] : memref<20480x768xf32, #tpu.memory_space<hbm>> -> memref<64x768xf32, #tpu.memory_space<hbm>>
      %dma_wait3A_1376 = arith.constant 0 : i32
      %dma_wait3A_1377 = arith.constant 0 : i32
      %dma_wait3A_1378 = tpu.memref_slice %arg8[%run_scoped3A_1035, %dma_wait3A_1376, %dma_wait3A_1377] : memref<2x64x768xf32, #tpu.memory_space<vmem>> -> memref<1x64x768xf32, #tpu.memory_space<vmem>>
      %dma_wait3A_1379 = tpu.memref_squeeze %dma_wait3A_1378 : memref<1x64x768xf32, #tpu.memory_space<vmem>> -> memref<64x768xf32, #tpu.memory_space<vmem>>
      tpu.wait_dma2 semaphore(%run_scoped3A_1355 : memref<!tpu.dma_semaphore, #tpu.memory_space<semaphore_mem>>) src(%dma_wait3A_1379 : memref<64x768xf32, #tpu.memory_space<vmem>>) dst(%dma_wait3A_1375 : memref<64x768xf32, #tpu.memory_space<hbm>>)
      tpu.yield
    }) : () -> ()
    %dma_start3A_1036 = arith.constant 0 : i32
    %dma_start3A_1037 = arith.constant 0 : i32
    %dma_start3A_1038 = arith.constant 0 : i32
    %dma_start3A_1039 = tpu.memref_slice %arg8[%dma_start3A_1036, %dma_start3A_1037, %dma_start3A_1038] : memref<2x64x768xf32, #tpu.memory_space<vmem>> -> memref<1x64x768xf32, #tpu.memory_space<vmem>>
    %dma_start3A_1040 = tpu.memref_squeeze %dma_start3A_1039 : memref<1x64x768xf32, #tpu.memory_space<vmem>> -> memref<64x768xf32, #tpu.memory_space<vmem>>
    %dma_start3A_1041 = arith.constant 256 : i32
    %dma_start3A_1042 = tpu.memref_slice %arg7[%dma_start3A_1041] : memref<640xi32, #tpu.memory_space<vmem>> -> memref<64xi32, #tpu.memory_space<vmem>>
    %dma_start3A_1043 = arith.constant 0 : i32
    %dma_start3A_1044 = arith.constant 0 : i32
    %dma_start3A_1045 = tpu.memref_slice %arg2[%dma_start3A_1043, %dma_start3A_1044] : memref<32768x768xf32, #tpu.memory_space<hbm>> -> memref<32768x768xf32, #tpu.memory_space<hbm>>
    tpu.enqueue_indirect_dma source(%dma_start3A_1045 : memref<32768x768xf32, #tpu.memory_space<hbm>>) target(%dma_start3A_1040 : memref<64x768xf32, #tpu.memory_space<vmem>>) offsets(%dma_start3A_1042 : memref<64xi32, #tpu.memory_space<vmem>>) semaphore(%arg13 : memref<!tpu.dma_semaphore, #tpu.memory_space<semaphore_mem>>)
    %dma_start3A_1046 = arith.constant 256 : i32
    %dma_start3A_1047 = tpu.memref_slice %arg11[%dma_start3A_1046] : memref<640xf32, #tpu.memory_space<vmem>> -> memref<64xf32, #tpu.memory_space<vmem>>
    %dma_start3A_1048 = arith.constant 256 : i32
    %dma_start3A_1049 = tpu.memref_slice %arg9[%dma_start3A_1048] : memref<640xi32, #tpu.memory_space<vmem>> -> memref<64xi32, #tpu.memory_space<vmem>>
    %dma_start3A_1050 = arith.constant 0 : i32
    %dma_start3A_1051 = tpu.memref_slice %arg4[%dma_start3A_1050] : memref<65536xf32, #tpu.memory_space<hbm>> -> memref<65536xf32, #tpu.memory_space<hbm>>
    tpu.enqueue_indirect_dma source(%dma_start3A_1051 : memref<65536xf32, #tpu.memory_space<hbm>>) target(%dma_start3A_1047 : memref<64xf32, #tpu.memory_space<vmem>>) offsets(%dma_start3A_1049 : memref<64xi32, #tpu.memory_space<vmem>>) semaphore(%arg13 : memref<!tpu.dma_semaphore, #tpu.memory_space<semaphore_mem>>)
    %dma_start3A_1052 = arith.constant 256 : i32
    %dma_start3A_1053 = tpu.memref_slice %arg12[%dma_start3A_1052] : memref<640xf32, #tpu.memory_space<vmem>> -> memref<64xf32, #tpu.memory_space<vmem>>
    %dma_start3A_1054 = arith.constant 256 : i32
    %dma_start3A_1055 = tpu.memref_slice %arg10[%dma_start3A_1054] : memref<640xi32, #tpu.memory_space<vmem>> -> memref<64xi32, #tpu.memory_space<vmem>>
    %dma_start3A_1056 = arith.constant 0 : i32
    %dma_start3A_1057 = tpu.memref_slice %arg4[%dma_start3A_1056] : memref<65536xf32, #tpu.memory_space<hbm>> -> memref<65536xf32, #tpu.memory_space<hbm>>
    tpu.enqueue_indirect_dma source(%dma_start3A_1057 : memref<65536xf32, #tpu.memory_space<hbm>>) target(%dma_start3A_1053 : memref<64xf32, #tpu.memory_space<vmem>>) offsets(%dma_start3A_1055 : memref<64xi32, #tpu.memory_space<vmem>>) semaphore(%arg13 : memref<!tpu.dma_semaphore, #tpu.memory_space<semaphore_mem>>)
    %dma_wait3A_1058 = arith.constant 1 : i32
    %dma_wait3A_1059 = arith.constant 0 : i32
    %dma_wait3A_1060 = arith.constant 0 : i32
    %dma_wait3A_1061 = tpu.memref_slice %arg8[%dma_wait3A_1058, %dma_wait3A_1059, %dma_wait3A_1060] : memref<2x64x768xf32, #tpu.memory_space<vmem>> -> memref<1x64x768xf32, #tpu.memory_space<vmem>>
    %dma_wait3A_1062 = tpu.memref_squeeze %dma_wait3A_1061 : memref<1x64x768xf32, #tpu.memory_space<vmem>> -> memref<64x768xf32, #tpu.memory_space<vmem>>
    %dma_wait3A_1063 = arith.constant 192 : i32
    %dma_wait3A_1064 = tpu.memref_slice %arg7[%dma_wait3A_1063] : memref<640xi32, #tpu.memory_space<vmem>> -> memref<64xi32, #tpu.memory_space<vmem>>
    %dma_wait3A_1065 = arith.constant 0 : i32
    %dma_wait3A_1066 = arith.constant 0 : i32
    %dma_wait3A_1067 = tpu.memref_slice %arg2[%dma_wait3A_1065, %dma_wait3A_1066] : memref<32768x768xf32, #tpu.memory_space<hbm>> -> memref<32768x768xf32, #tpu.memory_space<hbm>>
    tpu.wait_indirect_dma semaphore(%arg14 : memref<!tpu.dma_semaphore, #tpu.memory_space<semaphore_mem>>) src(%dma_wait3A_1067 : memref<32768x768xf32, #tpu.memory_space<hbm>>) dst(%dma_wait3A_1062 : memref<64x768xf32, #tpu.memory_space<vmem>>)
    %dma_wait3A_1068 = arith.constant 192 : i32
    %dma_wait3A_1069 = tpu.memref_slice %arg11[%dma_wait3A_1068] : memref<640xf32, #tpu.memory_space<vmem>> -> memref<64xf32, #tpu.memory_space<vmem>>
    %dma_wait3A_1070 = arith.constant 192 : i32
    %dma_wait3A_1071 = tpu.memref_slice %arg9[%dma_wait3A_1070] : memref<640xi32, #tpu.memory_space<vmem>> -> memref<64xi32, #tpu.memory_space<vmem>>
    %dma_wait3A_1072 = arith.constant 0 : i32
    %dma_wait3A_1073 = tpu.memref_slice %arg4[%dma_wait3A_1072] : memref<65536xf32, #tpu.memory_space<hbm>> -> memref<65536xf32, #tpu.memory_space<hbm>>
    tpu.wait_indirect_dma semaphore(%arg14 : memref<!tpu.dma_semaphore, #tpu.memory_space<semaphore_mem>>) src(%dma_wait3A_1073 : memref<65536xf32, #tpu.memory_space<hbm>>) dst(%dma_wait3A_1069 : memref<64xf32, #tpu.memory_space<vmem>>)
    %dma_wait3A_1074 = arith.constant 192 : i32
    %dma_wait3A_1075 = tpu.memref_slice %arg12[%dma_wait3A_1074] : memref<640xf32, #tpu.memory_space<vmem>> -> memref<64xf32, #tpu.memory_space<vmem>>
    %dma_wait3A_1076 = arith.constant 192 : i32
    %dma_wait3A_1077 = tpu.memref_slice %arg10[%dma_wait3A_1076] : memref<640xi32, #tpu.memory_space<vmem>> -> memref<64xi32, #tpu.memory_space<vmem>>
    %dma_wait3A_1078 = arith.constant 0 : i32
    %dma_wait3A_1079 = tpu.memref_slice %arg4[%dma_wait3A_1078] : memref<65536xf32, #tpu.memory_space<hbm>> -> memref<65536xf32, #tpu.memory_space<hbm>>
    tpu.wait_indirect_dma semaphore(%arg14 : memref<!tpu.dma_semaphore, #tpu.memory_space<semaphore_mem>>) src(%dma_wait3A_1079 : memref<65536xf32, #tpu.memory_space<hbm>>) dst(%dma_wait3A_1075 : memref<64xf32, #tpu.memory_space<vmem>>)
    %add3A_1080 = arith.constant 192 : i32
    %add3A_1081 = arith.addi %mul3A_18, %add3A_1080 : i32
    %run_scoped3A_1082 = arith.constant 1 : i32
    "tpu.region"() ({
      %run_scoped3A_1355 = tpu.sem_alloc : memref<!tpu.dma_semaphore, #tpu.memory_space<semaphore_mem>>
      %dma_start3A_1356 = arith.constant 0 : i32
      %dma_start3A_1357 = arith.constant 0 : i32
      %dma_start3A_1358 = tpu.memref_slice %arg8[%run_scoped3A_1082, %dma_start3A_1356, %dma_start3A_1357] : memref<2x64x768xf32, #tpu.memory_space<vmem>> -> memref<1x64x768xf32, #tpu.memory_space<vmem>>
      %dma_start3A_1359 = tpu.memref_squeeze %dma_start3A_1358 : memref<1x64x768xf32, #tpu.memory_space<vmem>> -> memref<64x768xf32, #tpu.memory_space<vmem>>
      %dma_start3A_1360 = arith.constant 0 : i32
      %dma_start3A_1361 = tpu.memref_slice %arg5[%add3A_1081, %dma_start3A_1360] : memref<20480x768xf32, #tpu.memory_space<hbm>> -> memref<64x768xf32, #tpu.memory_space<hbm>>
      %dma_start3A_1362 = arith.constant 0 : i32
      %dma_start3A_1363 = tpu.memref_slice %arg5[%add3A_1081, %dma_start3A_1362] : memref<20480x768xf32, #tpu.memory_space<hbm>> -> memref<64x768xf32, #tpu.memory_space<hbm>>
      %dma_start3A_1364 = arith.constant 0 : i32
      %dma_start3A_1365 = arith.constant 0 : i32
      %dma_start3A_1366 = tpu.memref_slice %arg8[%run_scoped3A_1082, %dma_start3A_1364, %dma_start3A_1365] : memref<2x64x768xf32, #tpu.memory_space<vmem>> -> memref<1x64x768xf32, #tpu.memory_space<vmem>>
      %dma_start3A_1367 = tpu.memref_squeeze %dma_start3A_1366 : memref<1x64x768xf32, #tpu.memory_space<vmem>> -> memref<64x768xf32, #tpu.memory_space<vmem>>
      tpu.enqueue_dma source(%dma_start3A_1367 : memref<64x768xf32, #tpu.memory_space<vmem>>) target(%dma_start3A_1363 : memref<64x768xf32, #tpu.memory_space<hbm>>) target_semaphore(%run_scoped3A_1355 : memref<!tpu.dma_semaphore, #tpu.memory_space<semaphore_mem>>)
      %dma_wait3A_1368 = arith.constant 0 : i32
      %dma_wait3A_1369 = arith.constant 0 : i32
      %dma_wait3A_1370 = tpu.memref_slice %arg8[%run_scoped3A_1082, %dma_wait3A_1368, %dma_wait3A_1369] : memref<2x64x768xf32, #tpu.memory_space<vmem>> -> memref<1x64x768xf32, #tpu.memory_space<vmem>>
      %dma_wait3A_1371 = tpu.memref_squeeze %dma_wait3A_1370 : memref<1x64x768xf32, #tpu.memory_space<vmem>> -> memref<64x768xf32, #tpu.memory_space<vmem>>
      %dma_wait3A_1372 = arith.constant 0 : i32
      %dma_wait3A_1373 = tpu.memref_slice %arg5[%add3A_1081, %dma_wait3A_1372] : memref<20480x768xf32, #tpu.memory_space<hbm>> -> memref<64x768xf32, #tpu.memory_space<hbm>>
      %dma_wait3A_1374 = arith.constant 0 : i32
      %dma_wait3A_1375 = tpu.memref_slice %arg5[%add3A_1081, %dma_wait3A_1374] : memref<20480x768xf32, #tpu.memory_space<hbm>> -> memref<64x768xf32, #tpu.memory_space<hbm>>
      %dma_wait3A_1376 = arith.constant 0 : i32
      %dma_wait3A_1377 = arith.constant 0 : i32
      %dma_wait3A_1378 = tpu.memref_slice %arg8[%run_scoped3A_1082, %dma_wait3A_1376, %dma_wait3A_1377] : memref<2x64x768xf32, #tpu.memory_space<vmem>> -> memref<1x64x768xf32, #tpu.memory_space<vmem>>
      %dma_wait3A_1379 = tpu.memref_squeeze %dma_wait3A_1378 : memref<1x64x768xf32, #tpu.memory_space<vmem>> -> memref<64x768xf32, #tpu.memory_space<vmem>>
      tpu.wait_dma2 semaphore(%run_scoped3A_1355 : memref<!tpu.dma_semaphore, #tpu.memory_space<semaphore_mem>>) src(%dma_wait3A_1379 : memref<64x768xf32, #tpu.memory_space<vmem>>) dst(%dma_wait3A_1375 : memref<64x768xf32, #tpu.memory_space<hbm>>)
      tpu.yield
    }) : () -> ()
    %dma_start3A_1083 = arith.constant 1 : i32
    %dma_start3A_1084 = arith.constant 0 : i32
    %dma_start3A_1085 = arith.constant 0 : i32
    %dma_start3A_1086 = tpu.memref_slice %arg8[%dma_start3A_1083, %dma_start3A_1084, %dma_start3A_1085] : memref<2x64x768xf32, #tpu.memory_space<vmem>> -> memref<1x64x768xf32, #tpu.memory_space<vmem>>
    %dma_start3A_1087 = tpu.memref_squeeze %dma_start3A_1086 : memref<1x64x768xf32, #tpu.memory_space<vmem>> -> memref<64x768xf32, #tpu.memory_space<vmem>>
    %dma_start3A_1088 = arith.constant 320 : i32
    %dma_start3A_1089 = tpu.memref_slice %arg7[%dma_start3A_1088] : memref<640xi32, #tpu.memory_space<vmem>> -> memref<64xi32, #tpu.memory_space<vmem>>
    %dma_start3A_1090 = arith.constant 0 : i32
    %dma_start3A_1091 = arith.constant 0 : i32
    %dma_start3A_1092 = tpu.memref_slice %arg2[%dma_start3A_1090, %dma_start3A_1091] : memref<32768x768xf32, #tpu.memory_space<hbm>> -> memref<32768x768xf32, #tpu.memory_space<hbm>>
    tpu.enqueue_indirect_dma source(%dma_start3A_1092 : memref<32768x768xf32, #tpu.memory_space<hbm>>) target(%dma_start3A_1087 : memref<64x768xf32, #tpu.memory_space<vmem>>) offsets(%dma_start3A_1089 : memref<64xi32, #tpu.memory_space<vmem>>) semaphore(%arg14 : memref<!tpu.dma_semaphore, #tpu.memory_space<semaphore_mem>>)
    %dma_start3A_1093 = arith.constant 320 : i32
    %dma_start3A_1094 = tpu.memref_slice %arg11[%dma_start3A_1093] : memref<640xf32, #tpu.memory_space<vmem>> -> memref<64xf32, #tpu.memory_space<vmem>>
    %dma_start3A_1095 = arith.constant 320 : i32
    %dma_start3A_1096 = tpu.memref_slice %arg9[%dma_start3A_1095] : memref<640xi32, #tpu.memory_space<vmem>> -> memref<64xi32, #tpu.memory_space<vmem>>
    %dma_start3A_1097 = arith.constant 0 : i32
    %dma_start3A_1098 = tpu.memref_slice %arg4[%dma_start3A_1097] : memref<65536xf32, #tpu.memory_space<hbm>> -> memref<65536xf32, #tpu.memory_space<hbm>>
    tpu.enqueue_indirect_dma source(%dma_start3A_1098 : memref<65536xf32, #tpu.memory_space<hbm>>) target(%dma_start3A_1094 : memref<64xf32, #tpu.memory_space<vmem>>) offsets(%dma_start3A_1096 : memref<64xi32, #tpu.memory_space<vmem>>) semaphore(%arg14 : memref<!tpu.dma_semaphore, #tpu.memory_space<semaphore_mem>>)
    %dma_start3A_1099 = arith.constant 320 : i32
    %dma_start3A_1100 = tpu.memref_slice %arg12[%dma_start3A_1099] : memref<640xf32, #tpu.memory_space<vmem>> -> memref<64xf32, #tpu.memory_space<vmem>>
    %dma_start3A_1101 = arith.constant 320 : i32
    %dma_start3A_1102 = tpu.memref_slice %arg10[%dma_start3A_1101] : memref<640xi32, #tpu.memory_space<vmem>> -> memref<64xi32, #tpu.memory_space<vmem>>
    %dma_start3A_1103 = arith.constant 0 : i32
    %dma_start3A_1104 = tpu.memref_slice %arg4[%dma_start3A_1103] : memref<65536xf32, #tpu.memory_space<hbm>> -> memref<65536xf32, #tpu.memory_space<hbm>>
    tpu.enqueue_indirect_dma source(%dma_start3A_1104 : memref<65536xf32, #tpu.memory_space<hbm>>) target(%dma_start3A_1100 : memref<64xf32, #tpu.memory_space<vmem>>) offsets(%dma_start3A_1102 : memref<64xi32, #tpu.memory_space<vmem>>) semaphore(%arg14 : memref<!tpu.dma_semaphore, #tpu.memory_space<semaphore_mem>>)
    %dma_wait3A_1105 = arith.constant 0 : i32
    %dma_wait3A_1106 = arith.constant 0 : i32
    %dma_wait3A_1107 = arith.constant 0 : i32
    %dma_wait3A_1108 = tpu.memref_slice %arg8[%dma_wait3A_1105, %dma_wait3A_1106, %dma_wait3A_1107] : memref<2x64x768xf32, #tpu.memory_space<vmem>> -> memref<1x64x768xf32, #tpu.memory_space<vmem>>
    %dma_wait3A_1109 = tpu.memref_squeeze %dma_wait3A_1108 : memref<1x64x768xf32, #tpu.memory_space<vmem>> -> memref<64x768xf32, #tpu.memory_space<vmem>>
    %dma_wait3A_1110 = arith.constant 256 : i32
    %dma_wait3A_1111 = tpu.memref_slice %arg7[%dma_wait3A_1110] : memref<640xi32, #tpu.memory_space<vmem>> -> memref<64xi32, #tpu.memory_space<vmem>>
    %dma_wait3A_1112 = arith.constant 0 : i32
    %dma_wait3A_1113 = arith.constant 0 : i32
    %dma_wait3A_1114 = tpu.memref_slice %arg2[%dma_wait3A_1112, %dma_wait3A_1113] : memref<32768x768xf32, #tpu.memory_space<hbm>> -> memref<32768x768xf32, #tpu.memory_space<hbm>>
    tpu.wait_indirect_dma semaphore(%arg13 : memref<!tpu.dma_semaphore, #tpu.memory_space<semaphore_mem>>) src(%dma_wait3A_1114 : memref<32768x768xf32, #tpu.memory_space<hbm>>) dst(%dma_wait3A_1109 : memref<64x768xf32, #tpu.memory_space<vmem>>)
    %dma_wait3A_1115 = arith.constant 256 : i32
    %dma_wait3A_1116 = tpu.memref_slice %arg11[%dma_wait3A_1115] : memref<640xf32, #tpu.memory_space<vmem>> -> memref<64xf32, #tpu.memory_space<vmem>>
    %dma_wait3A_1117 = arith.constant 256 : i32
    %dma_wait3A_1118 = tpu.memref_slice %arg9[%dma_wait3A_1117] : memref<640xi32, #tpu.memory_space<vmem>> -> memref<64xi32, #tpu.memory_space<vmem>>
    %dma_wait3A_1119 = arith.constant 0 : i32
    %dma_wait3A_1120 = tpu.memref_slice %arg4[%dma_wait3A_1119] : memref<65536xf32, #tpu.memory_space<hbm>> -> memref<65536xf32, #tpu.memory_space<hbm>>
    tpu.wait_indirect_dma semaphore(%arg13 : memref<!tpu.dma_semaphore, #tpu.memory_space<semaphore_mem>>) src(%dma_wait3A_1120 : memref<65536xf32, #tpu.memory_space<hbm>>) dst(%dma_wait3A_1116 : memref<64xf32, #tpu.memory_space<vmem>>)
    %dma_wait3A_1121 = arith.constant 256 : i32
    %dma_wait3A_1122 = tpu.memref_slice %arg12[%dma_wait3A_1121] : memref<640xf32, #tpu.memory_space<vmem>> -> memref<64xf32, #tpu.memory_space<vmem>>
    %dma_wait3A_1123 = arith.constant 256 : i32
    %dma_wait3A_1124 = tpu.memref_slice %arg10[%dma_wait3A_1123] : memref<640xi32, #tpu.memory_space<vmem>> -> memref<64xi32, #tpu.memory_space<vmem>>
    %dma_wait3A_1125 = arith.constant 0 : i32
    %dma_wait3A_1126 = tpu.memref_slice %arg4[%dma_wait3A_1125] : memref<65536xf32, #tpu.memory_space<hbm>> -> memref<65536xf32, #tpu.memory_space<hbm>>
    tpu.wait_indirect_dma semaphore(%arg13 : memref<!tpu.dma_semaphore, #tpu.memory_space<semaphore_mem>>) src(%dma_wait3A_1126 : memref<65536xf32, #tpu.memory_space<hbm>>) dst(%dma_wait3A_1122 : memref<64xf32, #tpu.memory_space<vmem>>)
    %add3A_1127 = arith.constant 256 : i32
    %add3A_1128 = arith.addi %mul3A_18, %add3A_1127 : i32
    %run_scoped3A_1129 = arith.constant 0 : i32
    "tpu.region"() ({
      %run_scoped3A_1355 = tpu.sem_alloc : memref<!tpu.dma_semaphore, #tpu.memory_space<semaphore_mem>>
      %dma_start3A_1356 = arith.constant 0 : i32
      %dma_start3A_1357 = arith.constant 0 : i32
      %dma_start3A_1358 = tpu.memref_slice %arg8[%run_scoped3A_1129, %dma_start3A_1356, %dma_start3A_1357] : memref<2x64x768xf32, #tpu.memory_space<vmem>> -> memref<1x64x768xf32, #tpu.memory_space<vmem>>
      %dma_start3A_1359 = tpu.memref_squeeze %dma_start3A_1358 : memref<1x64x768xf32, #tpu.memory_space<vmem>> -> memref<64x768xf32, #tpu.memory_space<vmem>>
      %dma_start3A_1360 = arith.constant 0 : i32
      %dma_start3A_1361 = tpu.memref_slice %arg5[%add3A_1128, %dma_start3A_1360] : memref<20480x768xf32, #tpu.memory_space<hbm>> -> memref<64x768xf32, #tpu.memory_space<hbm>>
      %dma_start3A_1362 = arith.constant 0 : i32
      %dma_start3A_1363 = tpu.memref_slice %arg5[%add3A_1128, %dma_start3A_1362] : memref<20480x768xf32, #tpu.memory_space<hbm>> -> memref<64x768xf32, #tpu.memory_space<hbm>>
      %dma_start3A_1364 = arith.constant 0 : i32
      %dma_start3A_1365 = arith.constant 0 : i32
      %dma_start3A_1366 = tpu.memref_slice %arg8[%run_scoped3A_1129, %dma_start3A_1364, %dma_start3A_1365] : memref<2x64x768xf32, #tpu.memory_space<vmem>> -> memref<1x64x768xf32, #tpu.memory_space<vmem>>
      %dma_start3A_1367 = tpu.memref_squeeze %dma_start3A_1366 : memref<1x64x768xf32, #tpu.memory_space<vmem>> -> memref<64x768xf32, #tpu.memory_space<vmem>>
      tpu.enqueue_dma source(%dma_start3A_1367 : memref<64x768xf32, #tpu.memory_space<vmem>>) target(%dma_start3A_1363 : memref<64x768xf32, #tpu.memory_space<hbm>>) target_semaphore(%run_scoped3A_1355 : memref<!tpu.dma_semaphore, #tpu.memory_space<semaphore_mem>>)
      %dma_wait3A_1368 = arith.constant 0 : i32
      %dma_wait3A_1369 = arith.constant 0 : i32
      %dma_wait3A_1370 = tpu.memref_slice %arg8[%run_scoped3A_1129, %dma_wait3A_1368, %dma_wait3A_1369] : memref<2x64x768xf32, #tpu.memory_space<vmem>> -> memref<1x64x768xf32, #tpu.memory_space<vmem>>
      %dma_wait3A_1371 = tpu.memref_squeeze %dma_wait3A_1370 : memref<1x64x768xf32, #tpu.memory_space<vmem>> -> memref<64x768xf32, #tpu.memory_space<vmem>>
      %dma_wait3A_1372 = arith.constant 0 : i32
      %dma_wait3A_1373 = tpu.memref_slice %arg5[%add3A_1128, %dma_wait3A_1372] : memref<20480x768xf32, #tpu.memory_space<hbm>> -> memref<64x768xf32, #tpu.memory_space<hbm>>
      %dma_wait3A_1374 = arith.constant 0 : i32
      %dma_wait3A_1375 = tpu.memref_slice %arg5[%add3A_1128, %dma_wait3A_1374] : memref<20480x768xf32, #tpu.memory_space<hbm>> -> memref<64x768xf32, #tpu.memory_space<hbm>>
      %dma_wait3A_1376 = arith.constant 0 : i32
      %dma_wait3A_1377 = arith.constant 0 : i32
      %dma_wait3A_1378 = tpu.memref_slice %arg8[%run_scoped3A_1129, %dma_wait3A_1376, %dma_wait3A_1377] : memref<2x64x768xf32, #tpu.memory_space<vmem>> -> memref<1x64x768xf32, #tpu.memory_space<vmem>>
      %dma_wait3A_1379 = tpu.memref_squeeze %dma_wait3A_1378 : memref<1x64x768xf32, #tpu.memory_space<vmem>> -> memref<64x768xf32, #tpu.memory_space<vmem>>
      tpu.wait_dma2 semaphore(%run_scoped3A_1355 : memref<!tpu.dma_semaphore, #tpu.memory_space<semaphore_mem>>) src(%dma_wait3A_1379 : memref<64x768xf32, #tpu.memory_space<vmem>>) dst(%dma_wait3A_1375 : memref<64x768xf32, #tpu.memory_space<hbm>>)
      tpu.yield
    }) : () -> ()
    %dma_start3A_1130 = arith.constant 0 : i32
    %dma_start3A_1131 = arith.constant 0 : i32
    %dma_start3A_1132 = arith.constant 0 : i32
    %dma_start3A_1133 = tpu.memref_slice %arg8[%dma_start3A_1130, %dma_start3A_1131, %dma_start3A_1132] : memref<2x64x768xf32, #tpu.memory_space<vmem>> -> memref<1x64x768xf32, #tpu.memory_space<vmem>>
    %dma_start3A_1134 = tpu.memref_squeeze %dma_start3A_1133 : memref<1x64x768xf32, #tpu.memory_space<vmem>> -> memref<64x768xf32, #tpu.memory_space<vmem>>
    %dma_start3A_1135 = arith.constant 384 : i32
    %dma_start3A_1136 = tpu.memref_slice %arg7[%dma_start3A_1135] : memref<640xi32, #tpu.memory_space<vmem>> -> memref<64xi32, #tpu.memory_space<vmem>>
    %dma_start3A_1137 = arith.constant 0 : i32
    %dma_start3A_1138 = arith.constant 0 : i32
    %dma_start3A_1139 = tpu.memref_slice %arg2[%dma_start3A_1137, %dma_start3A_1138] : memref<32768x768xf32, #tpu.memory_space<hbm>> -> memref<32768x768xf32, #tpu.memory_space<hbm>>
    tpu.enqueue_indirect_dma source(%dma_start3A_1139 : memref<32768x768xf32, #tpu.memory_space<hbm>>) target(%dma_start3A_1134 : memref<64x768xf32, #tpu.memory_space<vmem>>) offsets(%dma_start3A_1136 : memref<64xi32, #tpu.memory_space<vmem>>) semaphore(%arg13 : memref<!tpu.dma_semaphore, #tpu.memory_space<semaphore_mem>>)
    %dma_start3A_1140 = arith.constant 384 : i32
    %dma_start3A_1141 = tpu.memref_slice %arg11[%dma_start3A_1140] : memref<640xf32, #tpu.memory_space<vmem>> -> memref<64xf32, #tpu.memory_space<vmem>>
    %dma_start3A_1142 = arith.constant 384 : i32
    %dma_start3A_1143 = tpu.memref_slice %arg9[%dma_start3A_1142] : memref<640xi32, #tpu.memory_space<vmem>> -> memref<64xi32, #tpu.memory_space<vmem>>
    %dma_start3A_1144 = arith.constant 0 : i32
    %dma_start3A_1145 = tpu.memref_slice %arg4[%dma_start3A_1144] : memref<65536xf32, #tpu.memory_space<hbm>> -> memref<65536xf32, #tpu.memory_space<hbm>>
    tpu.enqueue_indirect_dma source(%dma_start3A_1145 : memref<65536xf32, #tpu.memory_space<hbm>>) target(%dma_start3A_1141 : memref<64xf32, #tpu.memory_space<vmem>>) offsets(%dma_start3A_1143 : memref<64xi32, #tpu.memory_space<vmem>>) semaphore(%arg13 : memref<!tpu.dma_semaphore, #tpu.memory_space<semaphore_mem>>)
    %dma_start3A_1146 = arith.constant 384 : i32
    %dma_start3A_1147 = tpu.memref_slice %arg12[%dma_start3A_1146] : memref<640xf32, #tpu.memory_space<vmem>> -> memref<64xf32, #tpu.memory_space<vmem>>
    %dma_start3A_1148 = arith.constant 384 : i32
    %dma_start3A_1149 = tpu.memref_slice %arg10[%dma_start3A_1148] : memref<640xi32, #tpu.memory_space<vmem>> -> memref<64xi32, #tpu.memory_space<vmem>>
    %dma_start3A_1150 = arith.constant 0 : i32
    %dma_start3A_1151 = tpu.memref_slice %arg4[%dma_start3A_1150] : memref<65536xf32, #tpu.memory_space<hbm>> -> memref<65536xf32, #tpu.memory_space<hbm>>
    tpu.enqueue_indirect_dma source(%dma_start3A_1151 : memref<65536xf32, #tpu.memory_space<hbm>>) target(%dma_start3A_1147 : memref<64xf32, #tpu.memory_space<vmem>>) offsets(%dma_start3A_1149 : memref<64xi32, #tpu.memory_space<vmem>>) semaphore(%arg13 : memref<!tpu.dma_semaphore, #tpu.memory_space<semaphore_mem>>)
    %dma_wait3A_1152 = arith.constant 1 : i32
    %dma_wait3A_1153 = arith.constant 0 : i32
    %dma_wait3A_1154 = arith.constant 0 : i32
    %dma_wait3A_1155 = tpu.memref_slice %arg8[%dma_wait3A_1152, %dma_wait3A_1153, %dma_wait3A_1154] : memref<2x64x768xf32, #tpu.memory_space<vmem>> -> memref<1x64x768xf32, #tpu.memory_space<vmem>>
    %dma_wait3A_1156 = tpu.memref_squeeze %dma_wait3A_1155 : memref<1x64x768xf32, #tpu.memory_space<vmem>> -> memref<64x768xf32, #tpu.memory_space<vmem>>
    %dma_wait3A_1157 = arith.constant 320 : i32
    %dma_wait3A_1158 = tpu.memref_slice %arg7[%dma_wait3A_1157] : memref<640xi32, #tpu.memory_space<vmem>> -> memref<64xi32, #tpu.memory_space<vmem>>
    %dma_wait3A_1159 = arith.constant 0 : i32
    %dma_wait3A_1160 = arith.constant 0 : i32
    %dma_wait3A_1161 = tpu.memref_slice %arg2[%dma_wait3A_1159, %dma_wait3A_1160] : memref<32768x768xf32, #tpu.memory_space<hbm>> -> memref<32768x768xf32, #tpu.memory_space<hbm>>
    tpu.wait_indirect_dma semaphore(%arg14 : memref<!tpu.dma_semaphore, #tpu.memory_space<semaphore_mem>>) src(%dma_wait3A_1161 : memref<32768x768xf32, #tpu.memory_space<hbm>>) dst(%dma_wait3A_1156 : memref<64x768xf32, #tpu.memory_space<vmem>>)
    %dma_wait3A_1162 = arith.constant 320 : i32
    %dma_wait3A_1163 = tpu.memref_slice %arg11[%dma_wait3A_1162] : memref<640xf32, #tpu.memory_space<vmem>> -> memref<64xf32, #tpu.memory_space<vmem>>
    %dma_wait3A_1164 = arith.constant 320 : i32
    %dma_wait3A_1165 = tpu.memref_slice %arg9[%dma_wait3A_1164] : memref<640xi32, #tpu.memory_space<vmem>> -> memref<64xi32, #tpu.memory_space<vmem>>
    %dma_wait3A_1166 = arith.constant 0 : i32
    %dma_wait3A_1167 = tpu.memref_slice %arg4[%dma_wait3A_1166] : memref<65536xf32, #tpu.memory_space<hbm>> -> memref<65536xf32, #tpu.memory_space<hbm>>
    tpu.wait_indirect_dma semaphore(%arg14 : memref<!tpu.dma_semaphore, #tpu.memory_space<semaphore_mem>>) src(%dma_wait3A_1167 : memref<65536xf32, #tpu.memory_space<hbm>>) dst(%dma_wait3A_1163 : memref<64xf32, #tpu.memory_space<vmem>>)
    %dma_wait3A_1168 = arith.constant 320 : i32
    %dma_wait3A_1169 = tpu.memref_slice %arg12[%dma_wait3A_1168] : memref<640xf32, #tpu.memory_space<vmem>> -> memref<64xf32, #tpu.memory_space<vmem>>
    %dma_wait3A_1170 = arith.constant 320 : i32
    %dma_wait3A_1171 = tpu.memref_slice %arg10[%dma_wait3A_1170] : memref<640xi32, #tpu.memory_space<vmem>> -> memref<64xi32, #tpu.memory_space<vmem>>
    %dma_wait3A_1172 = arith.constant 0 : i32
    %dma_wait3A_1173 = tpu.memref_slice %arg4[%dma_wait3A_1172] : memref<65536xf32, #tpu.memory_space<hbm>> -> memref<65536xf32, #tpu.memory_space<hbm>>
    tpu.wait_indirect_dma semaphore(%arg14 : memref<!tpu.dma_semaphore, #tpu.memory_space<semaphore_mem>>) src(%dma_wait3A_1173 : memref<65536xf32, #tpu.memory_space<hbm>>) dst(%dma_wait3A_1169 : memref<64xf32, #tpu.memory_space<vmem>>)
    %add3A_1174 = arith.constant 320 : i32
    %add3A_1175 = arith.addi %mul3A_18, %add3A_1174 : i32
    %run_scoped3A_1176 = arith.constant 1 : i32
    "tpu.region"() ({
      %run_scoped3A_1355 = tpu.sem_alloc : memref<!tpu.dma_semaphore, #tpu.memory_space<semaphore_mem>>
      %dma_start3A_1356 = arith.constant 0 : i32
      %dma_start3A_1357 = arith.constant 0 : i32
      %dma_start3A_1358 = tpu.memref_slice %arg8[%run_scoped3A_1176, %dma_start3A_1356, %dma_start3A_1357] : memref<2x64x768xf32, #tpu.memory_space<vmem>> -> memref<1x64x768xf32, #tpu.memory_space<vmem>>
      %dma_start3A_1359 = tpu.memref_squeeze %dma_start3A_1358 : memref<1x64x768xf32, #tpu.memory_space<vmem>> -> memref<64x768xf32, #tpu.memory_space<vmem>>
      %dma_start3A_1360 = arith.constant 0 : i32
      %dma_start3A_1361 = tpu.memref_slice %arg5[%add3A_1175, %dma_start3A_1360] : memref<20480x768xf32, #tpu.memory_space<hbm>> -> memref<64x768xf32, #tpu.memory_space<hbm>>
      %dma_start3A_1362 = arith.constant 0 : i32
      %dma_start3A_1363 = tpu.memref_slice %arg5[%add3A_1175, %dma_start3A_1362] : memref<20480x768xf32, #tpu.memory_space<hbm>> -> memref<64x768xf32, #tpu.memory_space<hbm>>
      %dma_start3A_1364 = arith.constant 0 : i32
      %dma_start3A_1365 = arith.constant 0 : i32
      %dma_start3A_1366 = tpu.memref_slice %arg8[%run_scoped3A_1176, %dma_start3A_1364, %dma_start3A_1365] : memref<2x64x768xf32, #tpu.memory_space<vmem>> -> memref<1x64x768xf32, #tpu.memory_space<vmem>>
      %dma_start3A_1367 = tpu.memref_squeeze %dma_start3A_1366 : memref<1x64x768xf32, #tpu.memory_space<vmem>> -> memref<64x768xf32, #tpu.memory_space<vmem>>
      tpu.enqueue_dma source(%dma_start3A_1367 : memref<64x768xf32, #tpu.memory_space<vmem>>) target(%dma_start3A_1363 : memref<64x768xf32, #tpu.memory_space<hbm>>) target_semaphore(%run_scoped3A_1355 : memref<!tpu.dma_semaphore, #tpu.memory_space<semaphore_mem>>)
      %dma_wait3A_1368 = arith.constant 0 : i32
      %dma_wait3A_1369 = arith.constant 0 : i32
      %dma_wait3A_1370 = tpu.memref_slice %arg8[%run_scoped3A_1176, %dma_wait3A_1368, %dma_wait3A_1369] : memref<2x64x768xf32, #tpu.memory_space<vmem>> -> memref<1x64x768xf32, #tpu.memory_space<vmem>>
      %dma_wait3A_1371 = tpu.memref_squeeze %dma_wait3A_1370 : memref<1x64x768xf32, #tpu.memory_space<vmem>> -> memref<64x768xf32, #tpu.memory_space<vmem>>
      %dma_wait3A_1372 = arith.constant 0 : i32
      %dma_wait3A_1373 = tpu.memref_slice %arg5[%add3A_1175, %dma_wait3A_1372] : memref<20480x768xf32, #tpu.memory_space<hbm>> -> memref<64x768xf32, #tpu.memory_space<hbm>>
      %dma_wait3A_1374 = arith.constant 0 : i32
      %dma_wait3A_1375 = tpu.memref_slice %arg5[%add3A_1175, %dma_wait3A_1374] : memref<20480x768xf32, #tpu.memory_space<hbm>> -> memref<64x768xf32, #tpu.memory_space<hbm>>
      %dma_wait3A_1376 = arith.constant 0 : i32
      %dma_wait3A_1377 = arith.constant 0 : i32
      %dma_wait3A_1378 = tpu.memref_slice %arg8[%run_scoped3A_1176, %dma_wait3A_1376, %dma_wait3A_1377] : memref<2x64x768xf32, #tpu.memory_space<vmem>> -> memref<1x64x768xf32, #tpu.memory_space<vmem>>
      %dma_wait3A_1379 = tpu.memref_squeeze %dma_wait3A_1378 : memref<1x64x768xf32, #tpu.memory_space<vmem>> -> memref<64x768xf32, #tpu.memory_space<vmem>>
      tpu.wait_dma2 semaphore(%run_scoped3A_1355 : memref<!tpu.dma_semaphore, #tpu.memory_space<semaphore_mem>>) src(%dma_wait3A_1379 : memref<64x768xf32, #tpu.memory_space<vmem>>) dst(%dma_wait3A_1375 : memref<64x768xf32, #tpu.memory_space<hbm>>)
      tpu.yield
    }) : () -> ()
    %dma_start3A_1177 = arith.constant 1 : i32
    %dma_start3A_1178 = arith.constant 0 : i32
    %dma_start3A_1179 = arith.constant 0 : i32
    %dma_start3A_1180 = tpu.memref_slice %arg8[%dma_start3A_1177, %dma_start3A_1178, %dma_start3A_1179] : memref<2x64x768xf32, #tpu.memory_space<vmem>> -> memref<1x64x768xf32, #tpu.memory_space<vmem>>
    %dma_start3A_1181 = tpu.memref_squeeze %dma_start3A_1180 : memref<1x64x768xf32, #tpu.memory_space<vmem>> -> memref<64x768xf32, #tpu.memory_space<vmem>>
    %dma_start3A_1182 = arith.constant 448 : i32
    %dma_start3A_1183 = tpu.memref_slice %arg7[%dma_start3A_1182] : memref<640xi32, #tpu.memory_space<vmem>> -> memref<64xi32, #tpu.memory_space<vmem>>
    %dma_start3A_1184 = arith.constant 0 : i32
    %dma_start3A_1185 = arith.constant 0 : i32
    %dma_start3A_1186 = tpu.memref_slice %arg2[%dma_start3A_1184, %dma_start3A_1185] : memref<32768x768xf32, #tpu.memory_space<hbm>> -> memref<32768x768xf32, #tpu.memory_space<hbm>>
    tpu.enqueue_indirect_dma source(%dma_start3A_1186 : memref<32768x768xf32, #tpu.memory_space<hbm>>) target(%dma_start3A_1181 : memref<64x768xf32, #tpu.memory_space<vmem>>) offsets(%dma_start3A_1183 : memref<64xi32, #tpu.memory_space<vmem>>) semaphore(%arg14 : memref<!tpu.dma_semaphore, #tpu.memory_space<semaphore_mem>>)
    %dma_start3A_1187 = arith.constant 448 : i32
    %dma_start3A_1188 = tpu.memref_slice %arg11[%dma_start3A_1187] : memref<640xf32, #tpu.memory_space<vmem>> -> memref<64xf32, #tpu.memory_space<vmem>>
    %dma_start3A_1189 = arith.constant 448 : i32
    %dma_start3A_1190 = tpu.memref_slice %arg9[%dma_start3A_1189] : memref<640xi32, #tpu.memory_space<vmem>> -> memref<64xi32, #tpu.memory_space<vmem>>
    %dma_start3A_1191 = arith.constant 0 : i32
    %dma_start3A_1192 = tpu.memref_slice %arg4[%dma_start3A_1191] : memref<65536xf32, #tpu.memory_space<hbm>> -> memref<65536xf32, #tpu.memory_space<hbm>>
    tpu.enqueue_indirect_dma source(%dma_start3A_1192 : memref<65536xf32, #tpu.memory_space<hbm>>) target(%dma_start3A_1188 : memref<64xf32, #tpu.memory_space<vmem>>) offsets(%dma_start3A_1190 : memref<64xi32, #tpu.memory_space<vmem>>) semaphore(%arg14 : memref<!tpu.dma_semaphore, #tpu.memory_space<semaphore_mem>>)
    %dma_start3A_1193 = arith.constant 448 : i32
    %dma_start3A_1194 = tpu.memref_slice %arg12[%dma_start3A_1193] : memref<640xf32, #tpu.memory_space<vmem>> -> memref<64xf32, #tpu.memory_space<vmem>>
    %dma_start3A_1195 = arith.constant 448 : i32
    %dma_start3A_1196 = tpu.memref_slice %arg10[%dma_start3A_1195] : memref<640xi32, #tpu.memory_space<vmem>> -> memref<64xi32, #tpu.memory_space<vmem>>
    %dma_start3A_1197 = arith.constant 0 : i32
    %dma_start3A_1198 = tpu.memref_slice %arg4[%dma_start3A_1197] : memref<65536xf32, #tpu.memory_space<hbm>> -> memref<65536xf32, #tpu.memory_space<hbm>>
    tpu.enqueue_indirect_dma source(%dma_start3A_1198 : memref<65536xf32, #tpu.memory_space<hbm>>) target(%dma_start3A_1194 : memref<64xf32, #tpu.memory_space<vmem>>) offsets(%dma_start3A_1196 : memref<64xi32, #tpu.memory_space<vmem>>) semaphore(%arg14 : memref<!tpu.dma_semaphore, #tpu.memory_space<semaphore_mem>>)
    %dma_wait3A_1199 = arith.constant 0 : i32
    %dma_wait3A_1200 = arith.constant 0 : i32
    %dma_wait3A_1201 = arith.constant 0 : i32
    %dma_wait3A_1202 = tpu.memref_slice %arg8[%dma_wait3A_1199, %dma_wait3A_1200, %dma_wait3A_1201] : memref<2x64x768xf32, #tpu.memory_space<vmem>> -> memref<1x64x768xf32, #tpu.memory_space<vmem>>
    %dma_wait3A_1203 = tpu.memref_squeeze %dma_wait3A_1202 : memref<1x64x768xf32, #tpu.memory_space<vmem>> -> memref<64x768xf32, #tpu.memory_space<vmem>>
    %dma_wait3A_1204 = arith.constant 384 : i32
    %dma_wait3A_1205 = tpu.memref_slice %arg7[%dma_wait3A_1204] : memref<640xi32, #tpu.memory_space<vmem>> -> memref<64xi32, #tpu.memory_space<vmem>>
    %dma_wait3A_1206 = arith.constant 0 : i32
    %dma_wait3A_1207 = arith.constant 0 : i32
    %dma_wait3A_1208 = tpu.memref_slice %arg2[%dma_wait3A_1206, %dma_wait3A_1207] : memref<32768x768xf32, #tpu.memory_space<hbm>> -> memref<32768x768xf32, #tpu.memory_space<hbm>>
    tpu.wait_indirect_dma semaphore(%arg13 : memref<!tpu.dma_semaphore, #tpu.memory_space<semaphore_mem>>) src(%dma_wait3A_1208 : memref<32768x768xf32, #tpu.memory_space<hbm>>) dst(%dma_wait3A_1203 : memref<64x768xf32, #tpu.memory_space<vmem>>)
    %dma_wait3A_1209 = arith.constant 384 : i32
    %dma_wait3A_1210 = tpu.memref_slice %arg11[%dma_wait3A_1209] : memref<640xf32, #tpu.memory_space<vmem>> -> memref<64xf32, #tpu.memory_space<vmem>>
    %dma_wait3A_1211 = arith.constant 384 : i32
    %dma_wait3A_1212 = tpu.memref_slice %arg9[%dma_wait3A_1211] : memref<640xi32, #tpu.memory_space<vmem>> -> memref<64xi32, #tpu.memory_space<vmem>>
    %dma_wait3A_1213 = arith.constant 0 : i32
    %dma_wait3A_1214 = tpu.memref_slice %arg4[%dma_wait3A_1213] : memref<65536xf32, #tpu.memory_space<hbm>> -> memref<65536xf32, #tpu.memory_space<hbm>>
    tpu.wait_indirect_dma semaphore(%arg13 : memref<!tpu.dma_semaphore, #tpu.memory_space<semaphore_mem>>) src(%dma_wait3A_1214 : memref<65536xf32, #tpu.memory_space<hbm>>) dst(%dma_wait3A_1210 : memref<64xf32, #tpu.memory_space<vmem>>)
    %dma_wait3A_1215 = arith.constant 384 : i32
    %dma_wait3A_1216 = tpu.memref_slice %arg12[%dma_wait3A_1215] : memref<640xf32, #tpu.memory_space<vmem>> -> memref<64xf32, #tpu.memory_space<vmem>>
    %dma_wait3A_1217 = arith.constant 384 : i32
    %dma_wait3A_1218 = tpu.memref_slice %arg10[%dma_wait3A_1217] : memref<640xi32, #tpu.memory_space<vmem>> -> memref<64xi32, #tpu.memory_space<vmem>>
    %dma_wait3A_1219 = arith.constant 0 : i32
    %dma_wait3A_1220 = tpu.memref_slice %arg4[%dma_wait3A_1219] : memref<65536xf32, #tpu.memory_space<hbm>> -> memref<65536xf32, #tpu.memory_space<hbm>>
    tpu.wait_indirect_dma semaphore(%arg13 : memref<!tpu.dma_semaphore, #tpu.memory_space<semaphore_mem>>) src(%dma_wait3A_1220 : memref<65536xf32, #tpu.memory_space<hbm>>) dst(%dma_wait3A_1216 : memref<64xf32, #tpu.memory_space<vmem>>)
    %add3A_1221 = arith.constant 384 : i32
    %add3A_1222 = arith.addi %mul3A_18, %add3A_1221 : i32
    %run_scoped3A_1223 = arith.constant 0 : i32
    "tpu.region"() ({
      %run_scoped3A_1355 = tpu.sem_alloc : memref<!tpu.dma_semaphore, #tpu.memory_space<semaphore_mem>>
      %dma_start3A_1356 = arith.constant 0 : i32
      %dma_start3A_1357 = arith.constant 0 : i32
      %dma_start3A_1358 = tpu.memref_slice %arg8[%run_scoped3A_1223, %dma_start3A_1356, %dma_start3A_1357] : memref<2x64x768xf32, #tpu.memory_space<vmem>> -> memref<1x64x768xf32, #tpu.memory_space<vmem>>
      %dma_start3A_1359 = tpu.memref_squeeze %dma_start3A_1358 : memref<1x64x768xf32, #tpu.memory_space<vmem>> -> memref<64x768xf32, #tpu.memory_space<vmem>>
      %dma_start3A_1360 = arith.constant 0 : i32
      %dma_start3A_1361 = tpu.memref_slice %arg5[%add3A_1222, %dma_start3A_1360] : memref<20480x768xf32, #tpu.memory_space<hbm>> -> memref<64x768xf32, #tpu.memory_space<hbm>>
      %dma_start3A_1362 = arith.constant 0 : i32
      %dma_start3A_1363 = tpu.memref_slice %arg5[%add3A_1222, %dma_start3A_1362] : memref<20480x768xf32, #tpu.memory_space<hbm>> -> memref<64x768xf32, #tpu.memory_space<hbm>>
      %dma_start3A_1364 = arith.constant 0 : i32
      %dma_start3A_1365 = arith.constant 0 : i32
      %dma_start3A_1366 = tpu.memref_slice %arg8[%run_scoped3A_1223, %dma_start3A_1364, %dma_start3A_1365] : memref<2x64x768xf32, #tpu.memory_space<vmem>> -> memref<1x64x768xf32, #tpu.memory_space<vmem>>
      %dma_start3A_1367 = tpu.memref_squeeze %dma_start3A_1366 : memref<1x64x768xf32, #tpu.memory_space<vmem>> -> memref<64x768xf32, #tpu.memory_space<vmem>>
      tpu.enqueue_dma source(%dma_start3A_1367 : memref<64x768xf32, #tpu.memory_space<vmem>>) target(%dma_start3A_1363 : memref<64x768xf32, #tpu.memory_space<hbm>>) target_semaphore(%run_scoped3A_1355 : memref<!tpu.dma_semaphore, #tpu.memory_space<semaphore_mem>>)
      %dma_wait3A_1368 = arith.constant 0 : i32
      %dma_wait3A_1369 = arith.constant 0 : i32
      %dma_wait3A_1370 = tpu.memref_slice %arg8[%run_scoped3A_1223, %dma_wait3A_1368, %dma_wait3A_1369] : memref<2x64x768xf32, #tpu.memory_space<vmem>> -> memref<1x64x768xf32, #tpu.memory_space<vmem>>
      %dma_wait3A_1371 = tpu.memref_squeeze %dma_wait3A_1370 : memref<1x64x768xf32, #tpu.memory_space<vmem>> -> memref<64x768xf32, #tpu.memory_space<vmem>>
      %dma_wait3A_1372 = arith.constant 0 : i32
      %dma_wait3A_1373 = tpu.memref_slice %arg5[%add3A_1222, %dma_wait3A_1372] : memref<20480x768xf32, #tpu.memory_space<hbm>> -> memref<64x768xf32, #tpu.memory_space<hbm>>
      %dma_wait3A_1374 = arith.constant 0 : i32
      %dma_wait3A_1375 = tpu.memref_slice %arg5[%add3A_1222, %dma_wait3A_1374] : memref<20480x768xf32, #tpu.memory_space<hbm>> -> memref<64x768xf32, #tpu.memory_space<hbm>>
      %dma_wait3A_1376 = arith.constant 0 : i32
      %dma_wait3A_1377 = arith.constant 0 : i32
      %dma_wait3A_1378 = tpu.memref_slice %arg8[%run_scoped3A_1223, %dma_wait3A_1376, %dma_wait3A_1377] : memref<2x64x768xf32, #tpu.memory_space<vmem>> -> memref<1x64x768xf32, #tpu.memory_space<vmem>>
      %dma_wait3A_1379 = tpu.memref_squeeze %dma_wait3A_1378 : memref<1x64x768xf32, #tpu.memory_space<vmem>> -> memref<64x768xf32, #tpu.memory_space<vmem>>
      tpu.wait_dma2 semaphore(%run_scoped3A_1355 : memref<!tpu.dma_semaphore, #tpu.memory_space<semaphore_mem>>) src(%dma_wait3A_1379 : memref<64x768xf32, #tpu.memory_space<vmem>>) dst(%dma_wait3A_1375 : memref<64x768xf32, #tpu.memory_space<hbm>>)
      tpu.yield
    }) : () -> ()
    %dma_start3A_1224 = arith.constant 0 : i32
    %dma_start3A_1225 = arith.constant 0 : i32
    %dma_start3A_1226 = arith.constant 0 : i32
    %dma_start3A_1227 = tpu.memref_slice %arg8[%dma_start3A_1224, %dma_start3A_1225, %dma_start3A_1226] : memref<2x64x768xf32, #tpu.memory_space<vmem>> -> memref<1x64x768xf32, #tpu.memory_space<vmem>>
    %dma_start3A_1228 = tpu.memref_squeeze %dma_start3A_1227 : memref<1x64x768xf32, #tpu.memory_space<vmem>> -> memref<64x768xf32, #tpu.memory_space<vmem>>
    %dma_start3A_1229 = arith.constant 512 : i32
    %dma_start3A_1230 = tpu.memref_slice %arg7[%dma_start3A_1229] : memref<640xi32, #tpu.memory_space<vmem>> -> memref<64xi32, #tpu.memory_space<vmem>>
    %dma_start3A_1231 = arith.constant 0 : i32
    %dma_start3A_1232 = arith.constant 0 : i32
    %dma_start3A_1233 = tpu.memref_slice %arg2[%dma_start3A_1231, %dma_start3A_1232] : memref<32768x768xf32, #tpu.memory_space<hbm>> -> memref<32768x768xf32, #tpu.memory_space<hbm>>
    tpu.enqueue_indirect_dma source(%dma_start3A_1233 : memref<32768x768xf32, #tpu.memory_space<hbm>>) target(%dma_start3A_1228 : memref<64x768xf32, #tpu.memory_space<vmem>>) offsets(%dma_start3A_1230 : memref<64xi32, #tpu.memory_space<vmem>>) semaphore(%arg13 : memref<!tpu.dma_semaphore, #tpu.memory_space<semaphore_mem>>)
    %dma_start3A_1234 = arith.constant 512 : i32
    %dma_start3A_1235 = tpu.memref_slice %arg11[%dma_start3A_1234] : memref<640xf32, #tpu.memory_space<vmem>> -> memref<64xf32, #tpu.memory_space<vmem>>
    %dma_start3A_1236 = arith.constant 512 : i32
    %dma_start3A_1237 = tpu.memref_slice %arg9[%dma_start3A_1236] : memref<640xi32, #tpu.memory_space<vmem>> -> memref<64xi32, #tpu.memory_space<vmem>>
    %dma_start3A_1238 = arith.constant 0 : i32
    %dma_start3A_1239 = tpu.memref_slice %arg4[%dma_start3A_1238] : memref<65536xf32, #tpu.memory_space<hbm>> -> memref<65536xf32, #tpu.memory_space<hbm>>
    tpu.enqueue_indirect_dma source(%dma_start3A_1239 : memref<65536xf32, #tpu.memory_space<hbm>>) target(%dma_start3A_1235 : memref<64xf32, #tpu.memory_space<vmem>>) offsets(%dma_start3A_1237 : memref<64xi32, #tpu.memory_space<vmem>>) semaphore(%arg13 : memref<!tpu.dma_semaphore, #tpu.memory_space<semaphore_mem>>)
    %dma_start3A_1240 = arith.constant 512 : i32
    %dma_start3A_1241 = tpu.memref_slice %arg12[%dma_start3A_1240] : memref<640xf32, #tpu.memory_space<vmem>> -> memref<64xf32, #tpu.memory_space<vmem>>
    %dma_start3A_1242 = arith.constant 512 : i32
    %dma_start3A_1243 = tpu.memref_slice %arg10[%dma_start3A_1242] : memref<640xi32, #tpu.memory_space<vmem>> -> memref<64xi32, #tpu.memory_space<vmem>>
    %dma_start3A_1244 = arith.constant 0 : i32
    %dma_start3A_1245 = tpu.memref_slice %arg4[%dma_start3A_1244] : memref<65536xf32, #tpu.memory_space<hbm>> -> memref<65536xf32, #tpu.memory_space<hbm>>
    tpu.enqueue_indirect_dma source(%dma_start3A_1245 : memref<65536xf32, #tpu.memory_space<hbm>>) target(%dma_start3A_1241 : memref<64xf32, #tpu.memory_space<vmem>>) offsets(%dma_start3A_1243 : memref<64xi32, #tpu.memory_space<vmem>>) semaphore(%arg13 : memref<!tpu.dma_semaphore, #tpu.memory_space<semaphore_mem>>)
    %dma_wait3A_1246 = arith.constant 1 : i32
    %dma_wait3A_1247 = arith.constant 0 : i32
    %dma_wait3A_1248 = arith.constant 0 : i32
    %dma_wait3A_1249 = tpu.memref_slice %arg8[%dma_wait3A_1246, %dma_wait3A_1247, %dma_wait3A_1248] : memref<2x64x768xf32, #tpu.memory_space<vmem>> -> memref<1x64x768xf32, #tpu.memory_space<vmem>>
    %dma_wait3A_1250 = tpu.memref_squeeze %dma_wait3A_1249 : memref<1x64x768xf32, #tpu.memory_space<vmem>> -> memref<64x768xf32, #tpu.memory_space<vmem>>
    %dma_wait3A_1251 = arith.constant 448 : i32
    %dma_wait3A_1252 = tpu.memref_slice %arg7[%dma_wait3A_1251] : memref<640xi32, #tpu.memory_space<vmem>> -> memref<64xi32, #tpu.memory_space<vmem>>
    %dma_wait3A_1253 = arith.constant 0 : i32
    %dma_wait3A_1254 = arith.constant 0 : i32
    %dma_wait3A_1255 = tpu.memref_slice %arg2[%dma_wait3A_1253, %dma_wait3A_1254] : memref<32768x768xf32, #tpu.memory_space<hbm>> -> memref<32768x768xf32, #tpu.memory_space<hbm>>
    tpu.wait_indirect_dma semaphore(%arg14 : memref<!tpu.dma_semaphore, #tpu.memory_space<semaphore_mem>>) src(%dma_wait3A_1255 : memref<32768x768xf32, #tpu.memory_space<hbm>>) dst(%dma_wait3A_1250 : memref<64x768xf32, #tpu.memory_space<vmem>>)
    %dma_wait3A_1256 = arith.constant 448 : i32
    %dma_wait3A_1257 = tpu.memref_slice %arg11[%dma_wait3A_1256] : memref<640xf32, #tpu.memory_space<vmem>> -> memref<64xf32, #tpu.memory_space<vmem>>
    %dma_wait3A_1258 = arith.constant 448 : i32
    %dma_wait3A_1259 = tpu.memref_slice %arg9[%dma_wait3A_1258] : memref<640xi32, #tpu.memory_space<vmem>> -> memref<64xi32, #tpu.memory_space<vmem>>
    %dma_wait3A_1260 = arith.constant 0 : i32
    %dma_wait3A_1261 = tpu.memref_slice %arg4[%dma_wait3A_1260] : memref<65536xf32, #tpu.memory_space<hbm>> -> memref<65536xf32, #tpu.memory_space<hbm>>
    tpu.wait_indirect_dma semaphore(%arg14 : memref<!tpu.dma_semaphore, #tpu.memory_space<semaphore_mem>>) src(%dma_wait3A_1261 : memref<65536xf32, #tpu.memory_space<hbm>>) dst(%dma_wait3A_1257 : memref<64xf32, #tpu.memory_space<vmem>>)
    %dma_wait3A_1262 = arith.constant 448 : i32
    %dma_wait3A_1263 = tpu.memref_slice %arg12[%dma_wait3A_1262] : memref<640xf32, #tpu.memory_space<vmem>> -> memref<64xf32, #tpu.memory_space<vmem>>
    %dma_wait3A_1264 = arith.constant 448 : i32
    %dma_wait3A_1265 = tpu.memref_slice %arg10[%dma_wait3A_1264] : memref<640xi32, #tpu.memory_space<vmem>> -> memref<64xi32, #tpu.memory_space<vmem>>
    %dma_wait3A_1266 = arith.constant 0 : i32
    %dma_wait3A_1267 = tpu.memref_slice %arg4[%dma_wait3A_1266] : memref<65536xf32, #tpu.memory_space<hbm>> -> memref<65536xf32, #tpu.memory_space<hbm>>
    tpu.wait_indirect_dma semaphore(%arg14 : memref<!tpu.dma_semaphore, #tpu.memory_space<semaphore_mem>>) src(%dma_wait3A_1267 : memref<65536xf32, #tpu.memory_space<hbm>>) dst(%dma_wait3A_1263 : memref<64xf32, #tpu.memory_space<vmem>>)
    %add3A_1268 = arith.constant 448 : i32
    %add3A_1269 = arith.addi %mul3A_18, %add3A_1268 : i32
    %run_scoped3A_1270 = arith.constant 1 : i32
    "tpu.region"() ({
      %run_scoped3A_1355 = tpu.sem_alloc : memref<!tpu.dma_semaphore, #tpu.memory_space<semaphore_mem>>
      %dma_start3A_1356 = arith.constant 0 : i32
      %dma_start3A_1357 = arith.constant 0 : i32
      %dma_start3A_1358 = tpu.memref_slice %arg8[%run_scoped3A_1270, %dma_start3A_1356, %dma_start3A_1357] : memref<2x64x768xf32, #tpu.memory_space<vmem>> -> memref<1x64x768xf32, #tpu.memory_space<vmem>>
      %dma_start3A_1359 = tpu.memref_squeeze %dma_start3A_1358 : memref<1x64x768xf32, #tpu.memory_space<vmem>> -> memref<64x768xf32, #tpu.memory_space<vmem>>
      %dma_start3A_1360 = arith.constant 0 : i32
      %dma_start3A_1361 = tpu.memref_slice %arg5[%add3A_1269, %dma_start3A_1360] : memref<20480x768xf32, #tpu.memory_space<hbm>> -> memref<64x768xf32, #tpu.memory_space<hbm>>
      %dma_start3A_1362 = arith.constant 0 : i32
      %dma_start3A_1363 = tpu.memref_slice %arg5[%add3A_1269, %dma_start3A_1362] : memref<20480x768xf32, #tpu.memory_space<hbm>> -> memref<64x768xf32, #tpu.memory_space<hbm>>
      %dma_start3A_1364 = arith.constant 0 : i32
      %dma_start3A_1365 = arith.constant 0 : i32
      %dma_start3A_1366 = tpu.memref_slice %arg8[%run_scoped3A_1270, %dma_start3A_1364, %dma_start3A_1365] : memref<2x64x768xf32, #tpu.memory_space<vmem>> -> memref<1x64x768xf32, #tpu.memory_space<vmem>>
      %dma_start3A_1367 = tpu.memref_squeeze %dma_start3A_1366 : memref<1x64x768xf32, #tpu.memory_space<vmem>> -> memref<64x768xf32, #tpu.memory_space<vmem>>
      tpu.enqueue_dma source(%dma_start3A_1367 : memref<64x768xf32, #tpu.memory_space<vmem>>) target(%dma_start3A_1363 : memref<64x768xf32, #tpu.memory_space<hbm>>) target_semaphore(%run_scoped3A_1355 : memref<!tpu.dma_semaphore, #tpu.memory_space<semaphore_mem>>)
      %dma_wait3A_1368 = arith.constant 0 : i32
      %dma_wait3A_1369 = arith.constant 0 : i32
      %dma_wait3A_1370 = tpu.memref_slice %arg8[%run_scoped3A_1270, %dma_wait3A_1368, %dma_wait3A_1369] : memref<2x64x768xf32, #tpu.memory_space<vmem>> -> memref<1x64x768xf32, #tpu.memory_space<vmem>>
      %dma_wait3A_1371 = tpu.memref_squeeze %dma_wait3A_1370 : memref<1x64x768xf32, #tpu.memory_space<vmem>> -> memref<64x768xf32, #tpu.memory_space<vmem>>
      %dma_wait3A_1372 = arith.constant 0 : i32
      %dma_wait3A_1373 = tpu.memref_slice %arg5[%add3A_1269, %dma_wait3A_1372] : memref<20480x768xf32, #tpu.memory_space<hbm>> -> memref<64x768xf32, #tpu.memory_space<hbm>>
      %dma_wait3A_1374 = arith.constant 0 : i32
      %dma_wait3A_1375 = tpu.memref_slice %arg5[%add3A_1269, %dma_wait3A_1374] : memref<20480x768xf32, #tpu.memory_space<hbm>> -> memref<64x768xf32, #tpu.memory_space<hbm>>
      %dma_wait3A_1376 = arith.constant 0 : i32
      %dma_wait3A_1377 = arith.constant 0 : i32
      %dma_wait3A_1378 = tpu.memref_slice %arg8[%run_scoped3A_1270, %dma_wait3A_1376, %dma_wait3A_1377] : memref<2x64x768xf32, #tpu.memory_space<vmem>> -> memref<1x64x768xf32, #tpu.memory_space<vmem>>
      %dma_wait3A_1379 = tpu.memref_squeeze %dma_wait3A_1378 : memref<1x64x768xf32, #tpu.memory_space<vmem>> -> memref<64x768xf32, #tpu.memory_space<vmem>>
      tpu.wait_dma2 semaphore(%run_scoped3A_1355 : memref<!tpu.dma_semaphore, #tpu.memory_space<semaphore_mem>>) src(%dma_wait3A_1379 : memref<64x768xf32, #tpu.memory_space<vmem>>) dst(%dma_wait3A_1375 : memref<64x768xf32, #tpu.memory_space<hbm>>)
      tpu.yield
    }) : () -> ()
    %dma_start3A_1271 = arith.constant 1 : i32
    %dma_start3A_1272 = arith.constant 0 : i32
    %dma_start3A_1273 = arith.constant 0 : i32
    %dma_start3A_1274 = tpu.memref_slice %arg8[%dma_start3A_1271, %dma_start3A_1272, %dma_start3A_1273] : memref<2x64x768xf32, #tpu.memory_space<vmem>> -> memref<1x64x768xf32, #tpu.memory_space<vmem>>
    %dma_start3A_1275 = tpu.memref_squeeze %dma_start3A_1274 : memref<1x64x768xf32, #tpu.memory_space<vmem>> -> memref<64x768xf32, #tpu.memory_space<vmem>>
    %dma_start3A_1276 = arith.constant 576 : i32
    %dma_start3A_1277 = tpu.memref_slice %arg7[%dma_start3A_1276] : memref<640xi32, #tpu.memory_space<vmem>> -> memref<64xi32, #tpu.memory_space<vmem>>
    %dma_start3A_1278 = arith.constant 0 : i32
    %dma_start3A_1279 = arith.constant 0 : i32
    %dma_start3A_1280 = tpu.memref_slice %arg2[%dma_start3A_1278, %dma_start3A_1279] : memref<32768x768xf32, #tpu.memory_space<hbm>> -> memref<32768x768xf32, #tpu.memory_space<hbm>>
    tpu.enqueue_indirect_dma source(%dma_start3A_1280 : memref<32768x768xf32, #tpu.memory_space<hbm>>) target(%dma_start3A_1275 : memref<64x768xf32, #tpu.memory_space<vmem>>) offsets(%dma_start3A_1277 : memref<64xi32, #tpu.memory_space<vmem>>) semaphore(%arg14 : memref<!tpu.dma_semaphore, #tpu.memory_space<semaphore_mem>>)
    %dma_start3A_1281 = arith.constant 576 : i32
    %dma_start3A_1282 = tpu.memref_slice %arg11[%dma_start3A_1281] : memref<640xf32, #tpu.memory_space<vmem>> -> memref<64xf32, #tpu.memory_space<vmem>>
    %dma_start3A_1283 = arith.constant 576 : i32
    %dma_start3A_1284 = tpu.memref_slice %arg9[%dma_start3A_1283] : memref<640xi32, #tpu.memory_space<vmem>> -> memref<64xi32, #tpu.memory_space<vmem>>
    %dma_start3A_1285 = arith.constant 0 : i32
    %dma_start3A_1286 = tpu.memref_slice %arg4[%dma_start3A_1285] : memref<65536xf32, #tpu.memory_space<hbm>> -> memref<65536xf32, #tpu.memory_space<hbm>>
    tpu.enqueue_indirect_dma source(%dma_start3A_1286 : memref<65536xf32, #tpu.memory_space<hbm>>) target(%dma_start3A_1282 : memref<64xf32, #tpu.memory_space<vmem>>) offsets(%dma_start3A_1284 : memref<64xi32, #tpu.memory_space<vmem>>) semaphore(%arg14 : memref<!tpu.dma_semaphore, #tpu.memory_space<semaphore_mem>>)
    %dma_start3A_1287 = arith.constant 576 : i32
    %dma_start3A_1288 = tpu.memref_slice %arg12[%dma_start3A_1287] : memref<640xf32, #tpu.memory_space<vmem>> -> memref<64xf32, #tpu.memory_space<vmem>>
    %dma_start3A_1289 = arith.constant 576 : i32
    %dma_start3A_1290 = tpu.memref_slice %arg10[%dma_start3A_1289] : memref<640xi32, #tpu.memory_space<vmem>> -> memref<64xi32, #tpu.memory_space<vmem>>
    %dma_start3A_1291 = arith.constant 0 : i32
    %dma_start3A_1292 = tpu.memref_slice %arg4[%dma_start3A_1291] : memref<65536xf32, #tpu.memory_space<hbm>> -> memref<65536xf32, #tpu.memory_space<hbm>>
    tpu.enqueue_indirect_dma source(%dma_start3A_1292 : memref<65536xf32, #tpu.memory_space<hbm>>) target(%dma_start3A_1288 : memref<64xf32, #tpu.memory_space<vmem>>) offsets(%dma_start3A_1290 : memref<64xi32, #tpu.memory_space<vmem>>) semaphore(%arg14 : memref<!tpu.dma_semaphore, #tpu.memory_space<semaphore_mem>>)
    %dma_wait3A_1293 = arith.constant 0 : i32
    %dma_wait3A_1294 = arith.constant 0 : i32
    %dma_wait3A_1295 = arith.constant 0 : i32
    %dma_wait3A_1296 = tpu.memref_slice %arg8[%dma_wait3A_1293, %dma_wait3A_1294, %dma_wait3A_1295] : memref<2x64x768xf32, #tpu.memory_space<vmem>> -> memref<1x64x768xf32, #tpu.memory_space<vmem>>
    %dma_wait3A_1297 = tpu.memref_squeeze %dma_wait3A_1296 : memref<1x64x768xf32, #tpu.memory_space<vmem>> -> memref<64x768xf32, #tpu.memory_space<vmem>>
    %dma_wait3A_1298 = arith.constant 512 : i32
    %dma_wait3A_1299 = tpu.memref_slice %arg7[%dma_wait3A_1298] : memref<640xi32, #tpu.memory_space<vmem>> -> memref<64xi32, #tpu.memory_space<vmem>>
    %dma_wait3A_1300 = arith.constant 0 : i32
    %dma_wait3A_1301 = arith.constant 0 : i32
    %dma_wait3A_1302 = tpu.memref_slice %arg2[%dma_wait3A_1300, %dma_wait3A_1301] : memref<32768x768xf32, #tpu.memory_space<hbm>> -> memref<32768x768xf32, #tpu.memory_space<hbm>>
    tpu.wait_indirect_dma semaphore(%arg13 : memref<!tpu.dma_semaphore, #tpu.memory_space<semaphore_mem>>) src(%dma_wait3A_1302 : memref<32768x768xf32, #tpu.memory_space<hbm>>) dst(%dma_wait3A_1297 : memref<64x768xf32, #tpu.memory_space<vmem>>)
    %dma_wait3A_1303 = arith.constant 512 : i32
    %dma_wait3A_1304 = tpu.memref_slice %arg11[%dma_wait3A_1303] : memref<640xf32, #tpu.memory_space<vmem>> -> memref<64xf32, #tpu.memory_space<vmem>>
    %dma_wait3A_1305 = arith.constant 512 : i32
    %dma_wait3A_1306 = tpu.memref_slice %arg9[%dma_wait3A_1305] : memref<640xi32, #tpu.memory_space<vmem>> -> memref<64xi32, #tpu.memory_space<vmem>>
    %dma_wait3A_1307 = arith.constant 0 : i32
    %dma_wait3A_1308 = tpu.memref_slice %arg4[%dma_wait3A_1307] : memref<65536xf32, #tpu.memory_space<hbm>> -> memref<65536xf32, #tpu.memory_space<hbm>>
    tpu.wait_indirect_dma semaphore(%arg13 : memref<!tpu.dma_semaphore, #tpu.memory_space<semaphore_mem>>) src(%dma_wait3A_1308 : memref<65536xf32, #tpu.memory_space<hbm>>) dst(%dma_wait3A_1304 : memref<64xf32, #tpu.memory_space<vmem>>)
    %dma_wait3A_1309 = arith.constant 512 : i32
    %dma_wait3A_1310 = tpu.memref_slice %arg12[%dma_wait3A_1309] : memref<640xf32, #tpu.memory_space<vmem>> -> memref<64xf32, #tpu.memory_space<vmem>>
    %dma_wait3A_1311 = arith.constant 512 : i32
    %dma_wait3A_1312 = tpu.memref_slice %arg10[%dma_wait3A_1311] : memref<640xi32, #tpu.memory_space<vmem>> -> memref<64xi32, #tpu.memory_space<vmem>>
    %dma_wait3A_1313 = arith.constant 0 : i32
    %dma_wait3A_1314 = tpu.memref_slice %arg4[%dma_wait3A_1313] : memref<65536xf32, #tpu.memory_space<hbm>> -> memref<65536xf32, #tpu.memory_space<hbm>>
    tpu.wait_indirect_dma semaphore(%arg13 : memref<!tpu.dma_semaphore, #tpu.memory_space<semaphore_mem>>) src(%dma_wait3A_1314 : memref<65536xf32, #tpu.memory_space<hbm>>) dst(%dma_wait3A_1310 : memref<64xf32, #tpu.memory_space<vmem>>)
    %add3A_1315 = arith.constant 512 : i32
    %add3A_1316 = arith.addi %mul3A_18, %add3A_1315 : i32
    %run_scoped3A_1317 = arith.constant 0 : i32
    "tpu.region"() ({
      %run_scoped3A_1355 = tpu.sem_alloc : memref<!tpu.dma_semaphore, #tpu.memory_space<semaphore_mem>>
      %dma_start3A_1356 = arith.constant 0 : i32
      %dma_start3A_1357 = arith.constant 0 : i32
      %dma_start3A_1358 = tpu.memref_slice %arg8[%run_scoped3A_1317, %dma_start3A_1356, %dma_start3A_1357] : memref<2x64x768xf32, #tpu.memory_space<vmem>> -> memref<1x64x768xf32, #tpu.memory_space<vmem>>
      %dma_start3A_1359 = tpu.memref_squeeze %dma_start3A_1358 : memref<1x64x768xf32, #tpu.memory_space<vmem>> -> memref<64x768xf32, #tpu.memory_space<vmem>>
      %dma_start3A_1360 = arith.constant 0 : i32
      %dma_start3A_1361 = tpu.memref_slice %arg5[%add3A_1316, %dma_start3A_1360] : memref<20480x768xf32, #tpu.memory_space<hbm>> -> memref<64x768xf32, #tpu.memory_space<hbm>>
      %dma_start3A_1362 = arith.constant 0 : i32
      %dma_start3A_1363 = tpu.memref_slice %arg5[%add3A_1316, %dma_start3A_1362] : memref<20480x768xf32, #tpu.memory_space<hbm>> -> memref<64x768xf32, #tpu.memory_space<hbm>>
      %dma_start3A_1364 = arith.constant 0 : i32
      %dma_start3A_1365 = arith.constant 0 : i32
      %dma_start3A_1366 = tpu.memref_slice %arg8[%run_scoped3A_1317, %dma_start3A_1364, %dma_start3A_1365] : memref<2x64x768xf32, #tpu.memory_space<vmem>> -> memref<1x64x768xf32, #tpu.memory_space<vmem>>
      %dma_start3A_1367 = tpu.memref_squeeze %dma_start3A_1366 : memref<1x64x768xf32, #tpu.memory_space<vmem>> -> memref<64x768xf32, #tpu.memory_space<vmem>>
      tpu.enqueue_dma source(%dma_start3A_1367 : memref<64x768xf32, #tpu.memory_space<vmem>>) target(%dma_start3A_1363 : memref<64x768xf32, #tpu.memory_space<hbm>>) target_semaphore(%run_scoped3A_1355 : memref<!tpu.dma_semaphore, #tpu.memory_space<semaphore_mem>>)
      %dma_wait3A_1368 = arith.constant 0 : i32
      %dma_wait3A_1369 = arith.constant 0 : i32
      %dma_wait3A_1370 = tpu.memref_slice %arg8[%run_scoped3A_1317, %dma_wait3A_1368, %dma_wait3A_1369] : memref<2x64x768xf32, #tpu.memory_space<vmem>> -> memref<1x64x768xf32, #tpu.memory_space<vmem>>
      %dma_wait3A_1371 = tpu.memref_squeeze %dma_wait3A_1370 : memref<1x64x768xf32, #tpu.memory_space<vmem>> -> memref<64x768xf32, #tpu.memory_space<vmem>>
      %dma_wait3A_1372 = arith.constant 0 : i32
      %dma_wait3A_1373 = tpu.memref_slice %arg5[%add3A_1316, %dma_wait3A_1372] : memref<20480x768xf32, #tpu.memory_space<hbm>> -> memref<64x768xf32, #tpu.memory_space<hbm>>
      %dma_wait3A_1374 = arith.constant 0 : i32
      %dma_wait3A_1375 = tpu.memref_slice %arg5[%add3A_1316, %dma_wait3A_1374] : memref<20480x768xf32, #tpu.memory_space<hbm>> -> memref<64x768xf32, #tpu.memory_space<hbm>>
      %dma_wait3A_1376 = arith.constant 0 : i32
      %dma_wait3A_1377 = arith.constant 0 : i32
      %dma_wait3A_1378 = tpu.memref_slice %arg8[%run_scoped3A_1317, %dma_wait3A_1376, %dma_wait3A_1377] : memref<2x64x768xf32, #tpu.memory_space<vmem>> -> memref<1x64x768xf32, #tpu.memory_space<vmem>>
      %dma_wait3A_1379 = tpu.memref_squeeze %dma_wait3A_1378 : memref<1x64x768xf32, #tpu.memory_space<vmem>> -> memref<64x768xf32, #tpu.memory_space<vmem>>
      tpu.wait_dma2 semaphore(%run_scoped3A_1355 : memref<!tpu.dma_semaphore, #tpu.memory_space<semaphore_mem>>) src(%dma_wait3A_1379 : memref<64x768xf32, #tpu.memory_space<vmem>>) dst(%dma_wait3A_1375 : memref<64x768xf32, #tpu.memory_space<hbm>>)
      tpu.yield
    }) : () -> ()
    %dma_wait3A_1318 = arith.constant 1 : i32
    %dma_wait3A_1319 = arith.constant 0 : i32
    %dma_wait3A_1320 = arith.constant 0 : i32
    %dma_wait3A_1321 = tpu.memref_slice %arg8[%dma_wait3A_1318, %dma_wait3A_1319, %dma_wait3A_1320] : memref<2x64x768xf32, #tpu.memory_space<vmem>> -> memref<1x64x768xf32, #tpu.memory_space<vmem>>
    %dma_wait3A_1322 = tpu.memref_squeeze %dma_wait3A_1321 : memref<1x64x768xf32, #tpu.memory_space<vmem>> -> memref<64x768xf32, #tpu.memory_space<vmem>>
    %dma_wait3A_1323 = arith.constant 576 : i32
    %dma_wait3A_1324 = tpu.memref_slice %arg7[%dma_wait3A_1323] : memref<640xi32, #tpu.memory_space<vmem>> -> memref<64xi32, #tpu.memory_space<vmem>>
    %dma_wait3A_1325 = arith.constant 0 : i32
    %dma_wait3A_1326 = arith.constant 0 : i32
    %dma_wait3A_1327 = tpu.memref_slice %arg2[%dma_wait3A_1325, %dma_wait3A_1326] : memref<32768x768xf32, #tpu.memory_space<hbm>> -> memref<32768x768xf32, #tpu.memory_space<hbm>>
    tpu.wait_indirect_dma semaphore(%arg14 : memref<!tpu.dma_semaphore, #tpu.memory_space<semaphore_mem>>) src(%dma_wait3A_1327 : memref<32768x768xf32, #tpu.memory_space<hbm>>) dst(%dma_wait3A_1322 : memref<64x768xf32, #tpu.memory_space<vmem>>)
    %dma_wait3A_1328 = arith.constant 576 : i32
    %dma_wait3A_1329 = tpu.memref_slice %arg11[%dma_wait3A_1328] : memref<640xf32, #tpu.memory_space<vmem>> -> memref<64xf32, #tpu.memory_space<vmem>>
    %dma_wait3A_1330 = arith.constant 576 : i32
    %dma_wait3A_1331 = tpu.memref_slice %arg9[%dma_wait3A_1330] : memref<640xi32, #tpu.memory_space<vmem>> -> memref<64xi32, #tpu.memory_space<vmem>>
    %dma_wait3A_1332 = arith.constant 0 : i32
    %dma_wait3A_1333 = tpu.memref_slice %arg4[%dma_wait3A_1332] : memref<65536xf32, #tpu.memory_space<hbm>> -> memref<65536xf32, #tpu.memory_space<hbm>>
    tpu.wait_indirect_dma semaphore(%arg14 : memref<!tpu.dma_semaphore, #tpu.memory_space<semaphore_mem>>) src(%dma_wait3A_1333 : memref<65536xf32, #tpu.memory_space<hbm>>) dst(%dma_wait3A_1329 : memref<64xf32, #tpu.memory_space<vmem>>)
    %dma_wait3A_1334 = arith.constant 576 : i32
    %dma_wait3A_1335 = tpu.memref_slice %arg12[%dma_wait3A_1334] : memref<640xf32, #tpu.memory_space<vmem>> -> memref<64xf32, #tpu.memory_space<vmem>>
    %dma_wait3A_1336 = arith.constant 576 : i32
    %dma_wait3A_1337 = tpu.memref_slice %arg10[%dma_wait3A_1336] : memref<640xi32, #tpu.memory_space<vmem>> -> memref<64xi32, #tpu.memory_space<vmem>>
    %dma_wait3A_1338 = arith.constant 0 : i32
    %dma_wait3A_1339 = tpu.memref_slice %arg4[%dma_wait3A_1338] : memref<65536xf32, #tpu.memory_space<hbm>> -> memref<65536xf32, #tpu.memory_space<hbm>>
    tpu.wait_indirect_dma semaphore(%arg14 : memref<!tpu.dma_semaphore, #tpu.memory_space<semaphore_mem>>) src(%dma_wait3A_1339 : memref<65536xf32, #tpu.memory_space<hbm>>) dst(%dma_wait3A_1335 : memref<64xf32, #tpu.memory_space<vmem>>)
    %add3A_1340 = arith.constant 576 : i32
    %add3A_1341 = arith.addi %mul3A_18, %add3A_1340 : i32
    %run_scoped3A_1342 = arith.constant 1 : i32
    "tpu.region"() ({
      %run_scoped3A_1355 = tpu.sem_alloc : memref<!tpu.dma_semaphore, #tpu.memory_space<semaphore_mem>>
      %dma_start3A_1356 = arith.constant 0 : i32
      %dma_start3A_1357 = arith.constant 0 : i32
      %dma_start3A_1358 = tpu.memref_slice %arg8[%run_scoped3A_1342, %dma_start3A_1356, %dma_start3A_1357] : memref<2x64x768xf32, #tpu.memory_space<vmem>> -> memref<1x64x768xf32, #tpu.memory_space<vmem>>
      %dma_start3A_1359 = tpu.memref_squeeze %dma_start3A_1358 : memref<1x64x768xf32, #tpu.memory_space<vmem>> -> memref<64x768xf32, #tpu.memory_space<vmem>>
      %dma_start3A_1360 = arith.constant 0 : i32
      %dma_start3A_1361 = tpu.memref_slice %arg5[%add3A_1341, %dma_start3A_1360] : memref<20480x768xf32, #tpu.memory_space<hbm>> -> memref<64x768xf32, #tpu.memory_space<hbm>>
      %dma_start3A_1362 = arith.constant 0 : i32
      %dma_start3A_1363 = tpu.memref_slice %arg5[%add3A_1341, %dma_start3A_1362] : memref<20480x768xf32, #tpu.memory_space<hbm>> -> memref<64x768xf32, #tpu.memory_space<hbm>>
      %dma_start3A_1364 = arith.constant 0 : i32
      %dma_start3A_1365 = arith.constant 0 : i32
      %dma_start3A_1366 = tpu.memref_slice %arg8[%run_scoped3A_1342, %dma_start3A_1364, %dma_start3A_1365] : memref<2x64x768xf32, #tpu.memory_space<vmem>> -> memref<1x64x768xf32, #tpu.memory_space<vmem>>
      %dma_start3A_1367 = tpu.memref_squeeze %dma_start3A_1366 : memref<1x64x768xf32, #tpu.memory_space<vmem>> -> memref<64x768xf32, #tpu.memory_space<vmem>>
      tpu.enqueue_dma source(%dma_start3A_1367 : memref<64x768xf32, #tpu.memory_space<vmem>>) target(%dma_start3A_1363 : memref<64x768xf32, #tpu.memory_space<hbm>>) target_semaphore(%run_scoped3A_1355 : memref<!tpu.dma_semaphore, #tpu.memory_space<semaphore_mem>>)
      %dma_wait3A_1368 = arith.constant 0 : i32
      %dma_wait3A_1369 = arith.constant 0 : i32
      %dma_wait3A_1370 = tpu.memref_slice %arg8[%run_scoped3A_1342, %dma_wait3A_1368, %dma_wait3A_1369] : memref<2x64x768xf32, #tpu.memory_space<vmem>> -> memref<1x64x768xf32, #tpu.memory_space<vmem>>
      %dma_wait3A_1371 = tpu.memref_squeeze %dma_wait3A_1370 : memref<1x64x768xf32, #tpu.memory_space<vmem>> -> memref<64x768xf32, #tpu.memory_space<vmem>>
      %dma_wait3A_1372 = arith.constant 0 : i32
      %dma_wait3A_1373 = tpu.memref_slice %arg5[%add3A_1341, %dma_wait3A_1372] : memref<20480x768xf32, #tpu.memory_space<hbm>> -> memref<64x768xf32, #tpu.memory_space<hbm>>
      %dma_wait3A_1374 = arith.constant 0 : i32
      %dma_wait3A_1375 = tpu.memref_slice %arg5[%add3A_1341, %dma_wait3A_1374] : memref<20480x768xf32, #tpu.memory_space<hbm>> -> memref<64x768xf32, #tpu.memory_space<hbm>>
      %dma_wait3A_1376 = arith.constant 0 : i32
      %dma_wait3A_1377 = arith.constant 0 : i32
      %dma_wait3A_1378 = tpu.memref_slice %arg8[%run_scoped3A_1342, %dma_wait3A_1376, %dma_wait3A_1377] : memref<2x64x768xf32, #tpu.memory_space<vmem>> -> memref<1x64x768xf32, #tpu.memory_space<vmem>>
      %dma_wait3A_1379 = tpu.memref_squeeze %dma_wait3A_1378 : memref<1x64x768xf32, #tpu.memory_space<vmem>> -> memref<64x768xf32, #tpu.memory_space<vmem>>
      tpu.wait_dma2 semaphore(%run_scoped3A_1355 : memref<!tpu.dma_semaphore, #tpu.memory_space<semaphore_mem>>) src(%dma_wait3A_1379 : memref<64x768xf32, #tpu.memory_space<vmem>>) dst(%dma_wait3A_1375 : memref<64x768xf32, #tpu.memory_space<hbm>>)
      tpu.yield
    }) : () -> ()
    %mul3A_1343 = arith.constant 2 : i32
    %mul3A_1344 = arith.muli %select_n3A, %mul3A_1343 : i32
    %mul3A_1345 = arith.constant 5120 : i32
    %mul3A_1346 = arith.muli %mul3A_1344, %mul3A_1345 : i32
    %add3A_1347 = arith.addi %mul3A_1346, %mul3A_34 : i32
    "tpu.region"() ({
      %run_scoped3A_1355 = tpu.sem_alloc : memref<!tpu.dma_semaphore, #tpu.memory_space<semaphore_mem>>
      %dma_start3A_1356 = tpu.memref_slice %arg6[%add3A_1347] : memref<40960xf32, #tpu.memory_space<hbm>> -> memref<640xf32, #tpu.memory_space<hbm>>
      %dma_start3A_1357 = tpu.memref_slice %arg6[%add3A_1347] : memref<40960xf32, #tpu.memory_space<hbm>> -> memref<640xf32, #tpu.memory_space<hbm>>
      tpu.enqueue_dma source(%arg11 : memref<640xf32, #tpu.memory_space<vmem>>) target(%dma_start3A_1357 : memref<640xf32, #tpu.memory_space<hbm>>) target_semaphore(%run_scoped3A_1355 : memref<!tpu.dma_semaphore, #tpu.memory_space<semaphore_mem>>)
      %dma_wait3A_1358 = tpu.memref_slice %arg6[%add3A_1347] : memref<40960xf32, #tpu.memory_space<hbm>> -> memref<640xf32, #tpu.memory_space<hbm>>
      %dma_wait3A_1359 = tpu.memref_slice %arg6[%add3A_1347] : memref<40960xf32, #tpu.memory_space<hbm>> -> memref<640xf32, #tpu.memory_space<hbm>>
      tpu.wait_dma2 semaphore(%run_scoped3A_1355 : memref<!tpu.dma_semaphore, #tpu.memory_space<semaphore_mem>>) src(%arg11 : memref<640xf32, #tpu.memory_space<vmem>>) dst(%dma_wait3A_1359 : memref<640xf32, #tpu.memory_space<hbm>>)
      tpu.yield
    }) : () -> ()
    %mul3A_1348 = arith.constant 2 : i32
    %mul3A_1349 = arith.muli %select_n3A, %mul3A_1348 : i32
    %add3A_1350 = arith.constant 1 : i32
    %add3A_1351 = arith.addi %mul3A_1349, %add3A_1350 : i32
    %mul3A_1352 = arith.constant 5120 : i32
    %mul3A_1353 = arith.muli %add3A_1351, %mul3A_1352 : i32
    %add3A_1354 = arith.addi %mul3A_1353, %mul3A_34 : i32
    "tpu.region"() ({
      %run_scoped3A_1355 = tpu.sem_alloc : memref<!tpu.dma_semaphore, #tpu.memory_space<semaphore_mem>>
      %dma_start3A_1356 = tpu.memref_slice %arg6[%add3A_1354] : memref<40960xf32, #tpu.memory_space<hbm>> -> memref<640xf32, #tpu.memory_space<hbm>>
      %dma_start3A_1357 = tpu.memref_slice %arg6[%add3A_1354] : memref<40960xf32, #tpu.memory_space<hbm>> -> memref<640xf32, #tpu.memory_space<hbm>>
      tpu.enqueue_dma source(%arg12 : memref<640xf32, #tpu.memory_space<vmem>>) target(%dma_start3A_1357 : memref<640xf32, #tpu.memory_space<hbm>>) target_semaphore(%run_scoped3A_1355 : memref<!tpu.dma_semaphore, #tpu.memory_space<semaphore_mem>>)
      %dma_wait3A_1358 = tpu.memref_slice %arg6[%add3A_1354] : memref<40960xf32, #tpu.memory_space<hbm>> -> memref<640xf32, #tpu.memory_space<hbm>>
      %dma_wait3A_1359 = tpu.memref_slice %arg6[%add3A_1354] : memref<40960xf32, #tpu.memory_space<hbm>> -> memref<640xf32, #tpu.memory_space<hbm>>
      tpu.wait_dma2 semaphore(%run_scoped3A_1355 : memref<!tpu.dma_semaphore, #tpu.memory_space<semaphore_mem>>) src(%arg12 : memref<640xf32, #tpu.memory_space<vmem>>) dst(%dma_wait3A_1359 : memref<640xf32, #tpu.memory_space<hbm>>)
      tpu.yield
    }) : () -> ()
    return
  }
}

module attributes {stable_mosaic.version = 14 : i64} {
  func.func @_sort_kernel(%arg0: memref<4x64x128xf32, #tpu.memory_space<vmem>>, %arg1: memref<4x64x128xi32, #tpu.memory_space<vmem>>) attributes {dimension_semantics = [], scalar_prefetch = 0 : i64, scratch_operands = 0 : i64, tpu.core_type = #tpu.core_type<tc>} {
    %get3A = arith.constant 0 : index
    %get3A_0 = arith.constant 0 : index
    %get3A_1 = arith.constant 0 : index
    %get3A_2 = vector.load %arg0[%get3A, %get3A_0, %get3A_1] : memref<4x64x128xf32, #tpu.memory_space<vmem>>, vector<4x64x128xf32>
    %bitcast_convert_type3A = tpu.bitcast %get3A_2 : vector<4x64x128xf32> -> vector<4x64x128xi32>
    %iota3A = tpu.iota {dimensions = array<i32: 1>} : vector<4x64x128xi32>
    %iota3A_3 = tpu.iota {dimensions = array<i32: 2>} : vector<4x64x128xi32>
    %mul3A = arith.constant 128 : i32
    %mul3A_4 = vector.broadcast %mul3A : i32 to vector<4x64x128xi32>
    %mul3A_5 = arith.muli %iota3A, %mul3A_4 : vector<4x64x128xi32>
    %add3A = arith.addi %mul3A_5, %iota3A_3 : vector<4x64x128xi32>
    %scan3A = arith.constant 2 : i32
    %scan3A_6 = arith.constant 1 : i32
    %scan3A_7 = arith.constant 0 : i32
    %scan3A_8 = arith.constant 91 : i32
    %scan3A_9 = arith.addi %scan3A_7, %scan3A_8 : i32
    %scan3A_10 = arith.constant 1 : i32
    %scan3A_11:4 = scf.for %scan3A_20 = %scan3A_7 to %scan3A_9 step %scan3A_10 iter_args(%scan3A_21 = %bitcast_convert_type3A, %scan3A_22 = %add3A, %scan3A_23 = %scan3A, %scan3A_24 = %scan3A_6) -> (vector<4x64x128xi32>, vector<4x64x128xi32>, i32, i32)  : i32 {
      %and3A = vector.broadcast %scan3A_24 : i32 to vector<4x64x128xi32>
      %and3A_25 = arith.andi %add3A, %and3A : vector<4x64x128xi32>
      %eq3A = arith.constant 0 : i32
      %eq3A_26 = vector.broadcast %eq3A : i32 to vector<4x64x128xi32>
      %eq3A_27 = arith.cmpi eq, %and3A_25, %eq3A_26 : vector<4x64x128xi32>
      %and3A_28 = vector.broadcast %scan3A_23 : i32 to vector<4x64x128xi32>
      %and3A_29 = arith.andi %add3A, %and3A_28 : vector<4x64x128xi32>
      %eq3A_30 = arith.constant 0 : i32
      %eq3A_31 = vector.broadcast %eq3A_30 : i32 to vector<4x64x128xi32>
      %eq3A_32 = arith.cmpi eq, %and3A_29, %eq3A_31 : vector<4x64x128xi32>
      %lt3A = arith.constant 128 : i32
      %lt3A_33 = arith.cmpi slt, %scan3A_24, %lt3A : i32
      %convert_element_type3A = arith.extui %lt3A_33 : i1 to i32
      %cond3A = arith.constant 0 : i32
      %cond3A_34 = arith.cmpi ne, %convert_element_type3A, %cond3A : i32
      %cond3A_35:2 = scf.if %cond3A_34 -> (vector<4x64x128xi32>, vector<4x64x128xi32>) {
        %sub3A = arith.constant 128 : i32
        %sub3A_48 = arith.subi %sub3A, %scan3A_24 : i32
        %roll3A = tpu.dynamic_rotate %scan3A_21 by %sub3A_48 dim 2 : vector<4x64x128xi32>, i32 -> vector<4x64x128xi32>
        %roll3A_49 = tpu.dynamic_rotate %scan3A_21 by %scan3A_24 dim 2 : vector<4x64x128xi32>, i32 -> vector<4x64x128xi32>
        %select_n3A_50 = arith.select %eq3A_27, %roll3A, %roll3A_49 : vector<4x64x128xi1>, vector<4x64x128xi32>
        %sub3A_51 = arith.constant 128 : i32
        %sub3A_52 = arith.subi %sub3A_51, %scan3A_24 : i32
        %roll3A_53 = tpu.dynamic_rotate %scan3A_22 by %sub3A_52 dim 2 : vector<4x64x128xi32>, i32 -> vector<4x64x128xi32>
        %roll3A_54 = tpu.dynamic_rotate %scan3A_22 by %scan3A_24 dim 2 : vector<4x64x128xi32>, i32 -> vector<4x64x128xi32>
        %select_n3A_55 = arith.select %eq3A_27, %roll3A_53, %roll3A_54 : vector<4x64x128xi1>, vector<4x64x128xi32>
        scf.yield %select_n3A_50, %select_n3A_55 : vector<4x64x128xi32>, vector<4x64x128xi32>
      } else {
        %shift_right_logical3A_48 = arith.constant 7 : i32
        %shift_right_logical3A_49 = arith.shrui %scan3A_24, %shift_right_logical3A_48 : i32
        %sub3A = arith.constant 64 : i32
        %sub3A_50 = arith.subi %sub3A, %shift_right_logical3A_49 : i32
        %roll3A = tpu.dynamic_rotate %scan3A_21 by %sub3A_50 dim 1 : vector<4x64x128xi32>, i32 -> vector<4x64x128xi32>
        %roll3A_51 = tpu.dynamic_rotate %scan3A_21 by %shift_right_logical3A_49 dim 1 : vector<4x64x128xi32>, i32 -> vector<4x64x128xi32>
        %select_n3A_52 = arith.select %eq3A_27, %roll3A, %roll3A_51 : vector<4x64x128xi1>, vector<4x64x128xi32>
        %sub3A_53 = arith.constant 64 : i32
        %sub3A_54 = arith.subi %sub3A_53, %shift_right_logical3A_49 : i32
        %roll3A_55 = tpu.dynamic_rotate %scan3A_22 by %sub3A_54 dim 1 : vector<4x64x128xi32>, i32 -> vector<4x64x128xi32>
        %roll3A_56 = tpu.dynamic_rotate %scan3A_22 by %shift_right_logical3A_49 dim 1 : vector<4x64x128xi32>, i32 -> vector<4x64x128xi32>
        %select_n3A_57 = arith.select %eq3A_27, %roll3A_55, %roll3A_56 : vector<4x64x128xi1>, vector<4x64x128xi32>
        scf.yield %select_n3A_52, %select_n3A_57 : vector<4x64x128xi32>, vector<4x64x128xi32>
      }
      %gt3A = arith.cmpi sgt, %cond3A_35#0, %scan3A_21 : vector<4x64x128xi32>
      %eq3A_36 = arith.cmpi eq, %cond3A_35#0, %scan3A_21 : vector<4x64x128xi32>
      %lt3A_37 = arith.cmpi slt, %cond3A_35#1, %scan3A_22 : vector<4x64x128xi32>
      %and3A_38 = arith.andi %eq3A_36, %lt3A_37 : vector<4x64x128xi1>
      %or3A = arith.ori %gt3A, %and3A_38 : vector<4x64x128xi1>
      %ne3A = arith.xori %eq3A_27, %eq3A_32 : vector<4x64x128xi1>
      %xor3A = arith.xori %or3A, %ne3A : vector<4x64x128xi1>
      %select_n3A = arith.select %xor3A, %cond3A_35#0, %scan3A_21 : vector<4x64x128xi1>, vector<4x64x128xi32>
      %select_n3A_39 = arith.select %xor3A, %cond3A_35#1, %scan3A_22 : vector<4x64x128xi1>, vector<4x64x128xi32>
      %shift_right_logical3A = arith.constant 1 : i32
      %shift_right_logical3A_40 = arith.shrui %scan3A_24, %shift_right_logical3A : i32
      %eq3A_41 = arith.constant 0 : i32
      %eq3A_42 = arith.cmpi eq, %shift_right_logical3A_40, %eq3A_41 : i32
      %shift_left3A = arith.constant 1 : i32
      %shift_left3A_43 = arith.shli %scan3A_23, %shift_left3A : i32
      %select_n3A_44 = arith.select %eq3A_42, %shift_left3A_43, %scan3A_23 : i32
      %shift_right_logical3A_45 = arith.constant 1 : i32
      %shift_right_logical3A_46 = arith.shrui %select_n3A_44, %shift_right_logical3A_45 : i32
      %select_n3A_47 = arith.select %eq3A_42, %shift_right_logical3A_46, %shift_right_logical3A_40 : i32
      scf.yield %select_n3A, %select_n3A_39, %select_n3A_44, %select_n3A_47 : vector<4x64x128xi32>, vector<4x64x128xi32>, i32, i32
    }
    %iota3A_12 = tpu.iota {dimensions = array<i32: 0>} : vector<4x64x128xi32>
    %mul3A_13 = arith.constant 8192 : i32
    %mul3A_14 = vector.broadcast %mul3A_13 : i32 to vector<4x64x128xi32>
    %mul3A_15 = arith.muli %iota3A_12, %mul3A_14 : vector<4x64x128xi32>
    %add3A_16 = arith.addi %scan3A_11#1, %mul3A_15 : vector<4x64x128xi32>
    %swap3A = arith.constant 0 : index
    %swap3A_17 = arith.constant 0 : index
    %swap3A_18 = arith.constant 0 : index
    %swap3A_19 = vector.load %arg1[%swap3A, %swap3A_17, %swap3A_18] : memref<4x64x128xi32, #tpu.memory_space<vmem>>, vector<4x64x128xi32>
    tpu.vector_store %arg1[%swap3A, %swap3A_17, %swap3A_18], %add3A_16 {strides = array<i32>} : memref<4x64x128xi32, #tpu.memory_space<vmem>>, vector<4x64x128xi32>,
    return
  }
}

</mosaic_0001>

<sc_bundles>
// kernel: kernel.4.cloned.1.call-start
scs
__scs_entry_jumppad:
0x0: {  	(pc) =	sbr.rel $0x88, $3  }
0x1: {  	(tag) =	ssettag $0x0;
	lr =	simm.s32 $0x1  }
0x2: {  	[smem:$0x3F94] =	sst lr;
	_ =	strace $0xD0000000  }
0x3: {  	_ = 	snop  }
0x4: {  	_ = 	snop  }
0x5: {  	_ = 	snop  }
0x6: {  	_ = 	snop  }
0x7: {  	_ = 	snop  }
__scs_overlays_trampoline_lowered:
0x8: {  	[smem:$0x3FA3] =	sst s0  }
0x9: {  	[smem:$0x3FA4] =	sst s1  }
0xa: {  	[smem:$0x3FA5] =	sst s2  }
0xb: {  	[smem:$0x3FA6] =	sst s3  }
0xc: {  	[smem:$0x3FA7] =	sst s4  }
0xd: {  	[smem:$0x3FA8] =	sst s5  }
0xe: {  	[smem:$0x3FA9] =	sst s6  }
0xf: {  	[smem:$0x3FAA] =	sst s7  }
0x10: {  	[smem:$0x3FAB] =	sst s8  }
0x11: {  	[smem:$0x3FAC] =	sst s9;
	s0 =	simm.s32 @!p0 $0x0  }
0x12: {  	s1 =	sld [smem:$0x3F92];
	s0 =	simm.s32 @p0 $0x1  }
0x13: {  	[smem:$0x3FAD] =	sst s0;
	s0 =	simm.s32 @!p1 $0x0  }
0x14: {  	s2 =	sld [smem:$0x3F91];
	s0 =	simm.s32 @p1 $0x1  }
0x15: {  	[smem:$0x3FAE] =	sst s0;
	s0 =	simm.s32 @!p2 $0x0  }
0x16: {  	s3 =	sld [smem:$0x3FDB];
	s0 =	simm.s32 @p2 $0x1  }
0x17: {  	s4 =	simm.s32 $0x1BF5;
	[smem:$0x3FB0] =	sst s0  }
0x18: {  	s0 =	sld [smem:$0x3F93];
	_ =	swait.ge [sflag:s4], $0x0  }
0x19: {  	s7 =	sld [smem:$0x3F94]  }
0x1a: {  	s8 =	sadd.s32 $0xFFFFE003, lr  }
0x1b: {  	s9 =	sadd.s32 $0xFFFFFEF7, lr;
	s5 =	simm.s32 $0xFFFFFFFF;
	p2 =	slt.u32 s8, $0xFFFFF086  }
0x1c: {  	p1 =	slt.u32 s9, $0xF7A;
	s5 =	simm.s32 @!p2 $0x0  }
0x1d: {  	s5 =	simm.s32 @p1 $0x1;
	p0 =	seq.s32 s7, s2  }
0x1e: {  	s7 =	smul.u32 @!p0 $0xF7A, s2;
	p2 =	seq.s32 @!p0 s5, $0x0  }
0x1f: {  	s9 =	smul.u32 $0xF7A, s1;
	s8 =	simm.s32 @!p0 $0x1BF5;
	p2 =	por !p2, p0  }
0x20: {  	[sflag:s8] =	ssyncset.s32 @!p0 $0xFFFFF086;
	s6 =	sadd.s32 @!p0 s3, s7;
	s7 =	simm.s32 @!p0 $0x108  }
0x21: {  	s3 =	sadd.s32 s3, s9;
	s6 =	sadd.s32 @!p0 $0x88, s6;
	s7 =	simm.s32 @p2 $0x1082  }
0x22: {  	[simem:s7], [sflag:s8] =	dma.local @!p0 [hbm:s6], $0xF7A  }
0x23: {  	s9 =	sor.u32 $0xD0000000, s2;
	s6 =	simm.s32 $0x108;
	_ =	swait.ge @!p0 [sflag:s8], $0x0  }
0x24: {  	s3 =	sadd.s32 $0x88, s3;
	s6 =	simm.s32 @!p1 $0x1082;
	[sflag:s4] =	ssyncset.s32 $0xFFFFF086  }
0x25: {  	[simem:s6], [sflag:s4] =	dma.local [hbm:s3], $0xF7A  }
0x26: {  	[smem:$0x3F94] =	sst s1;
	(tag) =	ssettag s2;
	_ =	strace s9  }
0x27: {  	s1 =	sld [smem:$0x3FA4]  }
0x28: {  	s2 =	sld [smem:$0x3FA5]  }
0x29: {  	s4 =	sld [smem:$0x3FA7]  }
0x2a: {  	p0 =	seq.s32 s5, $0x0;
	s5 =	sld [smem:$0x3FA8]  }
0x2b: {  	s6 =	sld [smem:$0x3FA9]  }
0x2c: {  	s7 =	sld [smem:$0x3FAA]  }
0x2d: {  	s3 =	simm.s32 $0x108;
	s8 =	sld [smem:$0x3FAB]  }
0x2e: {  	s3 =	simm.s32 @!p0 $0x1082;
	s9 =	sld [smem:$0x3FAC]  }
0x2f: {  	lr =	sadd.s32 s0, s3;
	s0 =	sld [smem:$0x3FA3]  }
0x30: {  	s3 =	sld [smem:$0x3FA6]  }
0x31: {  	[smem:$0x3FAF] =	sst s10  }
0x32: {  	s10 =	sld [smem:$0x3FAD];
	_ =	sdelay $0x3  }
0x33: {  	p0 =	seq.s32 s10, $0x1;
	s10 =	sld [smem:$0x3FAF];
	_ =	sdelay $0x3  }
0x34: {  	[smem:$0x3FAF] =	sst s10  }
0x35: {  	s10 =	sld [smem:$0x3FAE];
	_ =	sdelay $0x3  }
0x36: {  	p1 =	seq.s32 s10, $0x1;
	s10 =	sld [smem:$0x3FAF];
	_ =	sdelay $0x3  }
0x37: {  	[smem:$0x3FAF] =	sst s10  }
0x38: {  	s10 =	sld [smem:$0x3FB0]  }
0x39: {  	_ = 	snop;
	(pc) =	sbr.ind lr, $3  }
0x3a: {  	_ = 	snop  }
0x3b: {  	_ = 	snop  }
0x3c: {  	p2 =	seq.s32 s10, $0x1;
	s10 =	sld [smem:$0x3FAF]  }
0x3d: {  	_ =	shalt  }
0x3e: {  	_ =	shalt  }
0x3f: {  	_ =	shalt  }
0x40: {  	_ =	shalt  }
0x41: {  	_ =	shalt  }
0x42: {  	_ =	shalt  }
0x43: {  	_ =	shalt  }
0x44: {  	_ =	shalt  }
0x45: {  	_ =	shalt  }
0x46: {  	_ =	shalt  }
0x47: {  	_ =	shalt  }
0x48: {  	_ =	shalt  }
0x49: {  	_ =	shalt  }
0x4a: {  	_ =	shalt  }
0x4b: {  	_ =	shalt  }
0x4c: {  	_ =	shalt  }
0x4d: {  	_ =	shalt  }
0x4e: {  	_ =	shalt  }
0x4f: {  	_ =	shalt  }
0x50: {  	_ =	shalt  }
0x51: {  	_ =	shalt  }
0x52: {  	_ =	shalt  }
0x53: {  	_ =	shalt  }
0x54: {  	_ =	shalt  }
0x55: {  	_ =	shalt  }
0x56: {  	_ =	shalt  }
0x57: {  	_ =	shalt  }
0x58: {  	_ =	shalt  }
0x59: {  	_ =	shalt  }
0x5a: {  	_ =	shalt  }
0x5b: {  	_ =	shalt  }
0x5c: {  	_ =	shalt  }
0x5d: {  	_ =	shalt  }
0x5e: {  	_ =	shalt  }
0x5f: {  	_ =	shalt  }
0x60: {  	_ =	shalt  }
0x61: {  	_ =	shalt  }
0x62: {  	_ =	shalt  }
0x63: {  	_ =	shalt  }
0x64: {  	_ =	shalt  }
0x65: {  	_ =	shalt  }
0x66: {  	_ =	shalt  }
0x67: {  	_ =	shalt  }
0x68: {  	_ =	shalt  }
0x69: {  	_ =	shalt  }
0x6a: {  	_ =	shalt  }
0x6b: {  	_ =	shalt  }
0x6c: {  	_ =	shalt  }
0x6d: {  	_ =	shalt  }
0x6e: {  	_ =	shalt  }
0x6f: {  	_ =	shalt  }
0x70: {  	_ =	shalt  }
0x71: {  	_ =	shalt  }
0x72: {  	_ =	shalt  }
0x73: {  	_ =	shalt  }
0x74: {  	_ =	shalt  }
0x75: {  	_ =	shalt  }
0x76: {  	_ =	shalt  }
0x77: {  	_ =	shalt  }
0x78: {  	_ =	shalt  }
0x79: {  	_ =	shalt  }
0x7a: {  	_ =	shalt  }
0x7b: {  	_ =	shalt  }
0x7c: {  	_ =	shalt  }
0x7d: {  	_ =	shalt  }
0x7e: {  	_ =	shalt  }
0x7f: {  	_ =	shalt  }
0x80: {  	_ =	shalt  }
0x81: {  	_ =	shalt  }
0x82: {  	_ =	shalt  }
0x83: {  	_ =	shalt  }
0x84: {  	_ =	shalt  }
0x85: {  	_ =	shalt  }
0x86: {  	_ =	shalt  }
0x87: {  	_ =	shalt  }
.Lfunc_end0:
.L_simem_size_0:
called_computation.1_lowered:
.L_overlay_start_0:
0x88: {  	s2 =	sld [smem:$0x3FD9]  }
0x89: {  	s3 =	sld [smem:$0x3FFE];
	_ =	sdelay $0x1  }
0x8a: {  	s1 =	srdreg.scid  }
0x8b: {  	s0 =	sand.u32 $0x1, s1  }
0x8c: {  	s14 =	sshll.u32 s0, $0xA;
	s2 =	sadd.s32 s3, s2  }
0x8d: {  	s2 =	sadd.s32 s2, s14  }
0x8e: {  	[smem:$0x3FBB] =	sst s2  }
0x8f: {  	_ = 	snop  }
0x90: {  	s2 =	sld [smem:$0x3FD0];
	_ =	sdelay $0x2  }
0x91: {  	s4 =	simm.s32 $0xA;
	s5 =	simm.s32 $0x10;
	s15 =	sld [smem:$0x3FC9]  }
0x92: {  	[smem:s5], [sflag:s4] =	dma.local [hbm:s2], $0x1  }
0x93: {  	_ =	swait.eq [sflag:s4], $0x1  }
0x94: {  	[sflag:s4] =	ssyncset.done $0x0  }
0x95: {  	s16 =	sld [smem:$0x10];
	[sflag:s4] =	ssyncadd.s32 $0xFFFFFFFF  }
0x96: {  	s17 =	sld [smem:$0x11];
	(tm) =	ssettm $0x1  }
0x97: {  	s18 =	sld [smem:$0x3FFB];
	_ =	sdelay $0x3  }
0x98: {  	_ =	strace s18  }
0x99: {  	s5 =	sld [smem:$0x3FFC];
	_ =	sdelay $0x3  }
0x9a: {  	_ =	strace s5  }
0x9b: {  	s5 =	sld [smem:$0x3FFD];
	_ =	sdelay $0x3  }
0x9c: {  	_ =	strace s5  }
0x9d: {  	_ =	strace $0x8FFFFFFF  }
0x9e: {  	s19 =	sld [smem:$0x3FDB];
	_ =	sdelay $0x1  }
0x9f: {  	s6 =	simm.s32 $_scs_section_size  }
0xa0: {  	s7 =	simm.s32 $_size__tile_overlayer_lowered;
	s8 =	simm.s32 $_tile_overlayer_lowered  }
0xa1: {  	s22 =	simm.s32 $0x1BFF;
	s21 =	sshll.u32 s8, $0x1;
	s5 =	sadd.s32 s6, s19  }
0xa2: {  	s9 =	simm.s32 $0x0;
	s20 =	sshll.u32 s7, $0x1;
	s7 =	sadd.s32 s21, s5  }
0xa3: {  	[timem:s9], [sflag:s22] =	dma.local [hbm:s7], s20  }
0xa4: {  	_ =	swait.ge [sflag:s22], s20  }
0xa5: {  	s6 =	ssub.s32 $0x0, s20;
	[sflag:s22] =	ssyncset.done $0x0  }
0xa6: {  	[sflag:s22] =	ssyncadd.s32 s6;
	_ =	sdelay $0x1  }
0xa7: {  	s23 =	simm.s32 $0x1B8B  }
0xa8: {  	_ =	swait.ge [sflag:s23], $0x1  }
0xa9: {  	[sflag:s23] =	ssyncset.done $0x0  }
0xaa: {  	s25 =	simm.s32 $0x1B8E;
	s24 =	sld [smem:$0x3FFE];
	[sflag:s23] =	ssyncadd.s32 $0xFFFFFFFF  }
0xab: {  	s26 =	simm.s32 $execute0_lowered;
	[smem:$0x3FD2] =	sst s25  }
0xac: {  	s7 =	sshll.u32 s26, $0x1;
	_ =	strace $0x80000046;
	[dreg:$0x1] =	wrdreg $0xFFFFFFFF  }
0xad: {  	s28 =	simm.s32 $_size_execute0_lowered;
	s5 =	sadd.s32 s5, s7;
	[dreg:$0x0] =	wrdreg $0x0  }
0xae: {  	s7 =	sshll.u32 s28, $0x1;
	[dreg:$0x2] =	wrdreg s5  }
0xaf: {  	[dreg:$0x3] =	wrdreg s7  }
0xb0: {  	[dreg:$0x4] =	wrdreg $0xC0  }
0xb1: {  	_ =	task [dreg:s9], $0x5FFFF  }
0xb2: {  	[dreg:$0x1] =	wrdreg $0xFFFFFFFF  }
0xb3: {  	[dreg:$0x0] =	wrdreg $0x60  }
0xb4: {  	[dreg:$0x2] =	wrdreg s15  }
0xb5: {  	[dreg:$0x3] =	wrdreg s17  }
0xb6: {  	[dreg:$0x4] =	wrdreg s16  }
0xb7: {  	[dreg:$0x5] =	wrdreg s24  }
0xb8: {  	[dreg:$0x6] =	wrdreg $0x9  }
0xb9: {  	_ =	task.clear_ibuf [dreg:s9], $0x7FFFF;
	_ =	strace $0x90000046  }
0xba: {  	s29 =	simm.s32 $0x9;
	_ =	strace $0x80000048  }
0xbb: {  	_ =	swait.ge [sflag:s29], $0x1  }
0xbc: {  	[sflag:s29] =	ssyncadd.s32 $0xFFFFFFFF  }
0xbd: {  	_ =	strace $0x90000048  }
0xbe: {  	_ =	sfence  }
0xbf: {  	s30 =	sld [smem:$0x0];
	_ =	sdelay $0x2  }
0xc0: {  	s31 =	sshll.u32 s1, $0xD;
	s1 =	sshrl.u32 s1, $0x2  }
0xc1: {  	s3 =	sand.u32 $0x4000, s31;
	s1 =	sadd.s32 s1, s30  }
0xc2: {  	s0 =	sor.u32 s3, s0;
	s1 =	sshll.u32 s1, $0x11  }
0xc3: {  	s0 =	sor.u32 s1, s0  }
0xc4: {  	s0 =	sadd.s32 $0x8F2B, s0  }
0xc5: {  	[sflag:s0] =	ssyncadd.remote.s32 $0x1  }
0xc6: {  	_ =	sfence.sel $0xFFFF  }
0xc7: {  	[dreg:$0x0] =	wrdreg $0xFFFFFFFF;
	(pc) =	sbr.abs _section_cstart, $3  }
0xc8: {  	[dreg:$0x1] =	wrdreg $0xFFFFFFFF  }
0xc9: {  	_ =	task.clear_ibuf [dreg:s9], $0x2FFFF;
	_ =	strace $0x9FFFFFFF  }
0xca: {  	(tm) =	ssettm $0x7FFFFFFF  }
0xcb: {  	_ =	shalt  }
tec
execute0_lowered:
.L_overlay_start_1:
0x0: {  	(tag) =	ssettag $0x1  }
0x1: {  	s0 =	srdreg.scid;
	s7 =	stileid.u32  }
0x2: {  	s2 =	sand.u32 $0x1, s0;
	s25 =	sshll.u32 s7, $0x1  }
0x3: {  	s1 =	rddreg [dreg:$0x0];
	s0 =	sor.u32 s2, s25  }
0x4: {  	s5 =	rddreg [dreg:$0x1];
	s4 =	smul.u32 $0x280, s0  }
0x5: {  	s3 =	rddreg [dreg:$0x2]  }
0x6: {  	s6 =	rddreg [dreg:$0x3];
	s9 =	sshrl.u32 s4, $0x3;
	s4 =	simm.s32 $0x0  }
0x7: {  	s16 =	simm.s32 $0x18280;
	[smem:$0x7FF] =	sst s4  }
0x8: {  	s17 =	simm.s32 $0x18500;
	_ =	strace $0x80000047;
	[dreg:$0x11] =	wrdreg s16  }
0x9: {  	s18 =	simm.s32 $0x182C0;
	[dreg:$0x12] =	wrdreg s17  }
0xa: {  	s19 =	simm.s32 $0x187C0;
	[dreg:$0x13] =	wrdreg s18  }
0xb: {  	s20 =	simm.s32 $0x18540;
	s21 =	simm.s32 $0x18A40;
	[dreg:$0x14] =	wrdreg s19  }
0xc: {  	s22 =	simm.s32 $0x18300;
	s23 =	simm.s32 $0x18800;
	[dreg:$0x15] =	wrdreg s20  }
0xd: {  	s24 =	simm.s32 $0x18580;
	s0 =	sand.u32 $0x7, s0;
	[dreg:$0x16] =	wrdreg s21  }
0xe: {  	s7 =	sshrl.u32 s7, $0x2;
	s8 =	smul.u32 $0x280, s0;
	[dreg:$0x17] =	wrdreg s22  }
0xf: {  	s0 =	sshll.u32 s7, $0xD;
	s7 =	smul.u32 $0x2800, s7;
	[dreg:$0x18] =	wrdreg s23  }
0x10: {  	s25 =	simm.s32 $0x18A80;
	s12 =	sor.u32 s0, s8;
	[dreg:$0x19] =	wrdreg s24  }
0x11: {  	s7 =	sadd.s32 s7, s8;
	s8 =	simm.s32 $0x18B00;
	[dreg:$0x1a] =	wrdreg s25  }
0x12: {  	[smem:$0x7E9] =	sst s8;
	s16 =	simm.s32 $0x18900  }
0x13: {  	s17 =	simm.s32 $0x18680;
	[smem:$0x7EF] =	sst s16  }
0x14: {  	s18 =	simm.s32 $0x18B80;
	[smem:$0x7F0] =	sst s17  }
0x15: {  	s19 =	simm.s32 $0x18440;
	[smem:$0x7F1] =	sst s18  }
0x16: {  	s20 =	simm.s32 $0x18940;
	[smem:$0x7F2] =	sst s19  }
0x17: {  	s21 =	simm.s32 $0x186C0;
	[smem:$0x7F3] =	sst s20  }
0x18: {  	s22 =	simm.s32 $0x18BC0;
	[smem:$0x7F4] =	sst s21  }
0x19: {  	s10 =	smul.u32 $0x1800, s9;
	s23 =	simm.s32 $0x18480;
	[smem:$0x7F5] =	sst s22  }
0x1a: {  	s9 =	smul.u32 $0x300, s9;
	s24 =	simm.s32 $0x18980;
	[smem:$0x7F6] =	sst s23  }
0x1b: {  	s12 =	sshrl.u32 s12, $0x3;
	s25 =	simm.s32 $0x18700;
	[smem:$0x7F7] =	sst s24  }
0x1c: {  	s11 =	sadd.s32 $0x1A00, s6;
	s5 =	sadd.s32 s5, s12;
	[smem:$0x7F8] =	sst s25  }
0x1d: {  	s7 =	sshrl.u32 s7, $0x3;
	s9 =	sadd.s32 s11, s9;
	[dreg:$0x5] =	wrdreg s5  }
0x1e: {  	s6 =	sadd.s32 s7, s6;
	s7 =	simm.s32 $0x18600;
	[smem:$0x7E6] =	sst s9  }
0x1f: {  	s28 =	sadd.s32 $0x3000, s9;
	[smem:$0x7E8] =	sst s7  }
0x20: {  	s29 =	sadd.s32 $0x4800, s9;
	[dreg:$0x7] =	wrdreg s28  }
0x21: {  	s30 =	sadd.s32 $0x6000, s9;
	[dreg:$0x8] =	wrdreg s29  }
0x22: {  	s10 =	sshrl.u32 s10, $0x3;
	s31 =	sadd.s32 $0x7800, s9;
	[dreg:$0x9] =	wrdreg s30  }
0x23: {  	s10 =	sadd.s32 s11, s10;
	s11 =	sadd.s32 $0xA800, s9;
	[dreg:$0xa] =	wrdreg s31  }
0x24: {  	s12 =	sadd.s32 $0xC000, s9;
	[dreg:$0xc] =	wrdreg s11  }
0x25: {  	s13 =	sadd.s32 $0xD800, s9;
	[dreg:$0xd] =	wrdreg s12  }
0x26: {  	s14 =	sadd.s32 $0x1E1A00, s6;
	[dreg:$0xe] =	wrdreg s13  }
0x27: {  	s15 =	sadd.s32 $0x1E1C80, s6;
	[dreg:$0xf] =	wrdreg s14  }
0x28: {  	s6 =	simm.s32 $0x18880;
	[dreg:$0x10] =	wrdreg s15  }
0x29: {  	s26 =	sadd.s32 $0x1800, s10;
	[smem:$0x7E7] =	sst s6  }
0x2a: {  	s10 =	sadd.s32 $0x9000, s9;
	[dreg:$0x6] =	wrdreg s26  }
0x2b: {  	s28 =	simm.s32 $0x18840;
	[dreg:$0xb] =	wrdreg s10  }
0x2c: {  	s29 =	simm.s32 $0x185C0;
	[dreg:$0x1c] =	wrdreg s28  }
0x2d: {  	s30 =	simm.s32 $0x18AC0;
	[dreg:$0x1d] =	wrdreg s29  }
0x2e: {  	s31 =	simm.s32 $0x18380;
	[dreg:$0x1e] =	wrdreg s30  }
0x2f: {  	s9 =	simm.s32 $0x183C0;
	[dreg:$0x1f] =	wrdreg s31  }
0x30: {  	s11 =	simm.s32 $0x188C0;
	[smem:$0x7EA] =	sst s9  }
0x31: {  	s2 =	ssub.s32 $0x2, s2;
	s12 =	simm.s32 $0x18640;
	[smem:$0x7EB] =	sst s11  }
0x32: {  	s16 =	simm.s32 $0x2;
	s14 =	simm.s32 $0x18B40;
	[smem:$0x7EC] =	sst s12  }
0x33: {  	s7 =	sadd.s32 $0x200, s1;
	s15 =	simm.s32 $0x18400;
	[smem:$0x7ED] =	sst s14  }
0x34: {  	s13 =	sadd.s32 $0x2000, s0;
	s26 =	simm.s32 $0x18340;
	[smem:$0x7EE] =	sst s15  }
0x35: {  	s6 =	sadd.s32 $0x100, s1;
	s28 =	simm.s32 $0x184C0;
	[dreg:$0x1b] =	wrdreg s26  }
0x36: {  	s10 =	sshrl.u32 s2, $0x1;
	s29 =	simm.s32 $0x189C0;
	[smem:$0x7FA] =	sst s28  }
0x37: {  	s9 =	simm.s32 $0x3;
	s30 =	simm.s32 $0x18740;
	[smem:$0x7FB] =	sst s29  }
0x38: {  	v4 =	vlaneseq.u32;
	vm0 =	vmmov $0xffff;
	s31 =	simm.s32 $0x18C40;
	s11 =	simm.s32 $0x40;
	[smem:$0x7FC] =	sst s30  }
0x39: {  	v2 =	vand.u32 $0x7, v4;
	v3 =	vshrl.u32 v4, $0x3;
	v4 =	vor.u32 $0x8, v4;
	s2 =	ssub.s32 s2, s10;
	s26 =	simm.s32 $0x18C00;
	[smem:$0x7FD] =	sst s31  }
0x3a: {  	v3 =	vmul.u32 $0x8, v3;
	v0 =	vmov s0;
	v1 =	vmov s13;
	s15 =	simm.s32 $0x1;
	s8 =	smax.u32 s2, $0x1;
	[smem:$0x7F9] =	sst s26  }
.LBB2_1:
0x3b: {  	[smem:$0x7E5] =	sst s8  }
0x3c: {  	s17 =	rddreg [dreg:$0x5]  }
0x3d: {  	[tilespmem:s4], [sflag:$0x3] =	stream.linear.gather [hbm4b:s17+s4], $0x280, $0x38;
	[tilespmem:$0x18C80] =	vst v63  }
0x3e: {  	_ =	swait.ge [sflag:s9], $0x280  }
0x3f: {  	[sflag:s9] =	ssyncset.done $0x0  }
0x40: {  	[sflag:s9] =	ssyncadd.s32 $0xFFFFFD80  }
0x41: {  	v5 =	vld [tilespmem:$0x0]  }
0x42: {  	v6 =	vld [tilespmem:$0x10];
	_ =	sdelay $0x1  }
0x43: {  	v7 =	vld [tilespmem:$0x20];
	_ =	sdelay $0x1  }
0x44: {  	v49 =	vld [tilespmem:$0x30];
	v8 =	vadd.s32 v0, v5;
	v5 =	vadd.s32 v1, v5  }
0x45: {  	[tilespmem:$0x18500] =	vst v5;
	v5 =	vadd.s32 v0, v6  }
0x46: {  	[tilespmem:$0x18290] =	vst v5;
	v5 =	vadd.s32 v1, v6;
	v6 =	vld [tilespmem:$0x40]  }
0x47: {  	[tilespmem:$0x18510] =	vst v5;
	v5 =	vadd.s32 v0, v7  }
0x48: {  	[tilespmem:$0x182A0] =	vst v5;
	v5 =	vadd.s32 v1, v7;
	v7 =	vld [tilespmem:$0x50]  }
0x49: {  	[tilespmem:$0x18520] =	vst v5;
	v5 =	vadd.s32 v0, v49  }
0x4a: {  	v50 =	vld [tilespmem:$0x60];
	[tilespmem:$0x182B0] =	vst v5;
	v5 =	vadd.s32 v1, v49  }
0x4b: {  	[tilespmem:$0x18530] =	vst v5;
	v5 =	vadd.s32 v0, v6  }
0x4c: {  	[tilespmem:$0x182C0] =	vst v5;
	v5 =	vadd.s32 v1, v6;
	v6 =	vld [tilespmem:$0x70]  }
0x4d: {  	[tilespmem:$0x18540] =	vst v5;
	v5 =	vadd.s32 v0, v7  }
0x4e: {  	[tilespmem:$0x182D0] =	vst v5;
	v5 =	vadd.s32 v1, v7;
	v7 =	vld [tilespmem:$0x80]  }
0x4f: {  	[tilespmem:$0x18550] =	vst v5;
	v5 =	vadd.s32 v0, v50  }
0x50: {  	v51 =	vld [tilespmem:$0x90];
	[tilespmem:$0x182E0] =	vst v5;
	v5 =	vadd.s32 v1, v50  }
0x51: {  	[tilespmem:$0x18560] =	vst v5;
	v5 =	vadd.s32 v0, v6  }
0x52: {  	[tilespmem:$0x182F0] =	vst v5;
	v5 =	vadd.s32 v1, v6;
	v6 =	vld [tilespmem:$0xA0]  }
0x53: {  	[tilespmem:$0x18570] =	vst v5;
	v5 =	vadd.s32 v0, v7  }
0x54: {  	[tilespmem:$0x18300] =	vst v5;
	v5 =	vadd.s32 v1, v7;
	v7 =	vld [tilespmem:$0xB0]  }
0x55: {  	[tilespmem:$0x18580] =	vst v5;
	v5 =	vadd.s32 v0, v51  }
0x56: {  	v52 =	vld [tilespmem:$0xC0];
	[tilespmem:$0x18310] =	vst v5;
	v5 =	vadd.s32 v1, v51  }
0x57: {  	[tilespmem:$0x18590] =	vst v5;
	v5 =	vadd.s32 v0, v6  }
0x58: {  	[tilespmem:$0x18320] =	vst v5;
	v5 =	vadd.s32 v1, v6;
	v6 =	vld [tilespmem:$0xD0]  }
0x59: {  	[tilespmem:$0x185A0] =	vst v5;
	v5 =	vadd.s32 v0, v7  }
0x5a: {  	[tilespmem:$0x18330] =	vst v5;
	v5 =	vadd.s32 v1, v7;
	v7 =	vld [tilespmem:$0xE0]  }
0x5b: {  	[tilespmem:$0x185B0] =	vst v5;
	v5 =	vadd.s32 v0, v52  }
0x5c: {  	v53 =	vld [tilespmem:$0xF0];
	[tilespmem:$0x18340] =	vst v5;
	v5 =	vadd.s32 v1, v52  }
0x5d: {  	[tilespmem:$0x185C0] =	vst v5;
	v5 =	vadd.s32 v0, v6  }
0x5e: {  	[tilespmem:$0x18350] =	vst v5;
	v5 =	vadd.s32 v1, v6;
	v6 =	vld [tilespmem:$0x100]  }
0x5f: {  	[tilespmem:$0x185D0] =	vst v5;
	v5 =	vadd.s32 v0, v7  }
0x60: {  	[tilespmem:$0x18360] =	vst v5;
	v5 =	vadd.s32 v1, v7;
	v7 =	vld [tilespmem:$0x110]  }
0x61: {  	[tilespmem:$0x185E0] =	vst v5;
	v5 =	vadd.s32 v0, v53  }
0x62: {  	v54 =	vld [tilespmem:$0x120];
	[tilespmem:$0x18370] =	vst v5;
	v5 =	vadd.s32 v1, v53  }
0x63: {  	[tilespmem:$0x185F0] =	vst v5;
	v5 =	vadd.s32 v0, v6  }
0x64: {  	[tilespmem:$0x18380] =	vst v5;
	v5 =	vadd.s32 v1, v6;
	v6 =	vld [tilespmem:$0x130]  }
0x65: {  	[tilespmem:$0x18600] =	vst v5;
	v5 =	vadd.s32 v0, v7  }
0x66: {  	[tilespmem:$0x18390] =	vst v5;
	v5 =	vadd.s32 v1, v7;
	v7 =	vld [tilespmem:$0x140]  }
0x67: {  	[tilespmem:$0x18610] =	vst v5;
	v5 =	vadd.s32 v0, v54  }
0x68: {  	v55 =	vld [tilespmem:$0x150];
	[tilespmem:$0x183A0] =	vst v5;
	v5 =	vadd.s32 v1, v54  }
0x69: {  	[tilespmem:$0x18620] =	vst v5;
	v5 =	vadd.s32 v0, v6  }
0x6a: {  	[tilespmem:$0x183B0] =	vst v5;
	v5 =	vadd.s32 v1, v6  }
0x6b: {  	[tilespmem:$0x18630] =	vst v5;
	v5 =	vadd.s32 v0, v7  }
0x6c: {  	[tilespmem:$0x183C0] =	vst v5;
	v5 =	vadd.s32 v1, v7  }
0x6d: {  	[tilespmem:$0x18640] =	vst v5;
	v5 =	vadd.s32 v0, v55  }
0x6e: {  	[tilespmem:$0x183D0] =	vst v5;
	v5 =	vadd.s32 v1, v55  }
0x6f: {  	[tilespmem:$0x18650] =	vst v5;
	v5 =	vld [tilespmem:$0x160]  }
0x70: {  	[tilespmem:$0x18280] =	vst v8  }
0x71: {  	v6 =	vld [tilespmem:$0x170];
	_ =	sdelay $0x1  }
0x72: {  	v7 =	vld [tilespmem:$0x180]  }
0x73: {  	v56 =	vadd.s32 v0, v5  }
0x74: {  	v57 =	vld [tilespmem:$0x190];
	v5 =	vadd.s32 v1, v5;
	[tilespmem:$0x183E0] =	vst v56  }
0x75: {  	[tilespmem:$0x18660] =	vst v5;
	v5 =	vadd.s32 v0, v6  }
0x76: {  	[tilespmem:$0x183F0] =	vst v5;
	v5 =	vadd.s32 v1, v6;
	v6 =	vld [tilespmem:$0x1A0]  }
0x77: {  	[tilespmem:$0x18670] =	vst v5;
	v5 =	vadd.s32 v0, v7  }
0x78: {  	[tilespmem:$0x18400] =	vst v5;
	v5 =	vadd.s32 v1, v7;
	v7 =	vld [tilespmem:$0x1B0]  }
0x79: {  	[tilespmem:$0x18680] =	vst v5;
	v5 =	vadd.s32 v0, v57  }
0x7a: {  	v58 =	vld [tilespmem:$0x1C0];
	[tilespmem:$0x18410] =	vst v5;
	v5 =	vadd.s32 v1, v57  }
0x7b: {  	[tilespmem:$0x18690] =	vst v5;
	v5 =	vadd.s32 v0, v6  }
0x7c: {  	[tilespmem:$0x18420] =	vst v5;
	v5 =	vadd.s32 v1, v6;
	v6 =	vld [tilespmem:$0x1D0]  }
0x7d: {  	[tilespmem:$0x186A0] =	vst v5;
	v5 =	vadd.s32 v0, v7  }
0x7e: {  	[tilespmem:$0x18430] =	vst v5;
	v5 =	vadd.s32 v1, v7;
	v7 =	vld [tilespmem:$0x1E0]  }
0x7f: {  	[tilespmem:$0x186B0] =	vst v5;
	v5 =	vadd.s32 v0, v58  }
0x80: {  	v59 =	vld [tilespmem:$0x1F0];
	[tilespmem:$0x18440] =	vst v5;
	v5 =	vadd.s32 v1, v58  }
0x81: {  	[tilespmem:$0x186C0] =	vst v5;
	v5 =	vadd.s32 v0, v6  }
0x82: {  	[tilespmem:$0x18450] =	vst v5;
	v5 =	vadd.s32 v1, v6;
	v6 =	vld [tilespmem:$0x200]  }
0x83: {  	[tilespmem:$0x186D0] =	vst v5;
	v5 =	vadd.s32 v0, v7  }
0x84: {  	[tilespmem:$0x18460] =	vst v5;
	v5 =	vadd.s32 v1, v7;
	v7 =	vld [tilespmem:$0x210]  }
0x85: {  	[tilespmem:$0x186E0] =	vst v5;
	v5 =	vadd.s32 v0, v59  }
0x86: {  	v60 =	vld [tilespmem:$0x220];
	[tilespmem:$0x18470] =	vst v5;
	v5 =	vadd.s32 v1, v59  }
0x87: {  	v9 =	vld [tilespmem:$0x230];
	[tilespmem:$0x186F0] =	vst v5;
	v5 =	vadd.s32 v0, v6  }
0x88: {  	[tilespmem:$0x18480] =	vst v5;
	v5 =	vadd.s32 v1, v6;
	v6 =	vld [tilespmem:$0x0]  }
0x89: {  	[tilespmem:$0x18700] =	vst v5;
	v5 =	vadd.s32 v0, v7  }
0x8a: {  	[tilespmem:$0x18490] =	vst v5;
	v5 =	vadd.s32 v1, v7;
	v7 =	vld [tilespmem:$0x240]  }
0x8b: {  	[tilespmem:$0x18710] =	vst v5;
	v5 =	vadd.s32 v0, v60  }
0x8c: {  	v61 =	vld [tilespmem:$0x250];
	[tilespmem:$0x184A0] =	vst v5;
	v5 =	vadd.s32 v1, v60  }
0x8d: {  	[tilespmem:$0x18720] =	vst v5;
	v5 =	vadd.s32 v0, v9;
	v10 =	vshrl.u32 v6, $0x3  }
0x8e: {  	v62 =	vld [tilespmem:$0x260];
	[tilespmem:$0x184B0] =	vst v5;
	v5 =	vadd.s32 v1, v9;
	v10 =	vmul.u32 $0x30, v10  }
0x8f: {  	v6 =	vand.u32 $0x7, v6;
	[tilespmem:$0x18730] =	vst v5;
	v5 =	vadd.s32 v0, v7  }
0x90: {  	[tilespmem:$0x184C0] =	vst v5;
	v5 =	vadd.s32 v1, v7;
	v7 =	vld [tilespmem:$0x270];
	v6 =	vor.u32 v6, v10  }
0x91: {  	[tilespmem:$0x18740] =	vst v5;
	v5 =	vadd.s32 v0, v61;
	v10 =	vperm.xlane v6, v2  }
0x92: {  	[tilespmem:$0x184D0] =	vst v5;
	v5 =	vadd.s32 v1, v61  }
0x93: {  	[tilespmem:$0x18750] =	vst v5;
	v5 =	vadd.s32 v0, v62;
	v63 =	vadd.s32 v3, v10  }
0x94: {  	[tilespmem:$0x184E0] =	vst v5;
	v5 =	vadd.s32 v1, v62  }
0x95: {  	[tilespmem:$0x18760] =	vst v5;
	v5 =	vadd.s32 v0, v7  }
0x96: {  	[tilespmem:$0x184F0] =	vst v5;
	v5 =	vadd.s32 v1, v7  }
0x97: {  	s0 =	simm.s32 $0x280;
	[tilespmem:$0x18770] =	vst v5;
	v5 =	vperm.xlane v6, v4  }
0x98: {  	[tilespmem:s0], [sflag:$0x1] =	stream.indirect_vreg.gather [hbm4b:s1+s4], $0x80, v63, vm0, $0xb8;
	[tilespmem:$0x18C80] =	vst v63  }
0x99: {  	s2 =	simm.s32 $0xA80;
	v5 =	vadd.s32 v3, v5  }
0x9a: {  	[tilespmem:s2], [sflag:$0x1] =	stream.indirect_vreg.gather [hbm4b:s6+s4], $0x80, v63, vm0, $0xb8;
	[tilespmem:$0x18C80] =	vst v63  }
0x9b: {  	s26 =	simm.s32 $0x1280  }
0x9c: {  	[tilespmem:s26], [sflag:$0x1] =	stream.indirect_vreg.gather [hbm4b:s7+s4], $0x80, v63, vm0, $0xb8;
	[tilespmem:$0x18C80] =	vst v63  }
0x9d: {  	s28 =	simm.s32 $0x1A80  }
0x9e: {  	[tilespmem:s28], [sflag:$0x1] =	stream.indirect_vreg.gather [hbm4b:s1+s4], $0x80, v5, vm0, $0xb8;
	[tilespmem:$0x18C80] =	vst v63  }
0x9f: {  	s29 =	simm.s32 $0x2280  }
0xa0: {  	[tilespmem:s29], [sflag:$0x1] =	stream.indirect_vreg.gather [hbm4b:s6+s4], $0x80, v5, vm0, $0xb8;
	[tilespmem:$0x18C80] =	vst v63  }
0xa1: {  	s30 =	simm.s32 $0x2A80  }
0xa2: {  	[tilespmem:s30], [sflag:$0x1] =	stream.indirect_vreg.gather [hbm4b:s7+s4], $0x80, v5, vm0, $0xb8;
	[tilespmem:$0x18C80] =	vst v63  }
0xa3: {  	v5 =	vld [tilespmem:$0x10];
	_ =	sdelay $0x4  }
0xa4: {  	v6 =	vshrl.u32 v5, $0x3  }
0xa5: {  	v6 =	vmul.u32 $0x30, v6  }
0xa6: {  	v5 =	vand.u32 $0x7, v5  }
0xa7: {  	v5 =	vor.u32 v5, v6  }
0xa8: {  	v6 =	vperm.xlane v5, v2;
	_ =	sdelay $0x1  }
0xa9: {  	v6 =	vadd.s32 v3, v6;
	_ =	sdelay $0x3  }
0xaa: {  	s31 =	simm.s32 $0x3280;
	v5 =	vperm.xlane v5, v4  }
0xab: {  	[tilespmem:s31], [sflag:$0x1] =	stream.indirect_vreg.gather [hbm4b:s1+s4], $0x80, v6, vm0, $0xb8;
	[tilespmem:$0x18C80] =	vst v63  }
0xac: {  	s5 =	simm.s32 $0x3A80;
	v5 =	vadd.s32 v3, v5  }
0xad: {  	[tilespmem:s5], [sflag:$0x1] =	stream.indirect_vreg.gather [hbm4b:s6+s4], $0x80, v6, vm0, $0xb8;
	[tilespmem:$0x18C80] =	vst v63  }
0xae: {  	s8 =	simm.s32 $0x4280  }
0xaf: {  	[tilespmem:s8], [sflag:$0x1] =	stream.indirect_vreg.gather [hbm4b:s7+s4], $0x80, v6, vm0, $0xb8;
	[tilespmem:$0x18C80] =	vst v63  }
0xb0: {  	s13 =	simm.s32 $0x4A80  }
0xb1: {  	[tilespmem:s13], [sflag:$0x1] =	stream.indirect_vreg.gather [hbm4b:s1+s4], $0x80, v5, vm0, $0xb8;
	[tilespmem:$0x18C80] =	vst v63  }
0xb2: {  	s14 =	simm.s32 $0x5280  }
0xb3: {  	[tilespmem:s14], [sflag:$0x1] =	stream.indirect_vreg.gather [hbm4b:s6+s4], $0x80, v5, vm0, $0xb8;
	[tilespmem:$0x18C80] =	vst v63  }
0xb4: {  	s17 =	simm.s32 $0x5A80  }
0xb5: {  	[tilespmem:s17], [sflag:$0x1] =	stream.indirect_vreg.gather [hbm4b:s7+s4], $0x80, v5, vm0, $0xb8;
	[tilespmem:$0x18C80] =	vst v63  }
0xb6: {  	v5 =	vld [tilespmem:$0x20];
	_ =	sdelay $0x4  }
0xb7: {  	v6 =	vshrl.u32 v5, $0x3  }
0xb8: {  	v6 =	vmul.u32 $0x30, v6  }
0xb9: {  	v5 =	vand.u32 $0x7, v5  }
0xba: {  	v5 =	vor.u32 v5, v6  }
0xbb: {  	v6 =	vperm.xlane v5, v2;
	_ =	sdelay $0x1  }
0xbc: {  	v6 =	vadd.s32 v3, v6;
	_ =	sdelay $0x3  }
0xbd: {  	s18 =	simm.s32 $0x6280;
	v5 =	vperm.xlane v5, v4  }
0xbe: {  	[tilespmem:s18], [sflag:$0x1] =	stream.indirect_vreg.gather [hbm4b:s1+s4], $0x80, v6, vm0, $0xb8;
	[tilespmem:$0x18C80] =	vst v63  }
0xbf: {  	s19 =	simm.s32 $0x6A80;
	v5 =	vadd.s32 v3, v5  }
0xc0: {  	[tilespmem:s19], [sflag:$0x1] =	stream.indirect_vreg.gather [hbm4b:s6+s4], $0x80, v6, vm0, $0xb8;
	[tilespmem:$0x18C80] =	vst v63  }
0xc1: {  	s20 =	simm.s32 $0x7280  }
0xc2: {  	[tilespmem:s20], [sflag:$0x1] =	stream.indirect_vreg.gather [hbm4b:s7+s4], $0x80, v6, vm0, $0xb8;
	[tilespmem:$0x18C80] =	vst v63  }
0xc3: {  	s21 =	simm.s32 $0x7A80  }
0xc4: {  	[tilespmem:s21], [sflag:$0x1] =	stream.indirect_vreg.gather [hbm4b:s1+s4], $0x80, v5, vm0, $0xb8;
	[tilespmem:$0x18C80] =	vst v63  }
0xc5: {  	s22 =	simm.s32 $0x8280  }
0xc6: {  	[tilespmem:s22], [sflag:$0x1] =	stream.indirect_vreg.gather [hbm4b:s6+s4], $0x80, v5, vm0, $0xb8;
	[tilespmem:$0x18C80] =	vst v63  }
0xc7: {  	s23 =	simm.s32 $0x8A80  }
0xc8: {  	[tilespmem:s23], [sflag:$0x1] =	stream.indirect_vreg.gather [hbm4b:s7+s4], $0x80, v5, vm0, $0xb8;
	[tilespmem:$0x18C80] =	vst v63  }
0xc9: {  	v5 =	vld [tilespmem:$0x30];
	_ =	sdelay $0x4  }
0xca: {  	v6 =	vshrl.u32 v5, $0x3  }
0xcb: {  	v6 =	vmul.u32 $0x30, v6  }
0xcc: {  	v5 =	vand.u32 $0x7, v5  }
0xcd: {  	v5 =	vor.u32 v5, v6  }
0xce: {  	v6 =	vperm.xlane v5, v2;
	_ =	sdelay $0x1  }
0xcf: {  	v6 =	vadd.s32 v3, v6;
	_ =	sdelay $0x3  }
0xd0: {  	s24 =	simm.s32 $0x9280;
	v5 =	vperm.xlane v5, v4  }
0xd1: {  	[tilespmem:s24], [sflag:$0x1] =	stream.indirect_vreg.gather [hbm4b:s1+s4], $0x80, v6, vm0, $0xb8;
	[tilespmem:$0x18C80] =	vst v63  }
0xd2: {  	s25 =	simm.s32 $0x9A80;
	v5 =	vadd.s32 v3, v5  }
0xd3: {  	[tilespmem:s25], [sflag:$0x1] =	stream.indirect_vreg.gather [hbm4b:s6+s4], $0x80, v6, vm0, $0xb8;
	[tilespmem:$0x18C80] =	vst v63  }
0xd4: {  	s26 =	simm.s32 $0xA280  }
0xd5: {  	[tilespmem:s26], [sflag:$0x1] =	stream.indirect_vreg.gather [hbm4b:s7+s4], $0x80, v6, vm0, $0xb8;
	[tilespmem:$0x18C80] =	vst v63  }
0xd6: {  	s28 =	simm.s32 $0xAA80  }
0xd7: {  	[tilespmem:s28], [sflag:$0x1] =	stream.indirect_vreg.gather [hbm4b:s1+s4], $0x80, v5, vm0, $0xb8;
	[tilespmem:$0x18C80] =	vst v63  }
0xd8: {  	s29 =	simm.s32 $0xB280  }
0xd9: {  	[tilespmem:s29], [sflag:$0x1] =	stream.indirect_vreg.gather [hbm4b:s6+s4], $0x80, v5, vm0, $0xb8;
	[tilespmem:$0x18C80] =	vst v63  }
0xda: {  	s31 =	simm.s32 $0xBA80  }
0xdb: {  	[tilespmem:s31], [sflag:$0x1] =	stream.indirect_vreg.gather [hbm4b:s7+s4], $0x80, v5, vm0, $0xb8;
	[tilespmem:$0x18C80] =	vst v63  }
0xdc: {  	s30 =	rddreg [dreg:$0x11];
	s19 =	simm.s32 $0x18780  }
0xdd: {  	[tilespmem:s19], [sflag:$0x1] =	stream.indirect.gather [hbm4b:s3+s11], $0x1, s30, s11, $0xb8;
	[tilespmem:$0x18C80] =	vst v63  }
0xde: {  	s2 =	simm.s32 $0x18A00;
	s18 =	rddreg [dreg:$0x12]  }
0xdf: {  	[tilespmem:s2], [sflag:$0x1] =	stream.indirect.gather [hbm4b:s3+s11], $0x1, s18, s11, $0xb8;
	[tilespmem:$0x18C80] =	vst v63  }
0xe0: {  	v5 =	vld [tilespmem:$0x40];
	_ =	sdelay $0x4  }
0xe1: {  	v6 =	vshrl.u32 v5, $0x3  }
0xe2: {  	v6 =	vmul.u32 $0x30, v6  }
0xe3: {  	v5 =	vand.u32 $0x7, v5  }
0xe4: {  	v5 =	vor.u32 v5, v6  }
0xe5: {  	v6 =	vperm.xlane v5, v2;
	_ =	sdelay $0x1  }
0xe6: {  	v6 =	vadd.s32 v3, v6;
	_ =	sdelay $0x3  }
0xe7: {  	s8 =	simm.s32 $0xC280;
	v5 =	vperm.xlane v5, v4  }
0xe8: {  	[tilespmem:s8], [sflag:$0x2] =	stream.indirect_vreg.gather [hbm4b:s1+s4], $0x80, v6, vm0, $0xb8;
	[tilespmem:$0x18C80] =	vst v63  }
0xe9: {  	s5 =	simm.s32 $0xCA80;
	v5 =	vadd.s32 v3, v5  }
0xea: {  	[tilespmem:s5], [sflag:$0x2] =	stream.indirect_vreg.gather [hbm4b:s6+s4], $0x80, v6, vm0, $0xb8;
	[tilespmem:$0x18C80] =	vst v63  }
0xeb: {  	s18 =	simm.s32 $0xD280  }
0xec: {  	[tilespmem:s18], [sflag:$0x2] =	stream.indirect_vreg.gather [hbm4b:s7+s4], $0x80, v6, vm0, $0xb8;
	[tilespmem:$0x18C80] =	vst v63  }
0xed: {  	s19 =	simm.s32 $0xDA80  }
0xee: {  	[tilespmem:s19], [sflag:$0x2] =	stream.indirect_vreg.gather [hbm4b:s1+s4], $0x80, v5, vm0, $0xb8;
	[tilespmem:$0x18C80] =	vst v63  }
0xef: {  	s20 =	simm.s32 $0xE280  }
0xf0: {  	[tilespmem:s20], [sflag:$0x2] =	stream.indirect_vreg.gather [hbm4b:s6+s4], $0x80, v5, vm0, $0xb8;
	[tilespmem:$0x18C80] =	vst v63  }
0xf1: {  	s23 =	simm.s32 $0xEA80  }
0xf2: {  	[tilespmem:s23], [sflag:$0x2] =	stream.indirect_vreg.gather [hbm4b:s7+s4], $0x80, v5, vm0, $0xb8;
	[tilespmem:$0x18C80] =	vst v63  }
0xf3: {  	v5 =	vld [tilespmem:$0x50];
	_ =	sdelay $0x4  }
0xf4: {  	v6 =	vshrl.u32 v5, $0x3  }
0xf5: {  	v6 =	vmul.u32 $0x30, v6  }
0xf6: {  	v5 =	vand.u32 $0x7, v5  }
0xf7: {  	v5 =	vor.u32 v5, v6  }
0xf8: {  	v6 =	vperm.xlane v5, v2;
	_ =	sdelay $0x1  }
0xf9: {  	v6 =	vadd.s32 v3, v6;
	_ =	sdelay $0x3  }
0xfa: {  	s24 =	simm.s32 $0xF280;
	v5 =	vperm.xlane v5, v4  }
0xfb: {  	[tilespmem:s24], [sflag:$0x2] =	stream.indirect_vreg.gather [hbm4b:s1+s4], $0x80, v6, vm0, $0xb8;
	[tilespmem:$0x18C80] =	vst v63  }
0xfc: {  	s25 =	simm.s32 $0xFA80;
	v5 =	vadd.s32 v3, v5  }
0xfd: {  	[tilespmem:s25], [sflag:$0x2] =	stream.indirect_vreg.gather [hbm4b:s6+s4], $0x80, v6, vm0, $0xb8;
	[tilespmem:$0x18C80] =	vst v63  }
0xfe: {  	s26 =	simm.s32 $0x10280  }
0xff: {  	[tilespmem:s26], [sflag:$0x2] =	stream.indirect_vreg.gather [hbm4b:s7+s4], $0x80, v6, vm0, $0xb8;
	[tilespmem:$0x18C80] =	vst v63  }
0x100: {  	s28 =	simm.s32 $0x10A80  }
0x101: {  	[tilespmem:s28], [sflag:$0x2] =	stream.indirect_vreg.gather [hbm4b:s1+s4], $0x80, v5, vm0, $0xb8;
	[tilespmem:$0x18C80] =	vst v63  }
0x102: {  	s29 =	simm.s32 $0x11280  }
0x103: {  	[tilespmem:s29], [sflag:$0x2] =	stream.indirect_vreg.gather [hbm4b:s6+s4], $0x80, v5, vm0, $0xb8;
	[tilespmem:$0x18C80] =	vst v63  }
0x104: {  	s30 =	simm.s32 $0x11A80  }
0x105: {  	[tilespmem:s30], [sflag:$0x2] =	stream.indirect_vreg.gather [hbm4b:s7+s4], $0x80, v5, vm0, $0xb8;
	[tilespmem:$0x18C80] =	vst v63  }
0x106: {  	v5 =	vld [tilespmem:$0x60];
	_ =	sdelay $0x4  }
0x107: {  	v6 =	vshrl.u32 v5, $0x3  }
0x108: {  	v6 =	vmul.u32 $0x30, v6  }
0x109: {  	v5 =	vand.u32 $0x7, v5  }
0x10a: {  	v5 =	vor.u32 v5, v6  }
0x10b: {  	v6 =	vperm.xlane v5, v2;
	_ =	sdelay $0x1  }
0x10c: {  	v6 =	vadd.s32 v3, v6;
	_ =	sdelay $0x3  }
0x10d: {  	s31 =	simm.s32 $0x12280;
	v5 =	vperm.xlane v5, v4  }
0x10e: {  	[tilespmem:s31], [sflag:$0x2] =	stream.indirect_vreg.gather [hbm4b:s1+s4], $0x80, v6, vm0, $0xb8;
	[tilespmem:$0x18C80] =	vst v63  }
0x10f: {  	s2 =	simm.s32 $0x12A80;
	v5 =	vadd.s32 v3, v5  }
0x110: {  	[tilespmem:s2], [sflag:$0x2] =	stream.indirect_vreg.gather [hbm4b:s6+s4], $0x80, v6, vm0, $0xb8;
	[tilespmem:$0x18C80] =	vst v63  }
0x111: {  	s5 =	simm.s32 $0x13280  }
0x112: {  	[tilespmem:s5], [sflag:$0x2] =	stream.indirect_vreg.gather [hbm4b:s7+s4], $0x80, v6, vm0, $0xb8;
	[tilespmem:$0x18C80] =	vst v63  }
0x113: {  	s18 =	simm.s32 $0x13A80  }
0x114: {  	[tilespmem:s18], [sflag:$0x2] =	stream.indirect_vreg.gather [hbm4b:s1+s4], $0x80, v5, vm0, $0xb8;
	[tilespmem:$0x18C80] =	vst v63  }
0x115: {  	s19 =	simm.s32 $0x14280  }
0x116: {  	[tilespmem:s19], [sflag:$0x2] =	stream.indirect_vreg.gather [hbm4b:s6+s4], $0x80, v5, vm0, $0xb8;
	[tilespmem:$0x18C80] =	vst v63  }
0x117: {  	s20 =	simm.s32 $0x14A80  }
0x118: {  	[tilespmem:s20], [sflag:$0x2] =	stream.indirect_vreg.gather [hbm4b:s7+s4], $0x80, v5, vm0, $0xb8;
	[tilespmem:$0x18C80] =	vst v63  }
0x119: {  	v5 =	vld [tilespmem:$0x70];
	_ =	sdelay $0x4  }
0x11a: {  	v6 =	vshrl.u32 v5, $0x3  }
0x11b: {  	v6 =	vmul.u32 $0x30, v6  }
0x11c: {  	v5 =	vand.u32 $0x7, v5  }
0x11d: {  	v5 =	vor.u32 v5, v6  }
0x11e: {  	v6 =	vperm.xlane v5, v2;
	_ =	sdelay $0x1  }
0x11f: {  	v6 =	vadd.s32 v3, v6;
	_ =	sdelay $0x3  }
0x120: {  	s23 =	simm.s32 $0x15280;
	v5 =	vperm.xlane v5, v4  }
0x121: {  	[tilespmem:s23], [sflag:$0x2] =	stream.indirect_vreg.gather [hbm4b:s1+s4], $0x80, v6, vm0, $0xb8;
	[tilespmem:$0x18C80] =	vst v63  }
0x122: {  	s24 =	simm.s32 $0x15A80;
	v5 =	vadd.s32 v3, v5  }
0x123: {  	[tilespmem:s24], [sflag:$0x2] =	stream.indirect_vreg.gather [hbm4b:s6+s4], $0x80, v6, vm0, $0xb8;
	[tilespmem:$0x18C80] =	vst v63  }
0x124: {  	s25 =	simm.s32 $0x16280  }
0x125: {  	[tilespmem:s25], [sflag:$0x2] =	stream.indirect_vreg.gather [hbm4b:s7+s4], $0x80, v6, vm0, $0xb8;
	[tilespmem:$0x18C80] =	vst v63  }
0x126: {  	s26 =	simm.s32 $0x16A80  }
0x127: {  	[tilespmem:s26], [sflag:$0x2] =	stream.indirect_vreg.gather [hbm4b:s1+s4], $0x80, v5, vm0, $0xb8;
	[tilespmem:$0x18C80] =	vst v63  }
0x128: {  	s28 =	simm.s32 $0x17280;
	s30 =	rddreg [dreg:$0x13]  }
0x129: {  	[tilespmem:s28], [sflag:$0x2] =	stream.indirect_vreg.gather [hbm4b:s6+s4], $0x80, v5, vm0, $0xb8;
	[tilespmem:$0x18C80] =	vst v63  }
0x12a: {  	s29 =	simm.s32 $0x17A80;
	s31 =	rddreg [dreg:$0x14]  }
0x12b: {  	[tilespmem:s29], [sflag:$0x2] =	stream.indirect_vreg.gather [hbm4b:s7+s4], $0x80, v5, vm0, $0xb8;
	[tilespmem:$0x18C80] =	vst v63  }
0x12c: {  	s2 =	rddreg [dreg:$0x15]  }
0x12d: {  	[tilespmem:s31], [sflag:$0x2] =	stream.indirect.gather [hbm4b:s3+s11], $0x1, s30, s11, $0xb8;
	[tilespmem:$0x18C80] =	vst v63  }
0x12e: {  	s20 =	rddreg [dreg:$0x16]  }
0x12f: {  	[tilespmem:s20], [sflag:$0x2] =	stream.indirect.gather [hbm4b:s3+s11], $0x1, s2, s11, $0xb8;
	[tilespmem:$0x18C80] =	vst v63  }
0x130: {  	_ =	swait.ge [sflag:s15], $0xC000  }
0x131: {  	[sflag:s15] =	ssyncset.done $0x0  }
0x132: {  	[sflag:s15] =	ssyncadd.s32 $0xFFFF4000  }
0x133: {  	_ =	swait.ge [sflag:s15], $0x40  }
0x134: {  	[sflag:s15] =	ssyncset.done $0x0  }
0x135: {  	[sflag:s15] =	ssyncadd.s32 $0xFFFFFFC0  }
0x136: {  	_ =	swait.ge [sflag:s15], $0x40  }
0x137: {  	s5 =	sld [smem:$0x7E6]  }
0x138: {  	[sflag:s15] =	ssyncset.done $0x0  }
0x139: {  	s0 =	simm.s32 $0x280;
	[sflag:s15] =	ssyncadd.s32 $0xFFFFFFC0  }
0x13a: {  	[hbm4b:s5+s4] =	stream.linear.scatter [tilespmem:s0], [sflag:$0x3], $0xC000, $0x38;
	[tilespmem:$0x18C80] =	vst v63  }
0x13b: {  	_ =	swait.ge [sflag:s9], $0xC000  }
0x13c: {  	[sflag:s9] =	ssyncset.done $0x0  }
0x13d: {  	[sflag:s9] =	ssyncadd.s32 $0xFFFF4000  }
0x13e: {  	v5 =	vld [tilespmem:$0x80];
	_ =	sdelay $0x4  }
0x13f: {  	v6 =	vshrl.u32 v5, $0x3  }
0x140: {  	v6 =	vmul.u32 $0x30, v6  }
0x141: {  	v5 =	vand.u32 $0x7, v5  }
0x142: {  	v5 =	vor.u32 v5, v6  }
0x143: {  	v6 =	vperm.xlane v5, v2;
	_ =	sdelay $0x1  }
0x144: {  	v6 =	vadd.s32 v3, v6;
	_ =	sdelay $0x3  }
0x145: {  	v5 =	vperm.xlane v5, v4  }
0x146: {  	[tilespmem:s0], [sflag:$0x1] =	stream.indirect_vreg.gather [hbm4b:s1+s4], $0x80, v6, vm0, $0xb8;
	[tilespmem:$0x18C80] =	vst v63  }
0x147: {  	s5 =	simm.s32 $0xA80;
	v5 =	vadd.s32 v3, v5  }
0x148: {  	[tilespmem:s5], [sflag:$0x1] =	stream.indirect_vreg.gather [hbm4b:s6+s4], $0x80, v6, vm0, $0xb8;
	[tilespmem:$0x18C80] =	vst v63  }
0x149: {  	s23 =	simm.s32 $0x1280  }
0x14a: {  	[tilespmem:s23], [sflag:$0x1] =	stream.indirect_vreg.gather [hbm4b:s7+s4], $0x80, v6, vm0, $0xb8;
	[tilespmem:$0x18C80] =	vst v63  }
0x14b: {  	s24 =	simm.s32 $0x1A80  }
0x14c: {  	[tilespmem:s24], [sflag:$0x1] =	stream.indirect_vreg.gather [hbm4b:s1+s4], $0x80, v5, vm0, $0xb8;
	[tilespmem:$0x18C80] =	vst v63  }
0x14d: {  	s25 =	simm.s32 $0x2280  }
0x14e: {  	[tilespmem:s25], [sflag:$0x1] =	stream.indirect_vreg.gather [hbm4b:s6+s4], $0x80, v5, vm0, $0xb8;
	[tilespmem:$0x18C80] =	vst v63  }
0x14f: {  	s10 =	simm.s32 $0x2A80  }
0x150: {  	[tilespmem:s10], [sflag:$0x1] =	stream.indirect_vreg.gather [hbm4b:s7+s4], $0x80, v5, vm0, $0xb8;
	[tilespmem:$0x18C80] =	vst v63  }
0x151: {  	v5 =	vld [tilespmem:$0x90];
	_ =	sdelay $0x4  }
0x152: {  	v6 =	vshrl.u32 v5, $0x3  }
0x153: {  	v6 =	vmul.u32 $0x30, v6  }
0x154: {  	v5 =	vand.u32 $0x7, v5  }
0x155: {  	v5 =	vor.u32 v5, v6  }
0x156: {  	v6 =	vperm.xlane v5, v2;
	_ =	sdelay $0x1  }
0x157: {  	v6 =	vadd.s32 v3, v6;
	_ =	sdelay $0x3  }
0x158: {  	s12 =	simm.s32 $0x3280;
	v5 =	vperm.xlane v5, v4  }
0x159: {  	[tilespmem:s12], [sflag:$0x1] =	stream.indirect_vreg.gather [hbm4b:s1+s4], $0x80, v6, vm0, $0xb8;
	[tilespmem:$0x18C80] =	vst v63  }
0x15a: {  	s26 =	simm.s32 $0x3A80;
	v5 =	vadd.s32 v3, v5  }
0x15b: {  	[tilespmem:s26], [sflag:$0x1] =	stream.indirect_vreg.gather [hbm4b:s6+s4], $0x80, v6, vm0, $0xb8;
	[tilespmem:$0x18C80] =	vst v63  }
0x15c: {  	s28 =	simm.s32 $0x4280  }
0x15d: {  	[tilespmem:s28], [sflag:$0x1] =	stream.indirect_vreg.gather [hbm4b:s7+s4], $0x80, v6, vm0, $0xb8;
	[tilespmem:$0x18C80] =	vst v63  }
0x15e: {  	s29 =	simm.s32 $0x4A80  }
0x15f: {  	[tilespmem:s29], [sflag:$0x1] =	stream.indirect_vreg.gather [hbm4b:s1+s4], $0x80, v5, vm0, $0xb8;
	[tilespmem:$0x18C80] =	vst v63  }
0x160: {  	s30 =	simm.s32 $0x5280  }
0x161: {  	[tilespmem:s30], [sflag:$0x1] =	stream.indirect_vreg.gather [hbm4b:s6+s4], $0x80, v5, vm0, $0xb8;
	[tilespmem:$0x18C80] =	vst v63  }
0x162: {  	s13 =	simm.s32 $0x5A80  }
0x163: {  	[tilespmem:s13], [sflag:$0x1] =	stream.indirect_vreg.gather [hbm4b:s7+s4], $0x80, v5, vm0, $0xb8;
	[tilespmem:$0x18C80] =	vst v63  }
0x164: {  	v5 =	vld [tilespmem:$0xA0];
	_ =	sdelay $0x4  }
0x165: {  	v6 =	vshrl.u32 v5, $0x3  }
0x166: {  	v6 =	vmul.u32 $0x30, v6  }
0x167: {  	v5 =	vand.u32 $0x7, v5  }
0x168: {  	v5 =	vor.u32 v5, v6  }
0x169: {  	v6 =	vperm.xlane v5, v2;
	_ =	sdelay $0x1  }
0x16a: {  	v6 =	vadd.s32 v3, v6;
	_ =	sdelay $0x3  }
0x16b: {  	s14 =	simm.s32 $0x6280;
	v5 =	vperm.xlane v5, v4  }
0x16c: {  	[tilespmem:s14], [sflag:$0x1] =	stream.indirect_vreg.gather [hbm4b:s1+s4], $0x80, v6, vm0, $0xb8;
	[tilespmem:$0x18C80] =	vst v63  }
0x16d: {  	s31 =	simm.s32 $0x6A80;
	v5 =	vadd.s32 v3, v5  }
0x16e: {  	[tilespmem:s31], [sflag:$0x1] =	stream.indirect_vreg.gather [hbm4b:s6+s4], $0x80, v6, vm0, $0xb8;
	[tilespmem:$0x18C80] =	vst v63  }
0x16f: {  	s10 =	simm.s32 $0x7280  }
0x170: {  	[tilespmem:s10], [sflag:$0x1] =	stream.indirect_vreg.gather [hbm4b:s7+s4], $0x80, v6, vm0, $0xb8;
	[tilespmem:$0x18C80] =	vst v63  }
0x171: {  	s12 =	simm.s32 $0x7A80  }
0x172: {  	[tilespmem:s12], [sflag:$0x1] =	stream.indirect_vreg.gather [hbm4b:s1+s4], $0x80, v5, vm0, $0xb8;
	[tilespmem:$0x18C80] =	vst v63  }
0x173: {  	s13 =	simm.s32 $0x8280  }
0x174: {  	[tilespmem:s13], [sflag:$0x1] =	stream.indirect_vreg.gather [hbm4b:s6+s4], $0x80, v5, vm0, $0xb8;
	[tilespmem:$0x18C80] =	vst v63  }
0x175: {  	s21 =	simm.s32 $0x8A80  }
0x176: {  	[tilespmem:s21], [sflag:$0x1] =	stream.indirect_vreg.gather [hbm4b:s7+s4], $0x80, v5, vm0, $0xb8;
	[tilespmem:$0x18C80] =	vst v63  }
0x177: {  	v5 =	vld [tilespmem:$0xB0];
	_ =	sdelay $0x4  }
0x178: {  	v6 =	vshrl.u32 v5, $0x3  }
0x179: {  	v6 =	vmul.u32 $0x30, v6  }
0x17a: {  	v5 =	vand.u32 $0x7, v5  }
0x17b: {  	v5 =	vor.u32 v5, v6  }
0x17c: {  	v6 =	vperm.xlane v5, v2;
	_ =	sdelay $0x1  }
0x17d: {  	v6 =	vadd.s32 v3, v6;
	_ =	sdelay $0x3  }
0x17e: {  	s22 =	simm.s32 $0x9280;
	v5 =	vperm.xlane v5, v4  }
0x17f: {  	[tilespmem:s22], [sflag:$0x1] =	stream.indirect_vreg.gather [hbm4b:s1+s4], $0x80, v6, vm0, $0xb8;
	[tilespmem:$0x18C80] =	vst v63  }
0x180: {  	s14 =	simm.s32 $0x9A80;
	v5 =	vadd.s32 v3, v5  }
0x181: {  	[tilespmem:s14], [sflag:$0x1] =	stream.indirect_vreg.gather [hbm4b:s6+s4], $0x80, v6, vm0, $0xb8;
	[tilespmem:$0x18C80] =	vst v63  }
0x182: {  	s21 =	simm.s32 $0xA280  }
0x183: {  	[tilespmem:s21], [sflag:$0x1] =	stream.indirect_vreg.gather [hbm4b:s7+s4], $0x80, v6, vm0, $0xb8;
	[tilespmem:$0x18C80] =	vst v63  }
0x184: {  	s22 =	simm.s32 $0xAA80  }
0x185: {  	[tilespmem:s22], [sflag:$0x1] =	stream.indirect_vreg.gather [hbm4b:s1+s4], $0x80, v5, vm0, $0xb8;
	[tilespmem:$0x18C80] =	vst v63  }
0x186: {  	s2 =	simm.s32 $0xB280;
	s18 =	rddreg [dreg:$0x17]  }
0x187: {  	[tilespmem:s2], [sflag:$0x1] =	stream.indirect_vreg.gather [hbm4b:s6+s4], $0x80, v5, vm0, $0xb8;
	[tilespmem:$0x18C80] =	vst v63  }
0x188: {  	s17 =	simm.s32 $0xBA80;
	s19 =	rddreg [dreg:$0x18]  }
0x189: {  	[tilespmem:s17], [sflag:$0x1] =	stream.indirect_vreg.gather [hbm4b:s7+s4], $0x80, v5, vm0, $0xb8;
	[tilespmem:$0x18C80] =	vst v63  }
0x18a: {  	s20 =	rddreg [dreg:$0x19]  }
0x18b: {  	[tilespmem:s19], [sflag:$0x1] =	stream.indirect.gather [hbm4b:s3+s11], $0x1, s18, s11, $0xb8;
	[tilespmem:$0x18C80] =	vst v63  }
0x18c: {  	s0 =	rddreg [dreg:$0x1a]  }
0x18d: {  	[tilespmem:s0], [sflag:$0x1] =	stream.indirect.gather [hbm4b:s3+s11], $0x1, s20, s11, $0xb8;
	[tilespmem:$0x18C80] =	vst v63  }
0x18e: {  	_ =	swait.ge [sflag:s16], $0xC000  }
0x18f: {  	[sflag:s16] =	ssyncset.done $0x0  }
0x190: {  	[sflag:s16] =	ssyncadd.s32 $0xFFFF4000  }
0x191: {  	_ =	swait.ge [sflag:s16], $0x40  }
0x192: {  	[sflag:s16] =	ssyncset.done $0x0  }
0x193: {  	[sflag:s16] =	ssyncadd.s32 $0xFFFFFFC0  }
0x194: {  	_ =	swait.ge [sflag:s16], $0x40  }
0x195: {  	[sflag:s16] =	ssyncset.done $0x0  }
0x196: {  	s18 =	rddreg [dreg:$0x6];
	[sflag:s16] =	ssyncadd.s32 $0xFFFFFFC0  }
0x197: {  	[hbm4b:s18+s4] =	stream.linear.scatter [tilespmem:s8], [sflag:$0x3], $0xC000, $0x38;
	[tilespmem:$0x18C80] =	vst v63  }
0x198: {  	_ =	swait.ge [sflag:s9], $0xC000  }
0x199: {  	[sflag:s9] =	ssyncset.done $0x0  }
0x19a: {  	[sflag:s9] =	ssyncadd.s32 $0xFFFF4000  }
0x19b: {  	v5 =	vld [tilespmem:$0xC0];
	_ =	sdelay $0x4  }
0x19c: {  	v6 =	vshrl.u32 v5, $0x3  }
0x19d: {  	v6 =	vmul.u32 $0x30, v6  }
0x19e: {  	v5 =	vand.u32 $0x7, v5  }
0x19f: {  	v5 =	vor.u32 v5, v6  }
0x1a0: {  	v6 =	vperm.xlane v5, v2;
	_ =	sdelay $0x1  }
0x1a1: {  	v6 =	vadd.s32 v3, v6;
	_ =	sdelay $0x3  }
0x1a2: {  	v5 =	vperm.xlane v5, v4  }
0x1a3: {  	[tilespmem:s8], [sflag:$0x2] =	stream.indirect_vreg.gather [hbm4b:s1+s4], $0x80, v6, vm0, $0xb8;
	[tilespmem:$0x18C80] =	vst v63  }
0x1a4: {  	s19 =	simm.s32 $0xCA80;
	v5 =	vadd.s32 v3, v5  }
0x1a5: {  	[tilespmem:s19], [sflag:$0x2] =	stream.indirect_vreg.gather [hbm4b:s6+s4], $0x80, v6, vm0, $0xb8;
	[tilespmem:$0x18C80] =	vst v63  }
0x1a6: {  	s20 =	simm.s32 $0xD280  }
0x1a7: {  	[tilespmem:s20], [sflag:$0x2] =	stream.indirect_vreg.gather [hbm4b:s7+s4], $0x80, v6, vm0, $0xb8;
	[tilespmem:$0x18C80] =	vst v63  }
0x1a8: {  	s17 =	simm.s32 $0xDA80  }
0x1a9: {  	[tilespmem:s17], [sflag:$0x2] =	stream.indirect_vreg.gather [hbm4b:s1+s4], $0x80, v5, vm0, $0xb8;
	[tilespmem:$0x18C80] =	vst v63  }
0x1aa: {  	s18 =	simm.s32 $0xE280  }
0x1ab: {  	[tilespmem:s18], [sflag:$0x2] =	stream.indirect_vreg.gather [hbm4b:s6+s4], $0x80, v5, vm0, $0xb8;
	[tilespmem:$0x18C80] =	vst v63  }
0x1ac: {  	s19 =	simm.s32 $0xEA80  }
0x1ad: {  	[tilespmem:s19], [sflag:$0x2] =	stream.indirect_vreg.gather [hbm4b:s7+s4], $0x80, v5, vm0, $0xb8;
	[tilespmem:$0x18C80] =	vst v63  }
0x1ae: {  	v5 =	vld [tilespmem:$0xD0];
	_ =	sdelay $0x4  }
0x1af: {  	v6 =	vshrl.u32 v5, $0x3  }
0x1b0: {  	v6 =	vmul.u32 $0x30, v6  }
0x1b1: {  	v5 =	vand.u32 $0x7, v5  }
0x1b2: {  	v5 =	vor.u32 v5, v6  }
0x1b3: {  	v6 =	vperm.xlane v5, v2;
	_ =	sdelay $0x1  }
0x1b4: {  	v6 =	vadd.s32 v3, v6;
	_ =	sdelay $0x3  }
0x1b5: {  	s20 =	simm.s32 $0xF280;
	v5 =	vperm.xlane v5, v4  }
0x1b6: {  	[tilespmem:s20], [sflag:$0x2] =	stream.indirect_vreg.gather [hbm4b:s1+s4], $0x80, v6, vm0, $0xb8;
	[tilespmem:$0x18C80] =	vst v63  }
0x1b7: {  	s17 =	simm.s32 $0xFA80;
	v5 =	vadd.s32 v3, v5  }
0x1b8: {  	[tilespmem:s17], [sflag:$0x2] =	stream.indirect_vreg.gather [hbm4b:s6+s4], $0x80, v6, vm0, $0xb8;
	[tilespmem:$0x18C80] =	vst v63  }
0x1b9: {  	s18 =	simm.s32 $0x10280  }
0x1ba: {  	[tilespmem:s18], [sflag:$0x2] =	stream.indirect_vreg.gather [hbm4b:s7+s4], $0x80, v6, vm0, $0xb8;
	[tilespmem:$0x18C80] =	vst v63  }
0x1bb: {  	s19 =	simm.s32 $0x10A80  }
0x1bc: {  	[tilespmem:s19], [sflag:$0x2] =	stream.indirect_vreg.gather [hbm4b:s1+s4], $0x80, v5, vm0, $0xb8;
	[tilespmem:$0x18C80] =	vst v63  }
0x1bd: {  	s20 =	simm.s32 $0x11280  }
0x1be: {  	[tilespmem:s20], [sflag:$0x2] =	stream.indirect_vreg.gather [hbm4b:s6+s4], $0x80, v5, vm0, $0xb8;
	[tilespmem:$0x18C80] =	vst v63  }
0x1bf: {  	s17 =	simm.s32 $0x11A80  }
0x1c0: {  	[tilespmem:s17], [sflag:$0x2] =	stream.indirect_vreg.gather [hbm4b:s7+s4], $0x80, v5, vm0, $0xb8;
	[tilespmem:$0x18C80] =	vst v63  }
0x1c1: {  	v5 =	vld [tilespmem:$0xE0];
	_ =	sdelay $0x4  }
0x1c2: {  	v6 =	vshrl.u32 v5, $0x3  }
0x1c3: {  	v6 =	vmul.u32 $0x30, v6  }
0x1c4: {  	v5 =	vand.u32 $0x7, v5  }
0x1c5: {  	v5 =	vor.u32 v5, v6  }
0x1c6: {  	v6 =	vperm.xlane v5, v2;
	_ =	sdelay $0x1  }
0x1c7: {  	v6 =	vadd.s32 v3, v6;
	_ =	sdelay $0x3  }
0x1c8: {  	s18 =	simm.s32 $0x12280;
	v5 =	vperm.xlane v5, v4  }
0x1c9: {  	[tilespmem:s18], [sflag:$0x2] =	stream.indirect_vreg.gather [hbm4b:s1+s4], $0x80, v6, vm0, $0xb8;
	[tilespmem:$0x18C80] =	vst v63  }
0x1ca: {  	s19 =	simm.s32 $0x12A80;
	v5 =	vadd.s32 v3, v5  }
0x1cb: {  	[tilespmem:s19], [sflag:$0x2] =	stream.indirect_vreg.gather [hbm4b:s6+s4], $0x80, v6, vm0, $0xb8;
	[tilespmem:$0x18C80] =	vst v63  }
0x1cc: {  	s20 =	simm.s32 $0x13280  }
0x1cd: {  	[tilespmem:s20], [sflag:$0x2] =	stream.indirect_vreg.gather [hbm4b:s7+s4], $0x80, v6, vm0, $0xb8;
	[tilespmem:$0x18C80] =	vst v63  }
0x1ce: {  	s17 =	simm.s32 $0x13A80  }
0x1cf: {  	[tilespmem:s17], [sflag:$0x2] =	stream.indirect_vreg.gather [hbm4b:s1+s4], $0x80, v5, vm0, $0xb8;
	[tilespmem:$0x18C80] =	vst v63  }
0x1d0: {  	s18 =	simm.s32 $0x14280  }
0x1d1: {  	[tilespmem:s18], [sflag:$0x2] =	stream.indirect_vreg.gather [hbm4b:s6+s4], $0x80, v5, vm0, $0xb8;
	[tilespmem:$0x18C80] =	vst v63  }
0x1d2: {  	s19 =	simm.s32 $0x14A80  }
0x1d3: {  	[tilespmem:s19], [sflag:$0x2] =	stream.indirect_vreg.gather [hbm4b:s7+s4], $0x80, v5, vm0, $0xb8;
	[tilespmem:$0x18C80] =	vst v63  }
0x1d4: {  	v5 =	vld [tilespmem:$0xF0];
	_ =	sdelay $0x4  }
0x1d5: {  	v6 =	vshrl.u32 v5, $0x3  }
0x1d6: {  	v6 =	vmul.u32 $0x30, v6  }
0x1d7: {  	v5 =	vand.u32 $0x7, v5  }
0x1d8: {  	v5 =	vor.u32 v5, v6  }
0x1d9: {  	v6 =	vperm.xlane v5, v2;
	_ =	sdelay $0x1  }
0x1da: {  	v6 =	vadd.s32 v3, v6;
	_ =	sdelay $0x3  }
0x1db: {  	s20 =	simm.s32 $0x15280;
	v5 =	vperm.xlane v5, v4  }
0x1dc: {  	[tilespmem:s20], [sflag:$0x2] =	stream.indirect_vreg.gather [hbm4b:s1+s4], $0x80, v6, vm0, $0xb8;
	[tilespmem:$0x18C80] =	vst v63  }
0x1dd: {  	s17 =	simm.s32 $0x15A80;
	v5 =	vadd.s32 v3, v5  }
0x1de: {  	[tilespmem:s17], [sflag:$0x2] =	stream.indirect_vreg.gather [hbm4b:s6+s4], $0x80, v6, vm0, $0xb8;
	[tilespmem:$0x18C80] =	vst v63  }
0x1df: {  	s18 =	simm.s32 $0x16280  }
0x1e0: {  	[tilespmem:s18], [sflag:$0x2] =	stream.indirect_vreg.gather [hbm4b:s7+s4], $0x80, v6, vm0, $0xb8;
	[tilespmem:$0x18C80] =	vst v63  }
0x1e1: {  	s19 =	simm.s32 $0x16A80  }
0x1e2: {  	[tilespmem:s19], [sflag:$0x2] =	stream.indirect_vreg.gather [hbm4b:s1+s4], $0x80, v5, vm0, $0xb8;
	[tilespmem:$0x18C80] =	vst v63  }
0x1e3: {  	s0 =	rddreg [dreg:$0x1e];
	s20 =	simm.s32 $0x17280  }
0x1e4: {  	[tilespmem:s20], [sflag:$0x2] =	stream.indirect_vreg.gather [hbm4b:s6+s4], $0x80, v5, vm0, $0xb8;
	[tilespmem:$0x18C80] =	vst v63  }
0x1e5: {  	s17 =	simm.s32 $0x17A80;
	s18 =	rddreg [dreg:$0x1b]  }
0x1e6: {  	[tilespmem:s17], [sflag:$0x2] =	stream.indirect_vreg.gather [hbm4b:s7+s4], $0x80, v5, vm0, $0xb8;
	[tilespmem:$0x18C80] =	vst v63  }
0x1e7: {  	s19 =	rddreg [dreg:$0x1c]  }
0x1e8: {  	[tilespmem:s19], [sflag:$0x2] =	stream.indirect.gather [hbm4b:s3+s11], $0x1, s18, s11, $0xb8;
	[tilespmem:$0x18C80] =	vst v63  }
0x1e9: {  	s20 =	rddreg [dreg:$0x1d]  }
0x1ea: {  	[tilespmem:s0], [sflag:$0x2] =	stream.indirect.gather [hbm4b:s3+s11], $0x1, s20, s11, $0xb8;
	[tilespmem:$0x18C80] =	vst v63  }
0x1eb: {  	_ =	swait.ge [sflag:s15], $0xC000  }
0x1ec: {  	[sflag:s15] =	ssyncset.done $0x0  }
0x1ed: {  	[sflag:s15] =	ssyncadd.s32 $0xFFFF4000  }
0x1ee: {  	_ =	swait.ge [sflag:s15], $0x40  }
0x1ef: {  	[sflag:s15] =	ssyncset.done $0x0  }
0x1f0: {  	[sflag:s15] =	ssyncadd.s32 $0xFFFFFFC0  }
0x1f1: {  	_ =	swait.ge [sflag:s15], $0x40  }
0x1f2: {  	[sflag:s15] =	ssyncset.done $0x0  }
0x1f3: {  	s20 =	simm.s32 $0x280;
	s19 =	rddreg [dreg:$0x7];
	[sflag:s15] =	ssyncadd.s32 $0xFFFFFFC0  }
0x1f4: {  	[hbm4b:s19+s4] =	stream.linear.scatter [tilespmem:s20], [sflag:$0x3], $0xC000, $0x38;
	[tilespmem:$0x18C80] =	vst v63  }
0x1f5: {  	_ =	swait.ge [sflag:s9], $0xC000  }
0x1f6: {  	[sflag:s9] =	ssyncset.done $0x0  }
0x1f7: {  	[sflag:s9] =	ssyncadd.s32 $0xFFFF4000  }
0x1f8: {  	v5 =	vld [tilespmem:$0x100];
	_ =	sdelay $0x4  }
0x1f9: {  	v6 =	vshrl.u32 v5, $0x3  }
0x1fa: {  	v6 =	vmul.u32 $0x30, v6  }
0x1fb: {  	v5 =	vand.u32 $0x7, v5  }
0x1fc: {  	v5 =	vor.u32 v5, v6  }
0x1fd: {  	v6 =	vperm.xlane v5, v2;
	_ =	sdelay $0x1  }
0x1fe: {  	v6 =	vadd.s32 v3, v6;
	_ =	sdelay $0x3  }
0x1ff: {  	v5 =	vperm.xlane v5, v4  }
0x200: {  	[tilespmem:s20], [sflag:$0x1] =	stream.indirect_vreg.gather [hbm4b:s1+s4], $0x80, v6, vm0, $0xb8;
	[tilespmem:$0x18C80] =	vst v63  }
0x201: {  	v5 =	vadd.s32 v3, v5  }
0x202: {  	[tilespmem:s5], [sflag:$0x1] =	stream.indirect_vreg.gather [hbm4b:s6+s4], $0x80, v6, vm0, $0xb8;
	[tilespmem:$0x18C80] =	vst v63  }
0x203: {  	_ = 	snop  }
0x204: {  	[tilespmem:s23], [sflag:$0x1] =	stream.indirect_vreg.gather [hbm4b:s7+s4], $0x80, v6, vm0, $0xb8;
	[tilespmem:$0x18C80] =	vst v63  }
0x205: {  	_ = 	snop  }
0x206: {  	[tilespmem:s24], [sflag:$0x1] =	stream.indirect_vreg.gather [hbm4b:s1+s4], $0x80, v5, vm0, $0xb8;
	[tilespmem:$0x18C80] =	vst v63  }
0x207: {  	_ = 	snop  }
0x208: {  	[tilespmem:s25], [sflag:$0x1] =	stream.indirect_vreg.gather [hbm4b:s6+s4], $0x80, v5, vm0, $0xb8;
	[tilespmem:$0x18C80] =	vst v63  }
0x209: {  	s18 =	simm.s32 $0x2A80  }
0x20a: {  	[tilespmem:s18], [sflag:$0x1] =	stream.indirect_vreg.gather [hbm4b:s7+s4], $0x80, v5, vm0, $0xb8;
	[tilespmem:$0x18C80] =	vst v63  }
0x20b: {  	v5 =	vld [tilespmem:$0x110];
	_ =	sdelay $0x4  }
0x20c: {  	v6 =	vshrl.u32 v5, $0x3  }
0x20d: {  	v6 =	vmul.u32 $0x30, v6  }
0x20e: {  	v5 =	vand.u32 $0x7, v5  }
0x20f: {  	v5 =	vor.u32 v5, v6  }
0x210: {  	v6 =	vperm.xlane v5, v2;
	_ =	sdelay $0x1  }
0x211: {  	v6 =	vadd.s32 v3, v6;
	_ =	sdelay $0x3  }
0x212: {  	s19 =	simm.s32 $0x3280;
	v5 =	vperm.xlane v5, v4  }
0x213: {  	[tilespmem:s19], [sflag:$0x1] =	stream.indirect_vreg.gather [hbm4b:s1+s4], $0x80, v6, vm0, $0xb8;
	[tilespmem:$0x18C80] =	vst v63  }
0x214: {  	v5 =	vadd.s32 v3, v5  }
0x215: {  	[tilespmem:s26], [sflag:$0x1] =	stream.indirect_vreg.gather [hbm4b:s6+s4], $0x80, v6, vm0, $0xb8;
	[tilespmem:$0x18C80] =	vst v63  }
0x216: {  	_ = 	snop  }
0x217: {  	[tilespmem:s28], [sflag:$0x1] =	stream.indirect_vreg.gather [hbm4b:s7+s4], $0x80, v6, vm0, $0xb8;
	[tilespmem:$0x18C80] =	vst v63  }
0x218: {  	_ = 	snop  }
0x219: {  	[tilespmem:s29], [sflag:$0x1] =	stream.indirect_vreg.gather [hbm4b:s1+s4], $0x80, v5, vm0, $0xb8;
	[tilespmem:$0x18C80] =	vst v63  }
0x21a: {  	_ = 	snop  }
0x21b: {  	[tilespmem:s30], [sflag:$0x1] =	stream.indirect_vreg.gather [hbm4b:s6+s4], $0x80, v5, vm0, $0xb8;
	[tilespmem:$0x18C80] =	vst v63  }
0x21c: {  	s20 =	simm.s32 $0x5A80  }
0x21d: {  	[tilespmem:s20], [sflag:$0x1] =	stream.indirect_vreg.gather [hbm4b:s7+s4], $0x80, v5, vm0, $0xb8;
	[tilespmem:$0x18C80] =	vst v63  }
0x21e: {  	v5 =	vld [tilespmem:$0x120];
	_ =	sdelay $0x4  }
0x21f: {  	v6 =	vshrl.u32 v5, $0x3  }
0x220: {  	v6 =	vmul.u32 $0x30, v6  }
0x221: {  	v5 =	vand.u32 $0x7, v5  }
0x222: {  	v5 =	vor.u32 v5, v6  }
0x223: {  	v6 =	vperm.xlane v5, v2;
	_ =	sdelay $0x1  }
0x224: {  	v6 =	vadd.s32 v3, v6;
	_ =	sdelay $0x3  }
0x225: {  	s18 =	simm.s32 $0x6280;
	v5 =	vperm.xlane v5, v4  }
0x226: {  	[tilespmem:s18], [sflag:$0x1] =	stream.indirect_vreg.gather [hbm4b:s1+s4], $0x80, v6, vm0, $0xb8;
	[tilespmem:$0x18C80] =	vst v63  }
0x227: {  	v5 =	vadd.s32 v3, v5  }
0x228: {  	[tilespmem:s31], [sflag:$0x1] =	stream.indirect_vreg.gather [hbm4b:s6+s4], $0x80, v6, vm0, $0xb8;
	[tilespmem:$0x18C80] =	vst v63  }
0x229: {  	_ = 	snop  }
0x22a: {  	[tilespmem:s10], [sflag:$0x1] =	stream.indirect_vreg.gather [hbm4b:s7+s4], $0x80, v6, vm0, $0xb8;
	[tilespmem:$0x18C80] =	vst v63  }
0x22b: {  	_ = 	snop  }
0x22c: {  	[tilespmem:s12], [sflag:$0x1] =	stream.indirect_vreg.gather [hbm4b:s1+s4], $0x80, v5, vm0, $0xb8;
	[tilespmem:$0x18C80] =	vst v63  }
0x22d: {  	_ = 	snop  }
0x22e: {  	[tilespmem:s13], [sflag:$0x1] =	stream.indirect_vreg.gather [hbm4b:s6+s4], $0x80, v5, vm0, $0xb8;
	[tilespmem:$0x18C80] =	vst v63  }
0x22f: {  	s19 =	simm.s32 $0x8A80  }
0x230: {  	[tilespmem:s19], [sflag:$0x1] =	stream.indirect_vreg.gather [hbm4b:s7+s4], $0x80, v5, vm0, $0xb8;
	[tilespmem:$0x18C80] =	vst v63  }
0x231: {  	v5 =	vld [tilespmem:$0x130];
	_ =	sdelay $0x4  }
0x232: {  	v6 =	vshrl.u32 v5, $0x3  }
0x233: {  	v6 =	vmul.u32 $0x30, v6  }
0x234: {  	v5 =	vand.u32 $0x7, v5  }
0x235: {  	v5 =	vor.u32 v5, v6  }
0x236: {  	v6 =	vperm.xlane v5, v2;
	_ =	sdelay $0x1  }
0x237: {  	v6 =	vadd.s32 v3, v6;
	_ =	sdelay $0x3  }
0x238: {  	s20 =	simm.s32 $0x9280;
	v5 =	vperm.xlane v5, v4  }
0x239: {  	[tilespmem:s20], [sflag:$0x1] =	stream.indirect_vreg.gather [hbm4b:s1+s4], $0x80, v6, vm0, $0xb8;
	[tilespmem:$0x18C80] =	vst v63  }
0x23a: {  	v5 =	vadd.s32 v3, v5  }
0x23b: {  	[tilespmem:s14], [sflag:$0x1] =	stream.indirect_vreg.gather [hbm4b:s6+s4], $0x80, v6, vm0, $0xb8;
	[tilespmem:$0x18C80] =	vst v63  }
0x23c: {  	_ = 	snop  }
0x23d: {  	[tilespmem:s21], [sflag:$0x1] =	stream.indirect_vreg.gather [hbm4b:s7+s4], $0x80, v6, vm0, $0xb8;
	[tilespmem:$0x18C80] =	vst v63  }
0x23e: {  	s18 =	rddreg [dreg:$0x1f]  }
0x23f: {  	[tilespmem:s22], [sflag:$0x1] =	stream.indirect_vreg.gather [hbm4b:s1+s4], $0x80, v5, vm0, $0xb8;
	[tilespmem:$0x18C80] =	vst v63  }
0x240: {  	s19 =	sld [smem:$0x7E7]  }
0x241: {  	[tilespmem:s2], [sflag:$0x1] =	stream.indirect_vreg.gather [hbm4b:s6+s4], $0x80, v5, vm0, $0xb8;
	[tilespmem:$0x18C80] =	vst v63  }
0x242: {  	s17 =	simm.s32 $0xBA80;
	s20 =	sld [smem:$0x7E8]  }
0x243: {  	[tilespmem:s17], [sflag:$0x1] =	stream.indirect_vreg.gather [hbm4b:s7+s4], $0x80, v5, vm0, $0xb8;
	[tilespmem:$0x18C80] =	vst v63  }
0x244: {  	s2 =	sld [smem:$0x7E9]  }
0x245: {  	[tilespmem:s19], [sflag:$0x1] =	stream.indirect.gather [hbm4b:s3+s11], $0x1, s18, s11, $0xb8;
	[tilespmem:$0x18C80] =	vst v63  }
0x246: {  	_ = 	snop  }
0x247: {  	[tilespmem:s2], [sflag:$0x1] =	stream.indirect.gather [hbm4b:s3+s11], $0x1, s20, s11, $0xb8;
	[tilespmem:$0x18C80] =	vst v63  }
0x248: {  	_ =	swait.ge [sflag:s16], $0xC000  }
0x249: {  	[sflag:s16] =	ssyncset.done $0x0  }
0x24a: {  	[sflag:s16] =	ssyncadd.s32 $0xFFFF4000  }
0x24b: {  	_ =	swait.ge [sflag:s16], $0x40  }
0x24c: {  	[sflag:s16] =	ssyncset.done $0x0  }
0x24d: {  	[sflag:s16] =	ssyncadd.s32 $0xFFFFFFC0  }
0x24e: {  	_ =	swait.ge [sflag:s16], $0x40  }
0x24f: {  	[sflag:s16] =	ssyncset.done $0x0  }
0x250: {  	s18 =	rddreg [dreg:$0x8];
	[sflag:s16] =	ssyncadd.s32 $0xFFFFFFC0  }
0x251: {  	[hbm4b:s18+s4] =	stream.linear.scatter [tilespmem:s8], [sflag:$0x3], $0xC000, $0x38;
	[tilespmem:$0x18C80] =	vst v63  }
0x252: {  	_ =	swait.ge [sflag:s9], $0xC000  }
0x253: {  	[sflag:s9] =	ssyncset.done $0x0  }
0x254: {  	[sflag:s9] =	ssyncadd.s32 $0xFFFF4000  }
0x255: {  	v5 =	vld [tilespmem:$0x140];
	_ =	sdelay $0x4  }
0x256: {  	v6 =	vshrl.u32 v5, $0x3  }
0x257: {  	v6 =	vmul.u32 $0x30, v6  }
0x258: {  	v5 =	vand.u32 $0x7, v5  }
0x259: {  	v5 =	vor.u32 v5, v6  }
0x25a: {  	v6 =	vperm.xlane v5, v2;
	_ =	sdelay $0x1  }
0x25b: {  	v6 =	vadd.s32 v3, v6;
	_ =	sdelay $0x3  }
0x25c: {  	v5 =	vperm.xlane v5, v4  }
0x25d: {  	[tilespmem:s8], [sflag:$0x2] =	stream.indirect_vreg.gather [hbm4b:s1+s4], $0x80, v6, vm0, $0xb8;
	[tilespmem:$0x18C80] =	vst v63  }
0x25e: {  	s19 =	simm.s32 $0xCA80;
	v5 =	vadd.s32 v3, v5  }
0x25f: {  	[tilespmem:s19], [sflag:$0x2] =	stream.indirect_vreg.gather [hbm4b:s6+s4], $0x80, v6, vm0, $0xb8;
	[tilespmem:$0x18C80] =	vst v63  }
0x260: {  	s20 =	simm.s32 $0xD280  }
0x261: {  	[tilespmem:s20], [sflag:$0x2] =	stream.indirect_vreg.gather [hbm4b:s7+s4], $0x80, v6, vm0, $0xb8;
	[tilespmem:$0x18C80] =	vst v63  }
0x262: {  	s17 =	simm.s32 $0xDA80  }
0x263: {  	[tilespmem:s17], [sflag:$0x2] =	stream.indirect_vreg.gather [hbm4b:s1+s4], $0x80, v5, vm0, $0xb8;
	[tilespmem:$0x18C80] =	vst v63  }
0x264: {  	s18 =	simm.s32 $0xE280  }
0x265: {  	[tilespmem:s18], [sflag:$0x2] =	stream.indirect_vreg.gather [hbm4b:s6+s4], $0x80, v5, vm0, $0xb8;
	[tilespmem:$0x18C80] =	vst v63  }
0x266: {  	s19 =	simm.s32 $0xEA80  }
0x267: {  	[tilespmem:s19], [sflag:$0x2] =	stream.indirect_vreg.gather [hbm4b:s7+s4], $0x80, v5, vm0, $0xb8;
	[tilespmem:$0x18C80] =	vst v63  }
0x268: {  	v5 =	vld [tilespmem:$0x150];
	_ =	sdelay $0x4  }
0x269: {  	v6 =	vshrl.u32 v5, $0x3  }
0x26a: {  	v6 =	vmul.u32 $0x30, v6  }
0x26b: {  	v5 =	vand.u32 $0x7, v5  }
0x26c: {  	v5 =	vor.u32 v5, v6  }
0x26d: {  	v6 =	vperm.xlane v5, v2;
	_ =	sdelay $0x1  }
0x26e: {  	v6 =	vadd.s32 v3, v6;
	_ =	sdelay $0x3  }
0x26f: {  	s20 =	simm.s32 $0xF280;
	v5 =	vperm.xlane v5, v4  }
0x270: {  	[tilespmem:s20], [sflag:$0x2] =	stream.indirect_vreg.gather [hbm4b:s1+s4], $0x80, v6, vm0, $0xb8;
	[tilespmem:$0x18C80] =	vst v63  }
0x271: {  	s17 =	simm.s32 $0xFA80;
	v5 =	vadd.s32 v3, v5  }
0x272: {  	[tilespmem:s17], [sflag:$0x2] =	stream.indirect_vreg.gather [hbm4b:s6+s4], $0x80, v6, vm0, $0xb8;
	[tilespmem:$0x18C80] =	vst v63  }
0x273: {  	s18 =	simm.s32 $0x10280  }
0x274: {  	[tilespmem:s18], [sflag:$0x2] =	stream.indirect_vreg.gather [hbm4b:s7+s4], $0x80, v6, vm0, $0xb8;
	[tilespmem:$0x18C80] =	vst v63  }
0x275: {  	s19 =	simm.s32 $0x10A80  }
0x276: {  	[tilespmem:s19], [sflag:$0x2] =	stream.indirect_vreg.gather [hbm4b:s1+s4], $0x80, v5, vm0, $0xb8;
	[tilespmem:$0x18C80] =	vst v63  }
0x277: {  	s20 =	simm.s32 $0x11280  }
0x278: {  	[tilespmem:s20], [sflag:$0x2] =	stream.indirect_vreg.gather [hbm4b:s6+s4], $0x80, v5, vm0, $0xb8;
	[tilespmem:$0x18C80] =	vst v63  }
0x279: {  	s17 =	simm.s32 $0x11A80  }
0x27a: {  	[tilespmem:s17], [sflag:$0x2] =	stream.indirect_vreg.gather [hbm4b:s7+s4], $0x80, v5, vm0, $0xb8;
	[tilespmem:$0x18C80] =	vst v63  }
0x27b: {  	v5 =	vld [tilespmem:$0x160];
	_ =	sdelay $0x4  }
0x27c: {  	v6 =	vshrl.u32 v5, $0x3  }
0x27d: {  	v6 =	vmul.u32 $0x30, v6  }
0x27e: {  	v5 =	vand.u32 $0x7, v5  }
0x27f: {  	v5 =	vor.u32 v5, v6  }
0x280: {  	v6 =	vperm.xlane v5, v2;
	_ =	sdelay $0x1  }
0x281: {  	v6 =	vadd.s32 v3, v6;
	_ =	sdelay $0x3  }
0x282: {  	s18 =	simm.s32 $0x12280;
	v5 =	vperm.xlane v5, v4  }
0x283: {  	[tilespmem:s18], [sflag:$0x2] =	stream.indirect_vreg.gather [hbm4b:s1+s4], $0x80, v6, vm0, $0xb8;
	[tilespmem:$0x18C80] =	vst v63  }
0x284: {  	s19 =	simm.s32 $0x12A80;
	v5 =	vadd.s32 v3, v5  }
0x285: {  	[tilespmem:s19], [sflag:$0x2] =	stream.indirect_vreg.gather [hbm4b:s6+s4], $0x80, v6, vm0, $0xb8;
	[tilespmem:$0x18C80] =	vst v63  }
0x286: {  	s20 =	simm.s32 $0x13280  }
0x287: {  	[tilespmem:s20], [sflag:$0x2] =	stream.indirect_vreg.gather [hbm4b:s7+s4], $0x80, v6, vm0, $0xb8;
	[tilespmem:$0x18C80] =	vst v63  }
0x288: {  	s17 =	simm.s32 $0x13A80  }
0x289: {  	[tilespmem:s17], [sflag:$0x2] =	stream.indirect_vreg.gather [hbm4b:s1+s4], $0x80, v5, vm0, $0xb8;
	[tilespmem:$0x18C80] =	vst v63  }
0x28a: {  	s18 =	simm.s32 $0x14280  }
0x28b: {  	[tilespmem:s18], [sflag:$0x2] =	stream.indirect_vreg.gather [hbm4b:s6+s4], $0x80, v5, vm0, $0xb8;
	[tilespmem:$0x18C80] =	vst v63  }
0x28c: {  	s19 =	simm.s32 $0x14A80  }
0x28d: {  	[tilespmem:s19], [sflag:$0x2] =	stream.indirect_vreg.gather [hbm4b:s7+s4], $0x80, v5, vm0, $0xb8;
	[tilespmem:$0x18C80] =	vst v63  }
0x28e: {  	v5 =	vld [tilespmem:$0x170];
	_ =	sdelay $0x4  }
0x28f: {  	v6 =	vshrl.u32 v5, $0x3  }
0x290: {  	v6 =	vmul.u32 $0x30, v6  }
0x291: {  	v5 =	vand.u32 $0x7, v5  }
0x292: {  	v5 =	vor.u32 v5, v6  }
0x293: {  	v6 =	vperm.xlane v5, v2;
	_ =	sdelay $0x1  }
0x294: {  	v6 =	vadd.s32 v3, v6;
	_ =	sdelay $0x3  }
0x295: {  	s20 =	simm.s32 $0x15280;
	v5 =	vperm.xlane v5, v4  }
0x296: {  	[tilespmem:s20], [sflag:$0x2] =	stream.indirect_vreg.gather [hbm4b:s1+s4], $0x80, v6, vm0, $0xb8;
	[tilespmem:$0x18C80] =	vst v63  }
0x297: {  	s17 =	simm.s32 $0x15A80;
	v5 =	vadd.s32 v3, v5  }
0x298: {  	[tilespmem:s17], [sflag:$0x2] =	stream.indirect_vreg.gather [hbm4b:s6+s4], $0x80, v6, vm0, $0xb8;
	[tilespmem:$0x18C80] =	vst v63  }
0x299: {  	s18 =	simm.s32 $0x16280  }
0x29a: {  	[tilespmem:s18], [sflag:$0x2] =	stream.indirect_vreg.gather [hbm4b:s7+s4], $0x80, v6, vm0, $0xb8;
	[tilespmem:$0x18C80] =	vst v63  }
0x29b: {  	s2 =	sld [smem:$0x7ED];
	s19 =	simm.s32 $0x16A80  }
0x29c: {  	[tilespmem:s19], [sflag:$0x2] =	stream.indirect_vreg.gather [hbm4b:s1+s4], $0x80, v5, vm0, $0xb8;
	[tilespmem:$0x18C80] =	vst v63  }
0x29d: {  	s20 =	simm.s32 $0x17280;
	s18 =	sld [smem:$0x7EA]  }
0x29e: {  	[tilespmem:s20], [sflag:$0x2] =	stream.indirect_vreg.gather [hbm4b:s6+s4], $0x80, v5, vm0, $0xb8;
	[tilespmem:$0x18C80] =	vst v63  }
0x29f: {  	s17 =	simm.s32 $0x17A80;
	s19 =	sld [smem:$0x7EB]  }
0x2a0: {  	[tilespmem:s17], [sflag:$0x2] =	stream.indirect_vreg.gather [hbm4b:s7+s4], $0x80, v5, vm0, $0xb8;
	[tilespmem:$0x18C80] =	vst v63  }
0x2a1: {  	s20 =	sld [smem:$0x7EC]  }
0x2a2: {  	[tilespmem:s19], [sflag:$0x2] =	stream.indirect.gather [hbm4b:s3+s11], $0x1, s18, s11, $0xb8;
	[tilespmem:$0x18C80] =	vst v63  }
0x2a3: {  	_ = 	snop  }
0x2a4: {  	[tilespmem:s2], [sflag:$0x2] =	stream.indirect.gather [hbm4b:s3+s11], $0x1, s20, s11, $0xb8;
	[tilespmem:$0x18C80] =	vst v63  }
0x2a5: {  	_ =	swait.ge [sflag:s15], $0xC000  }
0x2a6: {  	[sflag:s15] =	ssyncset.done $0x0  }
0x2a7: {  	[sflag:s15] =	ssyncadd.s32 $0xFFFF4000  }
0x2a8: {  	_ =	swait.ge [sflag:s15], $0x40  }
0x2a9: {  	[sflag:s15] =	ssyncset.done $0x0  }
0x2aa: {  	[sflag:s15] =	ssyncadd.s32 $0xFFFFFFC0  }
0x2ab: {  	_ =	swait.ge [sflag:s15], $0x40  }
0x2ac: {  	[sflag:s15] =	ssyncset.done $0x0  }
0x2ad: {  	s0 =	simm.s32 $0x280;
	s19 =	rddreg [dreg:$0x9];
	[sflag:s15] =	ssyncadd.s32 $0xFFFFFFC0  }
0x2ae: {  	[hbm4b:s19+s4] =	stream.linear.scatter [tilespmem:s0], [sflag:$0x3], $0xC000, $0x38;
	[tilespmem:$0x18C80] =	vst v63  }
0x2af: {  	_ =	swait.ge [sflag:s9], $0xC000  }
0x2b0: {  	[sflag:s9] =	ssyncset.done $0x0  }
0x2b1: {  	[sflag:s9] =	ssyncadd.s32 $0xFFFF4000  }
0x2b2: {  	v5 =	vld [tilespmem:$0x180];
	_ =	sdelay $0x4  }
0x2b3: {  	v6 =	vshrl.u32 v5, $0x3  }
0x2b4: {  	v6 =	vmul.u32 $0x30, v6  }
0x2b5: {  	v5 =	vand.u32 $0x7, v5  }
0x2b6: {  	v5 =	vor.u32 v5, v6  }
0x2b7: {  	v6 =	vperm.xlane v5, v2;
	_ =	sdelay $0x1  }
0x2b8: {  	v6 =	vadd.s32 v3, v6;
	_ =	sdelay $0x3  }
0x2b9: {  	v5 =	vperm.xlane v5, v4  }
0x2ba: {  	[tilespmem:s0], [sflag:$0x1] =	stream.indirect_vreg.gather [hbm4b:s1+s4], $0x80, v6, vm0, $0xb8;
	[tilespmem:$0x18C80] =	vst v63  }
0x2bb: {  	s5 =	simm.s32 $0xA80;
	v5 =	vadd.s32 v3, v5  }
0x2bc: {  	[tilespmem:s5], [sflag:$0x1] =	stream.indirect_vreg.gather [hbm4b:s6+s4], $0x80, v6, vm0, $0xb8;
	[tilespmem:$0x18C80] =	vst v63  }
0x2bd: {  	s23 =	simm.s32 $0x1280  }
0x2be: {  	[tilespmem:s23], [sflag:$0x1] =	stream.indirect_vreg.gather [hbm4b:s7+s4], $0x80, v6, vm0, $0xb8;
	[tilespmem:$0x18C80] =	vst v63  }
0x2bf: {  	s24 =	simm.s32 $0x1A80  }
0x2c0: {  	[tilespmem:s24], [sflag:$0x1] =	stream.indirect_vreg.gather [hbm4b:s1+s4], $0x80, v5, vm0, $0xb8;
	[tilespmem:$0x18C80] =	vst v63  }
0x2c1: {  	s25 =	simm.s32 $0x2280  }
0x2c2: {  	[tilespmem:s25], [sflag:$0x1] =	stream.indirect_vreg.gather [hbm4b:s6+s4], $0x80, v5, vm0, $0xb8;
	[tilespmem:$0x18C80] =	vst v63  }
0x2c3: {  	s20 =	simm.s32 $0x2A80  }
0x2c4: {  	[tilespmem:s20], [sflag:$0x1] =	stream.indirect_vreg.gather [hbm4b:s7+s4], $0x80, v5, vm0, $0xb8;
	[tilespmem:$0x18C80] =	vst v63  }
0x2c5: {  	v5 =	vld [tilespmem:$0x190];
	_ =	sdelay $0x4  }
0x2c6: {  	v6 =	vshrl.u32 v5, $0x3  }
0x2c7: {  	v6 =	vmul.u32 $0x30, v6  }
0x2c8: {  	v5 =	vand.u32 $0x7, v5  }
0x2c9: {  	v5 =	vor.u32 v5, v6  }
0x2ca: {  	v6 =	vperm.xlane v5, v2;
	_ =	sdelay $0x1  }
0x2cb: {  	v6 =	vadd.s32 v3, v6;
	_ =	sdelay $0x3  }
0x2cc: {  	s25 =	simm.s32 $0x3280;
	v5 =	vperm.xlane v5, v4  }
0x2cd: {  	[tilespmem:s25], [sflag:$0x1] =	stream.indirect_vreg.gather [hbm4b:s1+s4], $0x80, v6, vm0, $0xb8;
	[tilespmem:$0x18C80] =	vst v63  }
0x2ce: {  	s26 =	simm.s32 $0x3A80;
	v5 =	vadd.s32 v3, v5  }
0x2cf: {  	[tilespmem:s26], [sflag:$0x1] =	stream.indirect_vreg.gather [hbm4b:s6+s4], $0x80, v6, vm0, $0xb8;
	[tilespmem:$0x18C80] =	vst v63  }
0x2d0: {  	s28 =	simm.s32 $0x4280  }
0x2d1: {  	[tilespmem:s28], [sflag:$0x1] =	stream.indirect_vreg.gather [hbm4b:s7+s4], $0x80, v6, vm0, $0xb8;
	[tilespmem:$0x18C80] =	vst v63  }
0x2d2: {  	s29 =	simm.s32 $0x4A80  }
0x2d3: {  	[tilespmem:s29], [sflag:$0x1] =	stream.indirect_vreg.gather [hbm4b:s1+s4], $0x80, v5, vm0, $0xb8;
	[tilespmem:$0x18C80] =	vst v63  }
0x2d4: {  	s30 =	simm.s32 $0x5280  }
0x2d5: {  	[tilespmem:s30], [sflag:$0x1] =	stream.indirect_vreg.gather [hbm4b:s6+s4], $0x80, v5, vm0, $0xb8;
	[tilespmem:$0x18C80] =	vst v63  }
0x2d6: {  	s17 =	simm.s32 $0x5A80  }
0x2d7: {  	[tilespmem:s17], [sflag:$0x1] =	stream.indirect_vreg.gather [hbm4b:s7+s4], $0x80, v5, vm0, $0xb8;
	[tilespmem:$0x18C80] =	vst v63  }
0x2d8: {  	v5 =	vld [tilespmem:$0x1A0];
	_ =	sdelay $0x4  }
0x2d9: {  	v6 =	vshrl.u32 v5, $0x3  }
0x2da: {  	v6 =	vmul.u32 $0x30, v6  }
0x2db: {  	v5 =	vand.u32 $0x7, v5  }
0x2dc: {  	v5 =	vor.u32 v5, v6  }
0x2dd: {  	v6 =	vperm.xlane v5, v2;
	_ =	sdelay $0x1  }
0x2de: {  	v6 =	vadd.s32 v3, v6;
	_ =	sdelay $0x3  }
0x2df: {  	s18 =	simm.s32 $0x6280;
	v5 =	vperm.xlane v5, v4  }
0x2e0: {  	[tilespmem:s18], [sflag:$0x1] =	stream.indirect_vreg.gather [hbm4b:s1+s4], $0x80, v6, vm0, $0xb8;
	[tilespmem:$0x18C80] =	vst v63  }
0x2e1: {  	s31 =	simm.s32 $0x6A80;
	v5 =	vadd.s32 v3, v5  }
0x2e2: {  	[tilespmem:s31], [sflag:$0x1] =	stream.indirect_vreg.gather [hbm4b:s6+s4], $0x80, v6, vm0, $0xb8;
	[tilespmem:$0x18C80] =	vst v63  }
0x2e3: {  	s10 =	simm.s32 $0x7280  }
0x2e4: {  	[tilespmem:s10], [sflag:$0x1] =	stream.indirect_vreg.gather [hbm4b:s7+s4], $0x80, v6, vm0, $0xb8;
	[tilespmem:$0x18C80] =	vst v63  }
0x2e5: {  	s12 =	simm.s32 $0x7A80  }
0x2e6: {  	[tilespmem:s12], [sflag:$0x1] =	stream.indirect_vreg.gather [hbm4b:s1+s4], $0x80, v5, vm0, $0xb8;
	[tilespmem:$0x18C80] =	vst v63  }
0x2e7: {  	s13 =	simm.s32 $0x8280  }
0x2e8: {  	[tilespmem:s13], [sflag:$0x1] =	stream.indirect_vreg.gather [hbm4b:s6+s4], $0x80, v5, vm0, $0xb8;
	[tilespmem:$0x18C80] =	vst v63  }
0x2e9: {  	s19 =	simm.s32 $0x8A80  }
0x2ea: {  	[tilespmem:s19], [sflag:$0x1] =	stream.indirect_vreg.gather [hbm4b:s7+s4], $0x80, v5, vm0, $0xb8;
	[tilespmem:$0x18C80] =	vst v63  }
0x2eb: {  	v5 =	vld [tilespmem:$0x1B0];
	_ =	sdelay $0x4  }
0x2ec: {  	v6 =	vshrl.u32 v5, $0x3  }
0x2ed: {  	v6 =	vmul.u32 $0x30, v6  }
0x2ee: {  	v5 =	vand.u32 $0x7, v5  }
0x2ef: {  	v5 =	vor.u32 v5, v6  }
0x2f0: {  	v6 =	vperm.xlane v5, v2;
	_ =	sdelay $0x1  }
0x2f1: {  	v6 =	vadd.s32 v3, v6;
	_ =	sdelay $0x3  }
0x2f2: {  	s20 =	simm.s32 $0x9280;
	v5 =	vperm.xlane v5, v4  }
0x2f3: {  	[tilespmem:s20], [sflag:$0x1] =	stream.indirect_vreg.gather [hbm4b:s1+s4], $0x80, v6, vm0, $0xb8;
	[tilespmem:$0x18C80] =	vst v63  }
0x2f4: {  	s14 =	simm.s32 $0x9A80;
	v5 =	vadd.s32 v3, v5  }
0x2f5: {  	[tilespmem:s14], [sflag:$0x1] =	stream.indirect_vreg.gather [hbm4b:s6+s4], $0x80, v6, vm0, $0xb8;
	[tilespmem:$0x18C80] =	vst v63  }
0x2f6: {  	s21 =	simm.s32 $0xA280  }
0x2f7: {  	[tilespmem:s21], [sflag:$0x1] =	stream.indirect_vreg.gather [hbm4b:s7+s4], $0x80, v6, vm0, $0xb8;
	[tilespmem:$0x18C80] =	vst v63  }
0x2f8: {  	s22 =	simm.s32 $0xAA80;
	s0 =	sld [smem:$0x7F1]  }
0x2f9: {  	[tilespmem:s22], [sflag:$0x1] =	stream.indirect_vreg.gather [hbm4b:s1+s4], $0x80, v5, vm0, $0xb8;
	[tilespmem:$0x18C80] =	vst v63  }
0x2fa: {  	s18 =	sld [smem:$0x7EE];
	s22 =	simm.s32 $0xB280  }
0x2fb: {  	[tilespmem:s22], [sflag:$0x1] =	stream.indirect_vreg.gather [hbm4b:s6+s4], $0x80, v5, vm0, $0xb8;
	[tilespmem:$0x18C80] =	vst v63  }
0x2fc: {  	s17 =	simm.s32 $0xBA80;
	s19 =	sld [smem:$0x7EF]  }
0x2fd: {  	[tilespmem:s17], [sflag:$0x1] =	stream.indirect_vreg.gather [hbm4b:s7+s4], $0x80, v5, vm0, $0xb8;
	[tilespmem:$0x18C80] =	vst v63  }
0x2fe: {  	s20 =	sld [smem:$0x7F0]  }
0x2ff: {  	[tilespmem:s19], [sflag:$0x1] =	stream.indirect.gather [hbm4b:s3+s11], $0x1, s18, s11, $0xb8;
	[tilespmem:$0x18C80] =	vst v63  }
0x300: {  	_ = 	snop  }
0x301: {  	[tilespmem:s0], [sflag:$0x1] =	stream.indirect.gather [hbm4b:s3+s11], $0x1, s20, s11, $0xb8;
	[tilespmem:$0x18C80] =	vst v63  }
0x302: {  	_ =	swait.ge [sflag:s16], $0xC000  }
0x303: {  	[sflag:s16] =	ssyncset.done $0x0  }
0x304: {  	[sflag:s16] =	ssyncadd.s32 $0xFFFF4000  }
0x305: {  	_ =	swait.ge [sflag:s16], $0x40  }
0x306: {  	[sflag:s16] =	ssyncset.done $0x0  }
0x307: {  	[sflag:s16] =	ssyncadd.s32 $0xFFFFFFC0  }
0x308: {  	_ =	swait.ge [sflag:s16], $0x40  }
0x309: {  	[sflag:s16] =	ssyncset.done $0x0  }
0x30a: {  	s18 =	rddreg [dreg:$0xa];
	[sflag:s16] =	ssyncadd.s32 $0xFFFFFFC0  }
0x30b: {  	[hbm4b:s18+s4] =	stream.linear.scatter [tilespmem:s8], [sflag:$0x3], $0xC000, $0x38;
	[tilespmem:$0x18C80] =	vst v63  }
0x30c: {  	_ =	swait.ge [sflag:s9], $0xC000  }
0x30d: {  	[sflag:s9] =	ssyncset.done $0x0  }
0x30e: {  	[sflag:s9] =	ssyncadd.s32 $0xFFFF4000  }
0x30f: {  	v5 =	vld [tilespmem:$0x1C0];
	_ =	sdelay $0x4  }
0x310: {  	v6 =	vshrl.u32 v5, $0x3  }
0x311: {  	v6 =	vmul.u32 $0x30, v6  }
0x312: {  	v5 =	vand.u32 $0x7, v5  }
0x313: {  	v5 =	vor.u32 v5, v6  }
0x314: {  	v6 =	vperm.xlane v5, v2;
	_ =	sdelay $0x1  }
0x315: {  	v6 =	vadd.s32 v3, v6;
	_ =	sdelay $0x3  }
0x316: {  	v5 =	vperm.xlane v5, v4  }
0x317: {  	[tilespmem:s8], [sflag:$0x2] =	stream.indirect_vreg.gather [hbm4b:s1+s4], $0x80, v6, vm0, $0xb8;
	[tilespmem:$0x18C80] =	vst v63  }
0x318: {  	s19 =	simm.s32 $0xCA80;
	v5 =	vadd.s32 v3, v5  }
0x319: {  	[tilespmem:s19], [sflag:$0x2] =	stream.indirect_vreg.gather [hbm4b:s6+s4], $0x80, v6, vm0, $0xb8;
	[tilespmem:$0x18C80] =	vst v63  }
0x31a: {  	s20 =	simm.s32 $0xD280  }
0x31b: {  	[tilespmem:s20], [sflag:$0x2] =	stream.indirect_vreg.gather [hbm4b:s7+s4], $0x80, v6, vm0, $0xb8;
	[tilespmem:$0x18C80] =	vst v63  }
0x31c: {  	s17 =	simm.s32 $0xDA80  }
0x31d: {  	[tilespmem:s17], [sflag:$0x2] =	stream.indirect_vreg.gather [hbm4b:s1+s4], $0x80, v5, vm0, $0xb8;
	[tilespmem:$0x18C80] =	vst v63  }
0x31e: {  	s18 =	simm.s32 $0xE280  }
0x31f: {  	[tilespmem:s18], [sflag:$0x2] =	stream.indirect_vreg.gather [hbm4b:s6+s4], $0x80, v5, vm0, $0xb8;
	[tilespmem:$0x18C80] =	vst v63  }
0x320: {  	s19 =	simm.s32 $0xEA80  }
0x321: {  	[tilespmem:s19], [sflag:$0x2] =	stream.indirect_vreg.gather [hbm4b:s7+s4], $0x80, v5, vm0, $0xb8;
	[tilespmem:$0x18C80] =	vst v63  }
0x322: {  	v5 =	vld [tilespmem:$0x1D0];
	_ =	sdelay $0x4  }
0x323: {  	v6 =	vshrl.u32 v5, $0x3  }
0x324: {  	v6 =	vmul.u32 $0x30, v6  }
0x325: {  	v5 =	vand.u32 $0x7, v5  }
0x326: {  	v5 =	vor.u32 v5, v6  }
0x327: {  	v6 =	vperm.xlane v5, v2;
	_ =	sdelay $0x1  }
0x328: {  	v6 =	vadd.s32 v3, v6;
	_ =	sdelay $0x3  }
0x329: {  	s20 =	simm.s32 $0xF280;
	v5 =	vperm.xlane v5, v4  }
0x32a: {  	[tilespmem:s20], [sflag:$0x2] =	stream.indirect_vreg.gather [hbm4b:s1+s4], $0x80, v6, vm0, $0xb8;
	[tilespmem:$0x18C80] =	vst v63  }
0x32b: {  	s17 =	simm.s32 $0xFA80;
	v5 =	vadd.s32 v3, v5  }
0x32c: {  	[tilespmem:s17], [sflag:$0x2] =	stream.indirect_vreg.gather [hbm4b:s6+s4], $0x80, v6, vm0, $0xb8;
	[tilespmem:$0x18C80] =	vst v63  }
0x32d: {  	s18 =	simm.s32 $0x10280  }
0x32e: {  	[tilespmem:s18], [sflag:$0x2] =	stream.indirect_vreg.gather [hbm4b:s7+s4], $0x80, v6, vm0, $0xb8;
	[tilespmem:$0x18C80] =	vst v63  }
0x32f: {  	s19 =	simm.s32 $0x10A80  }
0x330: {  	[tilespmem:s19], [sflag:$0x2] =	stream.indirect_vreg.gather [hbm4b:s1+s4], $0x80, v5, vm0, $0xb8;
	[tilespmem:$0x18C80] =	vst v63  }
0x331: {  	s20 =	simm.s32 $0x11280  }
0x332: {  	[tilespmem:s20], [sflag:$0x2] =	stream.indirect_vreg.gather [hbm4b:s6+s4], $0x80, v5, vm0, $0xb8;
	[tilespmem:$0x18C80] =	vst v63  }
0x333: {  	s17 =	simm.s32 $0x11A80  }
0x334: {  	[tilespmem:s17], [sflag:$0x2] =	stream.indirect_vreg.gather [hbm4b:s7+s4], $0x80, v5, vm0, $0xb8;
	[tilespmem:$0x18C80] =	vst v63  }
0x335: {  	v5 =	vld [tilespmem:$0x1E0];
	_ =	sdelay $0x4  }
0x336: {  	v6 =	vshrl.u32 v5, $0x3  }
0x337: {  	v6 =	vmul.u32 $0x30, v6  }
0x338: {  	v5 =	vand.u32 $0x7, v5  }
0x339: {  	v5 =	vor.u32 v5, v6  }
0x33a: {  	v6 =	vperm.xlane v5, v2;
	_ =	sdelay $0x1  }
0x33b: {  	v6 =	vadd.s32 v3, v6;
	_ =	sdelay $0x3  }
0x33c: {  	s18 =	simm.s32 $0x12280;
	v5 =	vperm.xlane v5, v4  }
0x33d: {  	[tilespmem:s18], [sflag:$0x2] =	stream.indirect_vreg.gather [hbm4b:s1+s4], $0x80, v6, vm0, $0xb8;
	[tilespmem:$0x18C80] =	vst v63  }
0x33e: {  	s19 =	simm.s32 $0x12A80;
	v5 =	vadd.s32 v3, v5  }
0x33f: {  	[tilespmem:s19], [sflag:$0x2] =	stream.indirect_vreg.gather [hbm4b:s6+s4], $0x80, v6, vm0, $0xb8;
	[tilespmem:$0x18C80] =	vst v63  }
0x340: {  	s20 =	simm.s32 $0x13280  }
0x341: {  	[tilespmem:s20], [sflag:$0x2] =	stream.indirect_vreg.gather [hbm4b:s7+s4], $0x80, v6, vm0, $0xb8;
	[tilespmem:$0x18C80] =	vst v63  }
0x342: {  	s17 =	simm.s32 $0x13A80  }
0x343: {  	[tilespmem:s17], [sflag:$0x2] =	stream.indirect_vreg.gather [hbm4b:s1+s4], $0x80, v5, vm0, $0xb8;
	[tilespmem:$0x18C80] =	vst v63  }
0x344: {  	s18 =	simm.s32 $0x14280  }
0x345: {  	[tilespmem:s18], [sflag:$0x2] =	stream.indirect_vreg.gather [hbm4b:s6+s4], $0x80, v5, vm0, $0xb8;
	[tilespmem:$0x18C80] =	vst v63  }
0x346: {  	s19 =	simm.s32 $0x14A80  }
0x347: {  	[tilespmem:s19], [sflag:$0x2] =	stream.indirect_vreg.gather [hbm4b:s7+s4], $0x80, v5, vm0, $0xb8;
	[tilespmem:$0x18C80] =	vst v63  }
0x348: {  	v5 =	vld [tilespmem:$0x1F0];
	_ =	sdelay $0x4  }
0x349: {  	v6 =	vshrl.u32 v5, $0x3  }
0x34a: {  	v6 =	vmul.u32 $0x30, v6  }
0x34b: {  	v5 =	vand.u32 $0x7, v5  }
0x34c: {  	v5 =	vor.u32 v5, v6  }
0x34d: {  	v6 =	vperm.xlane v5, v2;
	_ =	sdelay $0x1  }
0x34e: {  	v6 =	vadd.s32 v3, v6;
	_ =	sdelay $0x3  }
0x34f: {  	s20 =	simm.s32 $0x15280;
	v5 =	vperm.xlane v5, v4  }
0x350: {  	[tilespmem:s20], [sflag:$0x2] =	stream.indirect_vreg.gather [hbm4b:s1+s4], $0x80, v6, vm0, $0xb8;
	[tilespmem:$0x18C80] =	vst v63  }
0x351: {  	s17 =	simm.s32 $0x15A80;
	v5 =	vadd.s32 v3, v5  }
0x352: {  	[tilespmem:s17], [sflag:$0x2] =	stream.indirect_vreg.gather [hbm4b:s6+s4], $0x80, v6, vm0, $0xb8;
	[tilespmem:$0x18C80] =	vst v63  }
0x353: {  	s18 =	simm.s32 $0x16280  }
0x354: {  	[tilespmem:s18], [sflag:$0x2] =	stream.indirect_vreg.gather [hbm4b:s7+s4], $0x80, v6, vm0, $0xb8;
	[tilespmem:$0x18C80] =	vst v63  }
0x355: {  	s0 =	sld [smem:$0x7F5];
	s19 =	simm.s32 $0x16A80  }
0x356: {  	[tilespmem:s19], [sflag:$0x2] =	stream.indirect_vreg.gather [hbm4b:s1+s4], $0x80, v5, vm0, $0xb8;
	[tilespmem:$0x18C80] =	vst v63  }
0x357: {  	s20 =	simm.s32 $0x17280;
	s18 =	sld [smem:$0x7F2]  }
0x358: {  	[tilespmem:s20], [sflag:$0x2] =	stream.indirect_vreg.gather [hbm4b:s6+s4], $0x80, v5, vm0, $0xb8;
	[tilespmem:$0x18C80] =	vst v63  }
0x359: {  	s17 =	simm.s32 $0x17A80;
	s19 =	sld [smem:$0x7F3]  }
0x35a: {  	[tilespmem:s17], [sflag:$0x2] =	stream.indirect_vreg.gather [hbm4b:s7+s4], $0x80, v5, vm0, $0xb8;
	[tilespmem:$0x18C80] =	vst v63  }
0x35b: {  	s20 =	sld [smem:$0x7F4]  }
0x35c: {  	[tilespmem:s19], [sflag:$0x2] =	stream.indirect.gather [hbm4b:s3+s11], $0x1, s18, s11, $0xb8;
	[tilespmem:$0x18C80] =	vst v63  }
0x35d: {  	_ = 	snop  }
0x35e: {  	[tilespmem:s0], [sflag:$0x2] =	stream.indirect.gather [hbm4b:s3+s11], $0x1, s20, s11, $0xb8;
	[tilespmem:$0x18C80] =	vst v63  }
0x35f: {  	_ =	swait.ge [sflag:s15], $0xC000  }
0x360: {  	[sflag:s15] =	ssyncset.done $0x0  }
0x361: {  	[sflag:s15] =	ssyncadd.s32 $0xFFFF4000  }
0x362: {  	_ =	swait.ge [sflag:s15], $0x40  }
0x363: {  	[sflag:s15] =	ssyncset.done $0x0  }
0x364: {  	[sflag:s15] =	ssyncadd.s32 $0xFFFFFFC0  }
0x365: {  	_ =	swait.ge [sflag:s15], $0x40  }
0x366: {  	[sflag:s15] =	ssyncset.done $0x0  }
0x367: {  	s20 =	simm.s32 $0x280;
	s19 =	rddreg [dreg:$0xb];
	[sflag:s15] =	ssyncadd.s32 $0xFFFFFFC0  }
0x368: {  	[hbm4b:s19+s4] =	stream.linear.scatter [tilespmem:s20], [sflag:$0x3], $0xC000, $0x38;
	[tilespmem:$0x18C80] =	vst v63  }
0x369: {  	_ =	swait.ge [sflag:s9], $0xC000  }
0x36a: {  	[sflag:s9] =	ssyncset.done $0x0  }
0x36b: {  	[sflag:s9] =	ssyncadd.s32 $0xFFFF4000  }
0x36c: {  	v5 =	vld [tilespmem:$0x200];
	_ =	sdelay $0x4  }
0x36d: {  	v6 =	vshrl.u32 v5, $0x3  }
0x36e: {  	v6 =	vmul.u32 $0x30, v6  }
0x36f: {  	v5 =	vand.u32 $0x7, v5  }
0x370: {  	v5 =	vor.u32 v5, v6  }
0x371: {  	v6 =	vperm.xlane v5, v2;
	_ =	sdelay $0x1  }
0x372: {  	v6 =	vadd.s32 v3, v6;
	_ =	sdelay $0x3  }
0x373: {  	v5 =	vperm.xlane v5, v4  }
0x374: {  	[tilespmem:s20], [sflag:$0x1] =	stream.indirect_vreg.gather [hbm4b:s1+s4], $0x80, v6, vm0, $0xb8;
	[tilespmem:$0x18C80] =	vst v63  }
0x375: {  	s2 =	simm.s32 $0xA80;
	v5 =	vadd.s32 v3, v5  }
0x376: {  	[tilespmem:s2], [sflag:$0x1] =	stream.indirect_vreg.gather [hbm4b:s6+s4], $0x80, v6, vm0, $0xb8;
	[tilespmem:$0x18C80] =	vst v63  }
0x377: {  	s5 =	simm.s32 $0x1280  }
0x378: {  	[tilespmem:s5], [sflag:$0x1] =	stream.indirect_vreg.gather [hbm4b:s7+s4], $0x80, v6, vm0, $0xb8;
	[tilespmem:$0x18C80] =	vst v63  }
0x379: {  	s23 =	simm.s32 $0x1A80  }
0x37a: {  	[tilespmem:s23], [sflag:$0x1] =	stream.indirect_vreg.gather [hbm4b:s1+s4], $0x80, v5, vm0, $0xb8;
	[tilespmem:$0x18C80] =	vst v63  }
0x37b: {  	s24 =	simm.s32 $0x2280  }
0x37c: {  	[tilespmem:s24], [sflag:$0x1] =	stream.indirect_vreg.gather [hbm4b:s6+s4], $0x80, v5, vm0, $0xb8;
	[tilespmem:$0x18C80] =	vst v63  }
0x37d: {  	s23 =	simm.s32 $0x2A80  }
0x37e: {  	[tilespmem:s23], [sflag:$0x1] =	stream.indirect_vreg.gather [hbm4b:s7+s4], $0x80, v5, vm0, $0xb8;
	[tilespmem:$0x18C80] =	vst v63  }
0x37f: {  	v5 =	vld [tilespmem:$0x210];
	_ =	sdelay $0x4  }
0x380: {  	v6 =	vshrl.u32 v5, $0x3  }
0x381: {  	v6 =	vmul.u32 $0x30, v6  }
0x382: {  	v5 =	vand.u32 $0x7, v5  }
0x383: {  	v5 =	vor.u32 v5, v6  }
0x384: {  	v6 =	vperm.xlane v5, v2;
	_ =	sdelay $0x1  }
0x385: {  	v6 =	vadd.s32 v3, v6;
	_ =	sdelay $0x3  }
0x386: {  	s24 =	simm.s32 $0x3280;
	v5 =	vperm.xlane v5, v4  }
0x387: {  	[tilespmem:s24], [sflag:$0x1] =	stream.indirect_vreg.gather [hbm4b:s1+s4], $0x80, v6, vm0, $0xb8;
	[tilespmem:$0x18C80] =	vst v63  }
0x388: {  	s25 =	simm.s32 $0x3A80;
	v5 =	vadd.s32 v3, v5  }
0x389: {  	[tilespmem:s25], [sflag:$0x1] =	stream.indirect_vreg.gather [hbm4b:s6+s4], $0x80, v6, vm0, $0xb8;
	[tilespmem:$0x18C80] =	vst v63  }
0x38a: {  	s26 =	simm.s32 $0x4280  }
0x38b: {  	[tilespmem:s26], [sflag:$0x1] =	stream.indirect_vreg.gather [hbm4b:s7+s4], $0x80, v6, vm0, $0xb8;
	[tilespmem:$0x18C80] =	vst v63  }
0x38c: {  	s28 =	simm.s32 $0x4A80  }
0x38d: {  	[tilespmem:s28], [sflag:$0x1] =	stream.indirect_vreg.gather [hbm4b:s1+s4], $0x80, v5, vm0, $0xb8;
	[tilespmem:$0x18C80] =	vst v63  }
0x38e: {  	s29 =	simm.s32 $0x5280  }
0x38f: {  	[tilespmem:s29], [sflag:$0x1] =	stream.indirect_vreg.gather [hbm4b:s6+s4], $0x80, v5, vm0, $0xb8;
	[tilespmem:$0x18C80] =	vst v63  }
0x390: {  	s26 =	simm.s32 $0x5A80  }
0x391: {  	[tilespmem:s26], [sflag:$0x1] =	stream.indirect_vreg.gather [hbm4b:s7+s4], $0x80, v5, vm0, $0xb8;
	[tilespmem:$0x18C80] =	vst v63  }
0x392: {  	v5 =	vld [tilespmem:$0x220];
	_ =	sdelay $0x4  }
0x393: {  	v6 =	vshrl.u32 v5, $0x3  }
0x394: {  	v6 =	vmul.u32 $0x30, v6  }
0x395: {  	v5 =	vand.u32 $0x7, v5  }
0x396: {  	v5 =	vor.u32 v5, v6  }
0x397: {  	v6 =	vperm.xlane v5, v2;
	_ =	sdelay $0x1  }
0x398: {  	v6 =	vadd.s32 v3, v6;
	_ =	sdelay $0x3  }
0x399: {  	s28 =	simm.s32 $0x6280;
	v5 =	vperm.xlane v5, v4  }
0x39a: {  	[tilespmem:s28], [sflag:$0x1] =	stream.indirect_vreg.gather [hbm4b:s1+s4], $0x80, v6, vm0, $0xb8;
	[tilespmem:$0x18C80] =	vst v63  }
0x39b: {  	s30 =	simm.s32 $0x6A80;
	v5 =	vadd.s32 v3, v5  }
0x39c: {  	[tilespmem:s30], [sflag:$0x1] =	stream.indirect_vreg.gather [hbm4b:s6+s4], $0x80, v6, vm0, $0xb8;
	[tilespmem:$0x18C80] =	vst v63  }
0x39d: {  	s31 =	simm.s32 $0x7280  }
0x39e: {  	[tilespmem:s31], [sflag:$0x1] =	stream.indirect_vreg.gather [hbm4b:s7+s4], $0x80, v6, vm0, $0xb8;
	[tilespmem:$0x18C80] =	vst v63  }
0x39f: {  	s10 =	simm.s32 $0x7A80  }
0x3a0: {  	[tilespmem:s10], [sflag:$0x1] =	stream.indirect_vreg.gather [hbm4b:s1+s4], $0x80, v5, vm0, $0xb8;
	[tilespmem:$0x18C80] =	vst v63  }
0x3a1: {  	s12 =	simm.s32 $0x8280  }
0x3a2: {  	[tilespmem:s12], [sflag:$0x1] =	stream.indirect_vreg.gather [hbm4b:s6+s4], $0x80, v5, vm0, $0xb8;
	[tilespmem:$0x18C80] =	vst v63  }
0x3a3: {  	s29 =	simm.s32 $0x8A80  }
0x3a4: {  	[tilespmem:s29], [sflag:$0x1] =	stream.indirect_vreg.gather [hbm4b:s7+s4], $0x80, v5, vm0, $0xb8;
	[tilespmem:$0x18C80] =	vst v63  }
0x3a5: {  	v5 =	vld [tilespmem:$0x230];
	_ =	sdelay $0x4  }
0x3a6: {  	v6 =	vshrl.u32 v5, $0x3  }
0x3a7: {  	v6 =	vmul.u32 $0x30, v6  }
0x3a8: {  	v5 =	vand.u32 $0x7, v5  }
0x3a9: {  	v5 =	vor.u32 v5, v6  }
0x3aa: {  	v6 =	vperm.xlane v5, v2;
	_ =	sdelay $0x1  }
0x3ab: {  	v6 =	vadd.s32 v3, v6;
	_ =	sdelay $0x3  }
0x3ac: {  	s30 =	simm.s32 $0x9280;
	v5 =	vperm.xlane v5, v4  }
0x3ad: {  	[tilespmem:s30], [sflag:$0x1] =	stream.indirect_vreg.gather [hbm4b:s1+s4], $0x80, v6, vm0, $0xb8;
	[tilespmem:$0x18C80] =	vst v63  }
0x3ae: {  	s13 =	simm.s32 $0x9A80;
	v5 =	vadd.s32 v3, v5  }
0x3af: {  	[tilespmem:s13], [sflag:$0x1] =	stream.indirect_vreg.gather [hbm4b:s6+s4], $0x80, v6, vm0, $0xb8;
	[tilespmem:$0x18C80] =	vst v63  }
0x3b0: {  	s14 =	simm.s32 $0xA280  }
0x3b1: {  	[tilespmem:s14], [sflag:$0x1] =	stream.indirect_vreg.gather [hbm4b:s7+s4], $0x80, v6, vm0, $0xb8;
	[tilespmem:$0x18C80] =	vst v63  }
0x3b2: {  	s21 =	simm.s32 $0xAA80;
	s2 =	sld [smem:$0x7F6]  }
0x3b3: {  	[tilespmem:s21], [sflag:$0x1] =	stream.indirect_vreg.gather [hbm4b:s1+s4], $0x80, v5, vm0, $0xb8;
	[tilespmem:$0x18C80] =	vst v63  }
0x3b4: {  	s22 =	simm.s32 $0xB280;
	s5 =	sld [smem:$0x7F7]  }
0x3b5: {  	[tilespmem:s22], [sflag:$0x1] =	stream.indirect_vreg.gather [hbm4b:s6+s4], $0x80, v5, vm0, $0xb8;
	[tilespmem:$0x18C80] =	vst v63  }
0x3b6: {  	s31 =	simm.s32 $0xBA80;
	s10 =	sld [smem:$0x7F8]  }
0x3b7: {  	[tilespmem:s31], [sflag:$0x1] =	stream.indirect_vreg.gather [hbm4b:s7+s4], $0x80, v5, vm0, $0xb8;
	[tilespmem:$0x18C80] =	vst v63  }
0x3b8: {  	s12 =	sld [smem:$0x7F9]  }
0x3b9: {  	[tilespmem:s5], [sflag:$0x1] =	stream.indirect.gather [hbm4b:s3+s11], $0x1, s2, s11, $0xb8;
	[tilespmem:$0x18C80] =	vst v63  }
0x3ba: {  	_ = 	snop  }
0x3bb: {  	[tilespmem:s12], [sflag:$0x1] =	stream.indirect.gather [hbm4b:s3+s11], $0x1, s10, s11, $0xb8;
	[tilespmem:$0x18C80] =	vst v63  }
0x3bc: {  	_ =	swait.ge [sflag:s16], $0xC000  }
0x3bd: {  	[sflag:s16] =	ssyncset.done $0x0  }
0x3be: {  	[sflag:s16] =	ssyncadd.s32 $0xFFFF4000  }
0x3bf: {  	_ =	swait.ge [sflag:s16], $0x40  }
0x3c0: {  	[sflag:s16] =	ssyncset.done $0x0  }
0x3c1: {  	[sflag:s16] =	ssyncadd.s32 $0xFFFFFFC0  }
0x3c2: {  	_ =	swait.ge [sflag:s16], $0x40  }
0x3c3: {  	[sflag:s16] =	ssyncset.done $0x0  }
0x3c4: {  	s13 =	rddreg [dreg:$0xc];
	[sflag:s16] =	ssyncadd.s32 $0xFFFFFFC0  }
0x3c5: {  	[hbm4b:s13+s4] =	stream.linear.scatter [tilespmem:s8], [sflag:$0x3], $0xC000, $0x38;
	[tilespmem:$0x18C80] =	vst v63  }
0x3c6: {  	_ =	swait.ge [sflag:s9], $0xC000  }
0x3c7: {  	[sflag:s9] =	ssyncset.done $0x0  }
0x3c8: {  	[sflag:s9] =	ssyncadd.s32 $0xFFFF4000  }
0x3c9: {  	v5 =	vld [tilespmem:$0x240];
	_ =	sdelay $0x4  }
0x3ca: {  	v6 =	vshrl.u32 v5, $0x3  }
0x3cb: {  	v6 =	vmul.u32 $0x30, v6  }
0x3cc: {  	v5 =	vand.u32 $0x7, v5  }
0x3cd: {  	v5 =	vor.u32 v5, v6  }
0x3ce: {  	v6 =	vperm.xlane v5, v2;
	_ =	sdelay $0x1  }
0x3cf: {  	v6 =	vadd.s32 v3, v6;
	_ =	sdelay $0x3  }
0x3d0: {  	v5 =	vperm.xlane v5, v4  }
0x3d1: {  	[tilespmem:s8], [sflag:$0x2] =	stream.indirect_vreg.gather [hbm4b:s1+s4], $0x80, v6, vm0, $0xb8;
	[tilespmem:$0x18C80] =	vst v63  }
0x3d2: {  	s14 =	simm.s32 $0xCA80;
	v5 =	vadd.s32 v3, v5  }
0x3d3: {  	[tilespmem:s14], [sflag:$0x2] =	stream.indirect_vreg.gather [hbm4b:s6+s4], $0x80, v6, vm0, $0xb8;
	[tilespmem:$0x18C80] =	vst v63  }
0x3d4: {  	s17 =	simm.s32 $0xD280  }
0x3d5: {  	[tilespmem:s17], [sflag:$0x2] =	stream.indirect_vreg.gather [hbm4b:s7+s4], $0x80, v6, vm0, $0xb8;
	[tilespmem:$0x18C80] =	vst v63  }
0x3d6: {  	s18 =	simm.s32 $0xDA80  }
0x3d7: {  	[tilespmem:s18], [sflag:$0x2] =	stream.indirect_vreg.gather [hbm4b:s1+s4], $0x80, v5, vm0, $0xb8;
	[tilespmem:$0x18C80] =	vst v63  }
0x3d8: {  	s19 =	simm.s32 $0xE280  }
0x3d9: {  	[tilespmem:s19], [sflag:$0x2] =	stream.indirect_vreg.gather [hbm4b:s6+s4], $0x80, v5, vm0, $0xb8;
	[tilespmem:$0x18C80] =	vst v63  }
0x3da: {  	s20 =	simm.s32 $0xEA80  }
0x3db: {  	[tilespmem:s20], [sflag:$0x2] =	stream.indirect_vreg.gather [hbm4b:s7+s4], $0x80, v5, vm0, $0xb8;
	[tilespmem:$0x18C80] =	vst v63  }
0x3dc: {  	v5 =	vld [tilespmem:$0x250];
	_ =	sdelay $0x4  }
0x3dd: {  	v6 =	vshrl.u32 v5, $0x3  }
0x3de: {  	v6 =	vmul.u32 $0x30, v6  }
0x3df: {  	v5 =	vand.u32 $0x7, v5  }
0x3e0: {  	v5 =	vor.u32 v5, v6  }
0x3e1: {  	v6 =	vperm.xlane v5, v2;
	_ =	sdelay $0x1  }
0x3e2: {  	v6 =	vadd.s32 v3, v6;
	_ =	sdelay $0x3  }
0x3e3: {  	s21 =	simm.s32 $0xF280;
	v5 =	vperm.xlane v5, v4  }
0x3e4: {  	[tilespmem:s21], [sflag:$0x2] =	stream.indirect_vreg.gather [hbm4b:s1+s4], $0x80, v6, vm0, $0xb8;
	[tilespmem:$0x18C80] =	vst v63  }
0x3e5: {  	s22 =	simm.s32 $0xFA80;
	v5 =	vadd.s32 v3, v5  }
0x3e6: {  	[tilespmem:s22], [sflag:$0x2] =	stream.indirect_vreg.gather [hbm4b:s6+s4], $0x80, v6, vm0, $0xb8;
	[tilespmem:$0x18C80] =	vst v63  }
0x3e7: {  	s23 =	simm.s32 $0x10280  }
0x3e8: {  	[tilespmem:s23], [sflag:$0x2] =	stream.indirect_vreg.gather [hbm4b:s7+s4], $0x80, v6, vm0, $0xb8;
	[tilespmem:$0x18C80] =	vst v63  }
0x3e9: {  	s24 =	simm.s32 $0x10A80  }
0x3ea: {  	[tilespmem:s24], [sflag:$0x2] =	stream.indirect_vreg.gather [hbm4b:s1+s4], $0x80, v5, vm0, $0xb8;
	[tilespmem:$0x18C80] =	vst v63  }
0x3eb: {  	s25 =	simm.s32 $0x11280  }
0x3ec: {  	[tilespmem:s25], [sflag:$0x2] =	stream.indirect_vreg.gather [hbm4b:s6+s4], $0x80, v5, vm0, $0xb8;
	[tilespmem:$0x18C80] =	vst v63  }
0x3ed: {  	s26 =	simm.s32 $0x11A80  }
0x3ee: {  	[tilespmem:s26], [sflag:$0x2] =	stream.indirect_vreg.gather [hbm4b:s7+s4], $0x80, v5, vm0, $0xb8;
	[tilespmem:$0x18C80] =	vst v63  }
0x3ef: {  	v5 =	vld [tilespmem:$0x260];
	_ =	sdelay $0x4  }
0x3f0: {  	v6 =	vshrl.u32 v5, $0x3  }
0x3f1: {  	v6 =	vmul.u32 $0x30, v6  }
0x3f2: {  	v5 =	vand.u32 $0x7, v5  }
0x3f3: {  	v5 =	vor.u32 v5, v6  }
0x3f4: {  	v6 =	vperm.xlane v5, v2;
	_ =	sdelay $0x1  }
0x3f5: {  	v6 =	vadd.s32 v3, v6;
	_ =	sdelay $0x3  }
0x3f6: {  	s28 =	simm.s32 $0x12280;
	v5 =	vperm.xlane v5, v4  }
0x3f7: {  	[tilespmem:s28], [sflag:$0x2] =	stream.indirect_vreg.gather [hbm4b:s1+s4], $0x80, v6, vm0, $0xb8;
	[tilespmem:$0x18C80] =	vst v63  }
0x3f8: {  	s29 =	simm.s32 $0x12A80;
	v5 =	vadd.s32 v3, v5  }
0x3f9: {  	[tilespmem:s29], [sflag:$0x2] =	stream.indirect_vreg.gather [hbm4b:s6+s4], $0x80, v6, vm0, $0xb8;
	[tilespmem:$0x18C80] =	vst v63  }
0x3fa: {  	s30 =	simm.s32 $0x13280  }
0x3fb: {  	[tilespmem:s30], [sflag:$0x2] =	stream.indirect_vreg.gather [hbm4b:s7+s4], $0x80, v6, vm0, $0xb8;
	[tilespmem:$0x18C80] =	vst v63  }
0x3fc: {  	s31 =	simm.s32 $0x13A80  }
0x3fd: {  	[tilespmem:s31], [sflag:$0x2] =	stream.indirect_vreg.gather [hbm4b:s1+s4], $0x80, v5, vm0, $0xb8;
	[tilespmem:$0x18C80] =	vst v63  }
0x3fe: {  	s5 =	simm.s32 $0x14280  }
0x3ff: {  	[tilespmem:s5], [sflag:$0x2] =	stream.indirect_vreg.gather [hbm4b:s6+s4], $0x80, v5, vm0, $0xb8;
	[tilespmem:$0x18C80] =	vst v63  }
0x400: {  	s10 =	simm.s32 $0x14A80  }
0x401: {  	[tilespmem:s10], [sflag:$0x2] =	stream.indirect_vreg.gather [hbm4b:s7+s4], $0x80, v5, vm0, $0xb8;
	[tilespmem:$0x18C80] =	vst v63  }
0x402: {  	v5 =	vld [tilespmem:$0x270];
	_ =	sdelay $0x4  }
0x403: {  	v6 =	vshrl.u32 v5, $0x3  }
0x404: {  	v6 =	vmul.u32 $0x30, v6  }
0x405: {  	v5 =	vand.u32 $0x7, v5  }
0x406: {  	v5 =	vor.u32 v5, v6  }
0x407: {  	v6 =	vperm.xlane v5, v2;
	_ =	sdelay $0x1  }
0x408: {  	v6 =	vadd.s32 v3, v6;
	_ =	sdelay $0x3  }
0x409: {  	s12 =	simm.s32 $0x15280;
	v5 =	vperm.xlane v5, v4  }
0x40a: {  	[tilespmem:s12], [sflag:$0x2] =	stream.indirect_vreg.gather [hbm4b:s1+s4], $0x80, v6, vm0, $0xb8;
	[tilespmem:$0x18C80] =	vst v63  }
0x40b: {  	s13 =	simm.s32 $0x15A80;
	v5 =	vadd.s32 v3, v5  }
0x40c: {  	[tilespmem:s13], [sflag:$0x2] =	stream.indirect_vreg.gather [hbm4b:s6+s4], $0x80, v6, vm0, $0xb8;
	[tilespmem:$0x18C80] =	vst v63  }
0x40d: {  	s14 =	simm.s32 $0x16280  }
0x40e: {  	[tilespmem:s14], [sflag:$0x2] =	stream.indirect_vreg.gather [hbm4b:s7+s4], $0x80, v6, vm0, $0xb8;
	[tilespmem:$0x18C80] =	vst v63  }
0x40f: {  	s17 =	simm.s32 $0x16A80;
	s20 =	sld [smem:$0x7FA]  }
0x410: {  	[tilespmem:s17], [sflag:$0x2] =	stream.indirect_vreg.gather [hbm4b:s1+s4], $0x80, v5, vm0, $0xb8;
	[tilespmem:$0x18C80] =	vst v63  }
0x411: {  	s18 =	simm.s32 $0x17280;
	s21 =	sld [smem:$0x7FB]  }
0x412: {  	[tilespmem:s18], [sflag:$0x2] =	stream.indirect_vreg.gather [hbm4b:s6+s4], $0x80, v5, vm0, $0xb8;
	[tilespmem:$0x18C80] =	vst v63  }
0x413: {  	s19 =	simm.s32 $0x17A80;
	s22 =	sld [smem:$0x7FC]  }
0x414: {  	[tilespmem:s19], [sflag:$0x2] =	stream.indirect_vreg.gather [hbm4b:s7+s4], $0x80, v5, vm0, $0xb8;
	[tilespmem:$0x18C80] =	vst v63  }
0x415: {  	s23 =	sld [smem:$0x7FD]  }
0x416: {  	[tilespmem:s21], [sflag:$0x2] =	stream.indirect.gather [hbm4b:s3+s11], $0x1, s20, s11, $0xb8;
	[tilespmem:$0x18C80] =	vst v63  }
0x417: {  	_ = 	snop  }
0x418: {  	[tilespmem:s23], [sflag:$0x2] =	stream.indirect.gather [hbm4b:s3+s11], $0x1, s22, s11, $0xb8;
	[tilespmem:$0x18C80] =	vst v63  }
0x419: {  	_ =	swait.ge [sflag:s15], $0xC000  }
0x41a: {  	[sflag:s15] =	ssyncset.done $0x0  }
0x41b: {  	[sflag:s15] =	ssyncadd.s32 $0xFFFF4000  }
0x41c: {  	_ =	swait.ge [sflag:s15], $0x40  }
0x41d: {  	[sflag:s15] =	ssyncset.done $0x0  }
0x41e: {  	[sflag:s15] =	ssyncadd.s32 $0xFFFFFFC0  }
0x41f: {  	_ =	swait.ge [sflag:s15], $0x40  }
0x420: {  	[sflag:s15] =	ssyncset.done $0x0  }
0x421: {  	s0 =	simm.s32 $0x280;
	s24 =	rddreg [dreg:$0xd];
	[sflag:s15] =	ssyncadd.s32 $0xFFFFFFC0  }
0x422: {  	[hbm4b:s24+s4] =	stream.linear.scatter [tilespmem:s0], [sflag:$0x3], $0xC000, $0x38;
	[tilespmem:$0x18C80] =	vst v63  }
0x423: {  	_ =	swait.ge [sflag:s9], $0xC000  }
0x424: {  	[sflag:s9] =	ssyncset.done $0x0  }
0x425: {  	[sflag:s9] =	ssyncadd.s32 $0xFFFF4000  }
0x426: {  	_ =	swait.ge [sflag:s16], $0xC000  }
0x427: {  	[sflag:s16] =	ssyncset.done $0x0  }
0x428: {  	[sflag:s16] =	ssyncadd.s32 $0xFFFF4000  }
0x429: {  	_ =	swait.ge [sflag:s16], $0x40  }
0x42a: {  	[sflag:s16] =	ssyncset.done $0x0  }
0x42b: {  	[sflag:s16] =	ssyncadd.s32 $0xFFFFFFC0  }
0x42c: {  	_ =	swait.ge [sflag:s16], $0x40  }
0x42d: {  	[sflag:s16] =	ssyncset.done $0x0  }
0x42e: {  	s25 =	rddreg [dreg:$0xe];
	[sflag:s16] =	ssyncadd.s32 $0xFFFFFFC0  }
0x42f: {  	[hbm4b:s25+s4] =	stream.linear.scatter [tilespmem:s8], [sflag:$0x3], $0xC000, $0x38;
	[tilespmem:$0x18C80] =	vst v63  }
0x430: {  	s26 =	sld [smem:$0x7E5];
	_ =	swait.ge [sflag:s9], $0xC000  }
0x431: {  	[sflag:s9] =	ssyncset.done $0x0  }
0x432: {  	s29 =	simm.s32 $0x18780;
	s28 =	rddreg [dreg:$0xf];
	[sflag:s9] =	ssyncadd.s32 $0xFFFF4000  }
0x433: {  	[hbm4b:s28+s4] =	stream.linear.scatter [tilespmem:s29], [sflag:$0x3], $0x280, $0x38;
	[tilespmem:$0x18C80] =	vst v63  }
0x434: {  	_ =	swait.ge [sflag:s9], $0x280  }
0x435: {  	s31 =	simm.s32 $0x18A00;
	p0 =	sne.s32 s26, $0x1;
	[sflag:s9] =	ssyncset.done $0x0  }
.Ltmp0:
0x436: {  	s30 =	rddreg [dreg:$0x10];
	[sflag:s9] =	ssyncadd.s32 $0xFFFFFD80;
	(pc) =	sbr.rel @p0 .LBB2_1-.Ltmp0, $4  }
0x437: {  	[hbm4b:s30+s4] =	stream.linear.scatter [tilespmem:s31], [sflag:$0x3], $0x280, $0x38;
	[tilespmem:$0x18C80] =	vst v63  }
0x438: {  	_ =	swait.ge [sflag:s9], $0x280  }
0x439: {  	[sflag:s9] =	ssyncset.done $0x0  }
0x43a: {  	s8 =	sadd.s32 $0xFFFFFFFF, s26;
	[sflag:s9] =	ssyncadd.s32 $0xFFFFFD80  }
0x43b: {  	_ =	sfence.sel $0x180000  }
0x43c: {  	[bflag:$0x0] =	sbarrier.arrive $0xFFFF  }
0x43d: {  	_ =	strace $0x90000047  }
0x43e: {  	s0 =	stileid.u32;
	[bflag:$0x2] =	sbarrier.arrive $0xFFFF  }
0x43f: {  	p0 =	sne.s32 s0, $0x0;
	s0 =	rddreg [dreg:$0x4]  }
0x440: {  	s0 =	sadd.s32 @!p0 $0x100000, s0  }
0x441: {  	[sflag:s0] =	ssyncadd.tile.s32 @!p0 $0x1;
	_ =	shalt  }
.Lfunc_end2:
_tile_overlayer_lowered:
.L_overlay_start_2:
0x442: {  	(tag) =	ssettag $0x2  }
0x443: {  	s0 =	rddreg [dreg:$0x0];
	s2 =	stileid.u32  }
0x444: {  	s1 =	rddreg [dreg:$0x1];
	p0 =	sne.s32 s2, $0x0  }
0x445: {  	s3 =	rddreg [dreg:$0x2];
	[bflag:$0x3] =	sbarrier.arrive $0xFFFF;
	s2 =	simm.s32 @!p0 $0x1C03  }
0x446: {  	[timem:s3], [sflag:s2] =	dma.local @!p0 [hbm:s0], s1  }
0x447: {  	s0 =	simm.s32 @!p0 $0x3  }
0x448: {  	_ =	swait.ge @!p0 [sflag:s0], s1  }
0x449: {  	s1 =	ssub.s32 @!p0 $0x0, s1;
	[sflag:s0] =	ssyncset.done @!p0 $0x0  }
0x44a: {  	[sflag:s0] =	ssyncadd.s32 @!p0 s1  }
0x44b: {  	[bflag:$0x3] =	sbarrier.arrive $0xFFFF  }
0x44c: {  	_ =	shalt  }

// kernel: sparse-core-data-format-call.cloned.1.call-start
scs
called_computation_lowered:
.L_overlay_start_0:
0x0: {  	s2 =	sld [smem:$0x3FD9]  }
0x1: {  	s3 =	sld [smem:$0x3FFE];
	_ =	sdelay $0x1  }
0x2: {  	s1 =	srdreg.scid  }
0x3: {  	s0 =	sand.u32 $0x1, s1  }
0x4: {  	s15 =	sshll.u32 s0, $0xA;
	s2 =	sadd.s32 s3, s2  }
0x5: {  	s2 =	sadd.s32 s2, s15  }
0x6: {  	[smem:$0x3FBB] =	sst s2  }
0x7: {  	_ = 	snop  }
0x8: {  	s2 =	sld [smem:$0x3FD0];
	_ =	sdelay $0x2  }
0x9: {  	s16 =	simm.s32 $0xA;
	s4 =	simm.s32 $0x10  }
0xa: {  	[smem:s4], [sflag:s16] =	dma.local [hbm:s2], $0x1  }
0xb: {  	_ =	swait.eq [sflag:s16], $0x1  }
0xc: {  	[sflag:s16] =	ssyncset.done $0x0  }
0xd: {  	[sflag:s16] =	ssyncadd.s32 $0xFFFFFFFF  }
0xe: {  	s17 =	sld [smem:$0x10];
	(tm) =	ssettm $0x1  }
0xf: {  	s18 =	sld [smem:$0x3FFB];
	_ =	sdelay $0x3  }
0x10: {  	_ =	strace s18  }
0x11: {  	s3 =	sld [smem:$0x3FFC];
	_ =	sdelay $0x3  }
0x12: {  	_ =	strace s3  }
0x13: {  	s3 =	sld [smem:$0x3FFD];
	_ =	sdelay $0x3  }
0x14: {  	_ =	strace s3  }
0x15: {  	_ =	strace $0x8FFFFFFF  }
0x16: {  	s19 =	sld [smem:$0x3FDB];
	_ =	sdelay $0x1  }
0x17: {  	s20 =	simm.s32 $_scs_section_size  }
0x18: {  	s5 =	simm.s32 $_size__tile_overlayer_lowered;
	s6 =	simm.s32 $_tile_overlayer_lowered  }
0x19: {  	s23 =	simm.s32 $0x1BFF;
	s22 =	sshll.u32 s6, $0x1;
	s3 =	sadd.s32 s20, s19  }
0x1a: {  	s7 =	simm.s32 $0x0;
	s21 =	sshll.u32 s5, $0x1;
	s5 =	sadd.s32 s22, s3  }
0x1b: {  	[timem:s7], [sflag:s23] =	dma.local [hbm:s5], s21  }
0x1c: {  	_ =	swait.ge [sflag:s23], s21  }
0x1d: {  	s4 =	ssub.s32 $0x0, s21;
	[sflag:s23] =	ssyncset.done $0x0  }
0x1e: {  	[sflag:s23] =	ssyncadd.s32 s4;
	_ =	sdelay $0x1  }
0x1f: {  	s24 =	simm.s32 $0x1B8B  }
0x20: {  	_ =	swait.ge [sflag:s24], $0x1  }
0x21: {  	[sflag:s24] =	ssyncset.done $0x0  }
0x22: {  	s26 =	simm.s32 $0x1B8E;
	s25 =	sld [smem:$0x3FFE];
	[sflag:s24] =	ssyncadd.s32 $0xFFFFFFFF  }
0x23: {  	s27 =	simm.s32 $execute0_lowered;
	[smem:$0x3FD2] =	sst s26  }
0x24: {  	s5 =	sshll.u32 s27, $0x1;
	_ =	strace $0x80000049;
	[dreg:$0x1] =	wrdreg $0xFFFFFFFF  }
0x25: {  	s28 =	simm.s32 $_size_execute0_lowered;
	s3 =	sadd.s32 s3, s5;
	[dreg:$0x0] =	wrdreg $0x0  }
0x26: {  	s5 =	sshll.u32 s28, $0x1;
	[dreg:$0x2] =	wrdreg s3  }
0x27: {  	[dreg:$0x3] =	wrdreg s5  }
0x28: {  	[dreg:$0x4] =	wrdreg $0xC0  }
0x29: {  	_ =	task [dreg:s7], $0x5FFFF  }
0x2a: {  	[dreg:$0x1] =	wrdreg $0xFFFFFFFF  }
0x2b: {  	[dreg:$0x0] =	wrdreg $0x60  }
0x2c: {  	[dreg:$0x2] =	wrdreg s25  }
0x2d: {  	[dreg:$0x3] =	wrdreg s17  }
0x2e: {  	[dreg:$0x4] =	wrdreg $0x9  }
0x2f: {  	_ =	task.clear_ibuf [dreg:s7], $0x5FFFF;
	_ =	strace $0x90000049  }
0x30: {  	s29 =	simm.s32 $0x9;
	_ =	strace $0x8000004B  }
0x31: {  	_ =	swait.ge [sflag:s29], $0x1  }
0x32: {  	[sflag:s29] =	ssyncadd.s32 $0xFFFFFFFF  }
0x33: {  	_ =	strace $0x9000004B  }
0x34: {  	_ =	sfence  }
0x35: {  	s30 =	sld [smem:$0x0];
	_ =	sdelay $0x2  }
0x36: {  	s31 =	sshll.u32 s1, $0xD;
	s1 =	sshrl.u32 s1, $0x2  }
0x37: {  	s3 =	sand.u32 $0x4000, s31;
	s1 =	sadd.s32 s1, s30  }
0x38: {  	s0 =	sor.u32 s3, s0;
	s1 =	sshll.u32 s1, $0x11  }
0x39: {  	s0 =	sor.u32 s1, s0  }
0x3a: {  	s0 =	sadd.s32 $0x8F2B, s0  }
0x3b: {  	[sflag:s0] =	ssyncadd.remote.s32 $0x1  }
0x3c: {  	_ =	sfence.sel $0xFFFF  }
0x3d: {  	[dreg:$0x0] =	wrdreg $0xFFFFFFFF;
	(pc) =	sbr.abs _section_cstart, $3  }
0x3e: {  	[dreg:$0x1] =	wrdreg $0xFFFFFFFF  }
0x3f: {  	_ =	task.clear_ibuf [dreg:s7], $0x2FFFF;
	_ =	strace $0x9FFFFFFF  }
0x40: {  	(tm) =	ssettm $0x7FFFFFFF  }
0x41: {  	_ =	shalt  }
tec
execute0_lowered:
.L_overlay_start_1:
0x0: {  	(tag) =	ssettag $0x1  }
0x1: {  	s0 =	srdreg.scid  }
0x2: {  	s3 =	stileid.u32;
	s1 =	rddreg [dreg:$0x0];
	s0 =	sshll.u32 s0, $0x4  }
0x3: {  	_ =	strace $0x8000004A;
	s28 =	simm.s32 $0x1;
	s0 =	sand.u32 $0x10, s0  }
0x4: {  	s29 =	simm.s32 $0x2;
	s7 =	simm.s32 $0x0;
	s0 =	sor.u32 s3, s0  }
0x5: {  	s18 =	simm.s32 $0x0;
	s20 =	simm.s32 $0x0;
	s2 =	sshll.u32 s0, $0x5  }
0x6: {  	s19 =	simm.s32 $0x0;
	s12 =	simm.s32 $0x0;
	s10 =	sand.u32 $0x380, s2  }
0x7: {  	s13 =	simm.s32 $0x0;
	s15 =	simm.s32 $0x0;
	s2 =	ssub.s32 $0x300, s10  }
0x8: {  	s14 =	simm.s32 $0x0;
	s8 =	sadd.s32 $0x1E2E00, s1;
	p0 =	sgt.s32 s2, $0x0  }
0x9: {  	s11 =	sand.u32 $0x3, s3;
	[dreg:$0x3] =	wrdreg s8;
	s2 =	simm.s32 @!p0 $0x0  }
0xa: {  	[dreg:$0x4] =	wrdreg s11;
	s31 =	smax.u32 s10, $0x280;
	s30 =	sand.u32 $0x380, s2  }
.Ltmp0:
0xb: {  	s22 =	sshll.u32 s10, $0x3;
	p0 =	seq.s32 s30, $0x0;
	(pc) =	sbr.rel .LBB1_1-.Ltmp0, $4  }
0xc: {  	s21 =	ssub.s32 $0x300, s31;
	s7 =	simm.s32 @!p0 $0x27;
	p0 =	sgt.u32 s0, $0x17  }
0xd: {  	s17 =	simm.s32 $0x0;
	[dreg:$0x6] =	wrdreg s22;
	s21 =	simm.s32 @p0 $0x0  }
0xe: {  	[sflag:s28] =	ssyncpa.u1 $0x0;
	s23 =	sadd.s32 $0x1, s7;
	[dreg:$0x5] =	wrdreg s21  }
0xf: {  	[sflag:s29] =	ssyncpa.u1 $0x0;
	s16 =	smov.u32 s11;
	[dreg:$0x7] =	wrdreg s23  }
.LBB1_14:
0x10: {  	s0 =	sshrl.u32 s15, $0x2  }
0x11: {  	s1 =	sshll.u32 s12, $0x2;
	s2 =	sshll.u32 s15, $0x7;
	s0 =	smul.u32 $0xC00, s0  }
0x12: {  	p0 =	sgt.s32 s13, $0x12B3;
	s4 =	smul.u32 $0x180, s13;
	s5 =	rddreg [dreg:$0x1]  }
0x13: {  	s30 =	sor.u32 $0x8000, s23;
	s28 =	sand.u32 $0x180, s2;
	s0 =	sadd.s32 s0, s1  }
0x14: {  	s10 =	smov.u32 s8;
	s2 =	smov.u32 s13;
	s0 =	sor.u32 s28, s0  }
0x15: {  	s8 =	rddreg [dreg:$0x3];
	s2 =	simm.s32 @!p0 $0x12B3;
	s1 =	smulhi.u32 $0xAAAAAAAB, s0  }
0x16: {  	s31 =	simm.s32 $0xC00;
	s11 =	rddreg [dreg:$0x4];
	s2 =	sadd.s32 s21, s2  }
0x17: {  	s23 =	rddreg [dreg:$0x7];
	s3 =	sadd.s32 $0xFFFFED4D, s2;
	s1 =	sshrl.u32 s1, $0x9  }
0x18: {  	s2 =	ssub.s32 $0x1333, s2;
	p0 =	sgt.s32 s3, $0x7F;
	s29 =	smul.u32 $0x300, s1  }
0x19: {  	s4 =	sadd.s32 s5, s4;
	s21 =	rddreg [dreg:$0x5];
	s2 =	simm.s32 @p0 $0x0  }
0x1a: {  	s2 =	smul.u32 s2, s22;
	s1 =	sand.u32 $0x3, s1;
	s0 =	ssub.s32 s0, s29  }
0x1b: {  	s1 =	smul.u32 $0x60, s1;
	s3 =	sshrl.u32 s0, $0x3;
	s0 =	sand.u32 $0x4, s0  }
0x1c: {  	s22 =	rddreg [dreg:$0x6];
	s3 =	sadd.s32 s3, s4;
	s0 =	sshll.u32 s0, $0x12  }
0x1d: {  	s2 =	sand.u32 $0x3FFFFFFF, s2;
	s1 =	sadd.s32 s1, s3;
	s0 =	sor.u32 $0x80, s0  }
0x1e: {  	[hbm4b:s1+s0] =	stream.strided.scatter [tilespmem:s30], [sflag:$0x2], s2, s31, s0, $0x38;
	[tilespmem:$0x10000] =	vst v63  }
.LBB1_15:
0x1f: {  	p0 =	slt.u32 s17, $0x2  }
0x20: {  	p1 =	sgt.s32 @!p0 s20, $0x12B3  }
0x21: {  	s0 =	smov.u32 s20;
	s2 =	smov.u32 s19;
	p1 =	por !p1, p0  }
0x22: {  	s1 =	sshra.s32 @!p0 s20, $0x1F;
	s0 =	simm.s32 @p1 $0x12B3;
	p1 =	sgt.s32 @!p0 s19, $0x3  }
0x23: {  	s3 =	sshra.s32 @!p0 s19, $0x1F;
	s1 =	sand.u32 @!p0 s1, s20;
	p1 =	por !p1, p0  }
0x24: {  	s0 =	ssub.s32 @!p0 s0, s1;
	s1 =	sand.u32 @!p0 s3, s19;
	s2 =	simm.s32 @p1 $0x3  }
0x25: {  	p2 =	sgt.s32 @!p0 s18, $0x2FF;
	p1 =	sgt.s32 @!p0 s18, $0x280;
	s1 =	ssub.s32 @!p0 s2, s1  }
0x26: {  	p2 =	por !p2, p0;
	p1 =	por !p1, p0;
	s2 =	sadd.s32 @!p0 $0xFFFFFFFD, s1  }
0x27: {  	s3 =	sadd.s32 @!p0 $0xFFFFED4D, s0;
	s18 =	simm.s32 @p1 $0x280;
	p1 =	sgt.s32 @!p0 s2, $0x0  }
0x28: {  	s1 =	ssub.s32 @!p0 $0x4, s1;
	s2 =	ssub.s32 @!p0 $0x300, s18;
	p1 =	por !p1, p0  }
0x29: {  	s2 =	simm.s32 @!p2 $0x0;
	s1 =	simm.s32 @!p1 $0x0;
	p1 =	sgt.s32 @!p0 s3, $0x7F  }
0x2a: {  	s0 =	ssub.s32 @!p0 $0x1333, s0;
	p1 =	por !p1, p0;
	s1 =	smul.u32 @!p0 s1, s2  }
0x2b: {  	s0 =	simm.s32 @!p1 $0x0  }
0x2c: {  	s0 =	smul.u32 @!p0 s0, s1;
	s1 =	sadd.s32 $0x80, s14  }
0x2d: {  	s4 =	smov.u32 s16;
	s3 =	sadd.s32 $0x4, s16;
	p1 =	sgt.s32 s1, $0x1332  }
0x2e: {  	s4 =	smov.u32 @p1 s3  }
0x2f: {  	s31 =	sadd.s32 $0x1, s17;
	s1 =	simm.s32 @p1 $0x0;
	p1 =	sgt.s32 s4, $0x3  }
0x30: {  	s20 =	smov.u32 s13;
	s4 =	smov.u32 @p1 s11;
	p1 =	sne.s32 s17, s23  }
.Ltmp1:
0x31: {  	s13 =	smov.u32 s14;
	s19 =	smov.u32 s15;
	(pc) =	sbr.rel @!p1 .LBB1_16-.Ltmp1, $4  }
0x32: {  	s15 =	smov.u32 s16;
	s2 =	simm.s32 @!p0 $0x2;
	s0 =	sand.u32 @!p0 $0x3FFFFFFF, s0  }
0x33: {  	s18 =	smov.u32 s12;
	s12 =	smov.u32 s10;
	_ =	swait.ge @!p0 [sflag:s2], s0  }
0x34: {  	s0 =	ssub.s32 @!p0 $0x0, s0;
	s14 =	smov.u32 s1;
	[sflag:s2] =	ssyncset.done @!p0 $0x0  }
0x35: {  	s17 =	smov.u32 s31;
	[sflag:s2] =	ssyncadd.s32 @!p0 s0;
	s16 =	smov.u32 s4  }
.LBB1_1:
0x36: {  	p0 =	sge.u32 s17, s7;
	s2 =	smov.u32 s16  }
0x37: {  	s0 =	sshrl.u32 @!p0 s14, $0x3;
	s1 =	sshll.u32 @!p0 s14, $0x7;
	p1 =	sgt.s32 @!p0 s16, $0x3  }
0x38: {  	s4 =	sshra.s32 @!p0 s16, $0x1F;
	s9 =	sshra.s32 @!p0 s14, $0x1F;
	s0 =	smul.u32 @!p0 $0x1800, s0  }
0x39: {  	s1 =	sand.u32 @!p0 $0x380, s1;
	p1 =	por !p1, p0;
	s4 =	sand.u32 @!p0 s4, s16  }
0x3a: {  	s9 =	sand.u32 @!p0 s9, s14;
	s2 =	simm.s32 @p1 $0x3;
	s0 =	sadd.s32 @!p0 s22, s0  }
0x3b: {  	p1 =	sgt.s32 @!p0 s14, $0x12B8;
	s2 =	ssub.s32 @!p0 s2, s4;
	s0 =	sor.u32 @!p0 s1, s0  }
0x3c: {  	p1 =	por !p1, p0;
	s4 =	smov.u32 s14;
	s1 =	smulhi.u32 @!p0 $0xAAAAAAAB, s0  }
0x3d: {  	s6 =	sadd.s32 @!p0 $0xFFFFFFFD, s2;
	s4 =	simm.s32 @p1 $0x12B8;
	s2 =	ssub.s32 @!p0 $0x4, s2  }
0x3e: {  	p1 =	sgt.s32 @!p0 s6, $0x0;
	s4 =	ssub.s32 @!p0 s4, s9;
	s1 =	sshrl.u32 @!p0 s1, $0x9  }
0x3f: {  	p1 =	por !p1, p0;
	s9 =	sadd.s32 @!p0 $0xFFFFED48, s4;
	s5 =	smul.u32 @!p0 $0x300, s1  }
0x40: {  	s2 =	simm.s32 @!p1 $0x0;
	p1 =	sgt.s32 @!p0 s9, $0x7F;
	s6 =	smulhi.u32 @!p0 $0x6A9007, s1  }
0x41: {  	s4 =	ssub.s32 @!p0 $0x1338, s4;
	p1 =	por !p1, p0;
	s2 =	smul.u32 @!p0 s21, s2  }
0x42: {  	s6 =	sshrl.u32 @!p0 s6, $0x3;
	s0 =	ssub.s32 @!p0 s0, s5;
	s5 =	smul.u32 @!p0 $0x73500, s16  }
0x43: {  	s4 =	simm.s32 @!p1 $0x0;
	s6 =	smul.u32 @!p0 $0x1338, s6  }
0x44: {  	s31 =	sadd.s32 $0xFFFFFFFF, s17;
	s2 =	smul.u32 @!p0 s4, s2  }
0x45: {  	s9 =	sxor.u32 @!p0 $0xFFFFFFFF, s17;
	s0 =	sshrl.u32 @!p0 s0, $0x3;
	s1 =	ssub.s32 @!p0 s1, s6  }
0x46: {  	s4 =	sadd.s32 @!p0 s8, s5;
	s2 =	sand.u32 @!p0 $0x3FFFFF80, s2;
	s1 =	smul.u32 @!p0 $0x60, s1  }
0x47: {  	s6 =	sshll.u32 @!p0 s9, $0xE;
	s0 =	sadd.s32 @!p0 s0, s4;
	s4 =	simm.s32 @!p0 $0x1800  }
0x48: {  	s5 =	sand.u32 @!p0 $0x4000, s6;
	s0 =	sadd.s32 @!p0 s1, s0;
	s1 =	simm.s32 @!p0 $0x400  }
0x49: {  	[tilespmem:s5], [sflag:$0x1] =	stream.strided.gather @!p0 [hbm4b:s0+s1], s2, s4, s1, $0x38;
	[tilespmem:$0x10000] =	vst v63  }
0x4a: {  	p0 =	sge.u32 s31, s7  }
.Ltmp2:
0x4b: {  	_ = 	snop;
	(pc) =	sbr.rel @p0 .LBB1_15-.Ltmp2, $1  }
0x4c: {  	_ =	sdelay $0x3  }
0x4d: {  	p0 =	sgt.s32 s15, $0x3  }
0x4e: {  	s0 =	smov.u32 s15;
	s1 =	sshra.s32 s15, $0x1F;
	s27 =	ssub.s32 $0x0, s13  }
0x4f: {  	s2 =	sshra.s32 s13, $0x1F;
	s0 =	simm.s32 @!p0 $0x3;
	s1 =	sand.u32 s1, s15  }
0x50: {  	p1 =	sgt.s32 s13, $0x12B8;
	s4 =	smov.u32 s13;
	s0 =	ssub.s32 s0, s1  }
0x51: {  	s21 =	sand.u32 s27, s2;
	s4 =	simm.s32 @!p1 $0x12B8;
	s1 =	sadd.s32 $0xFFFFFFFD, s0  }
0x52: {  	p1 =	sgt.s32 s12, $0x280;
	p0 =	sgt.s32 s1, $0x0;
	s1 =	smov.u32 s12  }
0x53: {  	s2 =	sadd.s32 s21, s4;
	s0 =	ssub.s32 $0x4, s0;
	s1 =	simm.s32 @!p1 $0x280  }
0x54: {  	s4 =	sadd.s32 $0xFFFFED48, s2;
	p1 =	sgt.u32 s12, $0x2FF;
	s1 =	ssub.s32 $0x300, s1  }
0x55: {  	s2 =	ssub.s32 $0x1338, s2;
	s0 =	simm.s32 @p0 $0x0;
	s1 =	simm.s32 @p1 $0x0  }
0x56: {  	p0 =	sgt.s32 s4, $0x7F;
	s22 =	smul.u32 s0, s1;
	s0 =	sadd.s32 $0x1, s15  }
0x57: {  	s2 =	simm.s32 @p0 $0x0;
	s1 =	sadd.s32 $0x80, s13;
	p0 =	slt.s32 s0, $0x4  }
0x58: {  	s0 =	simm.s32 @!p0 $0x4;
	p0 =	slt.s32 s1, $0x1333  }
0x59: {  	s24 =	ssub.s32 s0, s15;
	s1 =	simm.s32 @!p0 $0x1333  }
0x5a: {  	s25 =	ssub.s32 s1, s13;
	p0 =	slt.s32 s24, $0x1  }
0x5b: {  	p1 =	slt.s32 @!p0 s25, $0x1  }
0x5c: {  	s2 =	smul.u32 s2, s22;
	p1 =	por p0, p1  }
.Ltmp3:
0x5d: {  	_ = 	snop;
	(pc) =	sbr.rel @p1 .LBB1_14-.Ltmp3, $4  }
0x5e: {  	s30 =	simm.s32 $0x1;
	s28 =	sand.u32 $0x3FFFFFFF, s2  }
0x5f: {  	_ =	swait.ge [sflag:s30], s28  }
0x60: {  	s31 =	sshll.u32 s17, $0xE;
	s29 =	ssub.s32 $0x0, s28;
	[sflag:s30] =	ssyncset.done $0x0  }
0x61: {  	s8 =	smov.u32 s10;
	s23 =	sand.u32 $0x4000, s31;
	[sflag:s30] =	ssyncadd.s32 s29  }
0x62: {  	p1 =	slt.s32 s12, $0x280;
	s0 =	smov.u32 s12  }
.Ltmp4:
0x63: {  	s0 =	simm.s32 @!p1 $0x280;
	(pc) =	sbr.rel .LBB1_4-.Ltmp4, $4  }
0x64: {  	s0 =	ssub.s32 s0, s12  }
0x65: {  	s28 =	sor.u32 @!p0 $0x8000, s23;
	s26 =	sadd.s32 $0x80, s0  }
0x66: {  	s30 =	simm.s32 $0x0;
	s1 =	sshll.u32 s26, $0x3;
	s27 =	sand.u32 @!p0 $0xFFFFFF00, s26  }
0x67: {  	p0 =	slt.s32 s0, $0x80;
	s29 =	sand.u32 $0xFFFFF800, s1;
	p1 =	sgt.s32 s27, s0  }
.LBB1_13:
0x68: {  	s30 =	sadd.s32 $0x1, s30  }
0x69: {  	p2 =	sne.s32 s30, s24  }
.Ltmp5:
0x6a: {  	_ = 	snop;
	(pc) =	sbr.rel @!p2 .LBB1_14-.Ltmp5, $1  }
0x6b: {  	_ =	sdelay $0x3  }
.LBB1_4:
.Ltmp6:
0x6c: {  	(pc) =	sbr.rel .LBB1_5-.Ltmp6, $4  }
0x6d: {  	_ = 	snop  }
0x6e: {  	s0 =	sshll.u32 s30, $0x10;
	s1 =	sshll.u32 s30, $0x7;
	s2 =	simm.s32 $0x400  }
0x6f: {  	s11 =	simm.s32 $0x0;
	s0 =	sshra.s32 s0, $0x2;
	s1 =	sand.u32 $0x180, s1  }
0x70: {  	s31 =	sadd.s32 s0, s23;
	s1 =	sadd.s32 s1, s28;
	s0 =	sand.u32 $0x3, s30  }
.LBB1_12:
0x71: {  	s11 =	sadd.s32 $0x1, s11  }
0x72: {  	p2 =	sne.s32 s11, s25  }
.Ltmp7:
0x73: {  	_ = 	snop;
	(pc) =	sbr.rel @!p2 .LBB1_13-.Ltmp7, $2  }
0x74: {  	_ =	sdelay $0x2  }
0x75: {  	s2 =	sadd.s32 $0x80, s2  }
.LBB1_5:
.Ltmp8:
0x76: {  	(pc) =	sbr.rel @p0 .LBB1_9-.Ltmp8, $2  }
0x77: {  	_ =	sdelay $0x2  }
0x78: {  	s5 =	sshll.u32 s11, $0x7  }
0x79: {  	s4 =	sand.u32 $0x380, s5  }
0x7a: {  	s6 =	sadd.s32 s4, s31  }
0x7b: {  	v0 =	vmov s6;
	_ =	sdelay $0x3  }
0x7c: {  	s9 =	sand.u32 $0x3C00, s2  }
0x7d: {  	v7 =	vld.idx.msk [tilespmem:v0+s9+$0x70 ss:$0x1], $0xffff  }
0x7e: {  	p2 =	sgt.s32 s27, $0x100;
	v6 =	vld.idx.msk [tilespmem:v0+s9+$0x0 ss:$0x1], $0xffff  }
.Ltmp9:
0x7f: {  	v1 =	vld.idx.msk [tilespmem:v0+s9+$0x10 ss:$0x1], $0xffff;
	(pc) =	sbr.rel @!p2 .LBB1_8-.Ltmp9, $4  }
0x80: {  	v2 =	vld.idx.msk [tilespmem:v0+s9+$0x20 ss:$0x1], $0xffff  }
0x81: {  	v3 =	vld.idx.msk [tilespmem:v0+s9+$0x30 ss:$0x1], $0xffff  }
0x82: {  	s4 =	sadd.s32 s5, s1;
	v4 =	vld.idx.msk [tilespmem:v0+s9+$0x40 ss:$0x1], $0xffff  }
0x83: {  	s10 =	simm.s32 $0x100;
	s6 =	sadd.s32 $0x800, s2;
	v5 =	vld.idx.msk [tilespmem:v0+s9+$0x50 ss:$0x1], $0xffff;
	[tilespmem:s4+$0x70] =	vst v7  }
.LBB1_7:
0x84: {  	s10 =	sadd.s32 $0x100, s10;
	[tilespmem:s4+$0x0] =	vst v6;
	v7 =	vld.idx.msk [tilespmem:v0+s9+$0x60 ss:$0x1], $0xffff;
	s9 =	sand.u32 $0x3C00, s6  }
0x85: {  	v8 =	vld.idx.msk [tilespmem:v0+s9+$0x70 ss:$0x1], $0xffff;
	p2 =	slt.s32 s10, s27;
	[tilespmem:s4+$0x10] =	vst v1  }
0x86: {  	v6 =	vld.idx.msk [tilespmem:v0+s9+$0x0 ss:$0x1], $0xffff;
	[tilespmem:s4+$0x20] =	vst v2  }
.Ltmp10:
0x87: {  	v1 =	vld.idx.msk [tilespmem:v0+s9+$0x10 ss:$0x1], $0xffff;
	[tilespmem:s4+$0x30] =	vst v3;
	(pc) =	sbr.rel @p2 .LBB1_7-.Ltmp10, $4  }
0x88: {  	v2 =	vld.idx.msk [tilespmem:v0+s9+$0x20 ss:$0x1], $0xffff;
	[tilespmem:s4+$0x40] =	vst v4  }
0x89: {  	v3 =	vld.idx.msk [tilespmem:v0+s9+$0x30 ss:$0x1], $0xffff;
	[tilespmem:s4+$0x50] =	vst v5  }
0x8a: {  	v4 =	vld.idx.msk [tilespmem:v0+s9+$0x40 ss:$0x1], $0xffff;
	[tilespmem:s4+$0x60] =	vst v7  }
0x8b: {  	s6 =	sadd.s32 $0x800, s6;
	v5 =	vld.idx.msk [tilespmem:v0+s9+$0x50 ss:$0x1], $0xffff;
	[tilespmem:s4+$0x70] =	vst v8  }
.LBB1_8:
0x8c: {  	_ =	sdelay $0x2  }
0x8d: {  	[tilespmem:s4+$0x0] =	vst v6  }
0x8e: {  	v0 =	vld.idx.msk [tilespmem:v0+s9+$0x60 ss:$0x1], $0xffff;
	[tilespmem:s4+$0x10] =	vst v1  }
0x8f: {  	[tilespmem:s4+$0x20] =	vst v2  }
0x90: {  	[tilespmem:s4+$0x30] =	vst v3  }
0x91: {  	[tilespmem:s4+$0x40] =	vst v4  }
0x92: {  	[tilespmem:s4+$0x50] =	vst v5  }
0x93: {  	[tilespmem:s4+$0x60] =	vst v0  }
.LBB1_9:
.Ltmp11:
0x94: {  	(pc) =	sbr.rel @p1 .LBB1_12-.Ltmp11, $1  }
0x95: {  	_ =	sdelay $0x3  }
0x96: {  	s4 =	sadd.s32 s0, s11  }
0x97: {  	s4 =	sshll.u32 s4, $0x9  }
0x98: {  	s4 =	sshra.s32 s4, $0x2  }
0x99: {  	s6 =	sand.u32 $0x380, s5;
	s9 =	sadd.s32 s4, s28  }
0x9a: {  	s4 =	sadd.s32 s6, s31;
	s6 =	smov.u32 s29;
	v0 =	vmov s9;
	s9 =	smov.u32 s27  }
.LBB1_11:
0x9b: {  	s10 =	sand.u32 $0x3C00, s6  }
0x9c: {  	s10 =	sadd.s32 s5, s10  }
0x9d: {  	s10 =	sand.u32 $0x3C00, s10  }
0x9e: {  	s3 =	sand.u32 $0x70, s9;
	s10 =	sadd.s32 s10, s4  }
0x9f: {  	s9 =	sadd.s32 $0x10, s9;
	s10 =	sadd.s32 s3, s10  }
0xa0: {  	p2 =	slt.s32 s9, s26;
	v1 =	vld [tilespmem:s10+$0x0]  }
.Ltmp12:
0xa1: {  	_ = 	snop;
	(pc) =	sbr.rel @p2 .LBB1_11-.Ltmp12, $2  }
0xa2: {  	_ =	sdelay $0x2  }
0xa3: {  	s6 =	sadd.s32 $0x80, s6;
	[tilespmem:v0+s3+$0x0 ss:$0x1] =	vst.idx.msk $0xffff, v1  }
.Ltmp13:
0xa4: {  	_ = 	snop;
	(pc) =	sbr.rel .LBB1_12-.Ltmp13, $1  }
0xa5: {  	_ =	sdelay $0x3  }
.LBB1_16:
0xa6: {  	_ =	sfence.sel $0x180000  }
0xa7: {  	s0 =	simm.s32 $0x1;
	[bflag:$0x0] =	sbarrier.arrive $0xFFFF  }
0xa8: {  	s30 =	simm.s32 $0x2;
	[sflag:s0] =	ssyncpa.u1 $0x1  }
0xa9: {  	[sflag:s30] =	ssyncpa.u1 $0x1  }
0xaa: {  	_ =	strace $0x9000004A  }
0xab: {  	s31 =	stileid.u32;
	[bflag:$0x2] =	sbarrier.arrive $0xFFFF  }
0xac: {  	p0 =	sne.s32 s31, $0x0;
	s0 =	rddreg [dreg:$0x2]  }
0xad: {  	s0 =	sadd.s32 @!p0 $0x100000, s0  }
0xae: {  	[sflag:s0] =	ssyncadd.tile.s32 @!p0 $0x1;
	_ =	shalt  }
.Lfunc_end1:
_tile_overlayer_lowered:
.L_overlay_start_2:
0xaf: {  	(tag) =	ssettag $0x2  }
0xb0: {  	s0 =	rddreg [dreg:$0x0];
	s2 =	stileid.u32  }
0xb1: {  	s1 =	rddreg [dreg:$0x1];
	p0 =	sne.s32 s2, $0x0  }
0xb2: {  	s3 =	rddreg [dreg:$0x2];
	[bflag:$0x3] =	sbarrier.arrive $0xFFFF;
	s2 =	simm.s32 @!p0 $0x1C01  }
0xb3: {  	[timem:s3], [sflag:s2] =	dma.local @!p0 [hbm:s0], s1  }
0xb4: {  	s0 =	simm.s32 @!p0 $0x1  }
0xb5: {  	_ =	swait.ge @!p0 [sflag:s0], s1  }
0xb6: {  	s1 =	ssub.s32 @!p0 $0x0, s1;
	[sflag:s0] =	ssyncset.done @!p0 $0x0  }
0xb7: {  	[sflag:s0] =	ssyncadd.s32 @!p0 s1  }
0xb8: {  	[bflag:$0x3] =	sbarrier.arrive $0xFFFF  }
0xb9: {  	_ =	shalt  }

</sc_bundles>
